<compile_context>
chip_gen: v7x
topology: tpu7x:2x2x1
jax: 0.10.2.dev20260603
libtpu: 0.0.44.dev20260713+nightly
codegen_flags: <defaults>
</compile_context>

<pallas_src>
import jax
import jax.numpy as jnp
from jax import lax
from jax.experimental import pallas as pl
from jax.experimental.pallas import tpu as pltpu
from jax.experimental.pallas import tpu_sc as plsc

N, E = 10000, 320000
ND, ED, NB = 128, 128, 20
HID = ND + 2 * ED
PW = 512
NPAD = 10240
RANGE = 1024
ROUNDS = 5
ACC_ROWS = RANGE + 8
DUMMY = RANGE
NC, NS, L = 2, 16, 16
EPT = E // NS
SEG = 2000
NSEG = EPT // SEG
CCAP = 2048
TRASH = SEG
K = 16
MAXCH = CCAP // K
ROWS_PT = RANGE // NS



def _mlp_body(x_ref, w1_ref, b1_ref, w2_ref, b2_ref, o_ref):
    h = jnp.dot(x_ref[...], w1_ref[...], preferred_element_type=jnp.float32)
    h = h + b1_ref[...]
    h = h * jax.nn.sigmoid(h)
    o_ref[...] = jnp.dot(h, w2_ref[...], preferred_element_type=jnp.float32) + b2_ref[...]


def _mlp(x, W1, b1, W2, b2):
    blk = 512
    return pl.pallas_call(
        _mlp_body,
        grid=(NPAD // blk,),
        in_specs=[
            pl.BlockSpec((blk, ND), lambda i: (i, 0)),
            pl.BlockSpec((ND, ND), lambda i: (0, 0)),
            pl.BlockSpec((1, ND), lambda i: (0, 0)),
            pl.BlockSpec((ND, HID), lambda i: (0, 0)),
            pl.BlockSpec((1, HID), lambda i: (0, 0)),
        ],
        out_specs=pl.BlockSpec((blk, HID), lambda i: (i, 0)),
        out_shape=jax.ShapeDtypeStruct((NPAD, HID), jnp.float32),
    )(x, W1, b1.reshape(1, ND), W2, b2.reshape(1, HID))


def _edge_pack_body(rbf_ref, env_ref, rsh_ref, wr_ref, br_ref, o_ref):
    t = jnp.dot(rbf_ref[...], wr_ref[...], preferred_element_type=jnp.float32)
    fw = (t + br_ref[...]) * env_ref[...]
    rshp = jnp.pad(rsh_ref[...], ((0, 0), (0, PW - HID - 4)))
    o_ref[...] = jnp.concatenate([fw, rshp], axis=1)


def _edge_pack(rbf, envelope, rsh4, Wr, br):
    blk = 1280
    return pl.pallas_call(
        _edge_pack_body,
        grid=(E // blk,),
        in_specs=[
            pl.BlockSpec((blk, NB), lambda i: (i, 0)),
            pl.BlockSpec((blk, 1), lambda i: (i, 0)),
            pl.BlockSpec((blk, 4), lambda i: (i, 0)),
            pl.BlockSpec((NB, HID), lambda i: (0, 0)),
            pl.BlockSpec((1, HID), lambda i: (0, 0)),
        ],
        out_specs=pl.BlockSpec((blk, PW), lambda i: (i, 0)),
        out_shape=jax.ShapeDtypeStruct((E, PW), jnp.float32),
    )(rbf, envelope, rsh4, Wr, br.reshape(1, HID))



def _sc_body(t_hbm, p_hbm, src_hbm, dst_hbm,
             x0_hbm, x1_hbm, x2_hbm, x3_hbm,
             o0_hbm, o1_hbm, o2_hbm, o3_hbm,
             acc0, acc1, acc2, acc3, ebuf, sbuf,
             dseg, sseg, posb, pst, dummy, ecomp, scomp, didx2,
             tA, tB, gPA, gPB, msgA, msgB,
             gsemA, gsemB, ssemA, ssemB):
    c = lax.axis_index("c")
    s = lax.axis_index("s")
    lanes = lax.iota(jnp.int32, L)
    sh_idx = [jnp.maximum(lanes - sh, 0) for sh in (1, 2, 4, 8)]
    sh_msk = [lanes >= sh for sh in (1, 2, 4, 8)]
    region = s * CCAP
    accs = (acc0, acc1, acc2, acc3)
    xs = (x0_hbm, x1_hbm, x2_hbm, x3_hbm)
    os_ = (o0_hbm, o1_hbm, o2_hbm, o3_hbm)
    tb = (tA, tB)
    gP = (gPA, gPB)
    msgs = (msgA, msgB)
    gsems = (gsemA, gsemB)
    ssems = (ssemA, ssemB)

    def fill(i, _):
        dummy[pl.ds(i * L, L)] = jnp.zeros((L,), jnp.int32) + (DUMMY << 11)
        return 0
    lax.fori_loop(0, CCAP // L, fill, 0)

    def per_round(r, _):
        base = (2 * r + c) * RANGE

        row0 = s * ROWS_PT
        for q in range(4):
            pltpu.sync_copy(xs[q].at[pl.ds(base + row0, ROWS_PT)],
                            accs[q].at[pl.ds(row0, ROWS_PT)])
        @pl.when(s == 0)
        def _():
            for q in range(4):
                pltpu.sync_copy(xs[q].at[pl.ds(0, 8)],
                                accs[q].at[pl.ds(RANGE, 8)])
        plsc.subcore_barrier()

        def per_seg(g, _):
            row = s * NSEG + g
            e0 = row * SEG
            pltpu.sync_copy(dst_hbm.at[row], dseg)
            pltpu.sync_copy(src_hbm.at[row], sseg)

            def scan(i, cnt):
                d = dseg[pl.ds(i * L, L)]
                dl = d - base
                m = (dl >= 0) & (dl < RANGE)
                v = jnp.where(m, 1, 0)
                for ix, mk in zip(sh_idx, sh_msk):
                    g2 = v.at[ix].get(mode="promise_in_bounds")
                    v = v + jnp.where(mk, g2, 0)
                posb[pl.ds(i * L, L)] = jnp.where(m, cnt + v - 1, TRASH) + region
                pst[pl.ds(i * L, L)] = (
                    (jnp.where(m, dl, DUMMY) << 11) + i * L + lanes)
                return cnt + v[L - 1]

            cnt = lax.fori_loop(0, SEG // L, scan, jnp.int32(0))

            pltpu.sync_copy(dummy, ebuf.at[pl.ds(region, CCAP)])
            pltpu.sync_copy(pst, ebuf.at[posb])
            pltpu.sync_copy(sseg, sbuf.at[posb])

            pltpu.sync_copy(ebuf.at[pl.ds(region, CCAP)], ecomp)
            pltpu.sync_copy(sbuf.at[pl.ds(region, CCAP)], scomp)

            def shift(i, _):
                pk = ecomp[pl.ds(i * L, L)]
                dl = jnp.minimum(jnp.maximum(pk >> 11, 0), DUMMY)
                didx2[i, pl.ds(0, L)] = dl
                ecomp[pl.ds(i * L, L)] = (pk & 2047) + e0
                sv = scomp[pl.ds(i * L, L)]
                scomp[pl.ds(i * L, L)] = jnp.minimum(jnp.maximum(sv, 0), N - 1)
                return 0
            lax.fori_loop(0, CCAP // L, shift, 0)

            nchunks = (cnt + K - 1) // K

            def step(j, _):
                for p in (0, 1):
                    q = 1 - p

                    @pl.when(j % 2 == p)
                    def _():
                        @pl.when(j < nchunks)
                        def _():
                            off = j * K
                            pltpu.async_copy(
                                t_hbm.at[scomp.at[pl.ds(off, K)]], tb[p], gsems[p])
                            pltpu.async_copy(
                                p_hbm.at[ecomp.at[pl.ds(off, K)]], gP[p], gsems[p])

                        @pl.when(j >= 1)
                        def _():
                            pltpu.make_async_copy(
                                t_hbm.at[pl.ds(0, K)], tb[q], gsems[q]).wait()
                            pltpu.make_async_copy(
                                p_hbm.at[pl.ds(0, K)], gP[q], gsems[q]).wait()

                            @pl.when(j >= 3)
                            def _():
                                pltpu.make_async_copy(
                                    x0_hbm.at[pl.ds(0, 4 * K)], msgs[q], ssems[q]).wait()

                            def edge(k, _):
                                rv = gP[q][k, pl.ds(HID, L)]
                                for grp in range(ND // L):
                                    lo = grp * L
                                    msgs[q][k, pl.ds(lo, L)] = (
                                        tb[q][k, pl.ds(lo, L)] * gP[q][k, pl.ds(lo, L)])
                                    gev = tb[q][k, pl.ds(ND + lo, L)] * gP[q][k, pl.ds(ND + lo, L)]
                                    gsv = tb[q][k, pl.ds(2 * ND + lo, L)] * gP[q][k, pl.ds(2 * ND + lo, L)]
                                    msgs[q][K + k, pl.ds(lo, L)] = (
                                        tb[q][k, pl.ds(HID + lo, L)] * gsv + gev * rv[0])
                                    msgs[q][2 * K + k, pl.ds(lo, L)] = (
                                        tb[q][k, pl.ds(HID + ED + lo, L)] * gsv + gev * rv[1])
                                    msgs[q][3 * K + k, pl.ds(lo, L)] = (
                                        tb[q][k, pl.ds(HID + 2 * ED + lo, L)] * gsv + gev * rv[2])
                                return 0

                            lax.fori_loop(0, K, edge, 0)
                            for i in range(4):
                                pltpu.async_copy(
                                    msgs[q].at[pl.ds(i * K, K)],
                                    accs[i].at[didx2.at[j - 1]], ssems[q], add=True)
                return 0

            lax.fori_loop(0, nchunks + 1, step, 0)

            for p in (0, 1):
                @pl.when(nchunks >= 1 + p)
                def _():
                    par = (nchunks - 1 - p) % 2
                    for par2 in (0, 1):
                        @pl.when(par == par2)
                        def _():
                            pltpu.make_async_copy(
                                x0_hbm.at[pl.ds(0, 4 * K)], msgs[par2],
                                ssems[par2]).wait()
            return 0

        lax.fori_loop(0, NSEG, per_seg, 0)
        plsc.subcore_barrier()

        for q in range(4):
            pltpu.sync_copy(accs[q].at[pl.ds(row0, ROWS_PT)],
                            os_[q].at[pl.ds(base + row0, ROWS_PT)])
        plsc.subcore_barrier()
        return 0

    lax.fori_loop(0, ROUNDS, per_round, 0)


def _sc_message(t, p, src, dst, xq):
    mesh = plsc.VectorSubcoreMesh(core_axis_name="c", subcore_axis_name="s",
                                  num_cores=NC, num_subcores=NS)
    f32, i32 = jnp.float32, jnp.int32
    out_t = jax.ShapeDtypeStruct((NPAD, ND), f32)
    kfn = pl.kernel(
        _sc_body,
        out_type=(out_t, out_t, out_t, out_t),
        mesh=mesh,
        scratch_types=[
            pltpu.VMEM_SHARED((ACC_ROWS, ND), f32),
            pltpu.VMEM_SHARED((ACC_ROWS, ND), f32),
            pltpu.VMEM_SHARED((ACC_ROWS, ND), f32),
            pltpu.VMEM_SHARED((ACC_ROWS, ND), f32),
            pltpu.VMEM_SHARED((NS * CCAP,), i32),
            pltpu.VMEM_SHARED((NS * CCAP,), i32),
            pltpu.VMEM((SEG,), i32),
            pltpu.VMEM((SEG,), i32),
            pltpu.VMEM((SEG,), i32),
            pltpu.VMEM((SEG,), i32),
            pltpu.VMEM((CCAP,), i32),
            pltpu.VMEM((CCAP,), i32),
            pltpu.VMEM((CCAP,), i32),
            pltpu.VMEM((MAXCH, K), i32),
            pltpu.VMEM((K, 2 * HID), f32),
            pltpu.VMEM((K, 2 * HID), f32),
            pltpu.VMEM((K, PW), f32),
            pltpu.VMEM((K, PW), f32),
            pltpu.VMEM((4 * K, ND), f32),
            pltpu.VMEM((4 * K, ND), f32),
            pltpu.SemaphoreType.DMA,
            pltpu.SemaphoreType.DMA,
            pltpu.SemaphoreType.DMA,
            pltpu.SemaphoreType.DMA,
        ],
    )
    return kfn(t, p, src, dst, *xq)


def kernel(x_scalar, x_vector, rbf, envelope, rsh, edge_index, W1, b1, W2, b2, Wr, br):
    xs_pad = jnp.pad(x_scalar, ((0, NPAD - N), (0, 0)))
    sout = _mlp(xs_pad, W1, b1, W2, b2)
    rsh4 = jnp.pad(rsh, ((0, 0), (0, 1)))
    p = _edge_pack(rbf, envelope, rsh4, Wr, br)

    xvec = x_vector.reshape(N, 3 * ED)
    t = jnp.concatenate(
        [sout, jnp.pad(xvec, ((0, NPAD - N), (0, 0)))], axis=1)
    src = edge_index[1].astype(jnp.int32).reshape(E // SEG, SEG)
    dst = edge_index[0].astype(jnp.int32).reshape(E // SEG, SEG)
    pad_n = ((0, NPAD - N), (0, 0))
    xq = [xs_pad] + [jnp.pad(x_vector[:, q, :], pad_n) for q in range(3)]

    o0, o1, o2, o3 = _sc_message(t, p, src, dst, xq)
    new_scalar = o0[:N]
    new_vector = jnp.stack([o1[:N], o2[:N], o3[:N]], axis=1)
    return new_scalar, new_vector

# --- scband reference (transcript-rebuilt; emitter-appended) ---
"""Pipeline reference for scband-painn-message-76940044140993 (READ-ONLY COPY).

The authoritative reference and input builder live on the scoring server;
editing this copy changes nothing except your own understanding.
"""

import jax, jax.numpy as jnp
import numpy as np

N, E = 10000, 320000
NODE_DIM, EDGE_DIM, NUM_BASIS = 128, 128, 20
HIDDEN = NODE_DIM + 2 * EDGE_DIM


def setup_inputs(seed: int = 0) -> dict:
    key = jax.random.key(seed)
    ks = jax.random.split(key, 9)
    x_scalar = jax.random.normal(ks[0], (N, NODE_DIM), dtype=jnp.float32)
    x_vector = jax.random.normal(ks[1], (N, 3, EDGE_DIM), dtype=jnp.float32)
    rbf = jax.random.normal(ks[2], (E, NUM_BASIS), dtype=jnp.float32)
    envelope = jax.random.uniform(ks[3], (E, 1), dtype=jnp.float32)
    rsh = jax.random.normal(ks[4], (E, 3), dtype=jnp.float32)
    edge_index = jax.random.randint(ks[5], (2, E), 0, N)
    W1 = jax.random.normal(ks[6], (NODE_DIM, NODE_DIM), dtype=jnp.float32) / np.sqrt(NODE_DIM)
    b1 = jnp.zeros((NODE_DIM,), dtype=jnp.float32)
    W2 = jax.random.normal(ks[7], (NODE_DIM, HIDDEN), dtype=jnp.float32) / np.sqrt(NODE_DIM)
    b2 = jnp.zeros((HIDDEN,), dtype=jnp.float32)
    Wr = jax.random.normal(ks[8], (NUM_BASIS, HIDDEN), dtype=jnp.float32) / np.sqrt(NUM_BASIS)
    br = jnp.zeros((HIDDEN,), dtype=jnp.float32)
    return {"x_scalar": x_scalar, "x_vector": x_vector, "rbf": rbf, "envelope": envelope,
            "rsh": rsh, "edge_index": edge_index, "W1": W1, "b1": b1, "W2": W2, "b2": b2,
            "Wr": Wr, "br": br}


def reference(x_scalar, x_vector, rbf, envelope, rsh, edge_index, W1, b1, W2, b2, Wr, br):
    # scalar_mlp: Linear -> SiLU -> Linear
    h = jax.nn.silu(x_scalar @ W1 + b1)
    scalar_out = h @ W2 + b2                      # [N, HIDDEN]
    filter_weight = (rbf @ Wr + br) * envelope    # [E, HIDDEN]
    src = edge_index[1]
    dst = edge_index[0]
    filter_out = jnp.take(scalar_out, src, axis=0) * filter_weight  # gather
    message_scalar = filter_out[:, :NODE_DIM]
    gate_edge_vector = filter_out[:, NODE_DIM:NODE_DIM + EDGE_DIM]
    gate_state_vector = filter_out[:, NODE_DIM + EDGE_DIM:]
    message_vector = jnp.take(x_vector, src, axis=0) * gate_state_vector[:, None, :]
    edge_vector = gate_edge_vector[:, None, :] * rsh[:, :, None]
    message_vector = message_vector + edge_vector
    new_scalar = x_scalar + jax.ops.segment_sum(message_scalar, dst, num_segments=N)
    new_vector = x_vector + jax.ops.segment_sum(message_vector, dst, num_segments=N)
    return (new_scalar, new_vector)

if __name__ == "__main__":
    import jax
    _d = setup_inputs()
    print(jax.jit(kernel)(*tuple(_d.values())))

</pallas_src>

<mosaic_0001>
#map = affine_map<(d0, d1) -> (0, 0)>
module attributes {stable_mosaic.version = 14 : i64} {
  func.func @_sc_body(%arg0: i32, %arg1: i32, %arg2: memref<10240x768xf32, #tpu.memory_space<hbm>>, %arg3: memref<320000x512xf32, #tpu.memory_space<hbm>>, %arg4: memref<160x2000xi32, #tpu.memory_space<hbm>>, %arg5: memref<160x2000xi32, #tpu.memory_space<hbm>>, %arg6: memref<10240x128xf32, #tpu.memory_space<hbm>>, %arg7: memref<10240x128xf32, #tpu.memory_space<hbm>>, %arg8: memref<10240x128xf32, #tpu.memory_space<hbm>>, %arg9: memref<10240x128xf32, #tpu.memory_space<hbm>>, %arg10: memref<10240x128xf32, #tpu.memory_space<hbm>>, %arg11: memref<10240x128xf32, #tpu.memory_space<hbm>>, %arg12: memref<10240x128xf32, #tpu.memory_space<hbm>>, %arg13: memref<10240x128xf32, #tpu.memory_space<hbm>>, %arg14: memref<1032x128xf32, #tpu.memory_space<vmem_shared>>, %arg15: memref<1032x128xf32, #tpu.memory_space<vmem_shared>>, %arg16: memref<1032x128xf32, #tpu.memory_space<vmem_shared>>, %arg17: memref<1032x128xf32, #tpu.memory_space<vmem_shared>>, %arg18: memref<32768xi32, #tpu.memory_space<vmem_shared>>, %arg19: memref<32768xi32, #tpu.memory_space<vmem_shared>>, %arg20: memref<2000xi32, #tpu.memory_space<vmem>>, %arg21: memref<2000xi32, #tpu.memory_space<vmem>>, %arg22: memref<2000xi32, #tpu.memory_space<vmem>>, %arg23: memref<2000xi32, #tpu.memory_space<vmem>>, %arg24: memref<2048xi32, #tpu.memory_space<vmem>>, %arg25: memref<2048xi32, #tpu.memory_space<vmem>>, %arg26: memref<2048xi32, #tpu.memory_space<vmem>>, %arg27: memref<128x16xi32, #tpu.memory_space<vmem>>, %arg28: memref<16x768xf32, #tpu.memory_space<vmem>>, %arg29: memref<16x768xf32, #tpu.memory_space<vmem>>, %arg30: memref<16x512xf32, #tpu.memory_space<vmem>>, %arg31: memref<16x512xf32, #tpu.memory_space<vmem>>, %arg32: memref<64x128xf32, #tpu.memory_space<vmem>>, %arg33: memref<64x128xf32, #tpu.memory_space<vmem>>, %arg34: memref<!tpu.dma_semaphore, #tpu.memory_space<semaphore_mem>>, %arg35: memref<!tpu.dma_semaphore, #tpu.memory_space<semaphore_mem>>, %arg36: memref<!tpu.dma_semaphore, #tpu.memory_space<semaphore_mem>>, %arg37: memref<!tpu.dma_semaphore, #tpu.memory_space<semaphore_mem>>) attributes {dimension_semantics = [#tpu.dimension_semantics<core_parallel>, #tpu.dimension_semantics<subcore_parallel>], iteration_bounds = array<i64: 2, 16>, scalar_prefetch = 0 : i64, scratch_operands = 24 : i64, tpu.core_type = #tpu.core_type<sc_vector_subcore>, window_params = [{transform_indices = #map}, {transform_indices = #map}, {transform_indices = #map}, {transform_indices = #map}, {transform_indices = #map}, {transform_indices = #map}, {transform_indices = #map}, {transform_indices = #map}, {transform_indices = #map}, {transform_indices = #map}, {transform_indices = #map}, {transform_indices = #map}]} {
    %iota3A = tpu.iota {dimensions = array<i32: 0>} : vector<16xi32>
    %sub3A = arith.constant 1 : i32
    %sub3A_0 = vector.broadcast %sub3A : i32 to vector<16xi32>
    %sub3A_1 = arith.subi %iota3A, %sub3A_0 : vector<16xi32>
    %max3A = arith.constant 0 : i32
    %max3A_2 = vector.broadcast %max3A : i32 to vector<16xi32>
    %max3A_3 = arith.maxsi %sub3A_1, %max3A_2 : vector<16xi32>
    %sub3A_4 = arith.constant 2 : i32
    %sub3A_5 = vector.broadcast %sub3A_4 : i32 to vector<16xi32>
    %sub3A_6 = arith.subi %iota3A, %sub3A_5 : vector<16xi32>
    %max3A_7 = arith.constant 0 : i32
    %max3A_8 = vector.broadcast %max3A_7 : i32 to vector<16xi32>
    %max3A_9 = arith.maxsi %sub3A_6, %max3A_8 : vector<16xi32>
    %sub3A_10 = arith.constant 4 : i32
    %sub3A_11 = vector.broadcast %sub3A_10 : i32 to vector<16xi32>
    %sub3A_12 = arith.subi %iota3A, %sub3A_11 : vector<16xi32>
    %max3A_13 = arith.constant 0 : i32
    %max3A_14 = vector.broadcast %max3A_13 : i32 to vector<16xi32>
    %max3A_15 = arith.maxsi %sub3A_12, %max3A_14 : vector<16xi32>
    %sub3A_16 = arith.constant 8 : i32
    %sub3A_17 = vector.broadcast %sub3A_16 : i32 to vector<16xi32>
    %sub3A_18 = arith.subi %iota3A, %sub3A_17 : vector<16xi32>
    %max3A_19 = arith.constant 0 : i32
    %max3A_20 = vector.broadcast %max3A_19 : i32 to vector<16xi32>
    %max3A_21 = arith.maxsi %sub3A_18, %max3A_20 : vector<16xi32>
    %ge3A = arith.constant 1 : i32
    %ge3A_22 = vector.broadcast %ge3A : i32 to vector<16xi32>
    %ge3A_23 = arith.cmpi sge, %iota3A, %ge3A_22 : vector<16xi32>
    %ge3A_24 = arith.constant 2 : i32
    %ge3A_25 = vector.broadcast %ge3A_24 : i32 to vector<16xi32>
    %ge3A_26 = arith.cmpi sge, %iota3A, %ge3A_25 : vector<16xi32>
    %ge3A_27 = arith.constant 4 : i32
    %ge3A_28 = vector.broadcast %ge3A_27 : i32 to vector<16xi32>
    %ge3A_29 = arith.cmpi sge, %iota3A, %ge3A_28 : vector<16xi32>
    %ge3A_30 = arith.constant 8 : i32
    %ge3A_31 = vector.broadcast %ge3A_30 : i32 to vector<16xi32>
    %ge3A_32 = arith.cmpi sge, %iota3A, %ge3A_31 : vector<16xi32>
    %mul3A = arith.constant 2048 : i32
    %mul3A_33 = arith.muli %arg1, %mul3A : i32
    %scan3A = arith.constant 0 : i32
    %scan3A_34 = arith.constant 0 : i32
    %scan3A_35 = arith.constant 128 : i32
    %scan3A_36 = arith.addi %scan3A_34, %scan3A_35 : i32
    %scan3A_37 = arith.constant 1 : i32
    %scan3A_38 = scf.for %scan3A_47 = %scan3A_34 to %scan3A_36 step %scan3A_37 iter_args(%scan3A_48 = %scan3A) -> (i32)  : i32 {
      %broadcast_in_dim3A = arith.constant 0 : i32
      %broadcast_in_dim3A_49 = vector.broadcast %broadcast_in_dim3A : i32 to vector<16xi32>
      %add3A = arith.constant 2097152 : i32
      %add3A_50 = vector.broadcast %add3A : i32 to vector<16xi32>
      %add3A_51 = arith.addi %broadcast_in_dim3A_49, %add3A_50 : vector<16xi32>
      %mul3A_52 = arith.constant 16 : i32
      %mul3A_53 = arith.muli %scan3A_47, %mul3A_52 : i32
      %swap3A = arith.index_cast %mul3A_53 : i32 to index
      %swap3A_54 = tpu.vector_load %arg24[%swap3A] {strides = array<i32>} : memref<2048xi32, #tpu.memory_space<vmem>>, vector<16xi32>,
      %swap3A_55 = vector.shape_cast %swap3A_54 : vector<16xi32> to vector<16xi32>
      %swap3A_56 = vector.shape_cast %add3A_51 : vector<16xi32> to vector<16xi32>
      tpu.vector_store %arg24[%swap3A], %swap3A_56 {strides = array<i32>} : memref<2048xi32, #tpu.memory_space<vmem>>, vector<16xi32>,
      %scan3A_57 = arith.constant 0 : i32
      scf.yield %scan3A_57 : i32
    }
    %scan3A_39 = arith.constant 128 : i32
    %scan3A_40 = arith.constant 0 : i32
    %scan3A_41 = arith.constant 0 : i32
    %scan3A_42 = arith.constant 5 : i32
    %scan3A_43 = arith.addi %scan3A_41, %scan3A_42 : i32
    %scan3A_44 = arith.constant 1 : i32
    %scan3A_45 = scf.for %scan3A_47 = %scan3A_41 to %scan3A_43 step %scan3A_44 iter_args(%scan3A_48 = %scan3A_40) -> (i32)  : i32 {
      %mul3A_49 = arith.constant 2 : i32
      %mul3A_50 = arith.muli %mul3A_49, %scan3A_47 : i32
      %add3A = arith.addi %mul3A_50, %arg0 : i32
      %mul3A_51 = arith.constant 1024 : i32
      %mul3A_52 = arith.muli %add3A, %mul3A_51 : i32
      %mul3A_53 = arith.constant 64 : i32
      %mul3A_54 = arith.muli %arg1, %mul3A_53 : i32
      %add3A_55 = arith.addi %mul3A_52, %mul3A_54 : i32
      "tpu.region"() ({
        %run_scoped3A = tpu.sem_alloc : memref<!tpu.dma_semaphore, #tpu.memory_space<semaphore_mem>>
        %dma_start3A = arith.constant 0 : i32
        %dma_start3A_75 = tpu.memref_slice %arg14[%mul3A_54, %dma_start3A] : memref<1032x128xf32, #tpu.memory_space<vmem_shared>> -> memref<64x128xf32, #tpu.memory_space<vmem_shared>>
        %dma_start3A_76 = arith.constant 0 : i32
        %dma_start3A_77 = tpu.memref_slice %arg6[%add3A_55, %dma_start3A_76] : memref<10240x128xf32, #tpu.memory_space<hbm>> -> memref<64x128xf32, #tpu.memory_space<hbm>>
        tpu.enqueue_dma source(%dma_start3A_77 : memref<64x128xf32, #tpu.memory_space<hbm>>) target(%dma_start3A_75 : memref<64x128xf32, #tpu.memory_space<vmem_shared>>) target_semaphore(%run_scoped3A : memref<!tpu.dma_semaphore, #tpu.memory_space<semaphore_mem>>)
        %dma_wait3A = arith.constant 0 : i32
        %dma_wait3A_78 = tpu.memref_slice %arg14[%mul3A_54, %dma_wait3A] : memref<1032x128xf32, #tpu.memory_space<vmem_shared>> -> memref<64x128xf32, #tpu.memory_space<vmem_shared>>
        %dma_wait3A_79 = arith.constant 0 : i32
        %dma_wait3A_80 = tpu.memref_slice %arg6[%add3A_55, %dma_wait3A_79] : memref<10240x128xf32, #tpu.memory_space<hbm>> -> memref<64x128xf32, #tpu.memory_space<hbm>>
        tpu.wait_dma2 semaphore(%run_scoped3A : memref<!tpu.dma_semaphore, #tpu.memory_space<semaphore_mem>>) src(%dma_wait3A_80 : memref<64x128xf32, #tpu.memory_space<hbm>>) dst(%dma_wait3A_78 : memref<64x128xf32, #tpu.memory_space<vmem_shared>>)
        tpu.yield
      }) : () -> ()
      %add3A_56 = arith.addi %mul3A_52, %mul3A_54 : i32
      "tpu.region"() ({
        %run_scoped3A = tpu.sem_alloc : memref<!tpu.dma_semaphore, #tpu.memory_space<semaphore_mem>>
        %dma_start3A = arith.constant 0 : i32
        %dma_start3A_75 = tpu.memref_slice %arg15[%mul3A_54, %dma_start3A] : memref<1032x128xf32, #tpu.memory_space<vmem_shared>> -> memref<64x128xf32, #tpu.memory_space<vmem_shared>>
        %dma_start3A_76 = arith.constant 0 : i32
        %dma_start3A_77 = tpu.memref_slice %arg7[%add3A_56, %dma_start3A_76] : memref<10240x128xf32, #tpu.memory_space<hbm>> -> memref<64x128xf32, #tpu.memory_space<hbm>>
        tpu.enqueue_dma source(%dma_start3A_77 : memref<64x128xf32, #tpu.memory_space<hbm>>) target(%dma_start3A_75 : memref<64x128xf32, #tpu.memory_space<vmem_shared>>) target_semaphore(%run_scoped3A : memref<!tpu.dma_semaphore, #tpu.memory_space<semaphore_mem>>)
        %dma_wait3A = arith.constant 0 : i32
        %dma_wait3A_78 = tpu.memref_slice %arg15[%mul3A_54, %dma_wait3A] : memref<1032x128xf32, #tpu.memory_space<vmem_shared>> -> memref<64x128xf32, #tpu.memory_space<vmem_shared>>
        %dma_wait3A_79 = arith.constant 0 : i32
        %dma_wait3A_80 = tpu.memref_slice %arg7[%add3A_56, %dma_wait3A_79] : memref<10240x128xf32, #tpu.memory_space<hbm>> -> memref<64x128xf32, #tpu.memory_space<hbm>>
        tpu.wait_dma2 semaphore(%run_scoped3A : memref<!tpu.dma_semaphore, #tpu.memory_space<semaphore_mem>>) src(%dma_wait3A_80 : memref<64x128xf32, #tpu.memory_space<hbm>>) dst(%dma_wait3A_78 : memref<64x128xf32, #tpu.memory_space<vmem_shared>>)
        tpu.yield
      }) : () -> ()
      %add3A_57 = arith.addi %mul3A_52, %mul3A_54 : i32
      "tpu.region"() ({
        %run_scoped3A = tpu.sem_alloc : memref<!tpu.dma_semaphore, #tpu.memory_space<semaphore_mem>>
        %dma_start3A = arith.constant 0 : i32
        %dma_start3A_75 = tpu.memref_slice %arg16[%mul3A_54, %dma_start3A] : memref<1032x128xf32, #tpu.memory_space<vmem_shared>> -> memref<64x128xf32, #tpu.memory_space<vmem_shared>>
        %dma_start3A_76 = arith.constant 0 : i32
        %dma_start3A_77 = tpu.memref_slice %arg8[%add3A_57, %dma_start3A_76] : memref<10240x128xf32, #tpu.memory_space<hbm>> -> memref<64x128xf32, #tpu.memory_space<hbm>>
        tpu.enqueue_dma source(%dma_start3A_77 : memref<64x128xf32, #tpu.memory_space<hbm>>) target(%dma_start3A_75 : memref<64x128xf32, #tpu.memory_space<vmem_shared>>) target_semaphore(%run_scoped3A : memref<!tpu.dma_semaphore, #tpu.memory_space<semaphore_mem>>)
        %dma_wait3A = arith.constant 0 : i32
        %dma_wait3A_78 = tpu.memref_slice %arg16[%mul3A_54, %dma_wait3A] : memref<1032x128xf32, #tpu.memory_space<vmem_shared>> -> memref<64x128xf32, #tpu.memory_space<vmem_shared>>
        %dma_wait3A_79 = arith.constant 0 : i32
        %dma_wait3A_80 = tpu.memref_slice %arg8[%add3A_57, %dma_wait3A_79] : memref<10240x128xf32, #tpu.memory_space<hbm>> -> memref<64x128xf32, #tpu.memory_space<hbm>>
        tpu.wait_dma2 semaphore(%run_scoped3A : memref<!tpu.dma_semaphore, #tpu.memory_space<semaphore_mem>>) src(%dma_wait3A_80 : memref<64x128xf32, #tpu.memory_space<hbm>>) dst(%dma_wait3A_78 : memref<64x128xf32, #tpu.memory_space<vmem_shared>>)
        tpu.yield
      }) : () -> ()
      %add3A_58 = arith.addi %mul3A_52, %mul3A_54 : i32
      "tpu.region"() ({
        %run_scoped3A = tpu.sem_alloc : memref<!tpu.dma_semaphore, #tpu.memory_space<semaphore_mem>>
        %dma_start3A = arith.constant 0 : i32
        %dma_start3A_75 = tpu.memref_slice %arg17[%mul3A_54, %dma_start3A] : memref<1032x128xf32, #tpu.memory_space<vmem_shared>> -> memref<64x128xf32, #tpu.memory_space<vmem_shared>>
        %dma_start3A_76 = arith.constant 0 : i32
        %dma_start3A_77 = tpu.memref_slice %arg9[%add3A_58, %dma_start3A_76] : memref<10240x128xf32, #tpu.memory_space<hbm>> -> memref<64x128xf32, #tpu.memory_space<hbm>>
        tpu.enqueue_dma source(%dma_start3A_77 : memref<64x128xf32, #tpu.memory_space<hbm>>) target(%dma_start3A_75 : memref<64x128xf32, #tpu.memory_space<vmem_shared>>) target_semaphore(%run_scoped3A : memref<!tpu.dma_semaphore, #tpu.memory_space<semaphore_mem>>)
        %dma_wait3A = arith.constant 0 : i32
        %dma_wait3A_78 = tpu.memref_slice %arg17[%mul3A_54, %dma_wait3A] : memref<1032x128xf32, #tpu.memory_space<vmem_shared>> -> memref<64x128xf32, #tpu.memory_space<vmem_shared>>
        %dma_wait3A_79 = arith.constant 0 : i32
        %dma_wait3A_80 = tpu.memref_slice %arg9[%add3A_58, %dma_wait3A_79] : memref<10240x128xf32, #tpu.memory_space<hbm>> -> memref<64x128xf32, #tpu.memory_space<hbm>>
        tpu.wait_dma2 semaphore(%run_scoped3A : memref<!tpu.dma_semaphore, #tpu.memory_space<semaphore_mem>>) src(%dma_wait3A_80 : memref<64x128xf32, #tpu.memory_space<hbm>>) dst(%dma_wait3A_78 : memref<64x128xf32, #tpu.memory_space<vmem_shared>>)
        tpu.yield
      }) : () -> ()
      %eq3A = arith.constant 0 : i32
      %eq3A_59 = arith.cmpi eq, %arg1, %eq3A : i32
      %convert_element_type3A = arith.extui %eq3A_59 : i1 to i32
      %cond3A = arith.constant 0 : i32
      %cond3A_60 = arith.cmpi ne, %convert_element_type3A, %cond3A : i32
      scf.if %cond3A_60 {
        "tpu.region"() ({
          %run_scoped3A = tpu.sem_alloc : memref<!tpu.dma_semaphore, #tpu.memory_space<semaphore_mem>>
          %dma_start3A = arith.constant 1024 : i32
          %dma_start3A_75 = arith.constant 0 : i32
          %dma_start3A_76 = tpu.memref_slice %arg14[%dma_start3A, %dma_start3A_75] : memref<1032x128xf32, #tpu.memory_space<vmem_shared>> -> memref<8x128xf32, #tpu.memory_space<vmem_shared>>
          %dma_start3A_77 = arith.constant 0 : i32
          %dma_start3A_78 = arith.constant 0 : i32
          %dma_start3A_79 = tpu.memref_slice %arg6[%dma_start3A_77, %dma_start3A_78] : memref<10240x128xf32, #tpu.memory_space<hbm>> -> memref<8x128xf32, #tpu.memory_space<hbm>>
          tpu.enqueue_dma source(%dma_start3A_79 : memref<8x128xf32, #tpu.memory_space<hbm>>) target(%dma_start3A_76 : memref<8x128xf32, #tpu.memory_space<vmem_shared>>) target_semaphore(%run_scoped3A : memref<!tpu.dma_semaphore, #tpu.memory_space<semaphore_mem>>)
          %dma_wait3A = arith.constant 1024 : i32
          %dma_wait3A_80 = arith.constant 0 : i32
          %dma_wait3A_81 = tpu.memref_slice %arg14[%dma_wait3A, %dma_wait3A_80] : memref<1032x128xf32, #tpu.memory_space<vmem_shared>> -> memref<8x128xf32, #tpu.memory_space<vmem_shared>>
          %dma_wait3A_82 = arith.constant 0 : i32
          %dma_wait3A_83 = arith.constant 0 : i32
          %dma_wait3A_84 = tpu.memref_slice %arg6[%dma_wait3A_82, %dma_wait3A_83] : memref<10240x128xf32, #tpu.memory_space<hbm>> -> memref<8x128xf32, #tpu.memory_space<hbm>>
          tpu.wait_dma2 semaphore(%run_scoped3A : memref<!tpu.dma_semaphore, #tpu.memory_space<semaphore_mem>>) src(%dma_wait3A_84 : memref<8x128xf32, #tpu.memory_space<hbm>>) dst(%dma_wait3A_81 : memref<8x128xf32, #tpu.memory_space<vmem_shared>>)
          tpu.yield
        }) : () -> ()
        "tpu.region"() ({
          %run_scoped3A = tpu.sem_alloc : memref<!tpu.dma_semaphore, #tpu.memory_space<semaphore_mem>>
          %dma_start3A = arith.constant 1024 : i32
          %dma_start3A_75 = arith.constant 0 : i32
          %dma_start3A_76 = tpu.memref_slice %arg15[%dma_start3A, %dma_start3A_75] : memref<1032x128xf32, #tpu.memory_space<vmem_shared>> -> memref<8x128xf32, #tpu.memory_space<vmem_shared>>
          %dma_start3A_77 = arith.constant 0 : i32
          %dma_start3A_78 = arith.constant 0 : i32
          %dma_start3A_79 = tpu.memref_slice %arg7[%dma_start3A_77, %dma_start3A_78] : memref<10240x128xf32, #tpu.memory_space<hbm>> -> memref<8x128xf32, #tpu.memory_space<hbm>>
          tpu.enqueue_dma source(%dma_start3A_79 : memref<8x128xf32, #tpu.memory_space<hbm>>) target(%dma_start3A_76 : memref<8x128xf32, #tpu.memory_space<vmem_shared>>) target_semaphore(%run_scoped3A : memref<!tpu.dma_semaphore, #tpu.memory_space<semaphore_mem>>)
          %dma_wait3A = arith.constant 1024 : i32
          %dma_wait3A_80 = arith.constant 0 : i32
          %dma_wait3A_81 = tpu.memref_slice %arg15[%dma_wait3A, %dma_wait3A_80] : memref<1032x128xf32, #tpu.memory_space<vmem_shared>> -> memref<8x128xf32, #tpu.memory_space<vmem_shared>>
          %dma_wait3A_82 = arith.constant 0 : i32
          %dma_wait3A_83 = arith.constant 0 : i32
          %dma_wait3A_84 = tpu.memref_slice %arg7[%dma_wait3A_82, %dma_wait3A_83] : memref<10240x128xf32, #tpu.memory_space<hbm>> -> memref<8x128xf32, #tpu.memory_space<hbm>>
          tpu.wait_dma2 semaphore(%run_scoped3A : memref<!tpu.dma_semaphore, #tpu.memory_space<semaphore_mem>>) src(%dma_wait3A_84 : memref<8x128xf32, #tpu.memory_space<hbm>>) dst(%dma_wait3A_81 : memref<8x128xf32, #tpu.memory_space<vmem_shared>>)
          tpu.yield
        }) : () -> ()
        "tpu.region"() ({
          %run_scoped3A = tpu.sem_alloc : memref<!tpu.dma_semaphore, #tpu.memory_space<semaphore_mem>>
          %dma_start3A = arith.constant 1024 : i32
          %dma_start3A_75 = arith.constant 0 : i32
          %dma_start3A_76 = tpu.memref_slice %arg16[%dma_start3A, %dma_start3A_75] : memref<1032x128xf32, #tpu.memory_space<vmem_shared>> -> memref<8x128xf32, #tpu.memory_space<vmem_shared>>
          %dma_start3A_77 = arith.constant 0 : i32
          %dma_start3A_78 = arith.constant 0 : i32
          %dma_start3A_79 = tpu.memref_slice %arg8[%dma_start3A_77, %dma_start3A_78] : memref<10240x128xf32, #tpu.memory_space<hbm>> -> memref<8x128xf32, #tpu.memory_space<hbm>>
          tpu.enqueue_dma source(%dma_start3A_79 : memref<8x128xf32, #tpu.memory_space<hbm>>) target(%dma_start3A_76 : memref<8x128xf32, #tpu.memory_space<vmem_shared>>) target_semaphore(%run_scoped3A : memref<!tpu.dma_semaphore, #tpu.memory_space<semaphore_mem>>)
          %dma_wait3A = arith.constant 1024 : i32
          %dma_wait3A_80 = arith.constant 0 : i32
          %dma_wait3A_81 = tpu.memref_slice %arg16[%dma_wait3A, %dma_wait3A_80] : memref<1032x128xf32, #tpu.memory_space<vmem_shared>> -> memref<8x128xf32, #tpu.memory_space<vmem_shared>>
          %dma_wait3A_82 = arith.constant 0 : i32
          %dma_wait3A_83 = arith.constant 0 : i32
          %dma_wait3A_84 = tpu.memref_slice %arg8[%dma_wait3A_82, %dma_wait3A_83] : memref<10240x128xf32, #tpu.memory_space<hbm>> -> memref<8x128xf32, #tpu.memory_space<hbm>>
          tpu.wait_dma2 semaphore(%run_scoped3A : memref<!tpu.dma_semaphore, #tpu.memory_space<semaphore_mem>>) src(%dma_wait3A_84 : memref<8x128xf32, #tpu.memory_space<hbm>>) dst(%dma_wait3A_81 : memref<8x128xf32, #tpu.memory_space<vmem_shared>>)
          tpu.yield
        }) : () -> ()
        "tpu.region"() ({
          %run_scoped3A = tpu.sem_alloc : memref<!tpu.dma_semaphore, #tpu.memory_space<semaphore_mem>>
          %dma_start3A = arith.constant 1024 : i32
          %dma_start3A_75 = arith.constant 0 : i32
          %dma_start3A_76 = tpu.memref_slice %arg17[%dma_start3A, %dma_start3A_75] : memref<1032x128xf32, #tpu.memory_space<vmem_shared>> -> memref<8x128xf32, #tpu.memory_space<vmem_shared>>
          %dma_start3A_77 = arith.constant 0 : i32
          %dma_start3A_78 = arith.constant 0 : i32
          %dma_start3A_79 = tpu.memref_slice %arg9[%dma_start3A_77, %dma_start3A_78] : memref<10240x128xf32, #tpu.memory_space<hbm>> -> memref<8x128xf32, #tpu.memory_space<hbm>>
          tpu.enqueue_dma source(%dma_start3A_79 : memref<8x128xf32, #tpu.memory_space<hbm>>) target(%dma_start3A_76 : memref<8x128xf32, #tpu.memory_space<vmem_shared>>) target_semaphore(%run_scoped3A : memref<!tpu.dma_semaphore, #tpu.memory_space<semaphore_mem>>)
          %dma_wait3A = arith.constant 1024 : i32
          %dma_wait3A_80 = arith.constant 0 : i32
          %dma_wait3A_81 = tpu.memref_slice %arg17[%dma_wait3A, %dma_wait3A_80] : memref<1032x128xf32, #tpu.memory_space<vmem_shared>> -> memref<8x128xf32, #tpu.memory_space<vmem_shared>>
          %dma_wait3A_82 = arith.constant 0 : i32
          %dma_wait3A_83 = arith.constant 0 : i32
          %dma_wait3A_84 = tpu.memref_slice %arg9[%dma_wait3A_82, %dma_wait3A_83] : memref<10240x128xf32, #tpu.memory_space<hbm>> -> memref<8x128xf32, #tpu.memory_space<hbm>>
          tpu.wait_dma2 semaphore(%run_scoped3A : memref<!tpu.dma_semaphore, #tpu.memory_space<semaphore_mem>>) src(%dma_wait3A_84 : memref<8x128xf32, #tpu.memory_space<hbm>>) dst(%dma_wait3A_81 : memref<8x128xf32, #tpu.memory_space<vmem_shared>>)
          tpu.yield
        }) : () -> ()
      } else {
      }
      %barrier3A = arith.constant 0 : index
      tpu.barrier barrier_id(%barrier3A)
      %scan3A_61 = arith.constant 0 : i32
      %scan3A_62 = arith.constant 0 : i32
      %scan3A_63 = arith.constant 10 : i32
      %scan3A_64 = arith.addi %scan3A_62, %scan3A_63 : i32
      %scan3A_65 = arith.constant 1 : i32
      %scan3A_66 = scf.for %scan3A_75 = %scan3A_62 to %scan3A_64 step %scan3A_65 iter_args(%scan3A_76 = %scan3A_61) -> (i32)  : i32 {
        %mul3A_77 = arith.constant 10 : i32
        %mul3A_78 = arith.muli %arg1, %mul3A_77 : i32
        %add3A_79 = arith.addi %mul3A_78, %scan3A_75 : i32
        %mul3A_80 = arith.constant 2000 : i32
        %mul3A_81 = arith.muli %add3A_79, %mul3A_80 : i32
        "tpu.region"() ({
          %run_scoped3A = tpu.sem_alloc : memref<!tpu.dma_semaphore, #tpu.memory_space<semaphore_mem>>
          %dma_start3A = arith.constant 0 : i32
          %dma_start3A_141 = tpu.memref_slice %arg5[%add3A_79, %dma_start3A] : memref<160x2000xi32, #tpu.memory_space<hbm>> -> memref<1x2000xi32, #tpu.memory_space<hbm>>
          %dma_start3A_142 = tpu.memref_squeeze %dma_start3A_141 : memref<1x2000xi32, #tpu.memory_space<hbm>> -> memref<2000xi32, #tpu.memory_space<hbm>>
          %dma_start3A_143 = arith.constant 0 : i32
          %dma_start3A_144 = tpu.memref_slice %arg5[%add3A_79, %dma_start3A_143] : memref<160x2000xi32, #tpu.memory_space<hbm>> -> memref<1x2000xi32, #tpu.memory_space<hbm>>
          %dma_start3A_145 = tpu.memref_squeeze %dma_start3A_144 : memref<1x2000xi32, #tpu.memory_space<hbm>> -> memref<2000xi32, #tpu.memory_space<hbm>>
          tpu.enqueue_dma source(%dma_start3A_145 : memref<2000xi32, #tpu.memory_space<hbm>>) target(%arg20 : memref<2000xi32, #tpu.memory_space<vmem>>) target_semaphore(%run_scoped3A : memref<!tpu.dma_semaphore, #tpu.memory_space<semaphore_mem>>)
          %dma_wait3A = arith.constant 0 : i32
          %dma_wait3A_146 = tpu.memref_slice %arg5[%add3A_79, %dma_wait3A] : memref<160x2000xi32, #tpu.memory_space<hbm>> -> memref<1x2000xi32, #tpu.memory_space<hbm>>
          %dma_wait3A_147 = tpu.memref_squeeze %dma_wait3A_146 : memref<1x2000xi32, #tpu.memory_space<hbm>> -> memref<2000xi32, #tpu.memory_space<hbm>>
          %dma_wait3A_148 = arith.constant 0 : i32
          %dma_wait3A_149 = tpu.memref_slice %arg5[%add3A_79, %dma_wait3A_148] : memref<160x2000xi32, #tpu.memory_space<hbm>> -> memref<1x2000xi32, #tpu.memory_space<hbm>>
          %dma_wait3A_150 = tpu.memref_squeeze %dma_wait3A_149 : memref<1x2000xi32, #tpu.memory_space<hbm>> -> memref<2000xi32, #tpu.memory_space<hbm>>
          tpu.wait_dma2 semaphore(%run_scoped3A : memref<!tpu.dma_semaphore, #tpu.memory_space<semaphore_mem>>) src(%dma_wait3A_150 : memref<2000xi32, #tpu.memory_space<hbm>>) dst(%arg20 : memref<2000xi32, #tpu.memory_space<vmem>>)
          tpu.yield
        }) : () -> ()
        "tpu.region"() ({
          %run_scoped3A = tpu.sem_alloc : memref<!tpu.dma_semaphore, #tpu.memory_space<semaphore_mem>>
          %dma_start3A = arith.constant 0 : i32
          %dma_start3A_141 = tpu.memref_slice %arg4[%add3A_79, %dma_start3A] : memref<160x2000xi32, #tpu.memory_space<hbm>> -> memref<1x2000xi32, #tpu.memory_space<hbm>>
          %dma_start3A_142 = tpu.memref_squeeze %dma_start3A_141 : memref<1x2000xi32, #tpu.memory_space<hbm>> -> memref<2000xi32, #tpu.memory_space<hbm>>
          %dma_start3A_143 = arith.constant 0 : i32
          %dma_start3A_144 = tpu.memref_slice %arg4[%add3A_79, %dma_start3A_143] : memref<160x2000xi32, #tpu.memory_space<hbm>> -> memref<1x2000xi32, #tpu.memory_space<hbm>>
          %dma_start3A_145 = tpu.memref_squeeze %dma_start3A_144 : memref<1x2000xi32, #tpu.memory_space<hbm>> -> memref<2000xi32, #tpu.memory_space<hbm>>
          tpu.enqueue_dma source(%dma_start3A_145 : memref<2000xi32, #tpu.memory_space<hbm>>) target(%arg21 : memref<2000xi32, #tpu.memory_space<vmem>>) target_semaphore(%run_scoped3A : memref<!tpu.dma_semaphore, #tpu.memory_space<semaphore_mem>>)
          %dma_wait3A = arith.constant 0 : i32
          %dma_wait3A_146 = tpu.memref_slice %arg4[%add3A_79, %dma_wait3A] : memref<160x2000xi32, #tpu.memory_space<hbm>> -> memref<1x2000xi32, #tpu.memory_space<hbm>>
          %dma_wait3A_147 = tpu.memref_squeeze %dma_wait3A_146 : memref<1x2000xi32, #tpu.memory_space<hbm>> -> memref<2000xi32, #tpu.memory_space<hbm>>
          %dma_wait3A_148 = arith.constant 0 : i32
          %dma_wait3A_149 = tpu.memref_slice %arg4[%add3A_79, %dma_wait3A_148] : memref<160x2000xi32, #tpu.memory_space<hbm>> -> memref<1x2000xi32, #tpu.memory_space<hbm>>
          %dma_wait3A_150 = tpu.memref_squeeze %dma_wait3A_149 : memref<1x2000xi32, #tpu.memory_space<hbm>> -> memref<2000xi32, #tpu.memory_space<hbm>>
          tpu.wait_dma2 semaphore(%run_scoped3A : memref<!tpu.dma_semaphore, #tpu.memory_space<semaphore_mem>>) src(%dma_wait3A_150 : memref<2000xi32, #tpu.memory_space<hbm>>) dst(%arg21 : memref<2000xi32, #tpu.memory_space<vmem>>)
          tpu.yield
        }) : () -> ()
        %scan3A_82 = arith.constant 0 : i32
        %scan3A_83 = arith.constant 0 : i32
        %scan3A_84 = arith.constant 125 : i32
        %scan3A_85 = arith.addi %scan3A_83, %scan3A_84 : i32
        %scan3A_86 = arith.constant 1 : i32
        %scan3A_87 = scf.for %scan3A_141 = %scan3A_83 to %scan3A_85 step %scan3A_86 iter_args(%scan3A_142 = %scan3A_82) -> (i32)  : i32 {
          %mul3A_143 = arith.constant 16 : i32
          %mul3A_144 = arith.muli %scan3A_141, %mul3A_143 : i32
          %get3A = arith.index_cast %mul3A_144 : i32 to index
          %get3A_145 = tpu.vector_load %arg20[%get3A] {strides = array<i32>} : memref<2000xi32, #tpu.memory_space<vmem>>, vector<16xi32>,
          %get3A_146 = vector.shape_cast %get3A_145 : vector<16xi32> to vector<16xi32>
          %sub3A_147 = vector.broadcast %mul3A_52 : i32 to vector<16xi32>
          %sub3A_148 = arith.subi %get3A_146, %sub3A_147 : vector<16xi32>
          %ge3A_149 = arith.constant 0 : i32
          %ge3A_150 = vector.broadcast %ge3A_149 : i32 to vector<16xi32>
          %ge3A_151 = arith.cmpi sge, %sub3A_148, %ge3A_150 : vector<16xi32>
          %lt3A = arith.constant 1024 : i32
          %lt3A_152 = vector.broadcast %lt3A : i32 to vector<16xi32>
          %lt3A_153 = arith.cmpi slt, %sub3A_148, %lt3A_152 : vector<16xi32>
          %and3A_154 = arith.andi %ge3A_151, %lt3A_153 : vector<16xi1>
          %jit3A_155 = arith.constant 1 : i32
          %jit3A_156 = arith.constant 0 : i32
          %broadcast_in_dim3A = vector.broadcast %jit3A_155 : i32 to vector<16xi32>
          %broadcast_in_dim3A_157 = vector.broadcast %jit3A_156 : i32 to vector<16xi32>
          %select_n3A_158 = arith.select %and3A_154, %broadcast_in_dim3A, %broadcast_in_dim3A_157 : vector<16xi1>, vector<16xi32>
          %lt3A_159 = arith.constant 0 : i32
          %lt3A_160 = vector.broadcast %lt3A_159 : i32 to vector<16xi32>
          %lt3A_161 = arith.cmpi slt, %max3A_3, %lt3A_160 : vector<16xi32>
          %add3A_162 = arith.constant 16 : i32
          %add3A_163 = vector.broadcast %add3A_162 : i32 to vector<16xi32>
          %add3A_164 = arith.addi %max3A_3, %add3A_163 : vector<16xi32>
          %select_n3A_165 = arith.select %lt3A_161, %add3A_164, %max3A_3 : vector<16xi1>, vector<16xi32>
          %broadcast_in_dim3A_166 = vector.shape_cast %select_n3A_165 : vector<16xi32> to vector<16x1xi32>
          %gather3A = vector.shape_cast %broadcast_in_dim3A_166 : vector<16x1xi32> to vector<16xi32>
          %gather3A_167 = tpu.dynamic_gather %select_n3A_158[%gather3A] in [0] : vector<16xi32>, vector<16xi32> -> vector<16xi32>
          %jit3A_168 = arith.constant 0 : i32
          %broadcast_in_dim3A_169 = vector.broadcast %jit3A_168 : i32 to vector<16xi32>
          %select_n3A_170 = arith.select %ge3A_23, %gather3A_167, %broadcast_in_dim3A_169 : vector<16xi1>, vector<16xi32>
          %add3A_171 = arith.addi %select_n3A_158, %select_n3A_170 : vector<16xi32>
          %lt3A_172 = arith.constant 0 : i32
          %lt3A_173 = vector.broadcast %lt3A_172 : i32 to vector<16xi32>
          %lt3A_174 = arith.cmpi slt, %max3A_9, %lt3A_173 : vector<16xi32>
          %add3A_175 = arith.constant 16 : i32
          %add3A_176 = vector.broadcast %add3A_175 : i32 to vector<16xi32>
          %add3A_177 = arith.addi %max3A_9, %add3A_176 : vector<16xi32>
          %select_n3A_178 = arith.select %lt3A_174, %add3A_177, %max3A_9 : vector<16xi1>, vector<16xi32>
          %broadcast_in_dim3A_179 = vector.shape_cast %select_n3A_178 : vector<16xi32> to vector<16x1xi32>
          %gather3A_180 = vector.shape_cast %broadcast_in_dim3A_179 : vector<16x1xi32> to vector<16xi32>
          %gather3A_181 = tpu.dynamic_gather %add3A_171[%gather3A_180] in [0] : vector<16xi32>, vector<16xi32> -> vector<16xi32>
          %jit3A_182 = arith.constant 0 : i32
          %broadcast_in_dim3A_183 = vector.broadcast %jit3A_182 : i32 to vector<16xi32>
          %select_n3A_184 = arith.select %ge3A_26, %gather3A_181, %broadcast_in_dim3A_183 : vector<16xi1>, vector<16xi32>
          %add3A_185 = arith.addi %add3A_171, %select_n3A_184 : vector<16xi32>
          %lt3A_186 = arith.constant 0 : i32
          %lt3A_187 = vector.broadcast %lt3A_186 : i32 to vector<16xi32>
          %lt3A_188 = arith.cmpi slt, %max3A_15, %lt3A_187 : vector<16xi32>
          %add3A_189 = arith.constant 16 : i32
          %add3A_190 = vector.broadcast %add3A_189 : i32 to vector<16xi32>
          %add3A_191 = arith.addi %max3A_15, %add3A_190 : vector<16xi32>
          %select_n3A_192 = arith.select %lt3A_188, %add3A_191, %max3A_15 : vector<16xi1>, vector<16xi32>
          %broadcast_in_dim3A_193 = vector.shape_cast %select_n3A_192 : vector<16xi32> to vector<16x1xi32>
          %gather3A_194 = vector.shape_cast %broadcast_in_dim3A_193 : vector<16x1xi32> to vector<16xi32>
          %gather3A_195 = tpu.dynamic_gather %add3A_185[%gather3A_194] in [0] : vector<16xi32>, vector<16xi32> -> vector<16xi32>
          %jit3A_196 = arith.constant 0 : i32
          %broadcast_in_dim3A_197 = vector.broadcast %jit3A_196 : i32 to vector<16xi32>
          %select_n3A_198 = arith.select %ge3A_29, %gather3A_195, %broadcast_in_dim3A_197 : vector<16xi1>, vector<16xi32>
          %add3A_199 = arith.addi %add3A_185, %select_n3A_198 : vector<16xi32>
          %lt3A_200 = arith.constant 0 : i32
          %lt3A_201 = vector.broadcast %lt3A_200 : i32 to vector<16xi32>
          %lt3A_202 = arith.cmpi slt, %max3A_21, %lt3A_201 : vector<16xi32>
          %add3A_203 = arith.constant 16 : i32
          %add3A_204 = vector.broadcast %add3A_203 : i32 to vector<16xi32>
          %add3A_205 = arith.addi %max3A_21, %add3A_204 : vector<16xi32>
          %select_n3A_206 = arith.select %lt3A_202, %add3A_205, %max3A_21 : vector<16xi1>, vector<16xi32>
          %broadcast_in_dim3A_207 = vector.shape_cast %select_n3A_206 : vector<16xi32> to vector<16x1xi32>
          %gather3A_208 = vector.shape_cast %broadcast_in_dim3A_207 : vector<16x1xi32> to vector<16xi32>
          %gather3A_209 = tpu.dynamic_gather %add3A_199[%gather3A_208] in [0] : vector<16xi32>, vector<16xi32> -> vector<16xi32>
          %jit3A_210 = arith.constant 0 : i32
          %broadcast_in_dim3A_211 = vector.broadcast %jit3A_210 : i32 to vector<16xi32>
          %select_n3A_212 = arith.select %ge3A_32, %gather3A_209, %broadcast_in_dim3A_211 : vector<16xi1>, vector<16xi32>
          %add3A_213 = arith.addi %add3A_199, %select_n3A_212 : vector<16xi32>
          %add3A_214 = vector.broadcast %scan3A_142 : i32 to vector<16xi32>
          %add3A_215 = arith.addi %add3A_214, %add3A_213 : vector<16xi32>
          %sub3A_216 = arith.constant 1 : i32
          %sub3A_217 = vector.broadcast %sub3A_216 : i32 to vector<16xi32>
          %sub3A_218 = arith.subi %add3A_215, %sub3A_217 : vector<16xi32>
          %jit3A_219 = arith.constant 2000 : i32
          %broadcast_in_dim3A_220 = vector.broadcast %jit3A_219 : i32 to vector<16xi32>
          %select_n3A_221 = arith.select %and3A_154, %sub3A_218, %broadcast_in_dim3A_220 : vector<16xi1>, vector<16xi32>
          %add3A_222 = vector.broadcast %mul3A_33 : i32 to vector<16xi32>
          %add3A_223 = arith.addi %select_n3A_221, %add3A_222 : vector<16xi32>
          %mul3A_224 = arith.constant 16 : i32
          %mul3A_225 = arith.muli %scan3A_141, %mul3A_224 : i32
          %swap3A = arith.index_cast %mul3A_225 : i32 to index
          %swap3A_226 = tpu.vector_load %arg22[%swap3A] {strides = array<i32>} : memref<2000xi32, #tpu.memory_space<vmem>>, vector<16xi32>,
          %swap3A_227 = vector.shape_cast %swap3A_226 : vector<16xi32> to vector<16xi32>
          %swap3A_228 = vector.shape_cast %add3A_223 : vector<16xi32> to vector<16xi32>
          tpu.vector_store %arg22[%swap3A], %swap3A_228 {strides = array<i32>} : memref<2000xi32, #tpu.memory_space<vmem>>, vector<16xi32>,
          %jit3A_229 = arith.constant 1024 : i32
          %broadcast_in_dim3A_230 = vector.broadcast %jit3A_229 : i32 to vector<16xi32>
          %select_n3A_231 = arith.select %and3A_154, %sub3A_148, %broadcast_in_dim3A_230 : vector<16xi1>, vector<16xi32>
          %shift_left3A = arith.constant 11 : i32
          %shift_left3A_232 = vector.broadcast %shift_left3A : i32 to vector<16xi32>
          %shift_left3A_233 = arith.shli %select_n3A_231, %shift_left3A_232 : vector<16xi32>
          %mul3A_234 = arith.constant 16 : i32
          %mul3A_235 = arith.muli %scan3A_141, %mul3A_234 : i32
          %add3A_236 = vector.broadcast %mul3A_235 : i32 to vector<16xi32>
          %add3A_237 = arith.addi %shift_left3A_233, %add3A_236 : vector<16xi32>
          %add3A_238 = arith.addi %add3A_237, %iota3A : vector<16xi32>
          %mul3A_239 = arith.constant 16 : i32
          %mul3A_240 = arith.muli %scan3A_141, %mul3A_239 : i32
          %swap3A_241 = arith.index_cast %mul3A_240 : i32 to index
          %swap3A_242 = tpu.vector_load %arg23[%swap3A_241] {strides = array<i32>} : memref<2000xi32, #tpu.memory_space<vmem>>, vector<16xi32>,
          %swap3A_243 = vector.shape_cast %swap3A_242 : vector<16xi32> to vector<16xi32>
          %swap3A_244 = vector.shape_cast %add3A_238 : vector<16xi32> to vector<16xi32>
          tpu.vector_store %arg23[%swap3A_241], %swap3A_244 {strides = array<i32>} : memref<2000xi32, #tpu.memory_space<vmem>>, vector<16xi32>,
          %slice3A = vector.extract_strided_slice %add3A_213 {offsets = [15], sizes = [1], strides = [1]} : vector<16xi32> to vector<1xi32>
          %squeeze3A = vector.extract %slice3A[0] : i32 from vector<1xi32>
          %add3A_245 = arith.addi %scan3A_142, %squeeze3A : i32
          scf.yield %add3A_245 : i32
        }
        %scan3A_88 = arith.constant 125 : i32
        "tpu.region"() ({
          %run_scoped3A = tpu.sem_alloc : memref<!tpu.dma_semaphore, #tpu.memory_space<semaphore_mem>>
          %dma_start3A = tpu.memref_slice %arg18[%mul3A_33] : memref<32768xi32, #tpu.memory_space<vmem_shared>> -> memref<2048xi32, #tpu.memory_space<vmem_shared>>
          %dma_start3A_141 = tpu.memref_slice %arg18[%mul3A_33] : memref<32768xi32, #tpu.memory_space<vmem_shared>> -> memref<2048xi32, #tpu.memory_space<vmem_shared>>
          tpu.enqueue_dma source(%arg24 : memref<2048xi32, #tpu.memory_space<vmem>>) target(%dma_start3A_141 : memref<2048xi32, #tpu.memory_space<vmem_shared>>) target_semaphore(%run_scoped3A : memref<!tpu.dma_semaphore, #tpu.memory_space<semaphore_mem>>)
          %dma_wait3A = tpu.memref_slice %arg18[%mul3A_33] : memref<32768xi32, #tpu.memory_space<vmem_shared>> -> memref<2048xi32, #tpu.memory_space<vmem_shared>>
          %dma_wait3A_142 = tpu.memref_slice %arg18[%mul3A_33] : memref<32768xi32, #tpu.memory_space<vmem_shared>> -> memref<2048xi32, #tpu.memory_space<vmem_shared>>
          tpu.wait_dma2 semaphore(%run_scoped3A : memref<!tpu.dma_semaphore, #tpu.memory_space<semaphore_mem>>) src(%arg24 : memref<2048xi32, #tpu.memory_space<vmem>>) dst(%dma_wait3A_142 : memref<2048xi32, #tpu.memory_space<vmem_shared>>)
          tpu.yield
        }) : () -> ()
        "tpu.region"() ({
          %run_scoped3A = tpu.sem_alloc : memref<!tpu.dma_semaphore, #tpu.memory_space<semaphore_mem>>
          %dma_start3A = arith.constant 0 : i32
          %dma_start3A_141 = tpu.memref_slice %arg18[%dma_start3A] : memref<32768xi32, #tpu.memory_space<vmem_shared>> -> memref<32768xi32, #tpu.memory_space<vmem_shared>>
          tpu.enqueue_indirect_dma source(%arg23 : memref<2000xi32, #tpu.memory_space<vmem>>) target(%dma_start3A_141 : memref<32768xi32, #tpu.memory_space<vmem_shared>>) offsets(%arg22 : memref<2000xi32, #tpu.memory_space<vmem>>) semaphore(%run_scoped3A : memref<!tpu.dma_semaphore, #tpu.memory_space<semaphore_mem>>)
          %dma_wait3A = arith.constant 0 : i32
          %dma_wait3A_142 = tpu.memref_slice %arg18[%dma_wait3A] : memref<32768xi32, #tpu.memory_space<vmem_shared>> -> memref<32768xi32, #tpu.memory_space<vmem_shared>>
          tpu.wait_indirect_dma semaphore(%run_scoped3A : memref<!tpu.dma_semaphore, #tpu.memory_space<semaphore_mem>>) src(%arg23 : memref<2000xi32, #tpu.memory_space<vmem>>) dst(%dma_wait3A_142 : memref<32768xi32, #tpu.memory_space<vmem_shared>>)
          tpu.yield
        }) : () -> ()
        "tpu.region"() ({
          %run_scoped3A = tpu.sem_alloc : memref<!tpu.dma_semaphore, #tpu.memory_space<semaphore_mem>>
          %dma_start3A = arith.constant 0 : i32
          %dma_start3A_141 = tpu.memref_slice %arg19[%dma_start3A] : memref<32768xi32, #tpu.memory_space<vmem_shared>> -> memref<32768xi32, #tpu.memory_space<vmem_shared>>
          tpu.enqueue_indirect_dma source(%arg21 : memref<2000xi32, #tpu.memory_space<vmem>>) target(%dma_start3A_141 : memref<32768xi32, #tpu.memory_space<vmem_shared>>) offsets(%arg22 : memref<2000xi32, #tpu.memory_space<vmem>>) semaphore(%run_scoped3A : memref<!tpu.dma_semaphore, #tpu.memory_space<semaphore_mem>>)
          %dma_wait3A = arith.constant 0 : i32
          %dma_wait3A_142 = tpu.memref_slice %arg19[%dma_wait3A] : memref<32768xi32, #tpu.memory_space<vmem_shared>> -> memref<32768xi32, #tpu.memory_space<vmem_shared>>
          tpu.wait_indirect_dma semaphore(%run_scoped3A : memref<!tpu.dma_semaphore, #tpu.memory_space<semaphore_mem>>) src(%arg21 : memref<2000xi32, #tpu.memory_space<vmem>>) dst(%dma_wait3A_142 : memref<32768xi32, #tpu.memory_space<vmem_shared>>)
          tpu.yield
        }) : () -> ()
        "tpu.region"() ({
          %run_scoped3A = tpu.sem_alloc : memref<!tpu.dma_semaphore, #tpu.memory_space<semaphore_mem>>
          %dma_start3A = tpu.memref_slice %arg18[%mul3A_33] : memref<32768xi32, #tpu.memory_space<vmem_shared>> -> memref<2048xi32, #tpu.memory_space<vmem_shared>>
          %dma_start3A_141 = tpu.memref_slice %arg18[%mul3A_33] : memref<32768xi32, #tpu.memory_space<vmem_shared>> -> memref<2048xi32, #tpu.memory_space<vmem_shared>>
          tpu.enqueue_dma source(%dma_start3A_141 : memref<2048xi32, #tpu.memory_space<vmem_shared>>) target(%arg25 : memref<2048xi32, #tpu.memory_space<vmem>>) target_semaphore(%run_scoped3A : memref<!tpu.dma_semaphore, #tpu.memory_space<semaphore_mem>>)
          %dma_wait3A = tpu.memref_slice %arg18[%mul3A_33] : memref<32768xi32, #tpu.memory_space<vmem_shared>> -> memref<2048xi32, #tpu.memory_space<vmem_shared>>
          %dma_wait3A_142 = tpu.memref_slice %arg18[%mul3A_33] : memref<32768xi32, #tpu.memory_space<vmem_shared>> -> memref<2048xi32, #tpu.memory_space<vmem_shared>>
          tpu.wait_dma2 semaphore(%run_scoped3A : memref<!tpu.dma_semaphore, #tpu.memory_space<semaphore_mem>>) src(%dma_wait3A_142 : memref<2048xi32, #tpu.memory_space<vmem_shared>>) dst(%arg25 : memref<2048xi32, #tpu.memory_space<vmem>>)
          tpu.yield
        }) : () -> ()
        "tpu.region"() ({
          %run_scoped3A = tpu.sem_alloc : memref<!tpu.dma_semaphore, #tpu.memory_space<semaphore_mem>>
          %dma_start3A = tpu.memref_slice %arg19[%mul3A_33] : memref<32768xi32, #tpu.memory_space<vmem_shared>> -> memref<2048xi32, #tpu.memory_space<vmem_shared>>
          %dma_start3A_141 = tpu.memref_slice %arg19[%mul3A_33] : memref<32768xi32, #tpu.memory_space<vmem_shared>> -> memref<2048xi32, #tpu.memory_space<vmem_shared>>
          tpu.enqueue_dma source(%dma_start3A_141 : memref<2048xi32, #tpu.memory_space<vmem_shared>>) target(%arg26 : memref<2048xi32, #tpu.memory_space<vmem>>) target_semaphore(%run_scoped3A : memref<!tpu.dma_semaphore, #tpu.memory_space<semaphore_mem>>)
          %dma_wait3A = tpu.memref_slice %arg19[%mul3A_33] : memref<32768xi32, #tpu.memory_space<vmem_shared>> -> memref<2048xi32, #tpu.memory_space<vmem_shared>>
          %dma_wait3A_142 = tpu.memref_slice %arg19[%mul3A_33] : memref<32768xi32, #tpu.memory_space<vmem_shared>> -> memref<2048xi32, #tpu.memory_space<vmem_shared>>
          tpu.wait_dma2 semaphore(%run_scoped3A : memref<!tpu.dma_semaphore, #tpu.memory_space<semaphore_mem>>) src(%dma_wait3A_142 : memref<2048xi32, #tpu.memory_space<vmem_shared>>) dst(%arg26 : memref<2048xi32, #tpu.memory_space<vmem>>)
          tpu.yield
        }) : () -> ()
        %scan3A_89 = arith.constant 0 : i32
        %scan3A_90 = arith.constant 0 : i32
        %scan3A_91 = arith.constant 128 : i32
        %scan3A_92 = arith.addi %scan3A_90, %scan3A_91 : i32
        %scan3A_93 = arith.constant 1 : i32
        %scan3A_94 = scf.for %scan3A_141 = %scan3A_90 to %scan3A_92 step %scan3A_93 iter_args(%scan3A_142 = %scan3A_89) -> (i32)  : i32 {
          %mul3A_143 = arith.constant 16 : i32
          %mul3A_144 = arith.muli %scan3A_141, %mul3A_143 : i32
          %get3A = arith.index_cast %mul3A_144 : i32 to index
          %get3A_145 = tpu.vector_load %arg25[%get3A] {strides = array<i32>} : memref<2048xi32, #tpu.memory_space<vmem>>, vector<16xi32>,
          %get3A_146 = vector.shape_cast %get3A_145 : vector<16xi32> to vector<16xi32>
          %shift_right_arithmetic3A = arith.constant 11 : i32
          %shift_right_arithmetic3A_147 = vector.broadcast %shift_right_arithmetic3A : i32 to vector<16xi32>
          %shift_right_arithmetic3A_148 = arith.shrsi %get3A_146, %shift_right_arithmetic3A_147 : vector<16xi32>
          %max3A_149 = arith.constant 0 : i32
          %max3A_150 = vector.broadcast %max3A_149 : i32 to vector<16xi32>
          %max3A_151 = arith.maxsi %shift_right_arithmetic3A_148, %max3A_150 : vector<16xi32>
          %min3A = arith.constant 1024 : i32
          %min3A_152 = vector.broadcast %min3A : i32 to vector<16xi32>
          %min3A_153 = arith.minsi %max3A_151, %min3A_152 : vector<16xi32>
          %swap3A = arith.index_cast %scan3A_141 : i32 to index
          %swap3A_154 = arith.constant 0 : index
          %swap3A_155 = tpu.vector_load %arg27[%swap3A, %swap3A_154] {strides = array<i32>} : memref<128x16xi32, #tpu.memory_space<vmem>>, vector<1x16xi32>,
          %swap3A_156 = vector.shape_cast %swap3A_155 : vector<1x16xi32> to vector<16xi32>
          %swap3A_157 = vector.shape_cast %min3A_153 : vector<16xi32> to vector<1x16xi32>
          tpu.vector_store %arg27[%swap3A, %swap3A_154], %swap3A_157 {strides = array<i32>} : memref<128x16xi32, #tpu.memory_space<vmem>>, vector<1x16xi32>,
          %and3A_158 = arith.constant 2047 : i32
          %and3A_159 = vector.broadcast %and3A_158 : i32 to vector<16xi32>
          %and3A_160 = arith.andi %get3A_146, %and3A_159 : vector<16xi32>
          %add3A_161 = vector.broadcast %mul3A_81 : i32 to vector<16xi32>
          %add3A_162 = arith.addi %and3A_160, %add3A_161 : vector<16xi32>
          %mul3A_163 = arith.constant 16 : i32
          %mul3A_164 = arith.muli %scan3A_141, %mul3A_163 : i32
          %swap3A_165 = arith.index_cast %mul3A_164 : i32 to index
          %swap3A_166 = tpu.vector_load %arg25[%swap3A_165] {strides = array<i32>} : memref<2048xi32, #tpu.memory_space<vmem>>, vector<16xi32>,
          %swap3A_167 = vector.shape_cast %swap3A_166 : vector<16xi32> to vector<16xi32>
          %swap3A_168 = vector.shape_cast %add3A_162 : vector<16xi32> to vector<16xi32>
          tpu.vector_store %arg25[%swap3A_165], %swap3A_168 {strides = array<i32>} : memref<2048xi32, #tpu.memory_space<vmem>>, vector<16xi32>,
          %mul3A_169 = arith.constant 16 : i32
          %mul3A_170 = arith.muli %scan3A_141, %mul3A_169 : i32
          %get3A_171 = arith.index_cast %mul3A_170 : i32 to index
          %get3A_172 = tpu.vector_load %arg26[%get3A_171] {strides = array<i32>} : memref<2048xi32, #tpu.memory_space<vmem>>, vector<16xi32>,
          %get3A_173 = vector.shape_cast %get3A_172 : vector<16xi32> to vector<16xi32>
          %max3A_174 = arith.constant 0 : i32
          %max3A_175 = vector.broadcast %max3A_174 : i32 to vector<16xi32>
          %max3A_176 = arith.maxsi %get3A_173, %max3A_175 : vector<16xi32>
          %min3A_177 = arith.constant 9999 : i32
          %min3A_178 = vector.broadcast %min3A_177 : i32 to vector<16xi32>
          %min3A_179 = arith.minsi %max3A_176, %min3A_178 : vector<16xi32>
          %mul3A_180 = arith.constant 16 : i32
          %mul3A_181 = arith.muli %scan3A_141, %mul3A_180 : i32
          %swap3A_182 = arith.index_cast %mul3A_181 : i32 to index
          %swap3A_183 = tpu.vector_load %arg26[%swap3A_182] {strides = array<i32>} : memref<2048xi32, #tpu.memory_space<vmem>>, vector<16xi32>,
          %swap3A_184 = vector.shape_cast %swap3A_183 : vector<16xi32> to vector<16xi32>
          %swap3A_185 = vector.shape_cast %min3A_179 : vector<16xi32> to vector<16xi32>
          tpu.vector_store %arg26[%swap3A_182], %swap3A_185 {strides = array<i32>} : memref<2048xi32, #tpu.memory_space<vmem>>, vector<16xi32>,
          %scan3A_186 = arith.constant 0 : i32
          scf.yield %scan3A_186 : i32
        }
        %scan3A_95 = arith.constant 128 : i32
        %add3A_96 = arith.constant 16 : i32
        %add3A_97 = arith.addi %scan3A_87, %add3A_96 : i32
        %sub3A_98 = arith.constant 1 : i32
        %sub3A_99 = arith.subi %add3A_97, %sub3A_98 : i32
        %jit3A = arith.constant 16 : i32
        %div3A = arith.divsi %sub3A_99, %jit3A : i32
        %sign3A = arith.constant 0 : i32
        %sign3A_100 = arith.cmpi sgt, %sub3A_99, %sign3A : i32
        %sign3A_101 = arith.extui %sign3A_100 : i1 to i32
        %sign3A_102 = arith.constant 0 : i32
        %sign3A_103 = arith.cmpi slt, %sub3A_99, %sign3A_102 : i32
        %sign3A_104 = arith.extui %sign3A_103 : i1 to i32
        %sign3A_105 = arith.subi %sign3A_101, %sign3A_104 : i32
        %sign3A_106 = arith.constant 0 : i32
        %sign3A_107 = arith.cmpi sgt, %jit3A, %sign3A_106 : i32
        %sign3A_108 = arith.extui %sign3A_107 : i1 to i32
        %sign3A_109 = arith.constant 0 : i32
        %sign3A_110 = arith.cmpi slt, %jit3A, %sign3A_109 : i32
        %sign3A_111 = arith.extui %sign3A_110 : i1 to i32
        %sign3A_112 = arith.subi %sign3A_108, %sign3A_111 : i32
        %ne3A = arith.cmpi ne, %sign3A_105, %sign3A_112 : i32
        %rem3A = arith.remsi %sub3A_99, %jit3A : i32
        %ne3A_113 = arith.constant 0 : i32
        %ne3A_114 = arith.cmpi ne, %rem3A, %ne3A_113 : i32
        %and3A = arith.andi %ne3A, %ne3A_114 : i1
        %sub3A_115 = arith.constant 1 : i32
        %sub3A_116 = arith.subi %div3A, %sub3A_115 : i32
        %select_n3A = arith.select %and3A, %sub3A_116, %div3A : i32
        %add3A_117 = arith.constant 1 : i32
        %add3A_118 = arith.addi %select_n3A, %add3A_117 : i32
        %while3A = arith.constant 0 : i32
        %while3A_119 = arith.constant 0 : i32
        %while3A_120 = arith.subi %add3A_118, %while3A : i32
        %while3A_121 = arith.addi %while3A, %while3A_120 : i32
        %while3A_122 = arith.constant 1 : i32
        %while3A_123 = arith.divsi %while3A_120, %while3A_122 : i32
        %while3A_124 = arith.muli %while3A_123, %while3A_122 : i32
        %while3A_125 = arith.addi %while3A, %while3A_124 : i32
        %while3A_126 = arith.constant 1 : i32
        %while3A_127 = scf.for %while3A_141 = %while3A to %while3A_125 step %while3A_126 iter_args(%while3A_142 = %while3A_119) -> (i32)  : i32 {
          %jit3A_143 = arith.constant 2 : i32
          %eq3A_144 = arith.constant 0 : i32
          %eq3A_145 = arith.cmpi eq, %jit3A_143, %eq3A_144 : i32
          %jit3A_146 = arith.constant 1 : i32
          %select_n3A_147 = arith.select %eq3A_145, %jit3A_146, %jit3A_143 : i32
          %rem3A_148 = arith.remsi %while3A_141, %select_n3A_147 : i32
          %ne3A_149 = arith.constant 0 : i32
          %ne3A_150 = arith.cmpi ne, %rem3A_148, %ne3A_149 : i32
          %lt3A = arith.constant 0 : i32
          %lt3A_151 = arith.cmpi slt, %rem3A_148, %lt3A : i32
          %lt3A_152 = arith.constant 0 : i32
          %lt3A_153 = arith.cmpi slt, %select_n3A_147, %lt3A_152 : i32
          %ne3A_154 = arith.xori %lt3A_151, %lt3A_153 : i1
          %and3A_155 = arith.andi %ne3A_154, %ne3A_150 : i1
          %add3A_156 = arith.addi %rem3A_148, %select_n3A_147 : i32
          %select_n3A_157 = arith.select %and3A_155, %add3A_156, %rem3A_148 : i32
          %eq3A_158 = arith.constant 0 : i32
          %eq3A_159 = arith.cmpi eq, %select_n3A_157, %eq3A_158 : i32
          %convert_element_type3A_160 = arith.extui %eq3A_159 : i1 to i32
          %cond3A_161 = arith.constant 0 : i32
          %cond3A_162 = arith.cmpi ne, %convert_element_type3A_160, %cond3A_161 : i32
          scf.if %cond3A_162 {
            %lt3A_185 = arith.cmpi slt, %while3A_141, %select_n3A : i32
            %convert_element_type3A_186 = arith.extui %lt3A_185 : i1 to i32
            %cond3A_187 = arith.constant 0 : i32
            %cond3A_188 = arith.cmpi ne, %convert_element_type3A_186, %cond3A_187 : i32
            scf.if %cond3A_188 {
              %mul3A_194 = arith.constant 16 : i32
              %mul3A_195 = arith.muli %while3A_141, %mul3A_194 : i32
              %dma_start3A = tpu.memref_slice %arg26[%mul3A_195] : memref<2048xi32, #tpu.memory_space<vmem>> -> memref<16xi32, #tpu.memory_space<vmem>>
              %dma_start3A_196 = arith.constant 0 : i32
              %dma_start3A_197 = arith.constant 0 : i32
              %dma_start3A_198 = tpu.memref_slice %arg2[%dma_start3A_196, %dma_start3A_197] : memref<10240x768xf32, #tpu.memory_space<hbm>> -> memref<10240x768xf32, #tpu.memory_space<hbm>>
              tpu.enqueue_indirect_dma source(%dma_start3A_198 : memref<10240x768xf32, #tpu.memory_space<hbm>>) target(%arg28 : memref<16x768xf32, #tpu.memory_space<vmem>>) offsets(%dma_start3A : memref<16xi32, #tpu.memory_space<vmem>>) semaphore(%arg34 : memref<!tpu.dma_semaphore, #tpu.memory_space<semaphore_mem>>)
              %dma_start3A_199 = tpu.memref_slice %arg25[%mul3A_195] : memref<2048xi32, #tpu.memory_space<vmem>> -> memref<16xi32, #tpu.memory_space<vmem>>
              %dma_start3A_200 = arith.constant 0 : i32
              %dma_start3A_201 = arith.constant 0 : i32
              %dma_start3A_202 = tpu.memref_slice %arg3[%dma_start3A_200, %dma_start3A_201] : memref<320000x512xf32, #tpu.memory_space<hbm>> -> memref<320000x512xf32, #tpu.memory_space<hbm>>
              tpu.enqueue_indirect_dma source(%dma_start3A_202 : memref<320000x512xf32, #tpu.memory_space<hbm>>) target(%arg30 : memref<16x512xf32, #tpu.memory_space<vmem>>) offsets(%dma_start3A_199 : memref<16xi32, #tpu.memory_space<vmem>>) semaphore(%arg34 : memref<!tpu.dma_semaphore, #tpu.memory_space<semaphore_mem>>)
            } else {
            }
            %ge3A_189 = arith.constant 1 : i32
            %ge3A_190 = arith.cmpi sge, %while3A_141, %ge3A_189 : i32
            %convert_element_type3A_191 = arith.extui %ge3A_190 : i1 to i32
            %cond3A_192 = arith.constant 0 : i32
            %cond3A_193 = arith.cmpi ne, %convert_element_type3A_191, %cond3A_192 : i32
            scf.if %cond3A_193 {
              %dma_wait3A = arith.constant 0 : i32
              %dma_wait3A_194 = arith.constant 0 : i32
              %dma_wait3A_195 = tpu.memref_slice %arg2[%dma_wait3A, %dma_wait3A_194] : memref<10240x768xf32, #tpu.memory_space<hbm>> -> memref<16x768xf32, #tpu.memory_space<hbm>>
              %dma_wait3A_196 = arith.constant 0 : i32
              %dma_wait3A_197 = arith.constant 0 : i32
              %dma_wait3A_198 = tpu.memref_slice %arg2[%dma_wait3A_196, %dma_wait3A_197] : memref<10240x768xf32, #tpu.memory_space<hbm>> -> memref<16x768xf32, #tpu.memory_space<hbm>>
              tpu.wait_dma2 semaphore(%arg35 : memref<!tpu.dma_semaphore, #tpu.memory_space<semaphore_mem>>) src(%dma_wait3A_198 : memref<16x768xf32, #tpu.memory_space<hbm>>) dst(%arg29 : memref<16x768xf32, #tpu.memory_space<vmem>>)
              %dma_wait3A_199 = arith.constant 0 : i32
              %dma_wait3A_200 = arith.constant 0 : i32
              %dma_wait3A_201 = tpu.memref_slice %arg3[%dma_wait3A_199, %dma_wait3A_200] : memref<320000x512xf32, #tpu.memory_space<hbm>> -> memref<16x512xf32, #tpu.memory_space<hbm>>
              %dma_wait3A_202 = arith.constant 0 : i32
              %dma_wait3A_203 = arith.constant 0 : i32
              %dma_wait3A_204 = tpu.memref_slice %arg3[%dma_wait3A_202, %dma_wait3A_203] : memref<320000x512xf32, #tpu.memory_space<hbm>> -> memref<16x512xf32, #tpu.memory_space<hbm>>
              tpu.wait_dma2 semaphore(%arg35 : memref<!tpu.dma_semaphore, #tpu.memory_space<semaphore_mem>>) src(%dma_wait3A_204 : memref<16x512xf32, #tpu.memory_space<hbm>>) dst(%arg31 : memref<16x512xf32, #tpu.memory_space<vmem>>)
              %ge3A_205 = arith.constant 3 : i32
              %ge3A_206 = arith.cmpi sge, %while3A_141, %ge3A_205 : i32
              %convert_element_type3A_207 = arith.extui %ge3A_206 : i1 to i32
              %cond3A_208 = arith.constant 0 : i32
              %cond3A_209 = arith.cmpi ne, %convert_element_type3A_207, %cond3A_208 : i32
              scf.if %cond3A_209 {
                %dma_wait3A_260 = arith.constant 0 : i32
                %dma_wait3A_261 = arith.constant 0 : i32
                %dma_wait3A_262 = tpu.memref_slice %arg6[%dma_wait3A_260, %dma_wait3A_261] : memref<10240x128xf32, #tpu.memory_space<hbm>> -> memref<64x128xf32, #tpu.memory_space<hbm>>
                %dma_wait3A_263 = arith.constant 0 : i32
                %dma_wait3A_264 = arith.constant 0 : i32
                %dma_wait3A_265 = tpu.memref_slice %arg6[%dma_wait3A_263, %dma_wait3A_264] : memref<10240x128xf32, #tpu.memory_space<hbm>> -> memref<64x128xf32, #tpu.memory_space<hbm>>
                tpu.wait_dma2 semaphore(%arg37 : memref<!tpu.dma_semaphore, #tpu.memory_space<semaphore_mem>>) src(%dma_wait3A_265 : memref<64x128xf32, #tpu.memory_space<hbm>>) dst(%arg33 : memref<64x128xf32, #tpu.memory_space<vmem>>)
              } else {
              }
              %scan3A_210 = arith.constant 0 : i32
              %scan3A_211 = arith.constant 0 : i32
              %scan3A_212 = arith.constant 16 : i32
              %scan3A_213 = arith.addi %scan3A_211, %scan3A_212 : i32
              %scan3A_214 = arith.constant 1 : i32
              %scan3A_215 = scf.for %scan3A_260 = %scan3A_211 to %scan3A_213 step %scan3A_214 iter_args(%scan3A_261 = %scan3A_210) -> (i32)  : i32 {
                %get3A = arith.index_cast %scan3A_260 : i32 to index
                %get3A_262 = arith.constant 384 : index
                %get3A_263 = tpu.vector_load %arg31[%get3A, %get3A_262] {strides = array<i32>} : memref<16x512xf32, #tpu.memory_space<vmem>>, vector<1x16xf32>,
                %get3A_264 = vector.shape_cast %get3A_263 : vector<1x16xf32> to vector<16xf32>
                %get3A_265 = arith.index_cast %scan3A_260 : i32 to index
                %get3A_266 = arith.constant 0 : index
                %get3A_267 = tpu.vector_load %arg29[%get3A_265, %get3A_266] {strides = array<i32>} : memref<16x768xf32, #tpu.memory_space<vmem>>, vector<1x16xf32>,
                %get3A_268 = vector.shape_cast %get3A_267 : vector<1x16xf32> to vector<16xf32>
                %get3A_269 = arith.index_cast %scan3A_260 : i32 to index
                %get3A_270 = arith.constant 0 : index
                %get3A_271 = tpu.vector_load %arg31[%get3A_269, %get3A_270] {strides = array<i32>} : memref<16x512xf32, #tpu.memory_space<vmem>>, vector<1x16xf32>,
                %get3A_272 = vector.shape_cast %get3A_271 : vector<1x16xf32> to vector<16xf32>
                %mul3A_273 = arith.mulf %get3A_268, %get3A_272 : vector<16xf32>
                %swap3A = arith.index_cast %scan3A_260 : i32 to index
                %swap3A_274 = arith.constant 0 : index
                %swap3A_275 = tpu.vector_load %arg33[%swap3A, %swap3A_274] {strides = array<i32>} : memref<64x128xf32, #tpu.memory_space<vmem>>, vector<1x16xf32>,
                %swap3A_276 = vector.shape_cast %swap3A_275 : vector<1x16xf32> to vector<16xf32>
                %swap3A_277 = vector.shape_cast %mul3A_273 : vector<16xf32> to vector<1x16xf32>
                tpu.vector_store %arg33[%swap3A, %swap3A_274], %swap3A_277 {strides = array<i32>} : memref<64x128xf32, #tpu.memory_space<vmem>>, vector<1x16xf32>,
                %get3A_278 = arith.index_cast %scan3A_260 : i32 to index
                %get3A_279 = arith.constant 128 : index
                %get3A_280 = tpu.vector_load %arg29[%get3A_278, %get3A_279] {strides = array<i32>} : memref<16x768xf32, #tpu.memory_space<vmem>>, vector<1x16xf32>,
                %get3A_281 = vector.shape_cast %get3A_280 : vector<1x16xf32> to vector<16xf32>
                %get3A_282 = arith.index_cast %scan3A_260 : i32 to index
                %get3A_283 = arith.constant 128 : index
                %get3A_284 = tpu.vector_load %arg31[%get3A_282, %get3A_283] {strides = array<i32>} : memref<16x512xf32, #tpu.memory_space<vmem>>, vector<1x16xf32>,
                %get3A_285 = vector.shape_cast %get3A_284 : vector<1x16xf32> to vector<16xf32>
                %mul3A_286 = arith.mulf %get3A_281, %get3A_285 : vector<16xf32>
                %get3A_287 = arith.index_cast %scan3A_260 : i32 to index
                %get3A_288 = arith.constant 256 : index
                %get3A_289 = tpu.vector_load %arg29[%get3A_287, %get3A_288] {strides = array<i32>} : memref<16x768xf32, #tpu.memory_space<vmem>>, vector<1x16xf32>,
                %get3A_290 = vector.shape_cast %get3A_289 : vector<1x16xf32> to vector<16xf32>
                %get3A_291 = arith.index_cast %scan3A_260 : i32 to index
                %get3A_292 = arith.constant 256 : index
                %get3A_293 = tpu.vector_load %arg31[%get3A_291, %get3A_292] {strides = array<i32>} : memref<16x512xf32, #tpu.memory_space<vmem>>, vector<1x16xf32>,
                %get3A_294 = vector.shape_cast %get3A_293 : vector<1x16xf32> to vector<16xf32>
                %mul3A_295 = arith.mulf %get3A_290, %get3A_294 : vector<16xf32>
                %get3A_296 = arith.index_cast %scan3A_260 : i32 to index
                %get3A_297 = arith.constant 384 : index
                %get3A_298 = tpu.vector_load %arg29[%get3A_296, %get3A_297] {strides = array<i32>} : memref<16x768xf32, #tpu.memory_space<vmem>>, vector<1x16xf32>,
                %get3A_299 = vector.shape_cast %get3A_298 : vector<1x16xf32> to vector<16xf32>
                %mul3A_300 = arith.mulf %get3A_299, %mul3A_295 : vector<16xf32>
                %slice3A = vector.extract_strided_slice %get3A_264 {offsets = [0], sizes = [1], strides = [1]} : vector<16xf32> to vector<1xf32>
                %squeeze3A = vector.extract %slice3A[0] : f32 from vector<1xf32>
                %mul3A_301 = vector.broadcast %squeeze3A : f32 to vector<16xf32>
                %mul3A_302 = arith.mulf %mul3A_286, %mul3A_301 : vector<16xf32>
                %add3A_303 = arith.addf %mul3A_300, %mul3A_302 : vector<16xf32>
                %add3A_304 = arith.constant 16 : i32
                %add3A_305 = arith.addi %add3A_304, %scan3A_260 : i32
                %swap3A_306 = arith.index_cast %add3A_305 : i32 to index
                %swap3A_307 = arith.constant 0 : index
                %swap3A_308 = tpu.vector_load %arg33[%swap3A_306, %swap3A_307] {strides = array<i32>} : memref<64x128xf32, #tpu.memory_space<vmem>>, vector<1x16xf32>,
                %swap3A_309 = vector.shape_cast %swap3A_308 : vector<1x16xf32> to vector<16xf32>
                %swap3A_310 = vector.shape_cast %add3A_303 : vector<16xf32> to vector<1x16xf32>
                tpu.vector_store %arg33[%swap3A_306, %swap3A_307], %swap3A_310 {strides = array<i32>} : memref<64x128xf32, #tpu.memory_space<vmem>>, vector<1x16xf32>,
                %get3A_311 = arith.index_cast %scan3A_260 : i32 to index
                %get3A_312 = arith.constant 512 : index
                %get3A_313 = tpu.vector_load %arg29[%get3A_311, %get3A_312] {strides = array<i32>} : memref<16x768xf32, #tpu.memory_space<vmem>>, vector<1x16xf32>,
                %get3A_314 = vector.shape_cast %get3A_313 : vector<1x16xf32> to vector<16xf32>
                %mul3A_315 = arith.mulf %get3A_314, %mul3A_295 : vector<16xf32>
                %slice3A_316 = vector.extract_strided_slice %get3A_264 {offsets = [1], sizes = [1], strides = [1]} : vector<16xf32> to vector<1xf32>
                %squeeze3A_317 = vector.extract %slice3A_316[0] : f32 from vector<1xf32>
                %mul3A_318 = vector.broadcast %squeeze3A_317 : f32 to vector<16xf32>
                %mul3A_319 = arith.mulf %mul3A_286, %mul3A_318 : vector<16xf32>
                %add3A_320 = arith.addf %mul3A_315, %mul3A_319 : vector<16xf32>
                %add3A_321 = arith.constant 32 : i32
                %add3A_322 = arith.addi %add3A_321, %scan3A_260 : i32
                %swap3A_323 = arith.index_cast %add3A_322 : i32 to index
                %swap3A_324 = arith.constant 0 : index
                %swap3A_325 = tpu.vector_load %arg33[%swap3A_323, %swap3A_324] {strides = array<i32>} : memref<64x128xf32, #tpu.memory_space<vmem>>, vector<1x16xf32>,
                %swap3A_326 = vector.shape_cast %swap3A_325 : vector<1x16xf32> to vector<16xf32>
                %swap3A_327 = vector.shape_cast %add3A_320 : vector<16xf32> to vector<1x16xf32>
                tpu.vector_store %arg33[%swap3A_323, %swap3A_324], %swap3A_327 {strides = array<i32>} : memref<64x128xf32, #tpu.memory_space<vmem>>, vector<1x16xf32>,
                %get3A_328 = arith.index_cast %scan3A_260 : i32 to index
                %get3A_329 = arith.constant 640 : index
                %get3A_330 = tpu.vector_load %arg29[%get3A_328, %get3A_329] {strides = array<i32>} : memref<16x768xf32, #tpu.memory_space<vmem>>, vector<1x16xf32>,
                %get3A_331 = vector.shape_cast %get3A_330 : vector<1x16xf32> to vector<16xf32>
                %mul3A_332 = arith.mulf %get3A_331, %mul3A_295 : vector<16xf32>
                %slice3A_333 = vector.extract_strided_slice %get3A_264 {offsets = [2], sizes = [1], strides = [1]} : vector<16xf32> to vector<1xf32>
                %squeeze3A_334 = vector.extract %slice3A_333[0] : f32 from vector<1xf32>
                %mul3A_335 = vector.broadcast %squeeze3A_334 : f32 to vector<16xf32>
                %mul3A_336 = arith.mulf %mul3A_286, %mul3A_335 : vector<16xf32>
                %add3A_337 = arith.addf %mul3A_332, %mul3A_336 : vector<16xf32>
                %add3A_338 = arith.constant 48 : i32
                %add3A_339 = arith.addi %add3A_338, %scan3A_260 : i32
                %swap3A_340 = arith.index_cast %add3A_339 : i32 to index
                %swap3A_341 = arith.constant 0 : index
                %swap3A_342 = tpu.vector_load %arg33[%swap3A_340, %swap3A_341] {strides = array<i32>} : memref<64x128xf32, #tpu.memory_space<vmem>>, vector<1x16xf32>,
                %swap3A_343 = vector.shape_cast %swap3A_342 : vector<1x16xf32> to vector<16xf32>
                %swap3A_344 = vector.shape_cast %add3A_337 : vector<16xf32> to vector<1x16xf32>
                tpu.vector_store %arg33[%swap3A_340, %swap3A_341], %swap3A_344 {strides = array<i32>} : memref<64x128xf32, #tpu.memory_space<vmem>>, vector<1x16xf32>,
                %get3A_345 = arith.index_cast %scan3A_260 : i32 to index
                %get3A_346 = arith.constant 16 : index
                %get3A_347 = tpu.vector_load %arg29[%get3A_345, %get3A_346] {strides = array<i32>} : memref<16x768xf32, #tpu.memory_space<vmem>>, vector<1x16xf32>,
                %get3A_348 = vector.shape_cast %get3A_347 : vector<1x16xf32> to vector<16xf32>
                %get3A_349 = arith.index_cast %scan3A_260 : i32 to index
                %get3A_350 = arith.constant 16 : index
                %get3A_351 = tpu.vector_load %arg31[%get3A_349, %get3A_350] {strides = array<i32>} : memref<16x512xf32, #tpu.memory_space<vmem>>, vector<1x16xf32>,
                %get3A_352 = vector.shape_cast %get3A_351 : vector<1x16xf32> to vector<16xf32>
                %mul3A_353 = arith.mulf %get3A_348, %get3A_352 : vector<16xf32>
                %swap3A_354 = arith.index_cast %scan3A_260 : i32 to index
                %swap3A_355 = arith.constant 16 : index
                %swap3A_356 = tpu.vector_load %arg33[%swap3A_354, %swap3A_355] {strides = array<i32>} : memref<64x128xf32, #tpu.memory_space<vmem>>, vector<1x16xf32>,
                %swap3A_357 = vector.shape_cast %swap3A_356 : vector<1x16xf32> to vector<16xf32>
                %swap3A_358 = vector.shape_cast %mul3A_353 : vector<16xf32> to vector<1x16xf32>
                tpu.vector_store %arg33[%swap3A_354, %swap3A_355], %swap3A_358 {strides = array<i32>} : memref<64x128xf32, #tpu.memory_space<vmem>>, vector<1x16xf32>,
                %get3A_359 = arith.index_cast %scan3A_260 : i32 to index
                %get3A_360 = arith.constant 144 : index
                %get3A_361 = tpu.vector_load %arg29[%get3A_359, %get3A_360] {strides = array<i32>} : memref<16x768xf32, #tpu.memory_space<vmem>>, vector<1x16xf32>,
                %get3A_362 = vector.shape_cast %get3A_361 : vector<1x16xf32> to vector<16xf32>
                %get3A_363 = arith.index_cast %scan3A_260 : i32 to index
                %get3A_364 = arith.constant 144 : index
                %get3A_365 = tpu.vector_load %arg31[%get3A_363, %get3A_364] {strides = array<i32>} : memref<16x512xf32, #tpu.memory_space<vmem>>, vector<1x16xf32>,
                %get3A_366 = vector.shape_cast %get3A_365 : vector<1x16xf32> to vector<16xf32>
                %mul3A_367 = arith.mulf %get3A_362, %get3A_366 : vector<16xf32>
                %get3A_368 = arith.index_cast %scan3A_260 : i32 to index
                %get3A_369 = arith.constant 272 : index
                %get3A_370 = tpu.vector_load %arg29[%get3A_368, %get3A_369] {strides = array<i32>} : memref<16x768xf32, #tpu.memory_space<vmem>>, vector<1x16xf32>,
                %get3A_371 = vector.shape_cast %get3A_370 : vector<1x16xf32> to vector<16xf32>
                %get3A_372 = arith.index_cast %scan3A_260 : i32 to index
                %get3A_373 = arith.constant 272 : index
                %get3A_374 = tpu.vector_load %arg31[%get3A_372, %get3A_373] {strides = array<i32>} : memref<16x512xf32, #tpu.memory_space<vmem>>, vector<1x16xf32>,
                %get3A_375 = vector.shape_cast %get3A_374 : vector<1x16xf32> to vector<16xf32>
                %mul3A_376 = arith.mulf %get3A_371, %get3A_375 : vector<16xf32>
                %get3A_377 = arith.index_cast %scan3A_260 : i32 to index
                %get3A_378 = arith.constant 400 : index
                %get3A_379 = tpu.vector_load %arg29[%get3A_377, %get3A_378] {strides = array<i32>} : memref<16x768xf32, #tpu.memory_space<vmem>>, vector<1x16xf32>,
                %get3A_380 = vector.shape_cast %get3A_379 : vector<1x16xf32> to vector<16xf32>
                %mul3A_381 = arith.mulf %get3A_380, %mul3A_376 : vector<16xf32>
                %slice3A_382 = vector.extract_strided_slice %get3A_264 {offsets = [0], sizes = [1], strides = [1]} : vector<16xf32> to vector<1xf32>
                %squeeze3A_383 = vector.extract %slice3A_382[0] : f32 from vector<1xf32>
                %mul3A_384 = vector.broadcast %squeeze3A_383 : f32 to vector<16xf32>
                %mul3A_385 = arith.mulf %mul3A_367, %mul3A_384 : vector<16xf32>
                %add3A_386 = arith.addf %mul3A_381, %mul3A_385 : vector<16xf32>
                %add3A_387 = arith.constant 16 : i32
                %add3A_388 = arith.addi %add3A_387, %scan3A_260 : i32
                %swap3A_389 = arith.index_cast %add3A_388 : i32 to index
                %swap3A_390 = arith.constant 16 : index
                %swap3A_391 = tpu.vector_load %arg33[%swap3A_389, %swap3A_390] {strides = array<i32>} : memref<64x128xf32, #tpu.memory_space<vmem>>, vector<1x16xf32>,
                %swap3A_392 = vector.shape_cast %swap3A_391 : vector<1x16xf32> to vector<16xf32>
                %swap3A_393 = vector.shape_cast %add3A_386 : vector<16xf32> to vector<1x16xf32>
                tpu.vector_store %arg33[%swap3A_389, %swap3A_390], %swap3A_393 {strides = array<i32>} : memref<64x128xf32, #tpu.memory_space<vmem>>, vector<1x16xf32>,
                %get3A_394 = arith.index_cast %scan3A_260 : i32 to index
                %get3A_395 = arith.constant 528 : index
                %get3A_396 = tpu.vector_load %arg29[%get3A_394, %get3A_395] {strides = array<i32>} : memref<16x768xf32, #tpu.memory_space<vmem>>, vector<1x16xf32>,
                %get3A_397 = vector.shape_cast %get3A_396 : vector<1x16xf32> to vector<16xf32>
                %mul3A_398 = arith.mulf %get3A_397, %mul3A_376 : vector<16xf32>
                %slice3A_399 = vector.extract_strided_slice %get3A_264 {offsets = [1], sizes = [1], strides = [1]} : vector<16xf32> to vector<1xf32>
                %squeeze3A_400 = vector.extract %slice3A_399[0] : f32 from vector<1xf32>
                %mul3A_401 = vector.broadcast %squeeze3A_400 : f32 to vector<16xf32>
                %mul3A_402 = arith.mulf %mul3A_367, %mul3A_401 : vector<16xf32>
                %add3A_403 = arith.addf %mul3A_398, %mul3A_402 : vector<16xf32>
                %add3A_404 = arith.constant 32 : i32
                %add3A_405 = arith.addi %add3A_404, %scan3A_260 : i32
                %swap3A_406 = arith.index_cast %add3A_405 : i32 to index
                %swap3A_407 = arith.constant 16 : index
                %swap3A_408 = tpu.vector_load %arg33[%swap3A_406, %swap3A_407] {strides = array<i32>} : memref<64x128xf32, #tpu.memory_space<vmem>>, vector<1x16xf32>,
                %swap3A_409 = vector.shape_cast %swap3A_408 : vector<1x16xf32> to vector<16xf32>
                %swap3A_410 = vector.shape_cast %add3A_403 : vector<16xf32> to vector<1x16xf32>
                tpu.vector_store %arg33[%swap3A_406, %swap3A_407], %swap3A_410 {strides = array<i32>} : memref<64x128xf32, #tpu.memory_space<vmem>>, vector<1x16xf32>,
                %get3A_411 = arith.index_cast %scan3A_260 : i32 to index
                %get3A_412 = arith.constant 656 : index
                %get3A_413 = tpu.vector_load %arg29[%get3A_411, %get3A_412] {strides = array<i32>} : memref<16x768xf32, #tpu.memory_space<vmem>>, vector<1x16xf32>,
                %get3A_414 = vector.shape_cast %get3A_413 : vector<1x16xf32> to vector<16xf32>
                %mul3A_415 = arith.mulf %get3A_414, %mul3A_376 : vector<16xf32>
                %slice3A_416 = vector.extract_strided_slice %get3A_264 {offsets = [2], sizes = [1], strides = [1]} : vector<16xf32> to vector<1xf32>
                %squeeze3A_417 = vector.extract %slice3A_416[0] : f32 from vector<1xf32>
                %mul3A_418 = vector.broadcast %squeeze3A_417 : f32 to vector<16xf32>
                %mul3A_419 = arith.mulf %mul3A_367, %mul3A_418 : vector<16xf32>
                %add3A_420 = arith.addf %mul3A_415, %mul3A_419 : vector<16xf32>
                %add3A_421 = arith.constant 48 : i32
                %add3A_422 = arith.addi %add3A_421, %scan3A_260 : i32
                %swap3A_423 = arith.index_cast %add3A_422 : i32 to index
                %swap3A_424 = arith.constant 16 : index
                %swap3A_425 = tpu.vector_load %arg33[%swap3A_423, %swap3A_424] {strides = array<i32>} : memref<64x128xf32, #tpu.memory_space<vmem>>, vector<1x16xf32>,
                %swap3A_426 = vector.shape_cast %swap3A_425 : vector<1x16xf32> to vector<16xf32>
                %swap3A_427 = vector.shape_cast %add3A_420 : vector<16xf32> to vector<1x16xf32>
                tpu.vector_store %arg33[%swap3A_423, %swap3A_424], %swap3A_427 {strides = array<i32>} : memref<64x128xf32, #tpu.memory_space<vmem>>, vector<1x16xf32>,
                %get3A_428 = arith.index_cast %scan3A_260 : i32 to index
                %get3A_429 = arith.constant 32 : index
                %get3A_430 = tpu.vector_load %arg29[%get3A_428, %get3A_429] {strides = array<i32>} : memref<16x768xf32, #tpu.memory_space<vmem>>, vector<1x16xf32>,
                %get3A_431 = vector.shape_cast %get3A_430 : vector<1x16xf32> to vector<16xf32>
                %get3A_432 = arith.index_cast %scan3A_260 : i32 to index
                %get3A_433 = arith.constant 32 : index
                %get3A_434 = tpu.vector_load %arg31[%get3A_432, %get3A_433] {strides = array<i32>} : memref<16x512xf32, #tpu.memory_space<vmem>>, vector<1x16xf32>,
                %get3A_435 = vector.shape_cast %get3A_434 : vector<1x16xf32> to vector<16xf32>
                %mul3A_436 = arith.mulf %get3A_431, %get3A_435 : vector<16xf32>
                %swap3A_437 = arith.index_cast %scan3A_260 : i32 to index
                %swap3A_438 = arith.constant 32 : index
                %swap3A_439 = tpu.vector_load %arg33[%swap3A_437, %swap3A_438] {strides = array<i32>} : memref<64x128xf32, #tpu.memory_space<vmem>>, vector<1x16xf32>,
                %swap3A_440 = vector.shape_cast %swap3A_439 : vector<1x16xf32> to vector<16xf32>
                %swap3A_441 = vector.shape_cast %mul3A_436 : vector<16xf32> to vector<1x16xf32>
                tpu.vector_store %arg33[%swap3A_437, %swap3A_438], %swap3A_441 {strides = array<i32>} : memref<64x128xf32, #tpu.memory_space<vmem>>, vector<1x16xf32>,
                %get3A_442 = arith.index_cast %scan3A_260 : i32 to index
                %get3A_443 = arith.constant 160 : index
                %get3A_444 = tpu.vector_load %arg29[%get3A_442, %get3A_443] {strides = array<i32>} : memref<16x768xf32, #tpu.memory_space<vmem>>, vector<1x16xf32>,
                %get3A_445 = vector.shape_cast %get3A_444 : vector<1x16xf32> to vector<16xf32>
                %get3A_446 = arith.index_cast %scan3A_260 : i32 to index
                %get3A_447 = arith.constant 160 : index
                %get3A_448 = tpu.vector_load %arg31[%get3A_446, %get3A_447] {strides = array<i32>} : memref<16x512xf32, #tpu.memory_space<vmem>>, vector<1x16xf32>,
                %get3A_449 = vector.shape_cast %get3A_448 : vector<1x16xf32> to vector<16xf32>
                %mul3A_450 = arith.mulf %get3A_445, %get3A_449 : vector<16xf32>
                %get3A_451 = arith.index_cast %scan3A_260 : i32 to index
                %get3A_452 = arith.constant 288 : index
                %get3A_453 = tpu.vector_load %arg29[%get3A_451, %get3A_452] {strides = array<i32>} : memref<16x768xf32, #tpu.memory_space<vmem>>, vector<1x16xf32>,
                %get3A_454 = vector.shape_cast %get3A_453 : vector<1x16xf32> to vector<16xf32>
                %get3A_455 = arith.index_cast %scan3A_260 : i32 to index
                %get3A_456 = arith.constant 288 : index
                %get3A_457 = tpu.vector_load %arg31[%get3A_455, %get3A_456] {strides = array<i32>} : memref<16x512xf32, #tpu.memory_space<vmem>>, vector<1x16xf32>,
                %get3A_458 = vector.shape_cast %get3A_457 : vector<1x16xf32> to vector<16xf32>
                %mul3A_459 = arith.mulf %get3A_454, %get3A_458 : vector<16xf32>
                %get3A_460 = arith.index_cast %scan3A_260 : i32 to index
                %get3A_461 = arith.constant 416 : index
                %get3A_462 = tpu.vector_load %arg29[%get3A_460, %get3A_461] {strides = array<i32>} : memref<16x768xf32, #tpu.memory_space<vmem>>, vector<1x16xf32>,
                %get3A_463 = vector.shape_cast %get3A_462 : vector<1x16xf32> to vector<16xf32>
                %mul3A_464 = arith.mulf %get3A_463, %mul3A_459 : vector<16xf32>
                %slice3A_465 = vector.extract_strided_slice %get3A_264 {offsets = [0], sizes = [1], strides = [1]} : vector<16xf32> to vector<1xf32>
                %squeeze3A_466 = vector.extract %slice3A_465[0] : f32 from vector<1xf32>
                %mul3A_467 = vector.broadcast %squeeze3A_466 : f32 to vector<16xf32>
                %mul3A_468 = arith.mulf %mul3A_450, %mul3A_467 : vector<16xf32>
                %add3A_469 = arith.addf %mul3A_464, %mul3A_468 : vector<16xf32>
                %add3A_470 = arith.constant 16 : i32
                %add3A_471 = arith.addi %add3A_470, %scan3A_260 : i32
                %swap3A_472 = arith.index_cast %add3A_471 : i32 to index
                %swap3A_473 = arith.constant 32 : index
                %swap3A_474 = tpu.vector_load %arg33[%swap3A_472, %swap3A_473] {strides = array<i32>} : memref<64x128xf32, #tpu.memory_space<vmem>>, vector<1x16xf32>,
                %swap3A_475 = vector.shape_cast %swap3A_474 : vector<1x16xf32> to vector<16xf32>
                %swap3A_476 = vector.shape_cast %add3A_469 : vector<16xf32> to vector<1x16xf32>
                tpu.vector_store %arg33[%swap3A_472, %swap3A_473], %swap3A_476 {strides = array<i32>} : memref<64x128xf32, #tpu.memory_space<vmem>>, vector<1x16xf32>,
                %get3A_477 = arith.index_cast %scan3A_260 : i32 to index
                %get3A_478 = arith.constant 544 : index
                %get3A_479 = tpu.vector_load %arg29[%get3A_477, %get3A_478] {strides = array<i32>} : memref<16x768xf32, #tpu.memory_space<vmem>>, vector<1x16xf32>,
                %get3A_480 = vector.shape_cast %get3A_479 : vector<1x16xf32> to vector<16xf32>
                %mul3A_481 = arith.mulf %get3A_480, %mul3A_459 : vector<16xf32>
                %slice3A_482 = vector.extract_strided_slice %get3A_264 {offsets = [1], sizes = [1], strides = [1]} : vector<16xf32> to vector<1xf32>
                %squeeze3A_483 = vector.extract %slice3A_482[0] : f32 from vector<1xf32>
                %mul3A_484 = vector.broadcast %squeeze3A_483 : f32 to vector<16xf32>
                %mul3A_485 = arith.mulf %mul3A_450, %mul3A_484 : vector<16xf32>
                %add3A_486 = arith.addf %mul3A_481, %mul3A_485 : vector<16xf32>
                %add3A_487 = arith.constant 32 : i32
                %add3A_488 = arith.addi %add3A_487, %scan3A_260 : i32
                %swap3A_489 = arith.index_cast %add3A_488 : i32 to index
                %swap3A_490 = arith.constant 32 : index
                %swap3A_491 = tpu.vector_load %arg33[%swap3A_489, %swap3A_490] {strides = array<i32>} : memref<64x128xf32, #tpu.memory_space<vmem>>, vector<1x16xf32>,
                %swap3A_492 = vector.shape_cast %swap3A_491 : vector<1x16xf32> to vector<16xf32>
                %swap3A_493 = vector.shape_cast %add3A_486 : vector<16xf32> to vector<1x16xf32>
                tpu.vector_store %arg33[%swap3A_489, %swap3A_490], %swap3A_493 {strides = array<i32>} : memref<64x128xf32, #tpu.memory_space<vmem>>, vector<1x16xf32>,
                %get3A_494 = arith.index_cast %scan3A_260 : i32 to index
                %get3A_495 = arith.constant 672 : index
                %get3A_496 = tpu.vector_load %arg29[%get3A_494, %get3A_495] {strides = array<i32>} : memref<16x768xf32, #tpu.memory_space<vmem>>, vector<1x16xf32>,
                %get3A_497 = vector.shape_cast %get3A_496 : vector<1x16xf32> to vector<16xf32>
                %mul3A_498 = arith.mulf %get3A_497, %mul3A_459 : vector<16xf32>
                %slice3A_499 = vector.extract_strided_slice %get3A_264 {offsets = [2], sizes = [1], strides = [1]} : vector<16xf32> to vector<1xf32>
                %squeeze3A_500 = vector.extract %slice3A_499[0] : f32 from vector<1xf32>
                %mul3A_501 = vector.broadcast %squeeze3A_500 : f32 to vector<16xf32>
                %mul3A_502 = arith.mulf %mul3A_450, %mul3A_501 : vector<16xf32>
                %add3A_503 = arith.addf %mul3A_498, %mul3A_502 : vector<16xf32>
                %add3A_504 = arith.constant 48 : i32
                %add3A_505 = arith.addi %add3A_504, %scan3A_260 : i32
                %swap3A_506 = arith.index_cast %add3A_505 : i32 to index
                %swap3A_507 = arith.constant 32 : index
                %swap3A_508 = tpu.vector_load %arg33[%swap3A_506, %swap3A_507] {strides = array<i32>} : memref<64x128xf32, #tpu.memory_space<vmem>>, vector<1x16xf32>,
                %swap3A_509 = vector.shape_cast %swap3A_508 : vector<1x16xf32> to vector<16xf32>
                %swap3A_510 = vector.shape_cast %add3A_503 : vector<16xf32> to vector<1x16xf32>
                tpu.vector_store %arg33[%swap3A_506, %swap3A_507], %swap3A_510 {strides = array<i32>} : memref<64x128xf32, #tpu.memory_space<vmem>>, vector<1x16xf32>,
                %get3A_511 = arith.index_cast %scan3A_260 : i32 to index
                %get3A_512 = arith.constant 48 : index
                %get3A_513 = tpu.vector_load %arg29[%get3A_511, %get3A_512] {strides = array<i32>} : memref<16x768xf32, #tpu.memory_space<vmem>>, vector<1x16xf32>,
                %get3A_514 = vector.shape_cast %get3A_513 : vector<1x16xf32> to vector<16xf32>
                %get3A_515 = arith.index_cast %scan3A_260 : i32 to index
                %get3A_516 = arith.constant 48 : index
                %get3A_517 = tpu.vector_load %arg31[%get3A_515, %get3A_516] {strides = array<i32>} : memref<16x512xf32, #tpu.memory_space<vmem>>, vector<1x16xf32>,
                %get3A_518 = vector.shape_cast %get3A_517 : vector<1x16xf32> to vector<16xf32>
                %mul3A_519 = arith.mulf %get3A_514, %get3A_518 : vector<16xf32>
                %swap3A_520 = arith.index_cast %scan3A_260 : i32 to index
                %swap3A_521 = arith.constant 48 : index
                %swap3A_522 = tpu.vector_load %arg33[%swap3A_520, %swap3A_521] {strides = array<i32>} : memref<64x128xf32, #tpu.memory_space<vmem>>, vector<1x16xf32>,
                %swap3A_523 = vector.shape_cast %swap3A_522 : vector<1x16xf32> to vector<16xf32>
                %swap3A_524 = vector.shape_cast %mul3A_519 : vector<16xf32> to vector<1x16xf32>
                tpu.vector_store %arg33[%swap3A_520, %swap3A_521], %swap3A_524 {strides = array<i32>} : memref<64x128xf32, #tpu.memory_space<vmem>>, vector<1x16xf32>,
                %get3A_525 = arith.index_cast %scan3A_260 : i32 to index
                %get3A_526 = arith.constant 176 : index
                %get3A_527 = tpu.vector_load %arg29[%get3A_525, %get3A_526] {strides = array<i32>} : memref<16x768xf32, #tpu.memory_space<vmem>>, vector<1x16xf32>,
                %get3A_528 = vector.shape_cast %get3A_527 : vector<1x16xf32> to vector<16xf32>
                %get3A_529 = arith.index_cast %scan3A_260 : i32 to index
                %get3A_530 = arith.constant 176 : index
                %get3A_531 = tpu.vector_load %arg31[%get3A_529, %get3A_530] {strides = array<i32>} : memref<16x512xf32, #tpu.memory_space<vmem>>, vector<1x16xf32>,
                %get3A_532 = vector.shape_cast %get3A_531 : vector<1x16xf32> to vector<16xf32>
                %mul3A_533 = arith.mulf %get3A_528, %get3A_532 : vector<16xf32>
                %get3A_534 = arith.index_cast %scan3A_260 : i32 to index
                %get3A_535 = arith.constant 304 : index
                %get3A_536 = tpu.vector_load %arg29[%get3A_534, %get3A_535] {strides = array<i32>} : memref<16x768xf32, #tpu.memory_space<vmem>>, vector<1x16xf32>,
                %get3A_537 = vector.shape_cast %get3A_536 : vector<1x16xf32> to vector<16xf32>
                %get3A_538 = arith.index_cast %scan3A_260 : i32 to index
                %get3A_539 = arith.constant 304 : index
                %get3A_540 = tpu.vector_load %arg31[%get3A_538, %get3A_539] {strides = array<i32>} : memref<16x512xf32, #tpu.memory_space<vmem>>, vector<1x16xf32>,
                %get3A_541 = vector.shape_cast %get3A_540 : vector<1x16xf32> to vector<16xf32>
                %mul3A_542 = arith.mulf %get3A_537, %get3A_541 : vector<16xf32>
                %get3A_543 = arith.index_cast %scan3A_260 : i32 to index
                %get3A_544 = arith.constant 432 : index
                %get3A_545 = tpu.vector_load %arg29[%get3A_543, %get3A_544] {strides = array<i32>} : memref<16x768xf32, #tpu.memory_space<vmem>>, vector<1x16xf32>,
                %get3A_546 = vector.shape_cast %get3A_545 : vector<1x16xf32> to vector<16xf32>
                %mul3A_547 = arith.mulf %get3A_546, %mul3A_542 : vector<16xf32>
                %slice3A_548 = vector.extract_strided_slice %get3A_264 {offsets = [0], sizes = [1], strides = [1]} : vector<16xf32> to vector<1xf32>
                %squeeze3A_549 = vector.extract %slice3A_548[0] : f32 from vector<1xf32>
                %mul3A_550 = vector.broadcast %squeeze3A_549 : f32 to vector<16xf32>
                %mul3A_551 = arith.mulf %mul3A_533, %mul3A_550 : vector<16xf32>
                %add3A_552 = arith.addf %mul3A_547, %mul3A_551 : vector<16xf32>
                %add3A_553 = arith.constant 16 : i32
                %add3A_554 = arith.addi %add3A_553, %scan3A_260 : i32
                %swap3A_555 = arith.index_cast %add3A_554 : i32 to index
                %swap3A_556 = arith.constant 48 : index
                %swap3A_557 = tpu.vector_load %arg33[%swap3A_555, %swap3A_556] {strides = array<i32>} : memref<64x128xf32, #tpu.memory_space<vmem>>, vector<1x16xf32>,
                %swap3A_558 = vector.shape_cast %swap3A_557 : vector<1x16xf32> to vector<16xf32>
                %swap3A_559 = vector.shape_cast %add3A_552 : vector<16xf32> to vector<1x16xf32>
                tpu.vector_store %arg33[%swap3A_555, %swap3A_556], %swap3A_559 {strides = array<i32>} : memref<64x128xf32, #tpu.memory_space<vmem>>, vector<1x16xf32>,
                %get3A_560 = arith.index_cast %scan3A_260 : i32 to index
                %get3A_561 = arith.constant 560 : index
                %get3A_562 = tpu.vector_load %arg29[%get3A_560, %get3A_561] {strides = array<i32>} : memref<16x768xf32, #tpu.memory_space<vmem>>, vector<1x16xf32>,
                %get3A_563 = vector.shape_cast %get3A_562 : vector<1x16xf32> to vector<16xf32>
                %mul3A_564 = arith.mulf %get3A_563, %mul3A_542 : vector<16xf32>
                %slice3A_565 = vector.extract_strided_slice %get3A_264 {offsets = [1], sizes = [1], strides = [1]} : vector<16xf32> to vector<1xf32>
                %squeeze3A_566 = vector.extract %slice3A_565[0] : f32 from vector<1xf32>
                %mul3A_567 = vector.broadcast %squeeze3A_566 : f32 to vector<16xf32>
                %mul3A_568 = arith.mulf %mul3A_533, %mul3A_567 : vector<16xf32>
                %add3A_569 = arith.addf %mul3A_564, %mul3A_568 : vector<16xf32>
                %add3A_570 = arith.constant 32 : i32
                %add3A_571 = arith.addi %add3A_570, %scan3A_260 : i32
                %swap3A_572 = arith.index_cast %add3A_571 : i32 to index
                %swap3A_573 = arith.constant 48 : index
                %swap3A_574 = tpu.vector_load %arg33[%swap3A_572, %swap3A_573] {strides = array<i32>} : memref<64x128xf32, #tpu.memory_space<vmem>>, vector<1x16xf32>,
                %swap3A_575 = vector.shape_cast %swap3A_574 : vector<1x16xf32> to vector<16xf32>
                %swap3A_576 = vector.shape_cast %add3A_569 : vector<16xf32> to vector<1x16xf32>
                tpu.vector_store %arg33[%swap3A_572, %swap3A_573], %swap3A_576 {strides = array<i32>} : memref<64x128xf32, #tpu.memory_space<vmem>>, vector<1x16xf32>,
                %get3A_577 = arith.index_cast %scan3A_260 : i32 to index
                %get3A_578 = arith.constant 688 : index
                %get3A_579 = tpu.vector_load %arg29[%get3A_577, %get3A_578] {strides = array<i32>} : memref<16x768xf32, #tpu.memory_space<vmem>>, vector<1x16xf32>,
                %get3A_580 = vector.shape_cast %get3A_579 : vector<1x16xf32> to vector<16xf32>
                %mul3A_581 = arith.mulf %get3A_580, %mul3A_542 : vector<16xf32>
                %slice3A_582 = vector.extract_strided_slice %get3A_264 {offsets = [2], sizes = [1], strides = [1]} : vector<16xf32> to vector<1xf32>
                %squeeze3A_583 = vector.extract %slice3A_582[0] : f32 from vector<1xf32>
                %mul3A_584 = vector.broadcast %squeeze3A_583 : f32 to vector<16xf32>
                %mul3A_585 = arith.mulf %mul3A_533, %mul3A_584 : vector<16xf32>
                %add3A_586 = arith.addf %mul3A_581, %mul3A_585 : vector<16xf32>
                %add3A_587 = arith.constant 48 : i32
                %add3A_588 = arith.addi %add3A_587, %scan3A_260 : i32
                %swap3A_589 = arith.index_cast %add3A_588 : i32 to index
                %swap3A_590 = arith.constant 48 : index
                %swap3A_591 = tpu.vector_load %arg33[%swap3A_589, %swap3A_590] {strides = array<i32>} : memref<64x128xf32, #tpu.memory_space<vmem>>, vector<1x16xf32>,
                %swap3A_592 = vector.shape_cast %swap3A_591 : vector<1x16xf32> to vector<16xf32>
                %swap3A_593 = vector.shape_cast %add3A_586 : vector<16xf32> to vector<1x16xf32>
                tpu.vector_store %arg33[%swap3A_589, %swap3A_590], %swap3A_593 {strides = array<i32>} : memref<64x128xf32, #tpu.memory_space<vmem>>, vector<1x16xf32>,
                %get3A_594 = arith.index_cast %scan3A_260 : i32 to index
                %get3A_595 = arith.constant 64 : index
                %get3A_596 = tpu.vector_load %arg29[%get3A_594, %get3A_595] {strides = array<i32>} : memref<16x768xf32, #tpu.memory_space<vmem>>, vector<1x16xf32>,
                %get3A_597 = vector.shape_cast %get3A_596 : vector<1x16xf32> to vector<16xf32>
                %get3A_598 = arith.index_cast %scan3A_260 : i32 to index
                %get3A_599 = arith.constant 64 : index
                %get3A_600 = tpu.vector_load %arg31[%get3A_598, %get3A_599] {strides = array<i32>} : memref<16x512xf32, #tpu.memory_space<vmem>>, vector<1x16xf32>,
                %get3A_601 = vector.shape_cast %get3A_600 : vector<1x16xf32> to vector<16xf32>
                %mul3A_602 = arith.mulf %get3A_597, %get3A_601 : vector<16xf32>
                %swap3A_603 = arith.index_cast %scan3A_260 : i32 to index
                %swap3A_604 = arith.constant 64 : index
                %swap3A_605 = tpu.vector_load %arg33[%swap3A_603, %swap3A_604] {strides = array<i32>} : memref<64x128xf32, #tpu.memory_space<vmem>>, vector<1x16xf32>,
                %swap3A_606 = vector.shape_cast %swap3A_605 : vector<1x16xf32> to vector<16xf32>
                %swap3A_607 = vector.shape_cast %mul3A_602 : vector<16xf32> to vector<1x16xf32>
                tpu.vector_store %arg33[%swap3A_603, %swap3A_604], %swap3A_607 {strides = array<i32>} : memref<64x128xf32, #tpu.memory_space<vmem>>, vector<1x16xf32>,
                %get3A_608 = arith.index_cast %scan3A_260 : i32 to index
                %get3A_609 = arith.constant 192 : index
                %get3A_610 = tpu.vector_load %arg29[%get3A_608, %get3A_609] {strides = array<i32>} : memref<16x768xf32, #tpu.memory_space<vmem>>, vector<1x16xf32>,
                %get3A_611 = vector.shape_cast %get3A_610 : vector<1x16xf32> to vector<16xf32>
                %get3A_612 = arith.index_cast %scan3A_260 : i32 to index
                %get3A_613 = arith.constant 192 : index
                %get3A_614 = tpu.vector_load %arg31[%get3A_612, %get3A_613] {strides = array<i32>} : memref<16x512xf32, #tpu.memory_space<vmem>>, vector<1x16xf32>,
                %get3A_615 = vector.shape_cast %get3A_614 : vector<1x16xf32> to vector<16xf32>
                %mul3A_616 = arith.mulf %get3A_611, %get3A_615 : vector<16xf32>
                %get3A_617 = arith.index_cast %scan3A_260 : i32 to index
                %get3A_618 = arith.constant 320 : index
                %get3A_619 = tpu.vector_load %arg29[%get3A_617, %get3A_618] {strides = array<i32>} : memref<16x768xf32, #tpu.memory_space<vmem>>, vector<1x16xf32>,
                %get3A_620 = vector.shape_cast %get3A_619 : vector<1x16xf32> to vector<16xf32>
                %get3A_621 = arith.index_cast %scan3A_260 : i32 to index
                %get3A_622 = arith.constant 320 : index
                %get3A_623 = tpu.vector_load %arg31[%get3A_621, %get3A_622] {strides = array<i32>} : memref<16x512xf32, #tpu.memory_space<vmem>>, vector<1x16xf32>,
                %get3A_624 = vector.shape_cast %get3A_623 : vector<1x16xf32> to vector<16xf32>
                %mul3A_625 = arith.mulf %get3A_620, %get3A_624 : vector<16xf32>
                %get3A_626 = arith.index_cast %scan3A_260 : i32 to index
                %get3A_627 = arith.constant 448 : index
                %get3A_628 = tpu.vector_load %arg29[%get3A_626, %get3A_627] {strides = array<i32>} : memref<16x768xf32, #tpu.memory_space<vmem>>, vector<1x16xf32>,
                %get3A_629 = vector.shape_cast %get3A_628 : vector<1x16xf32> to vector<16xf32>
                %mul3A_630 = arith.mulf %get3A_629, %mul3A_625 : vector<16xf32>
                %slice3A_631 = vector.extract_strided_slice %get3A_264 {offsets = [0], sizes = [1], strides = [1]} : vector<16xf32> to vector<1xf32>
                %squeeze3A_632 = vector.extract %slice3A_631[0] : f32 from vector<1xf32>
                %mul3A_633 = vector.broadcast %squeeze3A_632 : f32 to vector<16xf32>
                %mul3A_634 = arith.mulf %mul3A_616, %mul3A_633 : vector<16xf32>
                %add3A_635 = arith.addf %mul3A_630, %mul3A_634 : vector<16xf32>
                %add3A_636 = arith.constant 16 : i32
                %add3A_637 = arith.addi %add3A_636, %scan3A_260 : i32
                %swap3A_638 = arith.index_cast %add3A_637 : i32 to index
                %swap3A_639 = arith.constant 64 : index
                %swap3A_640 = tpu.vector_load %arg33[%swap3A_638, %swap3A_639] {strides = array<i32>} : memref<64x128xf32, #tpu.memory_space<vmem>>, vector<1x16xf32>,
                %swap3A_641 = vector.shape_cast %swap3A_640 : vector<1x16xf32> to vector<16xf32>
                %swap3A_642 = vector.shape_cast %add3A_635 : vector<16xf32> to vector<1x16xf32>
                tpu.vector_store %arg33[%swap3A_638, %swap3A_639], %swap3A_642 {strides = array<i32>} : memref<64x128xf32, #tpu.memory_space<vmem>>, vector<1x16xf32>,
                %get3A_643 = arith.index_cast %scan3A_260 : i32 to index
                %get3A_644 = arith.constant 576 : index
                %get3A_645 = tpu.vector_load %arg29[%get3A_643, %get3A_644] {strides = array<i32>} : memref<16x768xf32, #tpu.memory_space<vmem>>, vector<1x16xf32>,
                %get3A_646 = vector.shape_cast %get3A_645 : vector<1x16xf32> to vector<16xf32>
                %mul3A_647 = arith.mulf %get3A_646, %mul3A_625 : vector<16xf32>
                %slice3A_648 = vector.extract_strided_slice %get3A_264 {offsets = [1], sizes = [1], strides = [1]} : vector<16xf32> to vector<1xf32>
                %squeeze3A_649 = vector.extract %slice3A_648[0] : f32 from vector<1xf32>
                %mul3A_650 = vector.broadcast %squeeze3A_649 : f32 to vector<16xf32>
                %mul3A_651 = arith.mulf %mul3A_616, %mul3A_650 : vector<16xf32>
                %add3A_652 = arith.addf %mul3A_647, %mul3A_651 : vector<16xf32>
                %add3A_653 = arith.constant 32 : i32
                %add3A_654 = arith.addi %add3A_653, %scan3A_260 : i32
                %swap3A_655 = arith.index_cast %add3A_654 : i32 to index
                %swap3A_656 = arith.constant 64 : index
                %swap3A_657 = tpu.vector_load %arg33[%swap3A_655, %swap3A_656] {strides = array<i32>} : memref<64x128xf32, #tpu.memory_space<vmem>>, vector<1x16xf32>,
                %swap3A_658 = vector.shape_cast %swap3A_657 : vector<1x16xf32> to vector<16xf32>
                %swap3A_659 = vector.shape_cast %add3A_652 : vector<16xf32> to vector<1x16xf32>
                tpu.vector_store %arg33[%swap3A_655, %swap3A_656], %swap3A_659 {strides = array<i32>} : memref<64x128xf32, #tpu.memory_space<vmem>>, vector<1x16xf32>,
                %get3A_660 = arith.index_cast %scan3A_260 : i32 to index
                %get3A_661 = arith.constant 704 : index
                %get3A_662 = tpu.vector_load %arg29[%get3A_660, %get3A_661] {strides = array<i32>} : memref<16x768xf32, #tpu.memory_space<vmem>>, vector<1x16xf32>,
                %get3A_663 = vector.shape_cast %get3A_662 : vector<1x16xf32> to vector<16xf32>
                %mul3A_664 = arith.mulf %get3A_663, %mul3A_625 : vector<16xf32>
                %slice3A_665 = vector.extract_strided_slice %get3A_264 {offsets = [2], sizes = [1], strides = [1]} : vector<16xf32> to vector<1xf32>
                %squeeze3A_666 = vector.extract %slice3A_665[0] : f32 from vector<1xf32>
                %mul3A_667 = vector.broadcast %squeeze3A_666 : f32 to vector<16xf32>
                %mul3A_668 = arith.mulf %mul3A_616, %mul3A_667 : vector<16xf32>
                %add3A_669 = arith.addf %mul3A_664, %mul3A_668 : vector<16xf32>
                %add3A_670 = arith.constant 48 : i32
                %add3A_671 = arith.addi %add3A_670, %scan3A_260 : i32
                %swap3A_672 = arith.index_cast %add3A_671 : i32 to index
                %swap3A_673 = arith.constant 64 : index
                %swap3A_674 = tpu.vector_load %arg33[%swap3A_672, %swap3A_673] {strides = array<i32>} : memref<64x128xf32, #tpu.memory_space<vmem>>, vector<1x16xf32>,
                %swap3A_675 = vector.shape_cast %swap3A_674 : vector<1x16xf32> to vector<16xf32>
                %swap3A_676 = vector.shape_cast %add3A_669 : vector<16xf32> to vector<1x16xf32>
                tpu.vector_store %arg33[%swap3A_672, %swap3A_673], %swap3A_676 {strides = array<i32>} : memref<64x128xf32, #tpu.memory_space<vmem>>, vector<1x16xf32>,
                %get3A_677 = arith.index_cast %scan3A_260 : i32 to index
                %get3A_678 = arith.constant 80 : index
                %get3A_679 = tpu.vector_load %arg29[%get3A_677, %get3A_678] {strides = array<i32>} : memref<16x768xf32, #tpu.memory_space<vmem>>, vector<1x16xf32>,
                %get3A_680 = vector.shape_cast %get3A_679 : vector<1x16xf32> to vector<16xf32>
                %get3A_681 = arith.index_cast %scan3A_260 : i32 to index
                %get3A_682 = arith.constant 80 : index
                %get3A_683 = tpu.vector_load %arg31[%get3A_681, %get3A_682] {strides = array<i32>} : memref<16x512xf32, #tpu.memory_space<vmem>>, vector<1x16xf32>,
                %get3A_684 = vector.shape_cast %get3A_683 : vector<1x16xf32> to vector<16xf32>
                %mul3A_685 = arith.mulf %get3A_680, %get3A_684 : vector<16xf32>
                %swap3A_686 = arith.index_cast %scan3A_260 : i32 to index
                %swap3A_687 = arith.constant 80 : index
                %swap3A_688 = tpu.vector_load %arg33[%swap3A_686, %swap3A_687] {strides = array<i32>} : memref<64x128xf32, #tpu.memory_space<vmem>>, vector<1x16xf32>,
                %swap3A_689 = vector.shape_cast %swap3A_688 : vector<1x16xf32> to vector<16xf32>
                %swap3A_690 = vector.shape_cast %mul3A_685 : vector<16xf32> to vector<1x16xf32>
                tpu.vector_store %arg33[%swap3A_686, %swap3A_687], %swap3A_690 {strides = array<i32>} : memref<64x128xf32, #tpu.memory_space<vmem>>, vector<1x16xf32>,
                %get3A_691 = arith.index_cast %scan3A_260 : i32 to index
                %get3A_692 = arith.constant 208 : index
                %get3A_693 = tpu.vector_load %arg29[%get3A_691, %get3A_692] {strides = array<i32>} : memref<16x768xf32, #tpu.memory_space<vmem>>, vector<1x16xf32>,
                %get3A_694 = vector.shape_cast %get3A_693 : vector<1x16xf32> to vector<16xf32>
                %get3A_695 = arith.index_cast %scan3A_260 : i32 to index
                %get3A_696 = arith.constant 208 : index
                %get3A_697 = tpu.vector_load %arg31[%get3A_695, %get3A_696] {strides = array<i32>} : memref<16x512xf32, #tpu.memory_space<vmem>>, vector<1x16xf32>,
                %get3A_698 = vector.shape_cast %get3A_697 : vector<1x16xf32> to vector<16xf32>
                %mul3A_699 = arith.mulf %get3A_694, %get3A_698 : vector<16xf32>
                %get3A_700 = arith.index_cast %scan3A_260 : i32 to index
                %get3A_701 = arith.constant 336 : index
                %get3A_702 = tpu.vector_load %arg29[%get3A_700, %get3A_701] {strides = array<i32>} : memref<16x768xf32, #tpu.memory_space<vmem>>, vector<1x16xf32>,
                %get3A_703 = vector.shape_cast %get3A_702 : vector<1x16xf32> to vector<16xf32>
                %get3A_704 = arith.index_cast %scan3A_260 : i32 to index
                %get3A_705 = arith.constant 336 : index
                %get3A_706 = tpu.vector_load %arg31[%get3A_704, %get3A_705] {strides = array<i32>} : memref<16x512xf32, #tpu.memory_space<vmem>>, vector<1x16xf32>,
                %get3A_707 = vector.shape_cast %get3A_706 : vector<1x16xf32> to vector<16xf32>
                %mul3A_708 = arith.mulf %get3A_703, %get3A_707 : vector<16xf32>
                %get3A_709 = arith.index_cast %scan3A_260 : i32 to index
                %get3A_710 = arith.constant 464 : index
                %get3A_711 = tpu.vector_load %arg29[%get3A_709, %get3A_710] {strides = array<i32>} : memref<16x768xf32, #tpu.memory_space<vmem>>, vector<1x16xf32>,
                %get3A_712 = vector.shape_cast %get3A_711 : vector<1x16xf32> to vector<16xf32>
                %mul3A_713 = arith.mulf %get3A_712, %mul3A_708 : vector<16xf32>
                %slice3A_714 = vector.extract_strided_slice %get3A_264 {offsets = [0], sizes = [1], strides = [1]} : vector<16xf32> to vector<1xf32>
                %squeeze3A_715 = vector.extract %slice3A_714[0] : f32 from vector<1xf32>
                %mul3A_716 = vector.broadcast %squeeze3A_715 : f32 to vector<16xf32>
                %mul3A_717 = arith.mulf %mul3A_699, %mul3A_716 : vector<16xf32>
                %add3A_718 = arith.addf %mul3A_713, %mul3A_717 : vector<16xf32>
                %add3A_719 = arith.constant 16 : i32
                %add3A_720 = arith.addi %add3A_719, %scan3A_260 : i32
                %swap3A_721 = arith.index_cast %add3A_720 : i32 to index
                %swap3A_722 = arith.constant 80 : index
                %swap3A_723 = tpu.vector_load %arg33[%swap3A_721, %swap3A_722] {strides = array<i32>} : memref<64x128xf32, #tpu.memory_space<vmem>>, vector<1x16xf32>,
                %swap3A_724 = vector.shape_cast %swap3A_723 : vector<1x16xf32> to vector<16xf32>
                %swap3A_725 = vector.shape_cast %add3A_718 : vector<16xf32> to vector<1x16xf32>
                tpu.vector_store %arg33[%swap3A_721, %swap3A_722], %swap3A_725 {strides = array<i32>} : memref<64x128xf32, #tpu.memory_space<vmem>>, vector<1x16xf32>,
                %get3A_726 = arith.index_cast %scan3A_260 : i32 to index
                %get3A_727 = arith.constant 592 : index
                %get3A_728 = tpu.vector_load %arg29[%get3A_726, %get3A_727] {strides = array<i32>} : memref<16x768xf32, #tpu.memory_space<vmem>>, vector<1x16xf32>,
                %get3A_729 = vector.shape_cast %get3A_728 : vector<1x16xf32> to vector<16xf32>
                %mul3A_730 = arith.mulf %get3A_729, %mul3A_708 : vector<16xf32>
                %slice3A_731 = vector.extract_strided_slice %get3A_264 {offsets = [1], sizes = [1], strides = [1]} : vector<16xf32> to vector<1xf32>
                %squeeze3A_732 = vector.extract %slice3A_731[0] : f32 from vector<1xf32>
                %mul3A_733 = vector.broadcast %squeeze3A_732 : f32 to vector<16xf32>
                %mul3A_734 = arith.mulf %mul3A_699, %mul3A_733 : vector<16xf32>
                %add3A_735 = arith.addf %mul3A_730, %mul3A_734 : vector<16xf32>
                %add3A_736 = arith.constant 32 : i32
                %add3A_737 = arith.addi %add3A_736, %scan3A_260 : i32
                %swap3A_738 = arith.index_cast %add3A_737 : i32 to index
                %swap3A_739 = arith.constant 80 : index
                %swap3A_740 = tpu.vector_load %arg33[%swap3A_738, %swap3A_739] {strides = array<i32>} : memref<64x128xf32, #tpu.memory_space<vmem>>, vector<1x16xf32>,
                %swap3A_741 = vector.shape_cast %swap3A_740 : vector<1x16xf32> to vector<16xf32>
                %swap3A_742 = vector.shape_cast %add3A_735 : vector<16xf32> to vector<1x16xf32>
                tpu.vector_store %arg33[%swap3A_738, %swap3A_739], %swap3A_742 {strides = array<i32>} : memref<64x128xf32, #tpu.memory_space<vmem>>, vector<1x16xf32>,
                %get3A_743 = arith.index_cast %scan3A_260 : i32 to index
                %get3A_744 = arith.constant 720 : index
                %get3A_745 = tpu.vector_load %arg29[%get3A_743, %get3A_744] {strides = array<i32>} : memref<16x768xf32, #tpu.memory_space<vmem>>, vector<1x16xf32>,
                %get3A_746 = vector.shape_cast %get3A_745 : vector<1x16xf32> to vector<16xf32>
                %mul3A_747 = arith.mulf %get3A_746, %mul3A_708 : vector<16xf32>
                %slice3A_748 = vector.extract_strided_slice %get3A_264 {offsets = [2], sizes = [1], strides = [1]} : vector<16xf32> to vector<1xf32>
                %squeeze3A_749 = vector.extract %slice3A_748[0] : f32 from vector<1xf32>
                %mul3A_750 = vector.broadcast %squeeze3A_749 : f32 to vector<16xf32>
                %mul3A_751 = arith.mulf %mul3A_699, %mul3A_750 : vector<16xf32>
                %add3A_752 = arith.addf %mul3A_747, %mul3A_751 : vector<16xf32>
                %add3A_753 = arith.constant 48 : i32
                %add3A_754 = arith.addi %add3A_753, %scan3A_260 : i32
                %swap3A_755 = arith.index_cast %add3A_754 : i32 to index
                %swap3A_756 = arith.constant 80 : index
                %swap3A_757 = tpu.vector_load %arg33[%swap3A_755, %swap3A_756] {strides = array<i32>} : memref<64x128xf32, #tpu.memory_space<vmem>>, vector<1x16xf32>,
                %swap3A_758 = vector.shape_cast %swap3A_757 : vector<1x16xf32> to vector<16xf32>
                %swap3A_759 = vector.shape_cast %add3A_752 : vector<16xf32> to vector<1x16xf32>
                tpu.vector_store %arg33[%swap3A_755, %swap3A_756], %swap3A_759 {strides = array<i32>} : memref<64x128xf32, #tpu.memory_space<vmem>>, vector<1x16xf32>,
                %get3A_760 = arith.index_cast %scan3A_260 : i32 to index
                %get3A_761 = arith.constant 96 : index
                %get3A_762 = tpu.vector_load %arg29[%get3A_760, %get3A_761] {strides = array<i32>} : memref<16x768xf32, #tpu.memory_space<vmem>>, vector<1x16xf32>,
                %get3A_763 = vector.shape_cast %get3A_762 : vector<1x16xf32> to vector<16xf32>
                %get3A_764 = arith.index_cast %scan3A_260 : i32 to index
                %get3A_765 = arith.constant 96 : index
                %get3A_766 = tpu.vector_load %arg31[%get3A_764, %get3A_765] {strides = array<i32>} : memref<16x512xf32, #tpu.memory_space<vmem>>, vector<1x16xf32>,
                %get3A_767 = vector.shape_cast %get3A_766 : vector<1x16xf32> to vector<16xf32>
                %mul3A_768 = arith.mulf %get3A_763, %get3A_767 : vector<16xf32>
                %swap3A_769 = arith.index_cast %scan3A_260 : i32 to index
                %swap3A_770 = arith.constant 96 : index
                %swap3A_771 = tpu.vector_load %arg33[%swap3A_769, %swap3A_770] {strides = array<i32>} : memref<64x128xf32, #tpu.memory_space<vmem>>, vector<1x16xf32>,
                %swap3A_772 = vector.shape_cast %swap3A_771 : vector<1x16xf32> to vector<16xf32>
                %swap3A_773 = vector.shape_cast %mul3A_768 : vector<16xf32> to vector<1x16xf32>
                tpu.vector_store %arg33[%swap3A_769, %swap3A_770], %swap3A_773 {strides = array<i32>} : memref<64x128xf32, #tpu.memory_space<vmem>>, vector<1x16xf32>,
                %get3A_774 = arith.index_cast %scan3A_260 : i32 to index
                %get3A_775 = arith.constant 224 : index
                %get3A_776 = tpu.vector_load %arg29[%get3A_774, %get3A_775] {strides = array<i32>} : memref<16x768xf32, #tpu.memory_space<vmem>>, vector<1x16xf32>,
                %get3A_777 = vector.shape_cast %get3A_776 : vector<1x16xf32> to vector<16xf32>
                %get3A_778 = arith.index_cast %scan3A_260 : i32 to index
                %get3A_779 = arith.constant 224 : index
                %get3A_780 = tpu.vector_load %arg31[%get3A_778, %get3A_779] {strides = array<i32>} : memref<16x512xf32, #tpu.memory_space<vmem>>, vector<1x16xf32>,
                %get3A_781 = vector.shape_cast %get3A_780 : vector<1x16xf32> to vector<16xf32>
                %mul3A_782 = arith.mulf %get3A_777, %get3A_781 : vector<16xf32>
                %get3A_783 = arith.index_cast %scan3A_260 : i32 to index
                %get3A_784 = arith.constant 352 : index
                %get3A_785 = tpu.vector_load %arg29[%get3A_783, %get3A_784] {strides = array<i32>} : memref<16x768xf32, #tpu.memory_space<vmem>>, vector<1x16xf32>,
                %get3A_786 = vector.shape_cast %get3A_785 : vector<1x16xf32> to vector<16xf32>
                %get3A_787 = arith.index_cast %scan3A_260 : i32 to index
                %get3A_788 = arith.constant 352 : index
                %get3A_789 = tpu.vector_load %arg31[%get3A_787, %get3A_788] {strides = array<i32>} : memref<16x512xf32, #tpu.memory_space<vmem>>, vector<1x16xf32>,
                %get3A_790 = vector.shape_cast %get3A_789 : vector<1x16xf32> to vector<16xf32>
                %mul3A_791 = arith.mulf %get3A_786, %get3A_790 : vector<16xf32>
                %get3A_792 = arith.index_cast %scan3A_260 : i32 to index
                %get3A_793 = arith.constant 480 : index
                %get3A_794 = tpu.vector_load %arg29[%get3A_792, %get3A_793] {strides = array<i32>} : memref<16x768xf32, #tpu.memory_space<vmem>>, vector<1x16xf32>,
                %get3A_795 = vector.shape_cast %get3A_794 : vector<1x16xf32> to vector<16xf32>
                %mul3A_796 = arith.mulf %get3A_795, %mul3A_791 : vector<16xf32>
                %slice3A_797 = vector.extract_strided_slice %get3A_264 {offsets = [0], sizes = [1], strides = [1]} : vector<16xf32> to vector<1xf32>
                %squeeze3A_798 = vector.extract %slice3A_797[0] : f32 from vector<1xf32>
                %mul3A_799 = vector.broadcast %squeeze3A_798 : f32 to vector<16xf32>
                %mul3A_800 = arith.mulf %mul3A_782, %mul3A_799 : vector<16xf32>
                %add3A_801 = arith.addf %mul3A_796, %mul3A_800 : vector<16xf32>
                %add3A_802 = arith.constant 16 : i32
                %add3A_803 = arith.addi %add3A_802, %scan3A_260 : i32
                %swap3A_804 = arith.index_cast %add3A_803 : i32 to index
                %swap3A_805 = arith.constant 96 : index
                %swap3A_806 = tpu.vector_load %arg33[%swap3A_804, %swap3A_805] {strides = array<i32>} : memref<64x128xf32, #tpu.memory_space<vmem>>, vector<1x16xf32>,
                %swap3A_807 = vector.shape_cast %swap3A_806 : vector<1x16xf32> to vector<16xf32>
                %swap3A_808 = vector.shape_cast %add3A_801 : vector<16xf32> to vector<1x16xf32>
                tpu.vector_store %arg33[%swap3A_804, %swap3A_805], %swap3A_808 {strides = array<i32>} : memref<64x128xf32, #tpu.memory_space<vmem>>, vector<1x16xf32>,
                %get3A_809 = arith.index_cast %scan3A_260 : i32 to index
                %get3A_810 = arith.constant 608 : index
                %get3A_811 = tpu.vector_load %arg29[%get3A_809, %get3A_810] {strides = array<i32>} : memref<16x768xf32, #tpu.memory_space<vmem>>, vector<1x16xf32>,
                %get3A_812 = vector.shape_cast %get3A_811 : vector<1x16xf32> to vector<16xf32>
                %mul3A_813 = arith.mulf %get3A_812, %mul3A_791 : vector<16xf32>
                %slice3A_814 = vector.extract_strided_slice %get3A_264 {offsets = [1], sizes = [1], strides = [1]} : vector<16xf32> to vector<1xf32>
                %squeeze3A_815 = vector.extract %slice3A_814[0] : f32 from vector<1xf32>
                %mul3A_816 = vector.broadcast %squeeze3A_815 : f32 to vector<16xf32>
                %mul3A_817 = arith.mulf %mul3A_782, %mul3A_816 : vector<16xf32>
                %add3A_818 = arith.addf %mul3A_813, %mul3A_817 : vector<16xf32>
                %add3A_819 = arith.constant 32 : i32
                %add3A_820 = arith.addi %add3A_819, %scan3A_260 : i32
                %swap3A_821 = arith.index_cast %add3A_820 : i32 to index
                %swap3A_822 = arith.constant 96 : index
                %swap3A_823 = tpu.vector_load %arg33[%swap3A_821, %swap3A_822] {strides = array<i32>} : memref<64x128xf32, #tpu.memory_space<vmem>>, vector<1x16xf32>,
                %swap3A_824 = vector.shape_cast %swap3A_823 : vector<1x16xf32> to vector<16xf32>
                %swap3A_825 = vector.shape_cast %add3A_818 : vector<16xf32> to vector<1x16xf32>
                tpu.vector_store %arg33[%swap3A_821, %swap3A_822], %swap3A_825 {strides = array<i32>} : memref<64x128xf32, #tpu.memory_space<vmem>>, vector<1x16xf32>,
                %get3A_826 = arith.index_cast %scan3A_260 : i32 to index
                %get3A_827 = arith.constant 736 : index
                %get3A_828 = tpu.vector_load %arg29[%get3A_826, %get3A_827] {strides = array<i32>} : memref<16x768xf32, #tpu.memory_space<vmem>>, vector<1x16xf32>,
                %get3A_829 = vector.shape_cast %get3A_828 : vector<1x16xf32> to vector<16xf32>
                %mul3A_830 = arith.mulf %get3A_829, %mul3A_791 : vector<16xf32>
                %slice3A_831 = vector.extract_strided_slice %get3A_264 {offsets = [2], sizes = [1], strides = [1]} : vector<16xf32> to vector<1xf32>
                %squeeze3A_832 = vector.extract %slice3A_831[0] : f32 from vector<1xf32>
                %mul3A_833 = vector.broadcast %squeeze3A_832 : f32 to vector<16xf32>
                %mul3A_834 = arith.mulf %mul3A_782, %mul3A_833 : vector<16xf32>
                %add3A_835 = arith.addf %mul3A_830, %mul3A_834 : vector<16xf32>
                %add3A_836 = arith.constant 48 : i32
                %add3A_837 = arith.addi %add3A_836, %scan3A_260 : i32
                %swap3A_838 = arith.index_cast %add3A_837 : i32 to index
                %swap3A_839 = arith.constant 96 : index
                %swap3A_840 = tpu.vector_load %arg33[%swap3A_838, %swap3A_839] {strides = array<i32>} : memref<64x128xf32, #tpu.memory_space<vmem>>, vector<1x16xf32>,
                %swap3A_841 = vector.shape_cast %swap3A_840 : vector<1x16xf32> to vector<16xf32>
                %swap3A_842 = vector.shape_cast %add3A_835 : vector<16xf32> to vector<1x16xf32>
                tpu.vector_store %arg33[%swap3A_838, %swap3A_839], %swap3A_842 {strides = array<i32>} : memref<64x128xf32, #tpu.memory_space<vmem>>, vector<1x16xf32>,
                %get3A_843 = arith.index_cast %scan3A_260 : i32 to index
                %get3A_844 = arith.constant 112 : index
                %get3A_845 = tpu.vector_load %arg29[%get3A_843, %get3A_844] {strides = array<i32>} : memref<16x768xf32, #tpu.memory_space<vmem>>, vector<1x16xf32>,
                %get3A_846 = vector.shape_cast %get3A_845 : vector<1x16xf32> to vector<16xf32>
                %get3A_847 = arith.index_cast %scan3A_260 : i32 to index
                %get3A_848 = arith.constant 112 : index
                %get3A_849 = tpu.vector_load %arg31[%get3A_847, %get3A_848] {strides = array<i32>} : memref<16x512xf32, #tpu.memory_space<vmem>>, vector<1x16xf32>,
                %get3A_850 = vector.shape_cast %get3A_849 : vector<1x16xf32> to vector<16xf32>
                %mul3A_851 = arith.mulf %get3A_846, %get3A_850 : vector<16xf32>
                %swap3A_852 = arith.index_cast %scan3A_260 : i32 to index
                %swap3A_853 = arith.constant 112 : index
                %swap3A_854 = tpu.vector_load %arg33[%swap3A_852, %swap3A_853] {strides = array<i32>} : memref<64x128xf32, #tpu.memory_space<vmem>>, vector<1x16xf32>,
                %swap3A_855 = vector.shape_cast %swap3A_854 : vector<1x16xf32> to vector<16xf32>
                %swap3A_856 = vector.shape_cast %mul3A_851 : vector<16xf32> to vector<1x16xf32>
                tpu.vector_store %arg33[%swap3A_852, %swap3A_853], %swap3A_856 {strides = array<i32>} : memref<64x128xf32, #tpu.memory_space<vmem>>, vector<1x16xf32>,
                %get3A_857 = arith.index_cast %scan3A_260 : i32 to index
                %get3A_858 = arith.constant 240 : index
                %get3A_859 = tpu.vector_load %arg29[%get3A_857, %get3A_858] {strides = array<i32>} : memref<16x768xf32, #tpu.memory_space<vmem>>, vector<1x16xf32>,
                %get3A_860 = vector.shape_cast %get3A_859 : vector<1x16xf32> to vector<16xf32>
                %get3A_861 = arith.index_cast %scan3A_260 : i32 to index
                %get3A_862 = arith.constant 240 : index
                %get3A_863 = tpu.vector_load %arg31[%get3A_861, %get3A_862] {strides = array<i32>} : memref<16x512xf32, #tpu.memory_space<vmem>>, vector<1x16xf32>,
                %get3A_864 = vector.shape_cast %get3A_863 : vector<1x16xf32> to vector<16xf32>
                %mul3A_865 = arith.mulf %get3A_860, %get3A_864 : vector<16xf32>
                %get3A_866 = arith.index_cast %scan3A_260 : i32 to index
                %get3A_867 = arith.constant 368 : index
                %get3A_868 = tpu.vector_load %arg29[%get3A_866, %get3A_867] {strides = array<i32>} : memref<16x768xf32, #tpu.memory_space<vmem>>, vector<1x16xf32>,
                %get3A_869 = vector.shape_cast %get3A_868 : vector<1x16xf32> to vector<16xf32>
                %get3A_870 = arith.index_cast %scan3A_260 : i32 to index
                %get3A_871 = arith.constant 368 : index
                %get3A_872 = tpu.vector_load %arg31[%get3A_870, %get3A_871] {strides = array<i32>} : memref<16x512xf32, #tpu.memory_space<vmem>>, vector<1x16xf32>,
                %get3A_873 = vector.shape_cast %get3A_872 : vector<1x16xf32> to vector<16xf32>
                %mul3A_874 = arith.mulf %get3A_869, %get3A_873 : vector<16xf32>
                %get3A_875 = arith.index_cast %scan3A_260 : i32 to index
                %get3A_876 = arith.constant 496 : index
                %get3A_877 = tpu.vector_load %arg29[%get3A_875, %get3A_876] {strides = array<i32>} : memref<16x768xf32, #tpu.memory_space<vmem>>, vector<1x16xf32>,
                %get3A_878 = vector.shape_cast %get3A_877 : vector<1x16xf32> to vector<16xf32>
                %mul3A_879 = arith.mulf %get3A_878, %mul3A_874 : vector<16xf32>
                %slice3A_880 = vector.extract_strided_slice %get3A_264 {offsets = [0], sizes = [1], strides = [1]} : vector<16xf32> to vector<1xf32>
                %squeeze3A_881 = vector.extract %slice3A_880[0] : f32 from vector<1xf32>
                %mul3A_882 = vector.broadcast %squeeze3A_881 : f32 to vector<16xf32>
                %mul3A_883 = arith.mulf %mul3A_865, %mul3A_882 : vector<16xf32>
                %add3A_884 = arith.addf %mul3A_879, %mul3A_883 : vector<16xf32>
                %add3A_885 = arith.constant 16 : i32
                %add3A_886 = arith.addi %add3A_885, %scan3A_260 : i32
                %swap3A_887 = arith.index_cast %add3A_886 : i32 to index
                %swap3A_888 = arith.constant 112 : index
                %swap3A_889 = tpu.vector_load %arg33[%swap3A_887, %swap3A_888] {strides = array<i32>} : memref<64x128xf32, #tpu.memory_space<vmem>>, vector<1x16xf32>,
                %swap3A_890 = vector.shape_cast %swap3A_889 : vector<1x16xf32> to vector<16xf32>
                %swap3A_891 = vector.shape_cast %add3A_884 : vector<16xf32> to vector<1x16xf32>
                tpu.vector_store %arg33[%swap3A_887, %swap3A_888], %swap3A_891 {strides = array<i32>} : memref<64x128xf32, #tpu.memory_space<vmem>>, vector<1x16xf32>,
                %get3A_892 = arith.index_cast %scan3A_260 : i32 to index
                %get3A_893 = arith.constant 624 : index
                %get3A_894 = tpu.vector_load %arg29[%get3A_892, %get3A_893] {strides = array<i32>} : memref<16x768xf32, #tpu.memory_space<vmem>>, vector<1x16xf32>,
                %get3A_895 = vector.shape_cast %get3A_894 : vector<1x16xf32> to vector<16xf32>
                %mul3A_896 = arith.mulf %get3A_895, %mul3A_874 : vector<16xf32>
                %slice3A_897 = vector.extract_strided_slice %get3A_264 {offsets = [1], sizes = [1], strides = [1]} : vector<16xf32> to vector<1xf32>
                %squeeze3A_898 = vector.extract %slice3A_897[0] : f32 from vector<1xf32>
                %mul3A_899 = vector.broadcast %squeeze3A_898 : f32 to vector<16xf32>
                %mul3A_900 = arith.mulf %mul3A_865, %mul3A_899 : vector<16xf32>
                %add3A_901 = arith.addf %mul3A_896, %mul3A_900 : vector<16xf32>
                %add3A_902 = arith.constant 32 : i32
                %add3A_903 = arith.addi %add3A_902, %scan3A_260 : i32
                %swap3A_904 = arith.index_cast %add3A_903 : i32 to index
                %swap3A_905 = arith.constant 112 : index
                %swap3A_906 = tpu.vector_load %arg33[%swap3A_904, %swap3A_905] {strides = array<i32>} : memref<64x128xf32, #tpu.memory_space<vmem>>, vector<1x16xf32>,
                %swap3A_907 = vector.shape_cast %swap3A_906 : vector<1x16xf32> to vector<16xf32>
                %swap3A_908 = vector.shape_cast %add3A_901 : vector<16xf32> to vector<1x16xf32>
                tpu.vector_store %arg33[%swap3A_904, %swap3A_905], %swap3A_908 {strides = array<i32>} : memref<64x128xf32, #tpu.memory_space<vmem>>, vector<1x16xf32>,
                %get3A_909 = arith.index_cast %scan3A_260 : i32 to index
                %get3A_910 = arith.constant 752 : index
                %get3A_911 = tpu.vector_load %arg29[%get3A_909, %get3A_910] {strides = array<i32>} : memref<16x768xf32, #tpu.memory_space<vmem>>, vector<1x16xf32>,
                %get3A_912 = vector.shape_cast %get3A_911 : vector<1x16xf32> to vector<16xf32>
                %mul3A_913 = arith.mulf %get3A_912, %mul3A_874 : vector<16xf32>
                %slice3A_914 = vector.extract_strided_slice %get3A_264 {offsets = [2], sizes = [1], strides = [1]} : vector<16xf32> to vector<1xf32>
                %squeeze3A_915 = vector.extract %slice3A_914[0] : f32 from vector<1xf32>
                %mul3A_916 = vector.broadcast %squeeze3A_915 : f32 to vector<16xf32>
                %mul3A_917 = arith.mulf %mul3A_865, %mul3A_916 : vector<16xf32>
                %add3A_918 = arith.addf %mul3A_913, %mul3A_917 : vector<16xf32>
                %add3A_919 = arith.constant 48 : i32
                %add3A_920 = arith.addi %add3A_919, %scan3A_260 : i32
                %swap3A_921 = arith.index_cast %add3A_920 : i32 to index
                %swap3A_922 = arith.constant 112 : index
                %swap3A_923 = tpu.vector_load %arg33[%swap3A_921, %swap3A_922] {strides = array<i32>} : memref<64x128xf32, #tpu.memory_space<vmem>>, vector<1x16xf32>,
                %swap3A_924 = vector.shape_cast %swap3A_923 : vector<1x16xf32> to vector<16xf32>
                %swap3A_925 = vector.shape_cast %add3A_918 : vector<16xf32> to vector<1x16xf32>
                tpu.vector_store %arg33[%swap3A_921, %swap3A_922], %swap3A_925 {strides = array<i32>} : memref<64x128xf32, #tpu.memory_space<vmem>>, vector<1x16xf32>,
                %scan3A_926 = arith.constant 0 : i32
                scf.yield %scan3A_926 : i32
              }
              %scan3A_216 = arith.constant 16 : i32
              %sub3A_217 = arith.constant 1 : i32
              %sub3A_218 = arith.subi %while3A_141, %sub3A_217 : i32
              %dma_start3A = arith.constant 0 : i32
              %dma_start3A_219 = arith.constant 0 : i32
              %dma_start3A_220 = tpu.memref_slice %arg33[%dma_start3A, %dma_start3A_219] : memref<64x128xf32, #tpu.memory_space<vmem>> -> memref<16x128xf32, #tpu.memory_space<vmem>>
              %dma_start3A_221 = arith.constant 0 : i32
              %dma_start3A_222 = tpu.memref_slice %arg27[%sub3A_218, %dma_start3A_221] : memref<128x16xi32, #tpu.memory_space<vmem>> -> memref<1x16xi32, #tpu.memory_space<vmem>>
              %dma_start3A_223 = tpu.memref_squeeze %dma_start3A_222 : memref<1x16xi32, #tpu.memory_space<vmem>> -> memref<16xi32, #tpu.memory_space<vmem>>
              %dma_start3A_224 = arith.constant 0 : i32
              %dma_start3A_225 = arith.constant 0 : i32
              %dma_start3A_226 = tpu.memref_slice %arg14[%dma_start3A_224, %dma_start3A_225] : memref<1032x128xf32, #tpu.memory_space<vmem_shared>> -> memref<1032x128xf32, #tpu.memory_space<vmem_shared>>
              tpu.enqueue_indirect_dma source(%dma_start3A_220 : memref<16x128xf32, #tpu.memory_space<vmem>>) target(%dma_start3A_226 : memref<1032x128xf32, #tpu.memory_space<vmem_shared>>) offsets(%dma_start3A_223 : memref<16xi32, #tpu.memory_space<vmem>>) semaphore(%arg37 : memref<!tpu.dma_semaphore, #tpu.memory_space<semaphore_mem>>) {add = true}
              %sub3A_227 = arith.constant 1 : i32
              %sub3A_228 = arith.subi %while3A_141, %sub3A_227 : i32
              %dma_start3A_229 = arith.constant 16 : i32
              %dma_start3A_230 = arith.constant 0 : i32
              %dma_start3A_231 = tpu.memref_slice %arg33[%dma_start3A_229, %dma_start3A_230] : memref<64x128xf32, #tpu.memory_space<vmem>> -> memref<16x128xf32, #tpu.memory_space<vmem>>
              %dma_start3A_232 = arith.constant 0 : i32
              %dma_start3A_233 = tpu.memref_slice %arg27[%sub3A_228, %dma_start3A_232] : memref<128x16xi32, #tpu.memory_space<vmem>> -> memref<1x16xi32, #tpu.memory_space<vmem>>
              %dma_start3A_234 = tpu.memref_squeeze %dma_start3A_233 : memref<1x16xi32, #tpu.memory_space<vmem>> -> memref<16xi32, #tpu.memory_space<vmem>>
              %dma_start3A_235 = arith.constant 0 : i32
              %dma_start3A_236 = arith.constant 0 : i32
              %dma_start3A_237 = tpu.memref_slice %arg15[%dma_start3A_235, %dma_start3A_236] : memref<1032x128xf32, #tpu.memory_space<vmem_shared>> -> memref<1032x128xf32, #tpu.memory_space<vmem_shared>>
              tpu.enqueue_indirect_dma source(%dma_start3A_231 : memref<16x128xf32, #tpu.memory_space<vmem>>) target(%dma_start3A_237 : memref<1032x128xf32, #tpu.memory_space<vmem_shared>>) offsets(%dma_start3A_234 : memref<16xi32, #tpu.memory_space<vmem>>) semaphore(%arg37 : memref<!tpu.dma_semaphore, #tpu.memory_space<semaphore_mem>>) {add = true}
              %sub3A_238 = arith.constant 1 : i32
              %sub3A_239 = arith.subi %while3A_141, %sub3A_238 : i32
              %dma_start3A_240 = arith.constant 32 : i32
              %dma_start3A_241 = arith.constant 0 : i32
              %dma_start3A_242 = tpu.memref_slice %arg33[%dma_start3A_240, %dma_start3A_241] : memref<64x128xf32, #tpu.memory_space<vmem>> -> memref<16x128xf32, #tpu.memory_space<vmem>>
              %dma_start3A_243 = arith.constant 0 : i32
              %dma_start3A_244 = tpu.memref_slice %arg27[%sub3A_239, %dma_start3A_243] : memref<128x16xi32, #tpu.memory_space<vmem>> -> memref<1x16xi32, #tpu.memory_space<vmem>>
              %dma_start3A_245 = tpu.memref_squeeze %dma_start3A_244 : memref<1x16xi32, #tpu.memory_space<vmem>> -> memref<16xi32, #tpu.memory_space<vmem>>
              %dma_start3A_246 = arith.constant 0 : i32
              %dma_start3A_247 = arith.constant 0 : i32
              %dma_start3A_248 = tpu.memref_slice %arg16[%dma_start3A_246, %dma_start3A_247] : memref<1032x128xf32, #tpu.memory_space<vmem_shared>> -> memref<1032x128xf32, #tpu.memory_space<vmem_shared>>
              tpu.enqueue_indirect_dma source(%dma_start3A_242 : memref<16x128xf32, #tpu.memory_space<vmem>>) target(%dma_start3A_248 : memref<1032x128xf32, #tpu.memory_space<vmem_shared>>) offsets(%dma_start3A_245 : memref<16xi32, #tpu.memory_space<vmem>>) semaphore(%arg37 : memref<!tpu.dma_semaphore, #tpu.memory_space<semaphore_mem>>) {add = true}
              %sub3A_249 = arith.constant 1 : i32
              %sub3A_250 = arith.subi %while3A_141, %sub3A_249 : i32
              %dma_start3A_251 = arith.constant 48 : i32
              %dma_start3A_252 = arith.constant 0 : i32
              %dma_start3A_253 = tpu.memref_slice %arg33[%dma_start3A_251, %dma_start3A_252] : memref<64x128xf32, #tpu.memory_space<vmem>> -> memref<16x128xf32, #tpu.memory_space<vmem>>
              %dma_start3A_254 = arith.constant 0 : i32
              %dma_start3A_255 = tpu.memref_slice %arg27[%sub3A_250, %dma_start3A_254] : memref<128x16xi32, #tpu.memory_space<vmem>> -> memref<1x16xi32, #tpu.memory_space<vmem>>
              %dma_start3A_256 = tpu.memref_squeeze %dma_start3A_255 : memref<1x16xi32, #tpu.memory_space<vmem>> -> memref<16xi32, #tpu.memory_space<vmem>>
              %dma_start3A_257 = arith.constant 0 : i32
              %dma_start3A_258 = arith.constant 0 : i32
              %dma_start3A_259 = tpu.memref_slice %arg17[%dma_start3A_257, %dma_start3A_258] : memref<1032x128xf32, #tpu.memory_space<vmem_shared>> -> memref<1032x128xf32, #tpu.memory_space<vmem_shared>>
              tpu.enqueue_indirect_dma source(%dma_start3A_253 : memref<16x128xf32, #tpu.memory_space<vmem>>) target(%dma_start3A_259 : memref<1032x128xf32, #tpu.memory_space<vmem_shared>>) offsets(%dma_start3A_256 : memref<16xi32, #tpu.memory_space<vmem>>) semaphore(%arg37 : memref<!tpu.dma_semaphore, #tpu.memory_space<semaphore_mem>>) {add = true}
            } else {
            }
          } else {
          }
          %jit3A_163 = arith.constant 2 : i32
          %eq3A_164 = arith.constant 0 : i32
          %eq3A_165 = arith.cmpi eq, %jit3A_163, %eq3A_164 : i32
          %jit3A_166 = arith.constant 1 : i32
          %select_n3A_167 = arith.select %eq3A_165, %jit3A_166, %jit3A_163 : i32
          %rem3A_168 = arith.remsi %while3A_141, %select_n3A_167 : i32
          %ne3A_169 = arith.constant 0 : i32
          %ne3A_170 = arith.cmpi ne, %rem3A_168, %ne3A_169 : i32
          %lt3A_171 = arith.constant 0 : i32
          %lt3A_172 = arith.cmpi slt, %rem3A_168, %lt3A_171 : i32
          %lt3A_173 = arith.constant 0 : i32
          %lt3A_174 = arith.cmpi slt, %select_n3A_167, %lt3A_173 : i32
          %ne3A_175 = arith.xori %lt3A_172, %lt3A_174 : i1
          %and3A_176 = arith.andi %ne3A_175, %ne3A_170 : i1
          %add3A_177 = arith.addi %rem3A_168, %select_n3A_167 : i32
          %select_n3A_178 = arith.select %and3A_176, %add3A_177, %rem3A_168 : i32
          %eq3A_179 = arith.constant 1 : i32
          %eq3A_180 = arith.cmpi eq, %select_n3A_178, %eq3A_179 : i32
          %convert_element_type3A_181 = arith.extui %eq3A_180 : i1 to i32
          %cond3A_182 = arith.constant 0 : i32
          %cond3A_183 = arith.cmpi ne, %convert_element_type3A_181, %cond3A_182 : i32
          scf.if %cond3A_183 {
            %lt3A_185 = arith.cmpi slt, %while3A_141, %select_n3A : i32
            %convert_element_type3A_186 = arith.extui %lt3A_185 : i1 to i32
            %cond3A_187 = arith.constant 0 : i32
            %cond3A_188 = arith.cmpi ne, %convert_element_type3A_186, %cond3A_187 : i32
            scf.if %cond3A_188 {
              %mul3A_194 = arith.constant 16 : i32
              %mul3A_195 = arith.muli %while3A_141, %mul3A_194 : i32
              %dma_start3A = tpu.memref_slice %arg26[%mul3A_195] : memref<2048xi32, #tpu.memory_space<vmem>> -> memref<16xi32, #tpu.memory_space<vmem>>
              %dma_start3A_196 = arith.constant 0 : i32
              %dma_start3A_197 = arith.constant 0 : i32
              %dma_start3A_198 = tpu.memref_slice %arg2[%dma_start3A_196, %dma_start3A_197] : memref<10240x768xf32, #tpu.memory_space<hbm>> -> memref<10240x768xf32, #tpu.memory_space<hbm>>
              tpu.enqueue_indirect_dma source(%dma_start3A_198 : memref<10240x768xf32, #tpu.memory_space<hbm>>) target(%arg29 : memref<16x768xf32, #tpu.memory_space<vmem>>) offsets(%dma_start3A : memref<16xi32, #tpu.memory_space<vmem>>) semaphore(%arg35 : memref<!tpu.dma_semaphore, #tpu.memory_space<semaphore_mem>>)
              %dma_start3A_199 = tpu.memref_slice %arg25[%mul3A_195] : memref<2048xi32, #tpu.memory_space<vmem>> -> memref<16xi32, #tpu.memory_space<vmem>>
              %dma_start3A_200 = arith.constant 0 : i32
              %dma_start3A_201 = arith.constant 0 : i32
              %dma_start3A_202 = tpu.memref_slice %arg3[%dma_start3A_200, %dma_start3A_201] : memref<320000x512xf32, #tpu.memory_space<hbm>> -> memref<320000x512xf32, #tpu.memory_space<hbm>>
              tpu.enqueue_indirect_dma source(%dma_start3A_202 : memref<320000x512xf32, #tpu.memory_space<hbm>>) target(%arg31 : memref<16x512xf32, #tpu.memory_space<vmem>>) offsets(%dma_start3A_199 : memref<16xi32, #tpu.memory_space<vmem>>) semaphore(%arg35 : memref<!tpu.dma_semaphore, #tpu.memory_space<semaphore_mem>>)
            } else {
            }
            %ge3A_189 = arith.constant 1 : i32
            %ge3A_190 = arith.cmpi sge, %while3A_141, %ge3A_189 : i32
            %convert_element_type3A_191 = arith.extui %ge3A_190 : i1 to i32
            %cond3A_192 = arith.constant 0 : i32
            %cond3A_193 = arith.cmpi ne, %convert_element_type3A_191, %cond3A_192 : i32
            scf.if %cond3A_193 {
              %dma_wait3A = arith.constant 0 : i32
              %dma_wait3A_194 = arith.constant 0 : i32
              %dma_wait3A_195 = tpu.memref_slice %arg2[%dma_wait3A, %dma_wait3A_194] : memref<10240x768xf32, #tpu.memory_space<hbm>> -> memref<16x768xf32, #tpu.memory_space<hbm>>
              %dma_wait3A_196 = arith.constant 0 : i32
              %dma_wait3A_197 = arith.constant 0 : i32
              %dma_wait3A_198 = tpu.memref_slice %arg2[%dma_wait3A_196, %dma_wait3A_197] : memref<10240x768xf32, #tpu.memory_space<hbm>> -> memref<16x768xf32, #tpu.memory_space<hbm>>
              tpu.wait_dma2 semaphore(%arg34 : memref<!tpu.dma_semaphore, #tpu.memory_space<semaphore_mem>>) src(%dma_wait3A_198 : memref<16x768xf32, #tpu.memory_space<hbm>>) dst(%arg28 : memref<16x768xf32, #tpu.memory_space<vmem>>)
              %dma_wait3A_199 = arith.constant 0 : i32
              %dma_wait3A_200 = arith.constant 0 : i32
              %dma_wait3A_201 = tpu.memref_slice %arg3[%dma_wait3A_199, %dma_wait3A_200] : memref<320000x512xf32, #tpu.memory_space<hbm>> -> memref<16x512xf32, #tpu.memory_space<hbm>>
              %dma_wait3A_202 = arith.constant 0 : i32
              %dma_wait3A_203 = arith.constant 0 : i32
              %dma_wait3A_204 = tpu.memref_slice %arg3[%dma_wait3A_202, %dma_wait3A_203] : memref<320000x512xf32, #tpu.memory_space<hbm>> -> memref<16x512xf32, #tpu.memory_space<hbm>>
              tpu.wait_dma2 semaphore(%arg34 : memref<!tpu.dma_semaphore, #tpu.memory_space<semaphore_mem>>) src(%dma_wait3A_204 : memref<16x512xf32, #tpu.memory_space<hbm>>) dst(%arg30 : memref<16x512xf32, #tpu.memory_space<vmem>>)
              %ge3A_205 = arith.constant 3 : i32
              %ge3A_206 = arith.cmpi sge, %while3A_141, %ge3A_205 : i32
              %convert_element_type3A_207 = arith.extui %ge3A_206 : i1 to i32
              %cond3A_208 = arith.constant 0 : i32
              %cond3A_209 = arith.cmpi ne, %convert_element_type3A_207, %cond3A_208 : i32
              scf.if %cond3A_209 {
                %dma_wait3A_260 = arith.constant 0 : i32
                %dma_wait3A_261 = arith.constant 0 : i32
                %dma_wait3A_262 = tpu.memref_slice %arg6[%dma_wait3A_260, %dma_wait3A_261] : memref<10240x128xf32, #tpu.memory_space<hbm>> -> memref<64x128xf32, #tpu.memory_space<hbm>>
                %dma_wait3A_263 = arith.constant 0 : i32
                %dma_wait3A_264 = arith.constant 0 : i32
                %dma_wait3A_265 = tpu.memref_slice %arg6[%dma_wait3A_263, %dma_wait3A_264] : memref<10240x128xf32, #tpu.memory_space<hbm>> -> memref<64x128xf32, #tpu.memory_space<hbm>>
                tpu.wait_dma2 semaphore(%arg36 : memref<!tpu.dma_semaphore, #tpu.memory_space<semaphore_mem>>) src(%dma_wait3A_265 : memref<64x128xf32, #tpu.memory_space<hbm>>) dst(%arg32 : memref<64x128xf32, #tpu.memory_space<vmem>>)
              } else {
              }
              %scan3A_210 = arith.constant 0 : i32
              %scan3A_211 = arith.constant 0 : i32
              %scan3A_212 = arith.constant 16 : i32
              %scan3A_213 = arith.addi %scan3A_211, %scan3A_212 : i32
              %scan3A_214 = arith.constant 1 : i32
              %scan3A_215 = scf.for %scan3A_260 = %scan3A_211 to %scan3A_213 step %scan3A_214 iter_args(%scan3A_261 = %scan3A_210) -> (i32)  : i32 {
                %get3A = arith.index_cast %scan3A_260 : i32 to index
                %get3A_262 = arith.constant 384 : index
                %get3A_263 = tpu.vector_load %arg30[%get3A, %get3A_262] {strides = array<i32>} : memref<16x512xf32, #tpu.memory_space<vmem>>, vector<1x16xf32>,
                %get3A_264 = vector.shape_cast %get3A_263 : vector<1x16xf32> to vector<16xf32>
                %get3A_265 = arith.index_cast %scan3A_260 : i32 to index
                %get3A_266 = arith.constant 0 : index
                %get3A_267 = tpu.vector_load %arg28[%get3A_265, %get3A_266] {strides = array<i32>} : memref<16x768xf32, #tpu.memory_space<vmem>>, vector<1x16xf32>,
                %get3A_268 = vector.shape_cast %get3A_267 : vector<1x16xf32> to vector<16xf32>
                %get3A_269 = arith.index_cast %scan3A_260 : i32 to index
                %get3A_270 = arith.constant 0 : index
                %get3A_271 = tpu.vector_load %arg30[%get3A_269, %get3A_270] {strides = array<i32>} : memref<16x512xf32, #tpu.memory_space<vmem>>, vector<1x16xf32>,
                %get3A_272 = vector.shape_cast %get3A_271 : vector<1x16xf32> to vector<16xf32>
                %mul3A_273 = arith.mulf %get3A_268, %get3A_272 : vector<16xf32>
                %swap3A = arith.index_cast %scan3A_260 : i32 to index
                %swap3A_274 = arith.constant 0 : index
                %swap3A_275 = tpu.vector_load %arg32[%swap3A, %swap3A_274] {strides = array<i32>} : memref<64x128xf32, #tpu.memory_space<vmem>>, vector<1x16xf32>,
                %swap3A_276 = vector.shape_cast %swap3A_275 : vector<1x16xf32> to vector<16xf32>
                %swap3A_277 = vector.shape_cast %mul3A_273 : vector<16xf32> to vector<1x16xf32>
                tpu.vector_store %arg32[%swap3A, %swap3A_274], %swap3A_277 {strides = array<i32>} : memref<64x128xf32, #tpu.memory_space<vmem>>, vector<1x16xf32>,
                %get3A_278 = arith.index_cast %scan3A_260 : i32 to index
                %get3A_279 = arith.constant 128 : index
                %get3A_280 = tpu.vector_load %arg28[%get3A_278, %get3A_279] {strides = array<i32>} : memref<16x768xf32, #tpu.memory_space<vmem>>, vector<1x16xf32>,
                %get3A_281 = vector.shape_cast %get3A_280 : vector<1x16xf32> to vector<16xf32>
                %get3A_282 = arith.index_cast %scan3A_260 : i32 to index
                %get3A_283 = arith.constant 128 : index
                %get3A_284 = tpu.vector_load %arg30[%get3A_282, %get3A_283] {strides = array<i32>} : memref<16x512xf32, #tpu.memory_space<vmem>>, vector<1x16xf32>,
                %get3A_285 = vector.shape_cast %get3A_284 : vector<1x16xf32> to vector<16xf32>
                %mul3A_286 = arith.mulf %get3A_281, %get3A_285 : vector<16xf32>
                %get3A_287 = arith.index_cast %scan3A_260 : i32 to index
                %get3A_288 = arith.constant 256 : index
                %get3A_289 = tpu.vector_load %arg28[%get3A_287, %get3A_288] {strides = array<i32>} : memref<16x768xf32, #tpu.memory_space<vmem>>, vector<1x16xf32>,
                %get3A_290 = vector.shape_cast %get3A_289 : vector<1x16xf32> to vector<16xf32>
                %get3A_291 = arith.index_cast %scan3A_260 : i32 to index
                %get3A_292 = arith.constant 256 : index
                %get3A_293 = tpu.vector_load %arg30[%get3A_291, %get3A_292] {strides = array<i32>} : memref<16x512xf32, #tpu.memory_space<vmem>>, vector<1x16xf32>,
                %get3A_294 = vector.shape_cast %get3A_293 : vector<1x16xf32> to vector<16xf32>
                %mul3A_295 = arith.mulf %get3A_290, %get3A_294 : vector<16xf32>
                %get3A_296 = arith.index_cast %scan3A_260 : i32 to index
                %get3A_297 = arith.constant 384 : index
                %get3A_298 = tpu.vector_load %arg28[%get3A_296, %get3A_297] {strides = array<i32>} : memref<16x768xf32, #tpu.memory_space<vmem>>, vector<1x16xf32>,
                %get3A_299 = vector.shape_cast %get3A_298 : vector<1x16xf32> to vector<16xf32>
                %mul3A_300 = arith.mulf %get3A_299, %mul3A_295 : vector<16xf32>
                %slice3A = vector.extract_strided_slice %get3A_264 {offsets = [0], sizes = [1], strides = [1]} : vector<16xf32> to vector<1xf32>
                %squeeze3A = vector.extract %slice3A[0] : f32 from vector<1xf32>
                %mul3A_301 = vector.broadcast %squeeze3A : f32 to vector<16xf32>
                %mul3A_302 = arith.mulf %mul3A_286, %mul3A_301 : vector<16xf32>
                %add3A_303 = arith.addf %mul3A_300, %mul3A_302 : vector<16xf32>
                %add3A_304 = arith.constant 16 : i32
                %add3A_305 = arith.addi %add3A_304, %scan3A_260 : i32
                %swap3A_306 = arith.index_cast %add3A_305 : i32 to index
                %swap3A_307 = arith.constant 0 : index
                %swap3A_308 = tpu.vector_load %arg32[%swap3A_306, %swap3A_307] {strides = array<i32>} : memref<64x128xf32, #tpu.memory_space<vmem>>, vector<1x16xf32>,
                %swap3A_309 = vector.shape_cast %swap3A_308 : vector<1x16xf32> to vector<16xf32>
                %swap3A_310 = vector.shape_cast %add3A_303 : vector<16xf32> to vector<1x16xf32>
                tpu.vector_store %arg32[%swap3A_306, %swap3A_307], %swap3A_310 {strides = array<i32>} : memref<64x128xf32, #tpu.memory_space<vmem>>, vector<1x16xf32>,
                %get3A_311 = arith.index_cast %scan3A_260 : i32 to index
                %get3A_312 = arith.constant 512 : index
                %get3A_313 = tpu.vector_load %arg28[%get3A_311, %get3A_312] {strides = array<i32>} : memref<16x768xf32, #tpu.memory_space<vmem>>, vector<1x16xf32>,
                %get3A_314 = vector.shape_cast %get3A_313 : vector<1x16xf32> to vector<16xf32>
                %mul3A_315 = arith.mulf %get3A_314, %mul3A_295 : vector<16xf32>
                %slice3A_316 = vector.extract_strided_slice %get3A_264 {offsets = [1], sizes = [1], strides = [1]} : vector<16xf32> to vector<1xf32>
                %squeeze3A_317 = vector.extract %slice3A_316[0] : f32 from vector<1xf32>
                %mul3A_318 = vector.broadcast %squeeze3A_317 : f32 to vector<16xf32>
                %mul3A_319 = arith.mulf %mul3A_286, %mul3A_318 : vector<16xf32>
                %add3A_320 = arith.addf %mul3A_315, %mul3A_319 : vector<16xf32>
                %add3A_321 = arith.constant 32 : i32
                %add3A_322 = arith.addi %add3A_321, %scan3A_260 : i32
                %swap3A_323 = arith.index_cast %add3A_322 : i32 to index
                %swap3A_324 = arith.constant 0 : index
                %swap3A_325 = tpu.vector_load %arg32[%swap3A_323, %swap3A_324] {strides = array<i32>} : memref<64x128xf32, #tpu.memory_space<vmem>>, vector<1x16xf32>,
                %swap3A_326 = vector.shape_cast %swap3A_325 : vector<1x16xf32> to vector<16xf32>
                %swap3A_327 = vector.shape_cast %add3A_320 : vector<16xf32> to vector<1x16xf32>
                tpu.vector_store %arg32[%swap3A_323, %swap3A_324], %swap3A_327 {strides = array<i32>} : memref<64x128xf32, #tpu.memory_space<vmem>>, vector<1x16xf32>,
                %get3A_328 = arith.index_cast %scan3A_260 : i32 to index
                %get3A_329 = arith.constant 640 : index
                %get3A_330 = tpu.vector_load %arg28[%get3A_328, %get3A_329] {strides = array<i32>} : memref<16x768xf32, #tpu.memory_space<vmem>>, vector<1x16xf32>,
                %get3A_331 = vector.shape_cast %get3A_330 : vector<1x16xf32> to vector<16xf32>
                %mul3A_332 = arith.mulf %get3A_331, %mul3A_295 : vector<16xf32>
                %slice3A_333 = vector.extract_strided_slice %get3A_264 {offsets = [2], sizes = [1], strides = [1]} : vector<16xf32> to vector<1xf32>
                %squeeze3A_334 = vector.extract %slice3A_333[0] : f32 from vector<1xf32>
                %mul3A_335 = vector.broadcast %squeeze3A_334 : f32 to vector<16xf32>
                %mul3A_336 = arith.mulf %mul3A_286, %mul3A_335 : vector<16xf32>
                %add3A_337 = arith.addf %mul3A_332, %mul3A_336 : vector<16xf32>
                %add3A_338 = arith.constant 48 : i32
                %add3A_339 = arith.addi %add3A_338, %scan3A_260 : i32
                %swap3A_340 = arith.index_cast %add3A_339 : i32 to index
                %swap3A_341 = arith.constant 0 : index
                %swap3A_342 = tpu.vector_load %arg32[%swap3A_340, %swap3A_341] {strides = array<i32>} : memref<64x128xf32, #tpu.memory_space<vmem>>, vector<1x16xf32>,
                %swap3A_343 = vector.shape_cast %swap3A_342 : vector<1x16xf32> to vector<16xf32>
                %swap3A_344 = vector.shape_cast %add3A_337 : vector<16xf32> to vector<1x16xf32>
                tpu.vector_store %arg32[%swap3A_340, %swap3A_341], %swap3A_344 {strides = array<i32>} : memref<64x128xf32, #tpu.memory_space<vmem>>, vector<1x16xf32>,
                %get3A_345 = arith.index_cast %scan3A_260 : i32 to index
                %get3A_346 = arith.constant 16 : index
                %get3A_347 = tpu.vector_load %arg28[%get3A_345, %get3A_346] {strides = array<i32>} : memref<16x768xf32, #tpu.memory_space<vmem>>, vector<1x16xf32>,
                %get3A_348 = vector.shape_cast %get3A_347 : vector<1x16xf32> to vector<16xf32>
                %get3A_349 = arith.index_cast %scan3A_260 : i32 to index
                %get3A_350 = arith.constant 16 : index
                %get3A_351 = tpu.vector_load %arg30[%get3A_349, %get3A_350] {strides = array<i32>} : memref<16x512xf32, #tpu.memory_space<vmem>>, vector<1x16xf32>,
                %get3A_352 = vector.shape_cast %get3A_351 : vector<1x16xf32> to vector<16xf32>
                %mul3A_353 = arith.mulf %get3A_348, %get3A_352 : vector<16xf32>
                %swap3A_354 = arith.index_cast %scan3A_260 : i32 to index
                %swap3A_355 = arith.constant 16 : index
                %swap3A_356 = tpu.vector_load %arg32[%swap3A_354, %swap3A_355] {strides = array<i32>} : memref<64x128xf32, #tpu.memory_space<vmem>>, vector<1x16xf32>,
                %swap3A_357 = vector.shape_cast %swap3A_356 : vector<1x16xf32> to vector<16xf32>
                %swap3A_358 = vector.shape_cast %mul3A_353 : vector<16xf32> to vector<1x16xf32>
                tpu.vector_store %arg32[%swap3A_354, %swap3A_355], %swap3A_358 {strides = array<i32>} : memref<64x128xf32, #tpu.memory_space<vmem>>, vector<1x16xf32>,
                %get3A_359 = arith.index_cast %scan3A_260 : i32 to index
                %get3A_360 = arith.constant 144 : index
                %get3A_361 = tpu.vector_load %arg28[%get3A_359, %get3A_360] {strides = array<i32>} : memref<16x768xf32, #tpu.memory_space<vmem>>, vector<1x16xf32>,
                %get3A_362 = vector.shape_cast %get3A_361 : vector<1x16xf32> to vector<16xf32>
                %get3A_363 = arith.index_cast %scan3A_260 : i32 to index
                %get3A_364 = arith.constant 144 : index
                %get3A_365 = tpu.vector_load %arg30[%get3A_363, %get3A_364] {strides = array<i32>} : memref<16x512xf32, #tpu.memory_space<vmem>>, vector<1x16xf32>,
                %get3A_366 = vector.shape_cast %get3A_365 : vector<1x16xf32> to vector<16xf32>
                %mul3A_367 = arith.mulf %get3A_362, %get3A_366 : vector<16xf32>
                %get3A_368 = arith.index_cast %scan3A_260 : i32 to index
                %get3A_369 = arith.constant 272 : index
                %get3A_370 = tpu.vector_load %arg28[%get3A_368, %get3A_369] {strides = array<i32>} : memref<16x768xf32, #tpu.memory_space<vmem>>, vector<1x16xf32>,
                %get3A_371 = vector.shape_cast %get3A_370 : vector<1x16xf32> to vector<16xf32>
                %get3A_372 = arith.index_cast %scan3A_260 : i32 to index
                %get3A_373 = arith.constant 272 : index
                %get3A_374 = tpu.vector_load %arg30[%get3A_372, %get3A_373] {strides = array<i32>} : memref<16x512xf32, #tpu.memory_space<vmem>>, vector<1x16xf32>,
                %get3A_375 = vector.shape_cast %get3A_374 : vector<1x16xf32> to vector<16xf32>
                %mul3A_376 = arith.mulf %get3A_371, %get3A_375 : vector<16xf32>
                %get3A_377 = arith.index_cast %scan3A_260 : i32 to index
                %get3A_378 = arith.constant 400 : index
                %get3A_379 = tpu.vector_load %arg28[%get3A_377, %get3A_378] {strides = array<i32>} : memref<16x768xf32, #tpu.memory_space<vmem>>, vector<1x16xf32>,
                %get3A_380 = vector.shape_cast %get3A_379 : vector<1x16xf32> to vector<16xf32>
                %mul3A_381 = arith.mulf %get3A_380, %mul3A_376 : vector<16xf32>
                %slice3A_382 = vector.extract_strided_slice %get3A_264 {offsets = [0], sizes = [1], strides = [1]} : vector<16xf32> to vector<1xf32>
                %squeeze3A_383 = vector.extract %slice3A_382[0] : f32 from vector<1xf32>
                %mul3A_384 = vector.broadcast %squeeze3A_383 : f32 to vector<16xf32>
                %mul3A_385 = arith.mulf %mul3A_367, %mul3A_384 : vector<16xf32>
                %add3A_386 = arith.addf %mul3A_381, %mul3A_385 : vector<16xf32>
                %add3A_387 = arith.constant 16 : i32
                %add3A_388 = arith.addi %add3A_387, %scan3A_260 : i32
                %swap3A_389 = arith.index_cast %add3A_388 : i32 to index
                %swap3A_390 = arith.constant 16 : index
                %swap3A_391 = tpu.vector_load %arg32[%swap3A_389, %swap3A_390] {strides = array<i32>} : memref<64x128xf32, #tpu.memory_space<vmem>>, vector<1x16xf32>,
                %swap3A_392 = vector.shape_cast %swap3A_391 : vector<1x16xf32> to vector<16xf32>
                %swap3A_393 = vector.shape_cast %add3A_386 : vector<16xf32> to vector<1x16xf32>
                tpu.vector_store %arg32[%swap3A_389, %swap3A_390], %swap3A_393 {strides = array<i32>} : memref<64x128xf32, #tpu.memory_space<vmem>>, vector<1x16xf32>,
                %get3A_394 = arith.index_cast %scan3A_260 : i32 to index
                %get3A_395 = arith.constant 528 : index
                %get3A_396 = tpu.vector_load %arg28[%get3A_394, %get3A_395] {strides = array<i32>} : memref<16x768xf32, #tpu.memory_space<vmem>>, vector<1x16xf32>,
                %get3A_397 = vector.shape_cast %get3A_396 : vector<1x16xf32> to vector<16xf32>
                %mul3A_398 = arith.mulf %get3A_397, %mul3A_376 : vector<16xf32>
                %slice3A_399 = vector.extract_strided_slice %get3A_264 {offsets = [1], sizes = [1], strides = [1]} : vector<16xf32> to vector<1xf32>
                %squeeze3A_400 = vector.extract %slice3A_399[0] : f32 from vector<1xf32>
                %mul3A_401 = vector.broadcast %squeeze3A_400 : f32 to vector<16xf32>
                %mul3A_402 = arith.mulf %mul3A_367, %mul3A_401 : vector<16xf32>
                %add3A_403 = arith.addf %mul3A_398, %mul3A_402 : vector<16xf32>
                %add3A_404 = arith.constant 32 : i32
                %add3A_405 = arith.addi %add3A_404, %scan3A_260 : i32
                %swap3A_406 = arith.index_cast %add3A_405 : i32 to index
                %swap3A_407 = arith.constant 16 : index
                %swap3A_408 = tpu.vector_load %arg32[%swap3A_406, %swap3A_407] {strides = array<i32>} : memref<64x128xf32, #tpu.memory_space<vmem>>, vector<1x16xf32>,
                %swap3A_409 = vector.shape_cast %swap3A_408 : vector<1x16xf32> to vector<16xf32>
                %swap3A_410 = vector.shape_cast %add3A_403 : vector<16xf32> to vector<1x16xf32>
                tpu.vector_store %arg32[%swap3A_406, %swap3A_407], %swap3A_410 {strides = array<i32>} : memref<64x128xf32, #tpu.memory_space<vmem>>, vector<1x16xf32>,
                %get3A_411 = arith.index_cast %scan3A_260 : i32 to index
                %get3A_412 = arith.constant 656 : index
                %get3A_413 = tpu.vector_load %arg28[%get3A_411, %get3A_412] {strides = array<i32>} : memref<16x768xf32, #tpu.memory_space<vmem>>, vector<1x16xf32>,
                %get3A_414 = vector.shape_cast %get3A_413 : vector<1x16xf32> to vector<16xf32>
                %mul3A_415 = arith.mulf %get3A_414, %mul3A_376 : vector<16xf32>
                %slice3A_416 = vector.extract_strided_slice %get3A_264 {offsets = [2], sizes = [1], strides = [1]} : vector<16xf32> to vector<1xf32>
                %squeeze3A_417 = vector.extract %slice3A_416[0] : f32 from vector<1xf32>
                %mul3A_418 = vector.broadcast %squeeze3A_417 : f32 to vector<16xf32>
                %mul3A_419 = arith.mulf %mul3A_367, %mul3A_418 : vector<16xf32>
                %add3A_420 = arith.addf %mul3A_415, %mul3A_419 : vector<16xf32>
                %add3A_421 = arith.constant 48 : i32
                %add3A_422 = arith.addi %add3A_421, %scan3A_260 : i32
                %swap3A_423 = arith.index_cast %add3A_422 : i32 to index
                %swap3A_424 = arith.constant 16 : index
                %swap3A_425 = tpu.vector_load %arg32[%swap3A_423, %swap3A_424] {strides = array<i32>} : memref<64x128xf32, #tpu.memory_space<vmem>>, vector<1x16xf32>,
                %swap3A_426 = vector.shape_cast %swap3A_425 : vector<1x16xf32> to vector<16xf32>
                %swap3A_427 = vector.shape_cast %add3A_420 : vector<16xf32> to vector<1x16xf32>
                tpu.vector_store %arg32[%swap3A_423, %swap3A_424], %swap3A_427 {strides = array<i32>} : memref<64x128xf32, #tpu.memory_space<vmem>>, vector<1x16xf32>,
                %get3A_428 = arith.index_cast %scan3A_260 : i32 to index
                %get3A_429 = arith.constant 32 : index
                %get3A_430 = tpu.vector_load %arg28[%get3A_428, %get3A_429] {strides = array<i32>} : memref<16x768xf32, #tpu.memory_space<vmem>>, vector<1x16xf32>,
                %get3A_431 = vector.shape_cast %get3A_430 : vector<1x16xf32> to vector<16xf32>
                %get3A_432 = arith.index_cast %scan3A_260 : i32 to index
                %get3A_433 = arith.constant 32 : index
                %get3A_434 = tpu.vector_load %arg30[%get3A_432, %get3A_433] {strides = array<i32>} : memref<16x512xf32, #tpu.memory_space<vmem>>, vector<1x16xf32>,
                %get3A_435 = vector.shape_cast %get3A_434 : vector<1x16xf32> to vector<16xf32>
                %mul3A_436 = arith.mulf %get3A_431, %get3A_435 : vector<16xf32>
                %swap3A_437 = arith.index_cast %scan3A_260 : i32 to index
                %swap3A_438 = arith.constant 32 : index
                %swap3A_439 = tpu.vector_load %arg32[%swap3A_437, %swap3A_438] {strides = array<i32>} : memref<64x128xf32, #tpu.memory_space<vmem>>, vector<1x16xf32>,
                %swap3A_440 = vector.shape_cast %swap3A_439 : vector<1x16xf32> to vector<16xf32>
                %swap3A_441 = vector.shape_cast %mul3A_436 : vector<16xf32> to vector<1x16xf32>
                tpu.vector_store %arg32[%swap3A_437, %swap3A_438], %swap3A_441 {strides = array<i32>} : memref<64x128xf32, #tpu.memory_space<vmem>>, vector<1x16xf32>,
                %get3A_442 = arith.index_cast %scan3A_260 : i32 to index
                %get3A_443 = arith.constant 160 : index
                %get3A_444 = tpu.vector_load %arg28[%get3A_442, %get3A_443] {strides = array<i32>} : memref<16x768xf32, #tpu.memory_space<vmem>>, vector<1x16xf32>,
                %get3A_445 = vector.shape_cast %get3A_444 : vector<1x16xf32> to vector<16xf32>
                %get3A_446 = arith.index_cast %scan3A_260 : i32 to index
                %get3A_447 = arith.constant 160 : index
                %get3A_448 = tpu.vector_load %arg30[%get3A_446, %get3A_447] {strides = array<i32>} : memref<16x512xf32, #tpu.memory_space<vmem>>, vector<1x16xf32>,
                %get3A_449 = vector.shape_cast %get3A_448 : vector<1x16xf32> to vector<16xf32>
                %mul3A_450 = arith.mulf %get3A_445, %get3A_449 : vector<16xf32>
                %get3A_451 = arith.index_cast %scan3A_260 : i32 to index
                %get3A_452 = arith.constant 288 : index
                %get3A_453 = tpu.vector_load %arg28[%get3A_451, %get3A_452] {strides = array<i32>} : memref<16x768xf32, #tpu.memory_space<vmem>>, vector<1x16xf32>,
                %get3A_454 = vector.shape_cast %get3A_453 : vector<1x16xf32> to vector<16xf32>
                %get3A_455 = arith.index_cast %scan3A_260 : i32 to index
                %get3A_456 = arith.constant 288 : index
                %get3A_457 = tpu.vector_load %arg30[%get3A_455, %get3A_456] {strides = array<i32>} : memref<16x512xf32, #tpu.memory_space<vmem>>, vector<1x16xf32>,
                %get3A_458 = vector.shape_cast %get3A_457 : vector<1x16xf32> to vector<16xf32>
                %mul3A_459 = arith.mulf %get3A_454, %get3A_458 : vector<16xf32>
                %get3A_460 = arith.index_cast %scan3A_260 : i32 to index
                %get3A_461 = arith.constant 416 : index
                %get3A_462 = tpu.vector_load %arg28[%get3A_460, %get3A_461] {strides = array<i32>} : memref<16x768xf32, #tpu.memory_space<vmem>>, vector<1x16xf32>,
                %get3A_463 = vector.shape_cast %get3A_462 : vector<1x16xf32> to vector<16xf32>
                %mul3A_464 = arith.mulf %get3A_463, %mul3A_459 : vector<16xf32>
                %slice3A_465 = vector.extract_strided_slice %get3A_264 {offsets = [0], sizes = [1], strides = [1]} : vector<16xf32> to vector<1xf32>
                %squeeze3A_466 = vector.extract %slice3A_465[0] : f32 from vector<1xf32>
                %mul3A_467 = vector.broadcast %squeeze3A_466 : f32 to vector<16xf32>
                %mul3A_468 = arith.mulf %mul3A_450, %mul3A_467 : vector<16xf32>
                %add3A_469 = arith.addf %mul3A_464, %mul3A_468 : vector<16xf32>
                %add3A_470 = arith.constant 16 : i32
                %add3A_471 = arith.addi %add3A_470, %scan3A_260 : i32
                %swap3A_472 = arith.index_cast %add3A_471 : i32 to index
                %swap3A_473 = arith.constant 32 : index
                %swap3A_474 = tpu.vector_load %arg32[%swap3A_472, %swap3A_473] {strides = array<i32>} : memref<64x128xf32, #tpu.memory_space<vmem>>, vector<1x16xf32>,
                %swap3A_475 = vector.shape_cast %swap3A_474 : vector<1x16xf32> to vector<16xf32>
                %swap3A_476 = vector.shape_cast %add3A_469 : vector<16xf32> to vector<1x16xf32>
                tpu.vector_store %arg32[%swap3A_472, %swap3A_473], %swap3A_476 {strides = array<i32>} : memref<64x128xf32, #tpu.memory_space<vmem>>, vector<1x16xf32>,
                %get3A_477 = arith.index_cast %scan3A_260 : i32 to index
                %get3A_478 = arith.constant 544 : index
                %get3A_479 = tpu.vector_load %arg28[%get3A_477, %get3A_478] {strides = array<i32>} : memref<16x768xf32, #tpu.memory_space<vmem>>, vector<1x16xf32>,
                %get3A_480 = vector.shape_cast %get3A_479 : vector<1x16xf32> to vector<16xf32>
                %mul3A_481 = arith.mulf %get3A_480, %mul3A_459 : vector<16xf32>
                %slice3A_482 = vector.extract_strided_slice %get3A_264 {offsets = [1], sizes = [1], strides = [1]} : vector<16xf32> to vector<1xf32>
                %squeeze3A_483 = vector.extract %slice3A_482[0] : f32 from vector<1xf32>
                %mul3A_484 = vector.broadcast %squeeze3A_483 : f32 to vector<16xf32>
                %mul3A_485 = arith.mulf %mul3A_450, %mul3A_484 : vector<16xf32>
                %add3A_486 = arith.addf %mul3A_481, %mul3A_485 : vector<16xf32>
                %add3A_487 = arith.constant 32 : i32
                %add3A_488 = arith.addi %add3A_487, %scan3A_260 : i32
                %swap3A_489 = arith.index_cast %add3A_488 : i32 to index
                %swap3A_490 = arith.constant 32 : index
                %swap3A_491 = tpu.vector_load %arg32[%swap3A_489, %swap3A_490] {strides = array<i32>} : memref<64x128xf32, #tpu.memory_space<vmem>>, vector<1x16xf32>,
                %swap3A_492 = vector.shape_cast %swap3A_491 : vector<1x16xf32> to vector<16xf32>
                %swap3A_493 = vector.shape_cast %add3A_486 : vector<16xf32> to vector<1x16xf32>
                tpu.vector_store %arg32[%swap3A_489, %swap3A_490], %swap3A_493 {strides = array<i32>} : memref<64x128xf32, #tpu.memory_space<vmem>>, vector<1x16xf32>,
                %get3A_494 = arith.index_cast %scan3A_260 : i32 to index
                %get3A_495 = arith.constant 672 : index
                %get3A_496 = tpu.vector_load %arg28[%get3A_494, %get3A_495] {strides = array<i32>} : memref<16x768xf32, #tpu.memory_space<vmem>>, vector<1x16xf32>,
                %get3A_497 = vector.shape_cast %get3A_496 : vector<1x16xf32> to vector<16xf32>
                %mul3A_498 = arith.mulf %get3A_497, %mul3A_459 : vector<16xf32>
                %slice3A_499 = vector.extract_strided_slice %get3A_264 {offsets = [2], sizes = [1], strides = [1]} : vector<16xf32> to vector<1xf32>
                %squeeze3A_500 = vector.extract %slice3A_499[0] : f32 from vector<1xf32>
                %mul3A_501 = vector.broadcast %squeeze3A_500 : f32 to vector<16xf32>
                %mul3A_502 = arith.mulf %mul3A_450, %mul3A_501 : vector<16xf32>
                %add3A_503 = arith.addf %mul3A_498, %mul3A_502 : vector<16xf32>
                %add3A_504 = arith.constant 48 : i32
                %add3A_505 = arith.addi %add3A_504, %scan3A_260 : i32
                %swap3A_506 = arith.index_cast %add3A_505 : i32 to index
                %swap3A_507 = arith.constant 32 : index
                %swap3A_508 = tpu.vector_load %arg32[%swap3A_506, %swap3A_507] {strides = array<i32>} : memref<64x128xf32, #tpu.memory_space<vmem>>, vector<1x16xf32>,
                %swap3A_509 = vector.shape_cast %swap3A_508 : vector<1x16xf32> to vector<16xf32>
                %swap3A_510 = vector.shape_cast %add3A_503 : vector<16xf32> to vector<1x16xf32>
                tpu.vector_store %arg32[%swap3A_506, %swap3A_507], %swap3A_510 {strides = array<i32>} : memref<64x128xf32, #tpu.memory_space<vmem>>, vector<1x16xf32>,
                %get3A_511 = arith.index_cast %scan3A_260 : i32 to index
                %get3A_512 = arith.constant 48 : index
                %get3A_513 = tpu.vector_load %arg28[%get3A_511, %get3A_512] {strides = array<i32>} : memref<16x768xf32, #tpu.memory_space<vmem>>, vector<1x16xf32>,
                %get3A_514 = vector.shape_cast %get3A_513 : vector<1x16xf32> to vector<16xf32>
                %get3A_515 = arith.index_cast %scan3A_260 : i32 to index
                %get3A_516 = arith.constant 48 : index
                %get3A_517 = tpu.vector_load %arg30[%get3A_515, %get3A_516] {strides = array<i32>} : memref<16x512xf32, #tpu.memory_space<vmem>>, vector<1x16xf32>,
                %get3A_518 = vector.shape_cast %get3A_517 : vector<1x16xf32> to vector<16xf32>
                %mul3A_519 = arith.mulf %get3A_514, %get3A_518 : vector<16xf32>
                %swap3A_520 = arith.index_cast %scan3A_260 : i32 to index
                %swap3A_521 = arith.constant 48 : index
                %swap3A_522 = tpu.vector_load %arg32[%swap3A_520, %swap3A_521] {strides = array<i32>} : memref<64x128xf32, #tpu.memory_space<vmem>>, vector<1x16xf32>,
                %swap3A_523 = vector.shape_cast %swap3A_522 : vector<1x16xf32> to vector<16xf32>
                %swap3A_524 = vector.shape_cast %mul3A_519 : vector<16xf32> to vector<1x16xf32>
                tpu.vector_store %arg32[%swap3A_520, %swap3A_521], %swap3A_524 {strides = array<i32>} : memref<64x128xf32, #tpu.memory_space<vmem>>, vector<1x16xf32>,
                %get3A_525 = arith.index_cast %scan3A_260 : i32 to index
                %get3A_526 = arith.constant 176 : index
                %get3A_527 = tpu.vector_load %arg28[%get3A_525, %get3A_526] {strides = array<i32>} : memref<16x768xf32, #tpu.memory_space<vmem>>, vector<1x16xf32>,
                %get3A_528 = vector.shape_cast %get3A_527 : vector<1x16xf32> to vector<16xf32>
                %get3A_529 = arith.index_cast %scan3A_260 : i32 to index
                %get3A_530 = arith.constant 176 : index
                %get3A_531 = tpu.vector_load %arg30[%get3A_529, %get3A_530] {strides = array<i32>} : memref<16x512xf32, #tpu.memory_space<vmem>>, vector<1x16xf32>,
                %get3A_532 = vector.shape_cast %get3A_531 : vector<1x16xf32> to vector<16xf32>
                %mul3A_533 = arith.mulf %get3A_528, %get3A_532 : vector<16xf32>
                %get3A_534 = arith.index_cast %scan3A_260 : i32 to index
                %get3A_535 = arith.constant 304 : index
                %get3A_536 = tpu.vector_load %arg28[%get3A_534, %get3A_535] {strides = array<i32>} : memref<16x768xf32, #tpu.memory_space<vmem>>, vector<1x16xf32>,
                %get3A_537 = vector.shape_cast %get3A_536 : vector<1x16xf32> to vector<16xf32>
                %get3A_538 = arith.index_cast %scan3A_260 : i32 to index
                %get3A_539 = arith.constant 304 : index
                %get3A_540 = tpu.vector_load %arg30[%get3A_538, %get3A_539] {strides = array<i32>} : memref<16x512xf32, #tpu.memory_space<vmem>>, vector<1x16xf32>,
                %get3A_541 = vector.shape_cast %get3A_540 : vector<1x16xf32> to vector<16xf32>
                %mul3A_542 = arith.mulf %get3A_537, %get3A_541 : vector<16xf32>
                %get3A_543 = arith.index_cast %scan3A_260 : i32 to index
                %get3A_544 = arith.constant 432 : index
                %get3A_545 = tpu.vector_load %arg28[%get3A_543, %get3A_544] {strides = array<i32>} : memref<16x768xf32, #tpu.memory_space<vmem>>, vector<1x16xf32>,
                %get3A_546 = vector.shape_cast %get3A_545 : vector<1x16xf32> to vector<16xf32>
                %mul3A_547 = arith.mulf %get3A_546, %mul3A_542 : vector<16xf32>
                %slice3A_548 = vector.extract_strided_slice %get3A_264 {offsets = [0], sizes = [1], strides = [1]} : vector<16xf32> to vector<1xf32>
                %squeeze3A_549 = vector.extract %slice3A_548[0] : f32 from vector<1xf32>
                %mul3A_550 = vector.broadcast %squeeze3A_549 : f32 to vector<16xf32>
                %mul3A_551 = arith.mulf %mul3A_533, %mul3A_550 : vector<16xf32>
                %add3A_552 = arith.addf %mul3A_547, %mul3A_551 : vector<16xf32>
                %add3A_553 = arith.constant 16 : i32
                %add3A_554 = arith.addi %add3A_553, %scan3A_260 : i32
                %swap3A_555 = arith.index_cast %add3A_554 : i32 to index
                %swap3A_556 = arith.constant 48 : index
                %swap3A_557 = tpu.vector_load %arg32[%swap3A_555, %swap3A_556] {strides = array<i32>} : memref<64x128xf32, #tpu.memory_space<vmem>>, vector<1x16xf32>,
                %swap3A_558 = vector.shape_cast %swap3A_557 : vector<1x16xf32> to vector<16xf32>
                %swap3A_559 = vector.shape_cast %add3A_552 : vector<16xf32> to vector<1x16xf32>
                tpu.vector_store %arg32[%swap3A_555, %swap3A_556], %swap3A_559 {strides = array<i32>} : memref<64x128xf32, #tpu.memory_space<vmem>>, vector<1x16xf32>,
                %get3A_560 = arith.index_cast %scan3A_260 : i32 to index
                %get3A_561 = arith.constant 560 : index
                %get3A_562 = tpu.vector_load %arg28[%get3A_560, %get3A_561] {strides = array<i32>} : memref<16x768xf32, #tpu.memory_space<vmem>>, vector<1x16xf32>,
                %get3A_563 = vector.shape_cast %get3A_562 : vector<1x16xf32> to vector<16xf32>
                %mul3A_564 = arith.mulf %get3A_563, %mul3A_542 : vector<16xf32>
                %slice3A_565 = vector.extract_strided_slice %get3A_264 {offsets = [1], sizes = [1], strides = [1]} : vector<16xf32> to vector<1xf32>
                %squeeze3A_566 = vector.extract %slice3A_565[0] : f32 from vector<1xf32>
                %mul3A_567 = vector.broadcast %squeeze3A_566 : f32 to vector<16xf32>
                %mul3A_568 = arith.mulf %mul3A_533, %mul3A_567 : vector<16xf32>
                %add3A_569 = arith.addf %mul3A_564, %mul3A_568 : vector<16xf32>
                %add3A_570 = arith.constant 32 : i32
                %add3A_571 = arith.addi %add3A_570, %scan3A_260 : i32
                %swap3A_572 = arith.index_cast %add3A_571 : i32 to index
                %swap3A_573 = arith.constant 48 : index
                %swap3A_574 = tpu.vector_load %arg32[%swap3A_572, %swap3A_573] {strides = array<i32>} : memref<64x128xf32, #tpu.memory_space<vmem>>, vector<1x16xf32>,
                %swap3A_575 = vector.shape_cast %swap3A_574 : vector<1x16xf32> to vector<16xf32>
                %swap3A_576 = vector.shape_cast %add3A_569 : vector<16xf32> to vector<1x16xf32>
                tpu.vector_store %arg32[%swap3A_572, %swap3A_573], %swap3A_576 {strides = array<i32>} : memref<64x128xf32, #tpu.memory_space<vmem>>, vector<1x16xf32>,
                %get3A_577 = arith.index_cast %scan3A_260 : i32 to index
                %get3A_578 = arith.constant 688 : index
                %get3A_579 = tpu.vector_load %arg28[%get3A_577, %get3A_578] {strides = array<i32>} : memref<16x768xf32, #tpu.memory_space<vmem>>, vector<1x16xf32>,
                %get3A_580 = vector.shape_cast %get3A_579 : vector<1x16xf32> to vector<16xf32>
                %mul3A_581 = arith.mulf %get3A_580, %mul3A_542 : vector<16xf32>
                %slice3A_582 = vector.extract_strided_slice %get3A_264 {offsets = [2], sizes = [1], strides = [1]} : vector<16xf32> to vector<1xf32>
                %squeeze3A_583 = vector.extract %slice3A_582[0] : f32 from vector<1xf32>
                %mul3A_584 = vector.broadcast %squeeze3A_583 : f32 to vector<16xf32>
                %mul3A_585 = arith.mulf %mul3A_533, %mul3A_584 : vector<16xf32>
                %add3A_586 = arith.addf %mul3A_581, %mul3A_585 : vector<16xf32>
                %add3A_587 = arith.constant 48 : i32
                %add3A_588 = arith.addi %add3A_587, %scan3A_260 : i32
                %swap3A_589 = arith.index_cast %add3A_588 : i32 to index
                %swap3A_590 = arith.constant 48 : index
                %swap3A_591 = tpu.vector_load %arg32[%swap3A_589, %swap3A_590] {strides = array<i32>} : memref<64x128xf32, #tpu.memory_space<vmem>>, vector<1x16xf32>,
                %swap3A_592 = vector.shape_cast %swap3A_591 : vector<1x16xf32> to vector<16xf32>
                %swap3A_593 = vector.shape_cast %add3A_586 : vector<16xf32> to vector<1x16xf32>
                tpu.vector_store %arg32[%swap3A_589, %swap3A_590], %swap3A_593 {strides = array<i32>} : memref<64x128xf32, #tpu.memory_space<vmem>>, vector<1x16xf32>,
                %get3A_594 = arith.index_cast %scan3A_260 : i32 to index
                %get3A_595 = arith.constant 64 : index
                %get3A_596 = tpu.vector_load %arg28[%get3A_594, %get3A_595] {strides = array<i32>} : memref<16x768xf32, #tpu.memory_space<vmem>>, vector<1x16xf32>,
                %get3A_597 = vector.shape_cast %get3A_596 : vector<1x16xf32> to vector<16xf32>
                %get3A_598 = arith.index_cast %scan3A_260 : i32 to index
                %get3A_599 = arith.constant 64 : index
                %get3A_600 = tpu.vector_load %arg30[%get3A_598, %get3A_599] {strides = array<i32>} : memref<16x512xf32, #tpu.memory_space<vmem>>, vector<1x16xf32>,
                %get3A_601 = vector.shape_cast %get3A_600 : vector<1x16xf32> to vector<16xf32>
                %mul3A_602 = arith.mulf %get3A_597, %get3A_601 : vector<16xf32>
                %swap3A_603 = arith.index_cast %scan3A_260 : i32 to index
                %swap3A_604 = arith.constant 64 : index
                %swap3A_605 = tpu.vector_load %arg32[%swap3A_603, %swap3A_604] {strides = array<i32>} : memref<64x128xf32, #tpu.memory_space<vmem>>, vector<1x16xf32>,
                %swap3A_606 = vector.shape_cast %swap3A_605 : vector<1x16xf32> to vector<16xf32>
                %swap3A_607 = vector.shape_cast %mul3A_602 : vector<16xf32> to vector<1x16xf32>
                tpu.vector_store %arg32[%swap3A_603, %swap3A_604], %swap3A_607 {strides = array<i32>} : memref<64x128xf32, #tpu.memory_space<vmem>>, vector<1x16xf32>,
                %get3A_608 = arith.index_cast %scan3A_260 : i32 to index
                %get3A_609 = arith.constant 192 : index
                %get3A_610 = tpu.vector_load %arg28[%get3A_608, %get3A_609] {strides = array<i32>} : memref<16x768xf32, #tpu.memory_space<vmem>>, vector<1x16xf32>,
                %get3A_611 = vector.shape_cast %get3A_610 : vector<1x16xf32> to vector<16xf32>
                %get3A_612 = arith.index_cast %scan3A_260 : i32 to index
                %get3A_613 = arith.constant 192 : index
                %get3A_614 = tpu.vector_load %arg30[%get3A_612, %get3A_613] {strides = array<i32>} : memref<16x512xf32, #tpu.memory_space<vmem>>, vector<1x16xf32>,
                %get3A_615 = vector.shape_cast %get3A_614 : vector<1x16xf32> to vector<16xf32>
                %mul3A_616 = arith.mulf %get3A_611, %get3A_615 : vector<16xf32>
                %get3A_617 = arith.index_cast %scan3A_260 : i32 to index
                %get3A_618 = arith.constant 320 : index
                %get3A_619 = tpu.vector_load %arg28[%get3A_617, %get3A_618] {strides = array<i32>} : memref<16x768xf32, #tpu.memory_space<vmem>>, vector<1x16xf32>,
                %get3A_620 = vector.shape_cast %get3A_619 : vector<1x16xf32> to vector<16xf32>
                %get3A_621 = arith.index_cast %scan3A_260 : i32 to index
                %get3A_622 = arith.constant 320 : index
                %get3A_623 = tpu.vector_load %arg30[%get3A_621, %get3A_622] {strides = array<i32>} : memref<16x512xf32, #tpu.memory_space<vmem>>, vector<1x16xf32>,
                %get3A_624 = vector.shape_cast %get3A_623 : vector<1x16xf32> to vector<16xf32>
                %mul3A_625 = arith.mulf %get3A_620, %get3A_624 : vector<16xf32>
                %get3A_626 = arith.index_cast %scan3A_260 : i32 to index
                %get3A_627 = arith.constant 448 : index
                %get3A_628 = tpu.vector_load %arg28[%get3A_626, %get3A_627] {strides = array<i32>} : memref<16x768xf32, #tpu.memory_space<vmem>>, vector<1x16xf32>,
                %get3A_629 = vector.shape_cast %get3A_628 : vector<1x16xf32> to vector<16xf32>
                %mul3A_630 = arith.mulf %get3A_629, %mul3A_625 : vector<16xf32>
                %slice3A_631 = vector.extract_strided_slice %get3A_264 {offsets = [0], sizes = [1], strides = [1]} : vector<16xf32> to vector<1xf32>
                %squeeze3A_632 = vector.extract %slice3A_631[0] : f32 from vector<1xf32>
                %mul3A_633 = vector.broadcast %squeeze3A_632 : f32 to vector<16xf32>
                %mul3A_634 = arith.mulf %mul3A_616, %mul3A_633 : vector<16xf32>
                %add3A_635 = arith.addf %mul3A_630, %mul3A_634 : vector<16xf32>
                %add3A_636 = arith.constant 16 : i32
                %add3A_637 = arith.addi %add3A_636, %scan3A_260 : i32
                %swap3A_638 = arith.index_cast %add3A_637 : i32 to index
                %swap3A_639 = arith.constant 64 : index
                %swap3A_640 = tpu.vector_load %arg32[%swap3A_638, %swap3A_639] {strides = array<i32>} : memref<64x128xf32, #tpu.memory_space<vmem>>, vector<1x16xf32>,
                %swap3A_641 = vector.shape_cast %swap3A_640 : vector<1x16xf32> to vector<16xf32>
                %swap3A_642 = vector.shape_cast %add3A_635 : vector<16xf32> to vector<1x16xf32>
                tpu.vector_store %arg32[%swap3A_638, %swap3A_639], %swap3A_642 {strides = array<i32>} : memref<64x128xf32, #tpu.memory_space<vmem>>, vector<1x16xf32>,
                %get3A_643 = arith.index_cast %scan3A_260 : i32 to index
                %get3A_644 = arith.constant 576 : index
                %get3A_645 = tpu.vector_load %arg28[%get3A_643, %get3A_644] {strides = array<i32>} : memref<16x768xf32, #tpu.memory_space<vmem>>, vector<1x16xf32>,
                %get3A_646 = vector.shape_cast %get3A_645 : vector<1x16xf32> to vector<16xf32>
                %mul3A_647 = arith.mulf %get3A_646, %mul3A_625 : vector<16xf32>
                %slice3A_648 = vector.extract_strided_slice %get3A_264 {offsets = [1], sizes = [1], strides = [1]} : vector<16xf32> to vector<1xf32>
                %squeeze3A_649 = vector.extract %slice3A_648[0] : f32 from vector<1xf32>
                %mul3A_650 = vector.broadcast %squeeze3A_649 : f32 to vector<16xf32>
                %mul3A_651 = arith.mulf %mul3A_616, %mul3A_650 : vector<16xf32>
                %add3A_652 = arith.addf %mul3A_647, %mul3A_651 : vector<16xf32>
                %add3A_653 = arith.constant 32 : i32
                %add3A_654 = arith.addi %add3A_653, %scan3A_260 : i32
                %swap3A_655 = arith.index_cast %add3A_654 : i32 to index
                %swap3A_656 = arith.constant 64 : index
                %swap3A_657 = tpu.vector_load %arg32[%swap3A_655, %swap3A_656] {strides = array<i32>} : memref<64x128xf32, #tpu.memory_space<vmem>>, vector<1x16xf32>,
                %swap3A_658 = vector.shape_cast %swap3A_657 : vector<1x16xf32> to vector<16xf32>
                %swap3A_659 = vector.shape_cast %add3A_652 : vector<16xf32> to vector<1x16xf32>
                tpu.vector_store %arg32[%swap3A_655, %swap3A_656], %swap3A_659 {strides = array<i32>} : memref<64x128xf32, #tpu.memory_space<vmem>>, vector<1x16xf32>,
                %get3A_660 = arith.index_cast %scan3A_260 : i32 to index
                %get3A_661 = arith.constant 704 : index
                %get3A_662 = tpu.vector_load %arg28[%get3A_660, %get3A_661] {strides = array<i32>} : memref<16x768xf32, #tpu.memory_space<vmem>>, vector<1x16xf32>,
                %get3A_663 = vector.shape_cast %get3A_662 : vector<1x16xf32> to vector<16xf32>
                %mul3A_664 = arith.mulf %get3A_663, %mul3A_625 : vector<16xf32>
                %slice3A_665 = vector.extract_strided_slice %get3A_264 {offsets = [2], sizes = [1], strides = [1]} : vector<16xf32> to vector<1xf32>
                %squeeze3A_666 = vector.extract %slice3A_665[0] : f32 from vector<1xf32>
                %mul3A_667 = vector.broadcast %squeeze3A_666 : f32 to vector<16xf32>
                %mul3A_668 = arith.mulf %mul3A_616, %mul3A_667 : vector<16xf32>
                %add3A_669 = arith.addf %mul3A_664, %mul3A_668 : vector<16xf32>
                %add3A_670 = arith.constant 48 : i32
                %add3A_671 = arith.addi %add3A_670, %scan3A_260 : i32
                %swap3A_672 = arith.index_cast %add3A_671 : i32 to index
                %swap3A_673 = arith.constant 64 : index
                %swap3A_674 = tpu.vector_load %arg32[%swap3A_672, %swap3A_673] {strides = array<i32>} : memref<64x128xf32, #tpu.memory_space<vmem>>, vector<1x16xf32>,
                %swap3A_675 = vector.shape_cast %swap3A_674 : vector<1x16xf32> to vector<16xf32>
                %swap3A_676 = vector.shape_cast %add3A_669 : vector<16xf32> to vector<1x16xf32>
                tpu.vector_store %arg32[%swap3A_672, %swap3A_673], %swap3A_676 {strides = array<i32>} : memref<64x128xf32, #tpu.memory_space<vmem>>, vector<1x16xf32>,
                %get3A_677 = arith.index_cast %scan3A_260 : i32 to index
                %get3A_678 = arith.constant 80 : index
                %get3A_679 = tpu.vector_load %arg28[%get3A_677, %get3A_678] {strides = array<i32>} : memref<16x768xf32, #tpu.memory_space<vmem>>, vector<1x16xf32>,
                %get3A_680 = vector.shape_cast %get3A_679 : vector<1x16xf32> to vector<16xf32>
                %get3A_681 = arith.index_cast %scan3A_260 : i32 to index
                %get3A_682 = arith.constant 80 : index
                %get3A_683 = tpu.vector_load %arg30[%get3A_681, %get3A_682] {strides = array<i32>} : memref<16x512xf32, #tpu.memory_space<vmem>>, vector<1x16xf32>,
                %get3A_684 = vector.shape_cast %get3A_683 : vector<1x16xf32> to vector<16xf32>
                %mul3A_685 = arith.mulf %get3A_680, %get3A_684 : vector<16xf32>
                %swap3A_686 = arith.index_cast %scan3A_260 : i32 to index
                %swap3A_687 = arith.constant 80 : index
                %swap3A_688 = tpu.vector_load %arg32[%swap3A_686, %swap3A_687] {strides = array<i32>} : memref<64x128xf32, #tpu.memory_space<vmem>>, vector<1x16xf32>,
                %swap3A_689 = vector.shape_cast %swap3A_688 : vector<1x16xf32> to vector<16xf32>
                %swap3A_690 = vector.shape_cast %mul3A_685 : vector<16xf32> to vector<1x16xf32>
                tpu.vector_store %arg32[%swap3A_686, %swap3A_687], %swap3A_690 {strides = array<i32>} : memref<64x128xf32, #tpu.memory_space<vmem>>, vector<1x16xf32>,
                %get3A_691 = arith.index_cast %scan3A_260 : i32 to index
                %get3A_692 = arith.constant 208 : index
                %get3A_693 = tpu.vector_load %arg28[%get3A_691, %get3A_692] {strides = array<i32>} : memref<16x768xf32, #tpu.memory_space<vmem>>, vector<1x16xf32>,
                %get3A_694 = vector.shape_cast %get3A_693 : vector<1x16xf32> to vector<16xf32>
                %get3A_695 = arith.index_cast %scan3A_260 : i32 to index
                %get3A_696 = arith.constant 208 : index
                %get3A_697 = tpu.vector_load %arg30[%get3A_695, %get3A_696] {strides = array<i32>} : memref<16x512xf32, #tpu.memory_space<vmem>>, vector<1x16xf32>,
                %get3A_698 = vector.shape_cast %get3A_697 : vector<1x16xf32> to vector<16xf32>
                %mul3A_699 = arith.mulf %get3A_694, %get3A_698 : vector<16xf32>
                %get3A_700 = arith.index_cast %scan3A_260 : i32 to index
                %get3A_701 = arith.constant 336 : index
                %get3A_702 = tpu.vector_load %arg28[%get3A_700, %get3A_701] {strides = array<i32>} : memref<16x768xf32, #tpu.memory_space<vmem>>, vector<1x16xf32>,
                %get3A_703 = vector.shape_cast %get3A_702 : vector<1x16xf32> to vector<16xf32>
                %get3A_704 = arith.index_cast %scan3A_260 : i32 to index
                %get3A_705 = arith.constant 336 : index
                %get3A_706 = tpu.vector_load %arg30[%get3A_704, %get3A_705] {strides = array<i32>} : memref<16x512xf32, #tpu.memory_space<vmem>>, vector<1x16xf32>,
                %get3A_707 = vector.shape_cast %get3A_706 : vector<1x16xf32> to vector<16xf32>
                %mul3A_708 = arith.mulf %get3A_703, %get3A_707 : vector<16xf32>
                %get3A_709 = arith.index_cast %scan3A_260 : i32 to index
                %get3A_710 = arith.constant 464 : index
                %get3A_711 = tpu.vector_load %arg28[%get3A_709, %get3A_710] {strides = array<i32>} : memref<16x768xf32, #tpu.memory_space<vmem>>, vector<1x16xf32>,
                %get3A_712 = vector.shape_cast %get3A_711 : vector<1x16xf32> to vector<16xf32>
                %mul3A_713 = arith.mulf %get3A_712, %mul3A_708 : vector<16xf32>
                %slice3A_714 = vector.extract_strided_slice %get3A_264 {offsets = [0], sizes = [1], strides = [1]} : vector<16xf32> to vector<1xf32>
                %squeeze3A_715 = vector.extract %slice3A_714[0] : f32 from vector<1xf32>
                %mul3A_716 = vector.broadcast %squeeze3A_715 : f32 to vector<16xf32>
                %mul3A_717 = arith.mulf %mul3A_699, %mul3A_716 : vector<16xf32>
                %add3A_718 = arith.addf %mul3A_713, %mul3A_717 : vector<16xf32>
                %add3A_719 = arith.constant 16 : i32
                %add3A_720 = arith.addi %add3A_719, %scan3A_260 : i32
                %swap3A_721 = arith.index_cast %add3A_720 : i32 to index
                %swap3A_722 = arith.constant 80 : index
                %swap3A_723 = tpu.vector_load %arg32[%swap3A_721, %swap3A_722] {strides = array<i32>} : memref<64x128xf32, #tpu.memory_space<vmem>>, vector<1x16xf32>,
                %swap3A_724 = vector.shape_cast %swap3A_723 : vector<1x16xf32> to vector<16xf32>
                %swap3A_725 = vector.shape_cast %add3A_718 : vector<16xf32> to vector<1x16xf32>
                tpu.vector_store %arg32[%swap3A_721, %swap3A_722], %swap3A_725 {strides = array<i32>} : memref<64x128xf32, #tpu.memory_space<vmem>>, vector<1x16xf32>,
                %get3A_726 = arith.index_cast %scan3A_260 : i32 to index
                %get3A_727 = arith.constant 592 : index
                %get3A_728 = tpu.vector_load %arg28[%get3A_726, %get3A_727] {strides = array<i32>} : memref<16x768xf32, #tpu.memory_space<vmem>>, vector<1x16xf32>,
                %get3A_729 = vector.shape_cast %get3A_728 : vector<1x16xf32> to vector<16xf32>
                %mul3A_730 = arith.mulf %get3A_729, %mul3A_708 : vector<16xf32>
                %slice3A_731 = vector.extract_strided_slice %get3A_264 {offsets = [1], sizes = [1], strides = [1]} : vector<16xf32> to vector<1xf32>
                %squeeze3A_732 = vector.extract %slice3A_731[0] : f32 from vector<1xf32>
                %mul3A_733 = vector.broadcast %squeeze3A_732 : f32 to vector<16xf32>
                %mul3A_734 = arith.mulf %mul3A_699, %mul3A_733 : vector<16xf32>
                %add3A_735 = arith.addf %mul3A_730, %mul3A_734 : vector<16xf32>
                %add3A_736 = arith.constant 32 : i32
                %add3A_737 = arith.addi %add3A_736, %scan3A_260 : i32
                %swap3A_738 = arith.index_cast %add3A_737 : i32 to index
                %swap3A_739 = arith.constant 80 : index
                %swap3A_740 = tpu.vector_load %arg32[%swap3A_738, %swap3A_739] {strides = array<i32>} : memref<64x128xf32, #tpu.memory_space<vmem>>, vector<1x16xf32>,
                %swap3A_741 = vector.shape_cast %swap3A_740 : vector<1x16xf32> to vector<16xf32>
                %swap3A_742 = vector.shape_cast %add3A_735 : vector<16xf32> to vector<1x16xf32>
                tpu.vector_store %arg32[%swap3A_738, %swap3A_739], %swap3A_742 {strides = array<i32>} : memref<64x128xf32, #tpu.memory_space<vmem>>, vector<1x16xf32>,
                %get3A_743 = arith.index_cast %scan3A_260 : i32 to index
                %get3A_744 = arith.constant 720 : index
                %get3A_745 = tpu.vector_load %arg28[%get3A_743, %get3A_744] {strides = array<i32>} : memref<16x768xf32, #tpu.memory_space<vmem>>, vector<1x16xf32>,
                %get3A_746 = vector.shape_cast %get3A_745 : vector<1x16xf32> to vector<16xf32>
                %mul3A_747 = arith.mulf %get3A_746, %mul3A_708 : vector<16xf32>
                %slice3A_748 = vector.extract_strided_slice %get3A_264 {offsets = [2], sizes = [1], strides = [1]} : vector<16xf32> to vector<1xf32>
                %squeeze3A_749 = vector.extract %slice3A_748[0] : f32 from vector<1xf32>
                %mul3A_750 = vector.broadcast %squeeze3A_749 : f32 to vector<16xf32>
                %mul3A_751 = arith.mulf %mul3A_699, %mul3A_750 : vector<16xf32>
                %add3A_752 = arith.addf %mul3A_747, %mul3A_751 : vector<16xf32>
                %add3A_753 = arith.constant 48 : i32
                %add3A_754 = arith.addi %add3A_753, %scan3A_260 : i32
                %swap3A_755 = arith.index_cast %add3A_754 : i32 to index
                %swap3A_756 = arith.constant 80 : index
                %swap3A_757 = tpu.vector_load %arg32[%swap3A_755, %swap3A_756] {strides = array<i32>} : memref<64x128xf32, #tpu.memory_space<vmem>>, vector<1x16xf32>,
                %swap3A_758 = vector.shape_cast %swap3A_757 : vector<1x16xf32> to vector<16xf32>
                %swap3A_759 = vector.shape_cast %add3A_752 : vector<16xf32> to vector<1x16xf32>
                tpu.vector_store %arg32[%swap3A_755, %swap3A_756], %swap3A_759 {strides = array<i32>} : memref<64x128xf32, #tpu.memory_space<vmem>>, vector<1x16xf32>,
                %get3A_760 = arith.index_cast %scan3A_260 : i32 to index
                %get3A_761 = arith.constant 96 : index
                %get3A_762 = tpu.vector_load %arg28[%get3A_760, %get3A_761] {strides = array<i32>} : memref<16x768xf32, #tpu.memory_space<vmem>>, vector<1x16xf32>,
                %get3A_763 = vector.shape_cast %get3A_762 : vector<1x16xf32> to vector<16xf32>
                %get3A_764 = arith.index_cast %scan3A_260 : i32 to index
                %get3A_765 = arith.constant 96 : index
                %get3A_766 = tpu.vector_load %arg30[%get3A_764, %get3A_765] {strides = array<i32>} : memref<16x512xf32, #tpu.memory_space<vmem>>, vector<1x16xf32>,
                %get3A_767 = vector.shape_cast %get3A_766 : vector<1x16xf32> to vector<16xf32>
                %mul3A_768 = arith.mulf %get3A_763, %get3A_767 : vector<16xf32>
                %swap3A_769 = arith.index_cast %scan3A_260 : i32 to index
                %swap3A_770 = arith.constant 96 : index
                %swap3A_771 = tpu.vector_load %arg32[%swap3A_769, %swap3A_770] {strides = array<i32>} : memref<64x128xf32, #tpu.memory_space<vmem>>, vector<1x16xf32>,
                %swap3A_772 = vector.shape_cast %swap3A_771 : vector<1x16xf32> to vector<16xf32>
                %swap3A_773 = vector.shape_cast %mul3A_768 : vector<16xf32> to vector<1x16xf32>
                tpu.vector_store %arg32[%swap3A_769, %swap3A_770], %swap3A_773 {strides = array<i32>} : memref<64x128xf32, #tpu.memory_space<vmem>>, vector<1x16xf32>,
                %get3A_774 = arith.index_cast %scan3A_260 : i32 to index
                %get3A_775 = arith.constant 224 : index
                %get3A_776 = tpu.vector_load %arg28[%get3A_774, %get3A_775] {strides = array<i32>} : memref<16x768xf32, #tpu.memory_space<vmem>>, vector<1x16xf32>,
                %get3A_777 = vector.shape_cast %get3A_776 : vector<1x16xf32> to vector<16xf32>
                %get3A_778 = arith.index_cast %scan3A_260 : i32 to index
                %get3A_779 = arith.constant 224 : index
                %get3A_780 = tpu.vector_load %arg30[%get3A_778, %get3A_779] {strides = array<i32>} : memref<16x512xf32, #tpu.memory_space<vmem>>, vector<1x16xf32>,
                %get3A_781 = vector.shape_cast %get3A_780 : vector<1x16xf32> to vector<16xf32>
                %mul3A_782 = arith.mulf %get3A_777, %get3A_781 : vector<16xf32>
                %get3A_783 = arith.index_cast %scan3A_260 : i32 to index
                %get3A_784 = arith.constant 352 : index
                %get3A_785 = tpu.vector_load %arg28[%get3A_783, %get3A_784] {strides = array<i32>} : memref<16x768xf32, #tpu.memory_space<vmem>>, vector<1x16xf32>,
                %get3A_786 = vector.shape_cast %get3A_785 : vector<1x16xf32> to vector<16xf32>
                %get3A_787 = arith.index_cast %scan3A_260 : i32 to index
                %get3A_788 = arith.constant 352 : index
                %get3A_789 = tpu.vector_load %arg30[%get3A_787, %get3A_788] {strides = array<i32>} : memref<16x512xf32, #tpu.memory_space<vmem>>, vector<1x16xf32>,
                %get3A_790 = vector.shape_cast %get3A_789 : vector<1x16xf32> to vector<16xf32>
                %mul3A_791 = arith.mulf %get3A_786, %get3A_790 : vector<16xf32>
                %get3A_792 = arith.index_cast %scan3A_260 : i32 to index
                %get3A_793 = arith.constant 480 : index
                %get3A_794 = tpu.vector_load %arg28[%get3A_792, %get3A_793] {strides = array<i32>} : memref<16x768xf32, #tpu.memory_space<vmem>>, vector<1x16xf32>,
                %get3A_795 = vector.shape_cast %get3A_794 : vector<1x16xf32> to vector<16xf32>
                %mul3A_796 = arith.mulf %get3A_795, %mul3A_791 : vector<16xf32>
                %slice3A_797 = vector.extract_strided_slice %get3A_264 {offsets = [0], sizes = [1], strides = [1]} : vector<16xf32> to vector<1xf32>
                %squeeze3A_798 = vector.extract %slice3A_797[0] : f32 from vector<1xf32>
                %mul3A_799 = vector.broadcast %squeeze3A_798 : f32 to vector<16xf32>
                %mul3A_800 = arith.mulf %mul3A_782, %mul3A_799 : vector<16xf32>
                %add3A_801 = arith.addf %mul3A_796, %mul3A_800 : vector<16xf32>
                %add3A_802 = arith.constant 16 : i32
                %add3A_803 = arith.addi %add3A_802, %scan3A_260 : i32
                %swap3A_804 = arith.index_cast %add3A_803 : i32 to index
                %swap3A_805 = arith.constant 96 : index
                %swap3A_806 = tpu.vector_load %arg32[%swap3A_804, %swap3A_805] {strides = array<i32>} : memref<64x128xf32, #tpu.memory_space<vmem>>, vector<1x16xf32>,
                %swap3A_807 = vector.shape_cast %swap3A_806 : vector<1x16xf32> to vector<16xf32>
                %swap3A_808 = vector.shape_cast %add3A_801 : vector<16xf32> to vector<1x16xf32>
                tpu.vector_store %arg32[%swap3A_804, %swap3A_805], %swap3A_808 {strides = array<i32>} : memref<64x128xf32, #tpu.memory_space<vmem>>, vector<1x16xf32>,
                %get3A_809 = arith.index_cast %scan3A_260 : i32 to index
                %get3A_810 = arith.constant 608 : index
                %get3A_811 = tpu.vector_load %arg28[%get3A_809, %get3A_810] {strides = array<i32>} : memref<16x768xf32, #tpu.memory_space<vmem>>, vector<1x16xf32>,
                %get3A_812 = vector.shape_cast %get3A_811 : vector<1x16xf32> to vector<16xf32>
                %mul3A_813 = arith.mulf %get3A_812, %mul3A_791 : vector<16xf32>
                %slice3A_814 = vector.extract_strided_slice %get3A_264 {offsets = [1], sizes = [1], strides = [1]} : vector<16xf32> to vector<1xf32>
                %squeeze3A_815 = vector.extract %slice3A_814[0] : f32 from vector<1xf32>
                %mul3A_816 = vector.broadcast %squeeze3A_815 : f32 to vector<16xf32>
                %mul3A_817 = arith.mulf %mul3A_782, %mul3A_816 : vector<16xf32>
                %add3A_818 = arith.addf %mul3A_813, %mul3A_817 : vector<16xf32>
                %add3A_819 = arith.constant 32 : i32
                %add3A_820 = arith.addi %add3A_819, %scan3A_260 : i32
                %swap3A_821 = arith.index_cast %add3A_820 : i32 to index
                %swap3A_822 = arith.constant 96 : index
                %swap3A_823 = tpu.vector_load %arg32[%swap3A_821, %swap3A_822] {strides = array<i32>} : memref<64x128xf32, #tpu.memory_space<vmem>>, vector<1x16xf32>,
                %swap3A_824 = vector.shape_cast %swap3A_823 : vector<1x16xf32> to vector<16xf32>
                %swap3A_825 = vector.shape_cast %add3A_818 : vector<16xf32> to vector<1x16xf32>
                tpu.vector_store %arg32[%swap3A_821, %swap3A_822], %swap3A_825 {strides = array<i32>} : memref<64x128xf32, #tpu.memory_space<vmem>>, vector<1x16xf32>,
                %get3A_826 = arith.index_cast %scan3A_260 : i32 to index
                %get3A_827 = arith.constant 736 : index
                %get3A_828 = tpu.vector_load %arg28[%get3A_826, %get3A_827] {strides = array<i32>} : memref<16x768xf32, #tpu.memory_space<vmem>>, vector<1x16xf32>,
                %get3A_829 = vector.shape_cast %get3A_828 : vector<1x16xf32> to vector<16xf32>
                %mul3A_830 = arith.mulf %get3A_829, %mul3A_791 : vector<16xf32>
                %slice3A_831 = vector.extract_strided_slice %get3A_264 {offsets = [2], sizes = [1], strides = [1]} : vector<16xf32> to vector<1xf32>
                %squeeze3A_832 = vector.extract %slice3A_831[0] : f32 from vector<1xf32>
                %mul3A_833 = vector.broadcast %squeeze3A_832 : f32 to vector<16xf32>
                %mul3A_834 = arith.mulf %mul3A_782, %mul3A_833 : vector<16xf32>
                %add3A_835 = arith.addf %mul3A_830, %mul3A_834 : vector<16xf32>
                %add3A_836 = arith.constant 48 : i32
                %add3A_837 = arith.addi %add3A_836, %scan3A_260 : i32
                %swap3A_838 = arith.index_cast %add3A_837 : i32 to index
                %swap3A_839 = arith.constant 96 : index
                %swap3A_840 = tpu.vector_load %arg32[%swap3A_838, %swap3A_839] {strides = array<i32>} : memref<64x128xf32, #tpu.memory_space<vmem>>, vector<1x16xf32>,
                %swap3A_841 = vector.shape_cast %swap3A_840 : vector<1x16xf32> to vector<16xf32>
                %swap3A_842 = vector.shape_cast %add3A_835 : vector<16xf32> to vector<1x16xf32>
                tpu.vector_store %arg32[%swap3A_838, %swap3A_839], %swap3A_842 {strides = array<i32>} : memref<64x128xf32, #tpu.memory_space<vmem>>, vector<1x16xf32>,
                %get3A_843 = arith.index_cast %scan3A_260 : i32 to index
                %get3A_844 = arith.constant 112 : index
                %get3A_845 = tpu.vector_load %arg28[%get3A_843, %get3A_844] {strides = array<i32>} : memref<16x768xf32, #tpu.memory_space<vmem>>, vector<1x16xf32>,
                %get3A_846 = vector.shape_cast %get3A_845 : vector<1x16xf32> to vector<16xf32>
                %get3A_847 = arith.index_cast %scan3A_260 : i32 to index
                %get3A_848 = arith.constant 112 : index
                %get3A_849 = tpu.vector_load %arg30[%get3A_847, %get3A_848] {strides = array<i32>} : memref<16x512xf32, #tpu.memory_space<vmem>>, vector<1x16xf32>,
                %get3A_850 = vector.shape_cast %get3A_849 : vector<1x16xf32> to vector<16xf32>
                %mul3A_851 = arith.mulf %get3A_846, %get3A_850 : vector<16xf32>
                %swap3A_852 = arith.index_cast %scan3A_260 : i32 to index
                %swap3A_853 = arith.constant 112 : index
                %swap3A_854 = tpu.vector_load %arg32[%swap3A_852, %swap3A_853] {strides = array<i32>} : memref<64x128xf32, #tpu.memory_space<vmem>>, vector<1x16xf32>,
                %swap3A_855 = vector.shape_cast %swap3A_854 : vector<1x16xf32> to vector<16xf32>
                %swap3A_856 = vector.shape_cast %mul3A_851 : vector<16xf32> to vector<1x16xf32>
                tpu.vector_store %arg32[%swap3A_852, %swap3A_853], %swap3A_856 {strides = array<i32>} : memref<64x128xf32, #tpu.memory_space<vmem>>, vector<1x16xf32>,
                %get3A_857 = arith.index_cast %scan3A_260 : i32 to index
                %get3A_858 = arith.constant 240 : index
                %get3A_859 = tpu.vector_load %arg28[%get3A_857, %get3A_858] {strides = array<i32>} : memref<16x768xf32, #tpu.memory_space<vmem>>, vector<1x16xf32>,
                %get3A_860 = vector.shape_cast %get3A_859 : vector<1x16xf32> to vector<16xf32>
                %get3A_861 = arith.index_cast %scan3A_260 : i32 to index
                %get3A_862 = arith.constant 240 : index
                %get3A_863 = tpu.vector_load %arg30[%get3A_861, %get3A_862] {strides = array<i32>} : memref<16x512xf32, #tpu.memory_space<vmem>>, vector<1x16xf32>,
                %get3A_864 = vector.shape_cast %get3A_863 : vector<1x16xf32> to vector<16xf32>
                %mul3A_865 = arith.mulf %get3A_860, %get3A_864 : vector<16xf32>
                %get3A_866 = arith.index_cast %scan3A_260 : i32 to index
                %get3A_867 = arith.constant 368 : index
                %get3A_868 = tpu.vector_load %arg28[%get3A_866, %get3A_867] {strides = array<i32>} : memref<16x768xf32, #tpu.memory_space<vmem>>, vector<1x16xf32>,
                %get3A_869 = vector.shape_cast %get3A_868 : vector<1x16xf32> to vector<16xf32>
                %get3A_870 = arith.index_cast %scan3A_260 : i32 to index
                %get3A_871 = arith.constant 368 : index
                %get3A_872 = tpu.vector_load %arg30[%get3A_870, %get3A_871] {strides = array<i32>} : memref<16x512xf32, #tpu.memory_space<vmem>>, vector<1x16xf32>,
                %get3A_873 = vector.shape_cast %get3A_872 : vector<1x16xf32> to vector<16xf32>
                %mul3A_874 = arith.mulf %get3A_869, %get3A_873 : vector<16xf32>
                %get3A_875 = arith.index_cast %scan3A_260 : i32 to index
                %get3A_876 = arith.constant 496 : index
                %get3A_877 = tpu.vector_load %arg28[%get3A_875, %get3A_876] {strides = array<i32>} : memref<16x768xf32, #tpu.memory_space<vmem>>, vector<1x16xf32>,
                %get3A_878 = vector.shape_cast %get3A_877 : vector<1x16xf32> to vector<16xf32>
                %mul3A_879 = arith.mulf %get3A_878, %mul3A_874 : vector<16xf32>
                %slice3A_880 = vector.extract_strided_slice %get3A_264 {offsets = [0], sizes = [1], strides = [1]} : vector<16xf32> to vector<1xf32>
                %squeeze3A_881 = vector.extract %slice3A_880[0] : f32 from vector<1xf32>
                %mul3A_882 = vector.broadcast %squeeze3A_881 : f32 to vector<16xf32>
                %mul3A_883 = arith.mulf %mul3A_865, %mul3A_882 : vector<16xf32>
                %add3A_884 = arith.addf %mul3A_879, %mul3A_883 : vector<16xf32>
                %add3A_885 = arith.constant 16 : i32
                %add3A_886 = arith.addi %add3A_885, %scan3A_260 : i32
                %swap3A_887 = arith.index_cast %add3A_886 : i32 to index
                %swap3A_888 = arith.constant 112 : index
                %swap3A_889 = tpu.vector_load %arg32[%swap3A_887, %swap3A_888] {strides = array<i32>} : memref<64x128xf32, #tpu.memory_space<vmem>>, vector<1x16xf32>,
                %swap3A_890 = vector.shape_cast %swap3A_889 : vector<1x16xf32> to vector<16xf32>
                %swap3A_891 = vector.shape_cast %add3A_884 : vector<16xf32> to vector<1x16xf32>
                tpu.vector_store %arg32[%swap3A_887, %swap3A_888], %swap3A_891 {strides = array<i32>} : memref<64x128xf32, #tpu.memory_space<vmem>>, vector<1x16xf32>,
                %get3A_892 = arith.index_cast %scan3A_260 : i32 to index
                %get3A_893 = arith.constant 624 : index
                %get3A_894 = tpu.vector_load %arg28[%get3A_892, %get3A_893] {strides = array<i32>} : memref<16x768xf32, #tpu.memory_space<vmem>>, vector<1x16xf32>,
                %get3A_895 = vector.shape_cast %get3A_894 : vector<1x16xf32> to vector<16xf32>
                %mul3A_896 = arith.mulf %get3A_895, %mul3A_874 : vector<16xf32>
                %slice3A_897 = vector.extract_strided_slice %get3A_264 {offsets = [1], sizes = [1], strides = [1]} : vector<16xf32> to vector<1xf32>
                %squeeze3A_898 = vector.extract %slice3A_897[0] : f32 from vector<1xf32>
                %mul3A_899 = vector.broadcast %squeeze3A_898 : f32 to vector<16xf32>
                %mul3A_900 = arith.mulf %mul3A_865, %mul3A_899 : vector<16xf32>
                %add3A_901 = arith.addf %mul3A_896, %mul3A_900 : vector<16xf32>
                %add3A_902 = arith.constant 32 : i32
                %add3A_903 = arith.addi %add3A_902, %scan3A_260 : i32
                %swap3A_904 = arith.index_cast %add3A_903 : i32 to index
                %swap3A_905 = arith.constant 112 : index
                %swap3A_906 = tpu.vector_load %arg32[%swap3A_904, %swap3A_905] {strides = array<i32>} : memref<64x128xf32, #tpu.memory_space<vmem>>, vector<1x16xf32>,
                %swap3A_907 = vector.shape_cast %swap3A_906 : vector<1x16xf32> to vector<16xf32>
                %swap3A_908 = vector.shape_cast %add3A_901 : vector<16xf32> to vector<1x16xf32>
                tpu.vector_store %arg32[%swap3A_904, %swap3A_905], %swap3A_908 {strides = array<i32>} : memref<64x128xf32, #tpu.memory_space<vmem>>, vector<1x16xf32>,
                %get3A_909 = arith.index_cast %scan3A_260 : i32 to index
                %get3A_910 = arith.constant 752 : index
                %get3A_911 = tpu.vector_load %arg28[%get3A_909, %get3A_910] {strides = array<i32>} : memref<16x768xf32, #tpu.memory_space<vmem>>, vector<1x16xf32>,
                %get3A_912 = vector.shape_cast %get3A_911 : vector<1x16xf32> to vector<16xf32>
                %mul3A_913 = arith.mulf %get3A_912, %mul3A_874 : vector<16xf32>
                %slice3A_914 = vector.extract_strided_slice %get3A_264 {offsets = [2], sizes = [1], strides = [1]} : vector<16xf32> to vector<1xf32>
                %squeeze3A_915 = vector.extract %slice3A_914[0] : f32 from vector<1xf32>
                %mul3A_916 = vector.broadcast %squeeze3A_915 : f32 to vector<16xf32>
                %mul3A_917 = arith.mulf %mul3A_865, %mul3A_916 : vector<16xf32>
                %add3A_918 = arith.addf %mul3A_913, %mul3A_917 : vector<16xf32>
                %add3A_919 = arith.constant 48 : i32
                %add3A_920 = arith.addi %add3A_919, %scan3A_260 : i32
                %swap3A_921 = arith.index_cast %add3A_920 : i32 to index
                %swap3A_922 = arith.constant 112 : index
                %swap3A_923 = tpu.vector_load %arg32[%swap3A_921, %swap3A_922] {strides = array<i32>} : memref<64x128xf32, #tpu.memory_space<vmem>>, vector<1x16xf32>,
                %swap3A_924 = vector.shape_cast %swap3A_923 : vector<1x16xf32> to vector<16xf32>
                %swap3A_925 = vector.shape_cast %add3A_918 : vector<16xf32> to vector<1x16xf32>
                tpu.vector_store %arg32[%swap3A_921, %swap3A_922], %swap3A_925 {strides = array<i32>} : memref<64x128xf32, #tpu.memory_space<vmem>>, vector<1x16xf32>,
                %scan3A_926 = arith.constant 0 : i32
                scf.yield %scan3A_926 : i32
              }
              %scan3A_216 = arith.constant 16 : i32
              %sub3A_217 = arith.constant 1 : i32
              %sub3A_218 = arith.subi %while3A_141, %sub3A_217 : i32
              %dma_start3A = arith.constant 0 : i32
              %dma_start3A_219 = arith.constant 0 : i32
              %dma_start3A_220 = tpu.memref_slice %arg32[%dma_start3A, %dma_start3A_219] : memref<64x128xf32, #tpu.memory_space<vmem>> -> memref<16x128xf32, #tpu.memory_space<vmem>>
              %dma_start3A_221 = arith.constant 0 : i32
              %dma_start3A_222 = tpu.memref_slice %arg27[%sub3A_218, %dma_start3A_221] : memref<128x16xi32, #tpu.memory_space<vmem>> -> memref<1x16xi32, #tpu.memory_space<vmem>>
              %dma_start3A_223 = tpu.memref_squeeze %dma_start3A_222 : memref<1x16xi32, #tpu.memory_space<vmem>> -> memref<16xi32, #tpu.memory_space<vmem>>
              %dma_start3A_224 = arith.constant 0 : i32
              %dma_start3A_225 = arith.constant 0 : i32
              %dma_start3A_226 = tpu.memref_slice %arg14[%dma_start3A_224, %dma_start3A_225] : memref<1032x128xf32, #tpu.memory_space<vmem_shared>> -> memref<1032x128xf32, #tpu.memory_space<vmem_shared>>
              tpu.enqueue_indirect_dma source(%dma_start3A_220 : memref<16x128xf32, #tpu.memory_space<vmem>>) target(%dma_start3A_226 : memref<1032x128xf32, #tpu.memory_space<vmem_shared>>) offsets(%dma_start3A_223 : memref<16xi32, #tpu.memory_space<vmem>>) semaphore(%arg36 : memref<!tpu.dma_semaphore, #tpu.memory_space<semaphore_mem>>) {add = true}
              %sub3A_227 = arith.constant 1 : i32
              %sub3A_228 = arith.subi %while3A_141, %sub3A_227 : i32
              %dma_start3A_229 = arith.constant 16 : i32
              %dma_start3A_230 = arith.constant 0 : i32
              %dma_start3A_231 = tpu.memref_slice %arg32[%dma_start3A_229, %dma_start3A_230] : memref<64x128xf32, #tpu.memory_space<vmem>> -> memref<16x128xf32, #tpu.memory_space<vmem>>
              %dma_start3A_232 = arith.constant 0 : i32
              %dma_start3A_233 = tpu.memref_slice %arg27[%sub3A_228, %dma_start3A_232] : memref<128x16xi32, #tpu.memory_space<vmem>> -> memref<1x16xi32, #tpu.memory_space<vmem>>
              %dma_start3A_234 = tpu.memref_squeeze %dma_start3A_233 : memref<1x16xi32, #tpu.memory_space<vmem>> -> memref<16xi32, #tpu.memory_space<vmem>>
              %dma_start3A_235 = arith.constant 0 : i32
              %dma_start3A_236 = arith.constant 0 : i32
              %dma_start3A_237 = tpu.memref_slice %arg15[%dma_start3A_235, %dma_start3A_236] : memref<1032x128xf32, #tpu.memory_space<vmem_shared>> -> memref<1032x128xf32, #tpu.memory_space<vmem_shared>>
              tpu.enqueue_indirect_dma source(%dma_start3A_231 : memref<16x128xf32, #tpu.memory_space<vmem>>) target(%dma_start3A_237 : memref<1032x128xf32, #tpu.memory_space<vmem_shared>>) offsets(%dma_start3A_234 : memref<16xi32, #tpu.memory_space<vmem>>) semaphore(%arg36 : memref<!tpu.dma_semaphore, #tpu.memory_space<semaphore_mem>>) {add = true}
              %sub3A_238 = arith.constant 1 : i32
              %sub3A_239 = arith.subi %while3A_141, %sub3A_238 : i32
              %dma_start3A_240 = arith.constant 32 : i32
              %dma_start3A_241 = arith.constant 0 : i32
              %dma_start3A_242 = tpu.memref_slice %arg32[%dma_start3A_240, %dma_start3A_241] : memref<64x128xf32, #tpu.memory_space<vmem>> -> memref<16x128xf32, #tpu.memory_space<vmem>>
              %dma_start3A_243 = arith.constant 0 : i32
              %dma_start3A_244 = tpu.memref_slice %arg27[%sub3A_239, %dma_start3A_243] : memref<128x16xi32, #tpu.memory_space<vmem>> -> memref<1x16xi32, #tpu.memory_space<vmem>>
              %dma_start3A_245 = tpu.memref_squeeze %dma_start3A_244 : memref<1x16xi32, #tpu.memory_space<vmem>> -> memref<16xi32, #tpu.memory_space<vmem>>
              %dma_start3A_246 = arith.constant 0 : i32
              %dma_start3A_247 = arith.constant 0 : i32
              %dma_start3A_248 = tpu.memref_slice %arg16[%dma_start3A_246, %dma_start3A_247] : memref<1032x128xf32, #tpu.memory_space<vmem_shared>> -> memref<1032x128xf32, #tpu.memory_space<vmem_shared>>
              tpu.enqueue_indirect_dma source(%dma_start3A_242 : memref<16x128xf32, #tpu.memory_space<vmem>>) target(%dma_start3A_248 : memref<1032x128xf32, #tpu.memory_space<vmem_shared>>) offsets(%dma_start3A_245 : memref<16xi32, #tpu.memory_space<vmem>>) semaphore(%arg36 : memref<!tpu.dma_semaphore, #tpu.memory_space<semaphore_mem>>) {add = true}
              %sub3A_249 = arith.constant 1 : i32
              %sub3A_250 = arith.subi %while3A_141, %sub3A_249 : i32
              %dma_start3A_251 = arith.constant 48 : i32
              %dma_start3A_252 = arith.constant 0 : i32
              %dma_start3A_253 = tpu.memref_slice %arg32[%dma_start3A_251, %dma_start3A_252] : memref<64x128xf32, #tpu.memory_space<vmem>> -> memref<16x128xf32, #tpu.memory_space<vmem>>
              %dma_start3A_254 = arith.constant 0 : i32
              %dma_start3A_255 = tpu.memref_slice %arg27[%sub3A_250, %dma_start3A_254] : memref<128x16xi32, #tpu.memory_space<vmem>> -> memref<1x16xi32, #tpu.memory_space<vmem>>
              %dma_start3A_256 = tpu.memref_squeeze %dma_start3A_255 : memref<1x16xi32, #tpu.memory_space<vmem>> -> memref<16xi32, #tpu.memory_space<vmem>>
              %dma_start3A_257 = arith.constant 0 : i32
              %dma_start3A_258 = arith.constant 0 : i32
              %dma_start3A_259 = tpu.memref_slice %arg17[%dma_start3A_257, %dma_start3A_258] : memref<1032x128xf32, #tpu.memory_space<vmem_shared>> -> memref<1032x128xf32, #tpu.memory_space<vmem_shared>>
              tpu.enqueue_indirect_dma source(%dma_start3A_253 : memref<16x128xf32, #tpu.memory_space<vmem>>) target(%dma_start3A_259 : memref<1032x128xf32, #tpu.memory_space<vmem_shared>>) offsets(%dma_start3A_256 : memref<16xi32, #tpu.memory_space<vmem>>) semaphore(%arg36 : memref<!tpu.dma_semaphore, #tpu.memory_space<semaphore_mem>>) {add = true}
            } else {
            }
          } else {
          }
          %while3A_184 = arith.constant 0 : i32
          scf.yield %while3A_184 : i32
        }
        %while3A_128 = arith.constant 1 : i32
        %while3A_129 = scf.for %while3A_141 = %while3A_125 to %while3A_121 step %while3A_128 iter_args(%while3A_142 = %while3A_127) -> (i32)  : i32 {
          %jit3A_143 = arith.constant 2 : i32
          %eq3A_144 = arith.constant 0 : i32
          %eq3A_145 = arith.cmpi eq, %jit3A_143, %eq3A_144 : i32
          %jit3A_146 = arith.constant 1 : i32
          %select_n3A_147 = arith.select %eq3A_145, %jit3A_146, %jit3A_143 : i32
          %rem3A_148 = arith.remsi %while3A_141, %select_n3A_147 : i32
          %ne3A_149 = arith.constant 0 : i32
          %ne3A_150 = arith.cmpi ne, %rem3A_148, %ne3A_149 : i32
          %lt3A = arith.constant 0 : i32
          %lt3A_151 = arith.cmpi slt, %rem3A_148, %lt3A : i32
          %lt3A_152 = arith.constant 0 : i32
          %lt3A_153 = arith.cmpi slt, %select_n3A_147, %lt3A_152 : i32
          %ne3A_154 = arith.xori %lt3A_151, %lt3A_153 : i1
          %and3A_155 = arith.andi %ne3A_154, %ne3A_150 : i1
          %add3A_156 = arith.addi %rem3A_148, %select_n3A_147 : i32
          %select_n3A_157 = arith.select %and3A_155, %add3A_156, %rem3A_148 : i32
          %eq3A_158 = arith.constant 0 : i32
          %eq3A_159 = arith.cmpi eq, %select_n3A_157, %eq3A_158 : i32
          %convert_element_type3A_160 = arith.extui %eq3A_159 : i1 to i32
          %cond3A_161 = arith.constant 0 : i32
          %cond3A_162 = arith.cmpi ne, %convert_element_type3A_160, %cond3A_161 : i32
          scf.if %cond3A_162 {
            %lt3A_185 = arith.cmpi slt, %while3A_141, %select_n3A : i32
            %convert_element_type3A_186 = arith.extui %lt3A_185 : i1 to i32
            %cond3A_187 = arith.constant 0 : i32
            %cond3A_188 = arith.cmpi ne, %convert_element_type3A_186, %cond3A_187 : i32
            scf.if %cond3A_188 {
              %mul3A_194 = arith.constant 16 : i32
              %mul3A_195 = arith.muli %while3A_141, %mul3A_194 : i32
              %dma_start3A = tpu.memref_slice %arg26[%mul3A_195] : memref<2048xi32, #tpu.memory_space<vmem>> -> memref<16xi32, #tpu.memory_space<vmem>>
              %dma_start3A_196 = arith.constant 0 : i32
              %dma_start3A_197 = arith.constant 0 : i32
              %dma_start3A_198 = tpu.memref_slice %arg2[%dma_start3A_196, %dma_start3A_197] : memref<10240x768xf32, #tpu.memory_space<hbm>> -> memref<10240x768xf32, #tpu.memory_space<hbm>>
              tpu.enqueue_indirect_dma source(%dma_start3A_198 : memref<10240x768xf32, #tpu.memory_space<hbm>>) target(%arg28 : memref<16x768xf32, #tpu.memory_space<vmem>>) offsets(%dma_start3A : memref<16xi32, #tpu.memory_space<vmem>>) semaphore(%arg34 : memref<!tpu.dma_semaphore, #tpu.memory_space<semaphore_mem>>)
              %dma_start3A_199 = tpu.memref_slice %arg25[%mul3A_195] : memref<2048xi32, #tpu.memory_space<vmem>> -> memref<16xi32, #tpu.memory_space<vmem>>
              %dma_start3A_200 = arith.constant 0 : i32
              %dma_start3A_201 = arith.constant 0 : i32
              %dma_start3A_202 = tpu.memref_slice %arg3[%dma_start3A_200, %dma_start3A_201] : memref<320000x512xf32, #tpu.memory_space<hbm>> -> memref<320000x512xf32, #tpu.memory_space<hbm>>
              tpu.enqueue_indirect_dma source(%dma_start3A_202 : memref<320000x512xf32, #tpu.memory_space<hbm>>) target(%arg30 : memref<16x512xf32, #tpu.memory_space<vmem>>) offsets(%dma_start3A_199 : memref<16xi32, #tpu.memory_space<vmem>>) semaphore(%arg34 : memref<!tpu.dma_semaphore, #tpu.memory_space<semaphore_mem>>)
            } else {
            }
            %ge3A_189 = arith.constant 1 : i32
            %ge3A_190 = arith.cmpi sge, %while3A_141, %ge3A_189 : i32
            %convert_element_type3A_191 = arith.extui %ge3A_190 : i1 to i32
            %cond3A_192 = arith.constant 0 : i32
            %cond3A_193 = arith.cmpi ne, %convert_element_type3A_191, %cond3A_192 : i32
            scf.if %cond3A_193 {
              %dma_wait3A = arith.constant 0 : i32
              %dma_wait3A_194 = arith.constant 0 : i32
              %dma_wait3A_195 = tpu.memref_slice %arg2[%dma_wait3A, %dma_wait3A_194] : memref<10240x768xf32, #tpu.memory_space<hbm>> -> memref<16x768xf32, #tpu.memory_space<hbm>>
              %dma_wait3A_196 = arith.constant 0 : i32
              %dma_wait3A_197 = arith.constant 0 : i32
              %dma_wait3A_198 = tpu.memref_slice %arg2[%dma_wait3A_196, %dma_wait3A_197] : memref<10240x768xf32, #tpu.memory_space<hbm>> -> memref<16x768xf32, #tpu.memory_space<hbm>>
              tpu.wait_dma2 semaphore(%arg35 : memref<!tpu.dma_semaphore, #tpu.memory_space<semaphore_mem>>) src(%dma_wait3A_198 : memref<16x768xf32, #tpu.memory_space<hbm>>) dst(%arg29 : memref<16x768xf32, #tpu.memory_space<vmem>>)
              %dma_wait3A_199 = arith.constant 0 : i32
              %dma_wait3A_200 = arith.constant 0 : i32
              %dma_wait3A_201 = tpu.memref_slice %arg3[%dma_wait3A_199, %dma_wait3A_200] : memref<320000x512xf32, #tpu.memory_space<hbm>> -> memref<16x512xf32, #tpu.memory_space<hbm>>
              %dma_wait3A_202 = arith.constant 0 : i32
              %dma_wait3A_203 = arith.constant 0 : i32
              %dma_wait3A_204 = tpu.memref_slice %arg3[%dma_wait3A_202, %dma_wait3A_203] : memref<320000x512xf32, #tpu.memory_space<hbm>> -> memref<16x512xf32, #tpu.memory_space<hbm>>
              tpu.wait_dma2 semaphore(%arg35 : memref<!tpu.dma_semaphore, #tpu.memory_space<semaphore_mem>>) src(%dma_wait3A_204 : memref<16x512xf32, #tpu.memory_space<hbm>>) dst(%arg31 : memref<16x512xf32, #tpu.memory_space<vmem>>)
              %ge3A_205 = arith.constant 3 : i32
              %ge3A_206 = arith.cmpi sge, %while3A_141, %ge3A_205 : i32
              %convert_element_type3A_207 = arith.extui %ge3A_206 : i1 to i32
              %cond3A_208 = arith.constant 0 : i32
              %cond3A_209 = arith.cmpi ne, %convert_element_type3A_207, %cond3A_208 : i32
              scf.if %cond3A_209 {
                %dma_wait3A_260 = arith.constant 0 : i32
                %dma_wait3A_261 = arith.constant 0 : i32
                %dma_wait3A_262 = tpu.memref_slice %arg6[%dma_wait3A_260, %dma_wait3A_261] : memref<10240x128xf32, #tpu.memory_space<hbm>> -> memref<64x128xf32, #tpu.memory_space<hbm>>
                %dma_wait3A_263 = arith.constant 0 : i32
                %dma_wait3A_264 = arith.constant 0 : i32
                %dma_wait3A_265 = tpu.memref_slice %arg6[%dma_wait3A_263, %dma_wait3A_264] : memref<10240x128xf32, #tpu.memory_space<hbm>> -> memref<64x128xf32, #tpu.memory_space<hbm>>
                tpu.wait_dma2 semaphore(%arg37 : memref<!tpu.dma_semaphore, #tpu.memory_space<semaphore_mem>>) src(%dma_wait3A_265 : memref<64x128xf32, #tpu.memory_space<hbm>>) dst(%arg33 : memref<64x128xf32, #tpu.memory_space<vmem>>)
              } else {
              }
              %scan3A_210 = arith.constant 0 : i32
              %scan3A_211 = arith.constant 0 : i32
              %scan3A_212 = arith.constant 16 : i32
              %scan3A_213 = arith.addi %scan3A_211, %scan3A_212 : i32
              %scan3A_214 = arith.constant 1 : i32
              %scan3A_215 = scf.for %scan3A_260 = %scan3A_211 to %scan3A_213 step %scan3A_214 iter_args(%scan3A_261 = %scan3A_210) -> (i32)  : i32 {
                %get3A = arith.index_cast %scan3A_260 : i32 to index
                %get3A_262 = arith.constant 384 : index
                %get3A_263 = tpu.vector_load %arg31[%get3A, %get3A_262] {strides = array<i32>} : memref<16x512xf32, #tpu.memory_space<vmem>>, vector<1x16xf32>,
                %get3A_264 = vector.shape_cast %get3A_263 : vector<1x16xf32> to vector<16xf32>
                %get3A_265 = arith.index_cast %scan3A_260 : i32 to index
                %get3A_266 = arith.constant 0 : index
                %get3A_267 = tpu.vector_load %arg29[%get3A_265, %get3A_266] {strides = array<i32>} : memref<16x768xf32, #tpu.memory_space<vmem>>, vector<1x16xf32>,
                %get3A_268 = vector.shape_cast %get3A_267 : vector<1x16xf32> to vector<16xf32>
                %get3A_269 = arith.index_cast %scan3A_260 : i32 to index
                %get3A_270 = arith.constant 0 : index
                %get3A_271 = tpu.vector_load %arg31[%get3A_269, %get3A_270] {strides = array<i32>} : memref<16x512xf32, #tpu.memory_space<vmem>>, vector<1x16xf32>,
                %get3A_272 = vector.shape_cast %get3A_271 : vector<1x16xf32> to vector<16xf32>
                %mul3A_273 = arith.mulf %get3A_268, %get3A_272 : vector<16xf32>
                %swap3A = arith.index_cast %scan3A_260 : i32 to index
                %swap3A_274 = arith.constant 0 : index
                %swap3A_275 = tpu.vector_load %arg33[%swap3A, %swap3A_274] {strides = array<i32>} : memref<64x128xf32, #tpu.memory_space<vmem>>, vector<1x16xf32>,
                %swap3A_276 = vector.shape_cast %swap3A_275 : vector<1x16xf32> to vector<16xf32>
                %swap3A_277 = vector.shape_cast %mul3A_273 : vector<16xf32> to vector<1x16xf32>
                tpu.vector_store %arg33[%swap3A, %swap3A_274], %swap3A_277 {strides = array<i32>} : memref<64x128xf32, #tpu.memory_space<vmem>>, vector<1x16xf32>,
                %get3A_278 = arith.index_cast %scan3A_260 : i32 to index
                %get3A_279 = arith.constant 128 : index
                %get3A_280 = tpu.vector_load %arg29[%get3A_278, %get3A_279] {strides = array<i32>} : memref<16x768xf32, #tpu.memory_space<vmem>>, vector<1x16xf32>,
                %get3A_281 = vector.shape_cast %get3A_280 : vector<1x16xf32> to vector<16xf32>
                %get3A_282 = arith.index_cast %scan3A_260 : i32 to index
                %get3A_283 = arith.constant 128 : index
                %get3A_284 = tpu.vector_load %arg31[%get3A_282, %get3A_283] {strides = array<i32>} : memref<16x512xf32, #tpu.memory_space<vmem>>, vector<1x16xf32>,
                %get3A_285 = vector.shape_cast %get3A_284 : vector<1x16xf32> to vector<16xf32>
                %mul3A_286 = arith.mulf %get3A_281, %get3A_285 : vector<16xf32>
                %get3A_287 = arith.index_cast %scan3A_260 : i32 to index
                %get3A_288 = arith.constant 256 : index
                %get3A_289 = tpu.vector_load %arg29[%get3A_287, %get3A_288] {strides = array<i32>} : memref<16x768xf32, #tpu.memory_space<vmem>>, vector<1x16xf32>,
                %get3A_290 = vector.shape_cast %get3A_289 : vector<1x16xf32> to vector<16xf32>
                %get3A_291 = arith.index_cast %scan3A_260 : i32 to index
                %get3A_292 = arith.constant 256 : index
                %get3A_293 = tpu.vector_load %arg31[%get3A_291, %get3A_292] {strides = array<i32>} : memref<16x512xf32, #tpu.memory_space<vmem>>, vector<1x16xf32>,
                %get3A_294 = vector.shape_cast %get3A_293 : vector<1x16xf32> to vector<16xf32>
                %mul3A_295 = arith.mulf %get3A_290, %get3A_294 : vector<16xf32>
                %get3A_296 = arith.index_cast %scan3A_260 : i32 to index
                %get3A_297 = arith.constant 384 : index
                %get3A_298 = tpu.vector_load %arg29[%get3A_296, %get3A_297] {strides = array<i32>} : memref<16x768xf32, #tpu.memory_space<vmem>>, vector<1x16xf32>,
                %get3A_299 = vector.shape_cast %get3A_298 : vector<1x16xf32> to vector<16xf32>
                %mul3A_300 = arith.mulf %get3A_299, %mul3A_295 : vector<16xf32>
                %slice3A = vector.extract_strided_slice %get3A_264 {offsets = [0], sizes = [1], strides = [1]} : vector<16xf32> to vector<1xf32>
                %squeeze3A = vector.extract %slice3A[0] : f32 from vector<1xf32>
                %mul3A_301 = vector.broadcast %squeeze3A : f32 to vector<16xf32>
                %mul3A_302 = arith.mulf %mul3A_286, %mul3A_301 : vector<16xf32>
                %add3A_303 = arith.addf %mul3A_300, %mul3A_302 : vector<16xf32>
                %add3A_304 = arith.constant 16 : i32
                %add3A_305 = arith.addi %add3A_304, %scan3A_260 : i32
                %swap3A_306 = arith.index_cast %add3A_305 : i32 to index
                %swap3A_307 = arith.constant 0 : index
                %swap3A_308 = tpu.vector_load %arg33[%swap3A_306, %swap3A_307] {strides = array<i32>} : memref<64x128xf32, #tpu.memory_space<vmem>>, vector<1x16xf32>,
                %swap3A_309 = vector.shape_cast %swap3A_308 : vector<1x16xf32> to vector<16xf32>
                %swap3A_310 = vector.shape_cast %add3A_303 : vector<16xf32> to vector<1x16xf32>
                tpu.vector_store %arg33[%swap3A_306, %swap3A_307], %swap3A_310 {strides = array<i32>} : memref<64x128xf32, #tpu.memory_space<vmem>>, vector<1x16xf32>,
                %get3A_311 = arith.index_cast %scan3A_260 : i32 to index
                %get3A_312 = arith.constant 512 : index
                %get3A_313 = tpu.vector_load %arg29[%get3A_311, %get3A_312] {strides = array<i32>} : memref<16x768xf32, #tpu.memory_space<vmem>>, vector<1x16xf32>,
                %get3A_314 = vector.shape_cast %get3A_313 : vector<1x16xf32> to vector<16xf32>
                %mul3A_315 = arith.mulf %get3A_314, %mul3A_295 : vector<16xf32>
                %slice3A_316 = vector.extract_strided_slice %get3A_264 {offsets = [1], sizes = [1], strides = [1]} : vector<16xf32> to vector<1xf32>
                %squeeze3A_317 = vector.extract %slice3A_316[0] : f32 from vector<1xf32>
                %mul3A_318 = vector.broadcast %squeeze3A_317 : f32 to vector<16xf32>
                %mul3A_319 = arith.mulf %mul3A_286, %mul3A_318 : vector<16xf32>
                %add3A_320 = arith.addf %mul3A_315, %mul3A_319 : vector<16xf32>
                %add3A_321 = arith.constant 32 : i32
                %add3A_322 = arith.addi %add3A_321, %scan3A_260 : i32
                %swap3A_323 = arith.index_cast %add3A_322 : i32 to index
                %swap3A_324 = arith.constant 0 : index
                %swap3A_325 = tpu.vector_load %arg33[%swap3A_323, %swap3A_324] {strides = array<i32>} : memref<64x128xf32, #tpu.memory_space<vmem>>, vector<1x16xf32>,
                %swap3A_326 = vector.shape_cast %swap3A_325 : vector<1x16xf32> to vector<16xf32>
                %swap3A_327 = vector.shape_cast %add3A_320 : vector<16xf32> to vector<1x16xf32>
                tpu.vector_store %arg33[%swap3A_323, %swap3A_324], %swap3A_327 {strides = array<i32>} : memref<64x128xf32, #tpu.memory_space<vmem>>, vector<1x16xf32>,
                %get3A_328 = arith.index_cast %scan3A_260 : i32 to index
                %get3A_329 = arith.constant 640 : index
                %get3A_330 = tpu.vector_load %arg29[%get3A_328, %get3A_329] {strides = array<i32>} : memref<16x768xf32, #tpu.memory_space<vmem>>, vector<1x16xf32>,
                %get3A_331 = vector.shape_cast %get3A_330 : vector<1x16xf32> to vector<16xf32>
                %mul3A_332 = arith.mulf %get3A_331, %mul3A_295 : vector<16xf32>
                %slice3A_333 = vector.extract_strided_slice %get3A_264 {offsets = [2], sizes = [1], strides = [1]} : vector<16xf32> to vector<1xf32>
                %squeeze3A_334 = vector.extract %slice3A_333[0] : f32 from vector<1xf32>
                %mul3A_335 = vector.broadcast %squeeze3A_334 : f32 to vector<16xf32>
                %mul3A_336 = arith.mulf %mul3A_286, %mul3A_335 : vector<16xf32>
                %add3A_337 = arith.addf %mul3A_332, %mul3A_336 : vector<16xf32>
                %add3A_338 = arith.constant 48 : i32
                %add3A_339 = arith.addi %add3A_338, %scan3A_260 : i32
                %swap3A_340 = arith.index_cast %add3A_339 : i32 to index
                %swap3A_341 = arith.constant 0 : index
                %swap3A_342 = tpu.vector_load %arg33[%swap3A_340, %swap3A_341] {strides = array<i32>} : memref<64x128xf32, #tpu.memory_space<vmem>>, vector<1x16xf32>,
                %swap3A_343 = vector.shape_cast %swap3A_342 : vector<1x16xf32> to vector<16xf32>
                %swap3A_344 = vector.shape_cast %add3A_337 : vector<16xf32> to vector<1x16xf32>
                tpu.vector_store %arg33[%swap3A_340, %swap3A_341], %swap3A_344 {strides = array<i32>} : memref<64x128xf32, #tpu.memory_space<vmem>>, vector<1x16xf32>,
                %get3A_345 = arith.index_cast %scan3A_260 : i32 to index
                %get3A_346 = arith.constant 16 : index
                %get3A_347 = tpu.vector_load %arg29[%get3A_345, %get3A_346] {strides = array<i32>} : memref<16x768xf32, #tpu.memory_space<vmem>>, vector<1x16xf32>,
                %get3A_348 = vector.shape_cast %get3A_347 : vector<1x16xf32> to vector<16xf32>
                %get3A_349 = arith.index_cast %scan3A_260 : i32 to index
                %get3A_350 = arith.constant 16 : index
                %get3A_351 = tpu.vector_load %arg31[%get3A_349, %get3A_350] {strides = array<i32>} : memref<16x512xf32, #tpu.memory_space<vmem>>, vector<1x16xf32>,
                %get3A_352 = vector.shape_cast %get3A_351 : vector<1x16xf32> to vector<16xf32>
                %mul3A_353 = arith.mulf %get3A_348, %get3A_352 : vector<16xf32>
                %swap3A_354 = arith.index_cast %scan3A_260 : i32 to index
                %swap3A_355 = arith.constant 16 : index
                %swap3A_356 = tpu.vector_load %arg33[%swap3A_354, %swap3A_355] {strides = array<i32>} : memref<64x128xf32, #tpu.memory_space<vmem>>, vector<1x16xf32>,
                %swap3A_357 = vector.shape_cast %swap3A_356 : vector<1x16xf32> to vector<16xf32>
                %swap3A_358 = vector.shape_cast %mul3A_353 : vector<16xf32> to vector<1x16xf32>
                tpu.vector_store %arg33[%swap3A_354, %swap3A_355], %swap3A_358 {strides = array<i32>} : memref<64x128xf32, #tpu.memory_space<vmem>>, vector<1x16xf32>,
                %get3A_359 = arith.index_cast %scan3A_260 : i32 to index
                %get3A_360 = arith.constant 144 : index
                %get3A_361 = tpu.vector_load %arg29[%get3A_359, %get3A_360] {strides = array<i32>} : memref<16x768xf32, #tpu.memory_space<vmem>>, vector<1x16xf32>,
                %get3A_362 = vector.shape_cast %get3A_361 : vector<1x16xf32> to vector<16xf32>
                %get3A_363 = arith.index_cast %scan3A_260 : i32 to index
                %get3A_364 = arith.constant 144 : index
                %get3A_365 = tpu.vector_load %arg31[%get3A_363, %get3A_364] {strides = array<i32>} : memref<16x512xf32, #tpu.memory_space<vmem>>, vector<1x16xf32>,
                %get3A_366 = vector.shape_cast %get3A_365 : vector<1x16xf32> to vector<16xf32>
                %mul3A_367 = arith.mulf %get3A_362, %get3A_366 : vector<16xf32>
                %get3A_368 = arith.index_cast %scan3A_260 : i32 to index
                %get3A_369 = arith.constant 272 : index
                %get3A_370 = tpu.vector_load %arg29[%get3A_368, %get3A_369] {strides = array<i32>} : memref<16x768xf32, #tpu.memory_space<vmem>>, vector<1x16xf32>,
                %get3A_371 = vector.shape_cast %get3A_370 : vector<1x16xf32> to vector<16xf32>
                %get3A_372 = arith.index_cast %scan3A_260 : i32 to index
                %get3A_373 = arith.constant 272 : index
                %get3A_374 = tpu.vector_load %arg31[%get3A_372, %get3A_373] {strides = array<i32>} : memref<16x512xf32, #tpu.memory_space<vmem>>, vector<1x16xf32>,
                %get3A_375 = vector.shape_cast %get3A_374 : vector<1x16xf32> to vector<16xf32>
                %mul3A_376 = arith.mulf %get3A_371, %get3A_375 : vector<16xf32>
                %get3A_377 = arith.index_cast %scan3A_260 : i32 to index
                %get3A_378 = arith.constant 400 : index
                %get3A_379 = tpu.vector_load %arg29[%get3A_377, %get3A_378] {strides = array<i32>} : memref<16x768xf32, #tpu.memory_space<vmem>>, vector<1x16xf32>,
                %get3A_380 = vector.shape_cast %get3A_379 : vector<1x16xf32> to vector<16xf32>
                %mul3A_381 = arith.mulf %get3A_380, %mul3A_376 : vector<16xf32>
                %slice3A_382 = vector.extract_strided_slice %get3A_264 {offsets = [0], sizes = [1], strides = [1]} : vector<16xf32> to vector<1xf32>
                %squeeze3A_383 = vector.extract %slice3A_382[0] : f32 from vector<1xf32>
                %mul3A_384 = vector.broadcast %squeeze3A_383 : f32 to vector<16xf32>
                %mul3A_385 = arith.mulf %mul3A_367, %mul3A_384 : vector<16xf32>
                %add3A_386 = arith.addf %mul3A_381, %mul3A_385 : vector<16xf32>
                %add3A_387 = arith.constant 16 : i32
                %add3A_388 = arith.addi %add3A_387, %scan3A_260 : i32
                %swap3A_389 = arith.index_cast %add3A_388 : i32 to index
                %swap3A_390 = arith.constant 16 : index
                %swap3A_391 = tpu.vector_load %arg33[%swap3A_389, %swap3A_390] {strides = array<i32>} : memref<64x128xf32, #tpu.memory_space<vmem>>, vector<1x16xf32>,
                %swap3A_392 = vector.shape_cast %swap3A_391 : vector<1x16xf32> to vector<16xf32>
                %swap3A_393 = vector.shape_cast %add3A_386 : vector<16xf32> to vector<1x16xf32>
                tpu.vector_store %arg33[%swap3A_389, %swap3A_390], %swap3A_393 {strides = array<i32>} : memref<64x128xf32, #tpu.memory_space<vmem>>, vector<1x16xf32>,
                %get3A_394 = arith.index_cast %scan3A_260 : i32 to index
                %get3A_395 = arith.constant 528 : index
                %get3A_396 = tpu.vector_load %arg29[%get3A_394, %get3A_395] {strides = array<i32>} : memref<16x768xf32, #tpu.memory_space<vmem>>, vector<1x16xf32>,
                %get3A_397 = vector.shape_cast %get3A_396 : vector<1x16xf32> to vector<16xf32>
                %mul3A_398 = arith.mulf %get3A_397, %mul3A_376 : vector<16xf32>
                %slice3A_399 = vector.extract_strided_slice %get3A_264 {offsets = [1], sizes = [1], strides = [1]} : vector<16xf32> to vector<1xf32>
                %squeeze3A_400 = vector.extract %slice3A_399[0] : f32 from vector<1xf32>
                %mul3A_401 = vector.broadcast %squeeze3A_400 : f32 to vector<16xf32>
                %mul3A_402 = arith.mulf %mul3A_367, %mul3A_401 : vector<16xf32>
                %add3A_403 = arith.addf %mul3A_398, %mul3A_402 : vector<16xf32>
                %add3A_404 = arith.constant 32 : i32
                %add3A_405 = arith.addi %add3A_404, %scan3A_260 : i32
                %swap3A_406 = arith.index_cast %add3A_405 : i32 to index
                %swap3A_407 = arith.constant 16 : index
                %swap3A_408 = tpu.vector_load %arg33[%swap3A_406, %swap3A_407] {strides = array<i32>} : memref<64x128xf32, #tpu.memory_space<vmem>>, vector<1x16xf32>,
                %swap3A_409 = vector.shape_cast %swap3A_408 : vector<1x16xf32> to vector<16xf32>
                %swap3A_410 = vector.shape_cast %add3A_403 : vector<16xf32> to vector<1x16xf32>
                tpu.vector_store %arg33[%swap3A_406, %swap3A_407], %swap3A_410 {strides = array<i32>} : memref<64x128xf32, #tpu.memory_space<vmem>>, vector<1x16xf32>,
                %get3A_411 = arith.index_cast %scan3A_260 : i32 to index
                %get3A_412 = arith.constant 656 : index
                %get3A_413 = tpu.vector_load %arg29[%get3A_411, %get3A_412] {strides = array<i32>} : memref<16x768xf32, #tpu.memory_space<vmem>>, vector<1x16xf32>,
                %get3A_414 = vector.shape_cast %get3A_413 : vector<1x16xf32> to vector<16xf32>
                %mul3A_415 = arith.mulf %get3A_414, %mul3A_376 : vector<16xf32>
                %slice3A_416 = vector.extract_strided_slice %get3A_264 {offsets = [2], sizes = [1], strides = [1]} : vector<16xf32> to vector<1xf32>
                %squeeze3A_417 = vector.extract %slice3A_416[0] : f32 from vector<1xf32>
                %mul3A_418 = vector.broadcast %squeeze3A_417 : f32 to vector<16xf32>
                %mul3A_419 = arith.mulf %mul3A_367, %mul3A_418 : vector<16xf32>
                %add3A_420 = arith.addf %mul3A_415, %mul3A_419 : vector<16xf32>
                %add3A_421 = arith.constant 48 : i32
                %add3A_422 = arith.addi %add3A_421, %scan3A_260 : i32
                %swap3A_423 = arith.index_cast %add3A_422 : i32 to index
                %swap3A_424 = arith.constant 16 : index
                %swap3A_425 = tpu.vector_load %arg33[%swap3A_423, %swap3A_424] {strides = array<i32>} : memref<64x128xf32, #tpu.memory_space<vmem>>, vector<1x16xf32>,
                %swap3A_426 = vector.shape_cast %swap3A_425 : vector<1x16xf32> to vector<16xf32>
                %swap3A_427 = vector.shape_cast %add3A_420 : vector<16xf32> to vector<1x16xf32>
                tpu.vector_store %arg33[%swap3A_423, %swap3A_424], %swap3A_427 {strides = array<i32>} : memref<64x128xf32, #tpu.memory_space<vmem>>, vector<1x16xf32>,
                %get3A_428 = arith.index_cast %scan3A_260 : i32 to index
                %get3A_429 = arith.constant 32 : index
                %get3A_430 = tpu.vector_load %arg29[%get3A_428, %get3A_429] {strides = array<i32>} : memref<16x768xf32, #tpu.memory_space<vmem>>, vector<1x16xf32>,
                %get3A_431 = vector.shape_cast %get3A_430 : vector<1x16xf32> to vector<16xf32>
                %get3A_432 = arith.index_cast %scan3A_260 : i32 to index
                %get3A_433 = arith.constant 32 : index
                %get3A_434 = tpu.vector_load %arg31[%get3A_432, %get3A_433] {strides = array<i32>} : memref<16x512xf32, #tpu.memory_space<vmem>>, vector<1x16xf32>,
                %get3A_435 = vector.shape_cast %get3A_434 : vector<1x16xf32> to vector<16xf32>
                %mul3A_436 = arith.mulf %get3A_431, %get3A_435 : vector<16xf32>
                %swap3A_437 = arith.index_cast %scan3A_260 : i32 to index
                %swap3A_438 = arith.constant 32 : index
                %swap3A_439 = tpu.vector_load %arg33[%swap3A_437, %swap3A_438] {strides = array<i32>} : memref<64x128xf32, #tpu.memory_space<vmem>>, vector<1x16xf32>,
                %swap3A_440 = vector.shape_cast %swap3A_439 : vector<1x16xf32> to vector<16xf32>
                %swap3A_441 = vector.shape_cast %mul3A_436 : vector<16xf32> to vector<1x16xf32>
                tpu.vector_store %arg33[%swap3A_437, %swap3A_438], %swap3A_441 {strides = array<i32>} : memref<64x128xf32, #tpu.memory_space<vmem>>, vector<1x16xf32>,
                %get3A_442 = arith.index_cast %scan3A_260 : i32 to index
                %get3A_443 = arith.constant 160 : index
                %get3A_444 = tpu.vector_load %arg29[%get3A_442, %get3A_443] {strides = array<i32>} : memref<16x768xf32, #tpu.memory_space<vmem>>, vector<1x16xf32>,
                %get3A_445 = vector.shape_cast %get3A_444 : vector<1x16xf32> to vector<16xf32>
                %get3A_446 = arith.index_cast %scan3A_260 : i32 to index
                %get3A_447 = arith.constant 160 : index
                %get3A_448 = tpu.vector_load %arg31[%get3A_446, %get3A_447] {strides = array<i32>} : memref<16x512xf32, #tpu.memory_space<vmem>>, vector<1x16xf32>,
                %get3A_449 = vector.shape_cast %get3A_448 : vector<1x16xf32> to vector<16xf32>
                %mul3A_450 = arith.mulf %get3A_445, %get3A_449 : vector<16xf32>
                %get3A_451 = arith.index_cast %scan3A_260 : i32 to index
                %get3A_452 = arith.constant 288 : index
                %get3A_453 = tpu.vector_load %arg29[%get3A_451, %get3A_452] {strides = array<i32>} : memref<16x768xf32, #tpu.memory_space<vmem>>, vector<1x16xf32>,
                %get3A_454 = vector.shape_cast %get3A_453 : vector<1x16xf32> to vector<16xf32>
                %get3A_455 = arith.index_cast %scan3A_260 : i32 to index
                %get3A_456 = arith.constant 288 : index
                %get3A_457 = tpu.vector_load %arg31[%get3A_455, %get3A_456] {strides = array<i32>} : memref<16x512xf32, #tpu.memory_space<vmem>>, vector<1x16xf32>,
                %get3A_458 = vector.shape_cast %get3A_457 : vector<1x16xf32> to vector<16xf32>
                %mul3A_459 = arith.mulf %get3A_454, %get3A_458 : vector<16xf32>
                %get3A_460 = arith.index_cast %scan3A_260 : i32 to index
                %get3A_461 = arith.constant 416 : index
                %get3A_462 = tpu.vector_load %arg29[%get3A_460, %get3A_461] {strides = array<i32>} : memref<16x768xf32, #tpu.memory_space<vmem>>, vector<1x16xf32>,
                %get3A_463 = vector.shape_cast %get3A_462 : vector<1x16xf32> to vector<16xf32>
                %mul3A_464 = arith.mulf %get3A_463, %mul3A_459 : vector<16xf32>
                %slice3A_465 = vector.extract_strided_slice %get3A_264 {offsets = [0], sizes = [1], strides = [1]} : vector<16xf32> to vector<1xf32>
                %squeeze3A_466 = vector.extract %slice3A_465[0] : f32 from vector<1xf32>
                %mul3A_467 = vector.broadcast %squeeze3A_466 : f32 to vector<16xf32>
                %mul3A_468 = arith.mulf %mul3A_450, %mul3A_467 : vector<16xf32>
                %add3A_469 = arith.addf %mul3A_464, %mul3A_468 : vector<16xf32>
                %add3A_470 = arith.constant 16 : i32
                %add3A_471 = arith.addi %add3A_470, %scan3A_260 : i32
                %swap3A_472 = arith.index_cast %add3A_471 : i32 to index
                %swap3A_473 = arith.constant 32 : index
                %swap3A_474 = tpu.vector_load %arg33[%swap3A_472, %swap3A_473] {strides = array<i32>} : memref<64x128xf32, #tpu.memory_space<vmem>>, vector<1x16xf32>,
                %swap3A_475 = vector.shape_cast %swap3A_474 : vector<1x16xf32> to vector<16xf32>
                %swap3A_476 = vector.shape_cast %add3A_469 : vector<16xf32> to vector<1x16xf32>
                tpu.vector_store %arg33[%swap3A_472, %swap3A_473], %swap3A_476 {strides = array<i32>} : memref<64x128xf32, #tpu.memory_space<vmem>>, vector<1x16xf32>,
                %get3A_477 = arith.index_cast %scan3A_260 : i32 to index
                %get3A_478 = arith.constant 544 : index
                %get3A_479 = tpu.vector_load %arg29[%get3A_477, %get3A_478] {strides = array<i32>} : memref<16x768xf32, #tpu.memory_space<vmem>>, vector<1x16xf32>,
                %get3A_480 = vector.shape_cast %get3A_479 : vector<1x16xf32> to vector<16xf32>
                %mul3A_481 = arith.mulf %get3A_480, %mul3A_459 : vector<16xf32>
                %slice3A_482 = vector.extract_strided_slice %get3A_264 {offsets = [1], sizes = [1], strides = [1]} : vector<16xf32> to vector<1xf32>
                %squeeze3A_483 = vector.extract %slice3A_482[0] : f32 from vector<1xf32>
                %mul3A_484 = vector.broadcast %squeeze3A_483 : f32 to vector<16xf32>
                %mul3A_485 = arith.mulf %mul3A_450, %mul3A_484 : vector<16xf32>
                %add3A_486 = arith.addf %mul3A_481, %mul3A_485 : vector<16xf32>
                %add3A_487 = arith.constant 32 : i32
                %add3A_488 = arith.addi %add3A_487, %scan3A_260 : i32
                %swap3A_489 = arith.index_cast %add3A_488 : i32 to index
                %swap3A_490 = arith.constant 32 : index
                %swap3A_491 = tpu.vector_load %arg33[%swap3A_489, %swap3A_490] {strides = array<i32>} : memref<64x128xf32, #tpu.memory_space<vmem>>, vector<1x16xf32>,
                %swap3A_492 = vector.shape_cast %swap3A_491 : vector<1x16xf32> to vector<16xf32>
                %swap3A_493 = vector.shape_cast %add3A_486 : vector<16xf32> to vector<1x16xf32>
                tpu.vector_store %arg33[%swap3A_489, %swap3A_490], %swap3A_493 {strides = array<i32>} : memref<64x128xf32, #tpu.memory_space<vmem>>, vector<1x16xf32>,
                %get3A_494 = arith.index_cast %scan3A_260 : i32 to index
                %get3A_495 = arith.constant 672 : index
                %get3A_496 = tpu.vector_load %arg29[%get3A_494, %get3A_495] {strides = array<i32>} : memref<16x768xf32, #tpu.memory_space<vmem>>, vector<1x16xf32>,
                %get3A_497 = vector.shape_cast %get3A_496 : vector<1x16xf32> to vector<16xf32>
                %mul3A_498 = arith.mulf %get3A_497, %mul3A_459 : vector<16xf32>
                %slice3A_499 = vector.extract_strided_slice %get3A_264 {offsets = [2], sizes = [1], strides = [1]} : vector<16xf32> to vector<1xf32>
                %squeeze3A_500 = vector.extract %slice3A_499[0] : f32 from vector<1xf32>
                %mul3A_501 = vector.broadcast %squeeze3A_500 : f32 to vector<16xf32>
                %mul3A_502 = arith.mulf %mul3A_450, %mul3A_501 : vector<16xf32>
                %add3A_503 = arith.addf %mul3A_498, %mul3A_502 : vector<16xf32>
                %add3A_504 = arith.constant 48 : i32
                %add3A_505 = arith.addi %add3A_504, %scan3A_260 : i32
                %swap3A_506 = arith.index_cast %add3A_505 : i32 to index
                %swap3A_507 = arith.constant 32 : index
                %swap3A_508 = tpu.vector_load %arg33[%swap3A_506, %swap3A_507] {strides = array<i32>} : memref<64x128xf32, #tpu.memory_space<vmem>>, vector<1x16xf32>,
                %swap3A_509 = vector.shape_cast %swap3A_508 : vector<1x16xf32> to vector<16xf32>
                %swap3A_510 = vector.shape_cast %add3A_503 : vector<16xf32> to vector<1x16xf32>
                tpu.vector_store %arg33[%swap3A_506, %swap3A_507], %swap3A_510 {strides = array<i32>} : memref<64x128xf32, #tpu.memory_space<vmem>>, vector<1x16xf32>,
                %get3A_511 = arith.index_cast %scan3A_260 : i32 to index
                %get3A_512 = arith.constant 48 : index
                %get3A_513 = tpu.vector_load %arg29[%get3A_511, %get3A_512] {strides = array<i32>} : memref<16x768xf32, #tpu.memory_space<vmem>>, vector<1x16xf32>,
                %get3A_514 = vector.shape_cast %get3A_513 : vector<1x16xf32> to vector<16xf32>
                %get3A_515 = arith.index_cast %scan3A_260 : i32 to index
                %get3A_516 = arith.constant 48 : index
                %get3A_517 = tpu.vector_load %arg31[%get3A_515, %get3A_516] {strides = array<i32>} : memref<16x512xf32, #tpu.memory_space<vmem>>, vector<1x16xf32>,
                %get3A_518 = vector.shape_cast %get3A_517 : vector<1x16xf32> to vector<16xf32>
                %mul3A_519 = arith.mulf %get3A_514, %get3A_518 : vector<16xf32>
                %swap3A_520 = arith.index_cast %scan3A_260 : i32 to index
                %swap3A_521 = arith.constant 48 : index
                %swap3A_522 = tpu.vector_load %arg33[%swap3A_520, %swap3A_521] {strides = array<i32>} : memref<64x128xf32, #tpu.memory_space<vmem>>, vector<1x16xf32>,
                %swap3A_523 = vector.shape_cast %swap3A_522 : vector<1x16xf32> to vector<16xf32>
                %swap3A_524 = vector.shape_cast %mul3A_519 : vector<16xf32> to vector<1x16xf32>
                tpu.vector_store %arg33[%swap3A_520, %swap3A_521], %swap3A_524 {strides = array<i32>} : memref<64x128xf32, #tpu.memory_space<vmem>>, vector<1x16xf32>,
                %get3A_525 = arith.index_cast %scan3A_260 : i32 to index
                %get3A_526 = arith.constant 176 : index
                %get3A_527 = tpu.vector_load %arg29[%get3A_525, %get3A_526] {strides = array<i32>} : memref<16x768xf32, #tpu.memory_space<vmem>>, vector<1x16xf32>,
                %get3A_528 = vector.shape_cast %get3A_527 : vector<1x16xf32> to vector<16xf32>
                %get3A_529 = arith.index_cast %scan3A_260 : i32 to index
                %get3A_530 = arith.constant 176 : index
                %get3A_531 = tpu.vector_load %arg31[%get3A_529, %get3A_530] {strides = array<i32>} : memref<16x512xf32, #tpu.memory_space<vmem>>, vector<1x16xf32>,
                %get3A_532 = vector.shape_cast %get3A_531 : vector<1x16xf32> to vector<16xf32>
                %mul3A_533 = arith.mulf %get3A_528, %get3A_532 : vector<16xf32>
                %get3A_534 = arith.index_cast %scan3A_260 : i32 to index
                %get3A_535 = arith.constant 304 : index
                %get3A_536 = tpu.vector_load %arg29[%get3A_534, %get3A_535] {strides = array<i32>} : memref<16x768xf32, #tpu.memory_space<vmem>>, vector<1x16xf32>,
                %get3A_537 = vector.shape_cast %get3A_536 : vector<1x16xf32> to vector<16xf32>
                %get3A_538 = arith.index_cast %scan3A_260 : i32 to index
                %get3A_539 = arith.constant 304 : index
                %get3A_540 = tpu.vector_load %arg31[%get3A_538, %get3A_539] {strides = array<i32>} : memref<16x512xf32, #tpu.memory_space<vmem>>, vector<1x16xf32>,
                %get3A_541 = vector.shape_cast %get3A_540 : vector<1x16xf32> to vector<16xf32>
                %mul3A_542 = arith.mulf %get3A_537, %get3A_541 : vector<16xf32>
                %get3A_543 = arith.index_cast %scan3A_260 : i32 to index
                %get3A_544 = arith.constant 432 : index
                %get3A_545 = tpu.vector_load %arg29[%get3A_543, %get3A_544] {strides = array<i32>} : memref<16x768xf32, #tpu.memory_space<vmem>>, vector<1x16xf32>,
                %get3A_546 = vector.shape_cast %get3A_545 : vector<1x16xf32> to vector<16xf32>
                %mul3A_547 = arith.mulf %get3A_546, %mul3A_542 : vector<16xf32>
                %slice3A_548 = vector.extract_strided_slice %get3A_264 {offsets = [0], sizes = [1], strides = [1]} : vector<16xf32> to vector<1xf32>
                %squeeze3A_549 = vector.extract %slice3A_548[0] : f32 from vector<1xf32>
                %mul3A_550 = vector.broadcast %squeeze3A_549 : f32 to vector<16xf32>
                %mul3A_551 = arith.mulf %mul3A_533, %mul3A_550 : vector<16xf32>
                %add3A_552 = arith.addf %mul3A_547, %mul3A_551 : vector<16xf32>
                %add3A_553 = arith.constant 16 : i32
                %add3A_554 = arith.addi %add3A_553, %scan3A_260 : i32
                %swap3A_555 = arith.index_cast %add3A_554 : i32 to index
                %swap3A_556 = arith.constant 48 : index
                %swap3A_557 = tpu.vector_load %arg33[%swap3A_555, %swap3A_556] {strides = array<i32>} : memref<64x128xf32, #tpu.memory_space<vmem>>, vector<1x16xf32>,
                %swap3A_558 = vector.shape_cast %swap3A_557 : vector<1x16xf32> to vector<16xf32>
                %swap3A_559 = vector.shape_cast %add3A_552 : vector<16xf32> to vector<1x16xf32>
                tpu.vector_store %arg33[%swap3A_555, %swap3A_556], %swap3A_559 {strides = array<i32>} : memref<64x128xf32, #tpu.memory_space<vmem>>, vector<1x16xf32>,
                %get3A_560 = arith.index_cast %scan3A_260 : i32 to index
                %get3A_561 = arith.constant 560 : index
                %get3A_562 = tpu.vector_load %arg29[%get3A_560, %get3A_561] {strides = array<i32>} : memref<16x768xf32, #tpu.memory_space<vmem>>, vector<1x16xf32>,
                %get3A_563 = vector.shape_cast %get3A_562 : vector<1x16xf32> to vector<16xf32>
                %mul3A_564 = arith.mulf %get3A_563, %mul3A_542 : vector<16xf32>
                %slice3A_565 = vector.extract_strided_slice %get3A_264 {offsets = [1], sizes = [1], strides = [1]} : vector<16xf32> to vector<1xf32>
                %squeeze3A_566 = vector.extract %slice3A_565[0] : f32 from vector<1xf32>
                %mul3A_567 = vector.broadcast %squeeze3A_566 : f32 to vector<16xf32>
                %mul3A_568 = arith.mulf %mul3A_533, %mul3A_567 : vector<16xf32>
                %add3A_569 = arith.addf %mul3A_564, %mul3A_568 : vector<16xf32>
                %add3A_570 = arith.constant 32 : i32
                %add3A_571 = arith.addi %add3A_570, %scan3A_260 : i32
                %swap3A_572 = arith.index_cast %add3A_571 : i32 to index
                %swap3A_573 = arith.constant 48 : index
                %swap3A_574 = tpu.vector_load %arg33[%swap3A_572, %swap3A_573] {strides = array<i32>} : memref<64x128xf32, #tpu.memory_space<vmem>>, vector<1x16xf32>,
                %swap3A_575 = vector.shape_cast %swap3A_574 : vector<1x16xf32> to vector<16xf32>
                %swap3A_576 = vector.shape_cast %add3A_569 : vector<16xf32> to vector<1x16xf32>
                tpu.vector_store %arg33[%swap3A_572, %swap3A_573], %swap3A_576 {strides = array<i32>} : memref<64x128xf32, #tpu.memory_space<vmem>>, vector<1x16xf32>,
                %get3A_577 = arith.index_cast %scan3A_260 : i32 to index
                %get3A_578 = arith.constant 688 : index
                %get3A_579 = tpu.vector_load %arg29[%get3A_577, %get3A_578] {strides = array<i32>} : memref<16x768xf32, #tpu.memory_space<vmem>>, vector<1x16xf32>,
                %get3A_580 = vector.shape_cast %get3A_579 : vector<1x16xf32> to vector<16xf32>
                %mul3A_581 = arith.mulf %get3A_580, %mul3A_542 : vector<16xf32>
                %slice3A_582 = vector.extract_strided_slice %get3A_264 {offsets = [2], sizes = [1], strides = [1]} : vector<16xf32> to vector<1xf32>
                %squeeze3A_583 = vector.extract %slice3A_582[0] : f32 from vector<1xf32>
                %mul3A_584 = vector.broadcast %squeeze3A_583 : f32 to vector<16xf32>
                %mul3A_585 = arith.mulf %mul3A_533, %mul3A_584 : vector<16xf32>
                %add3A_586 = arith.addf %mul3A_581, %mul3A_585 : vector<16xf32>
                %add3A_587 = arith.constant 48 : i32
                %add3A_588 = arith.addi %add3A_587, %scan3A_260 : i32
                %swap3A_589 = arith.index_cast %add3A_588 : i32 to index
                %swap3A_590 = arith.constant 48 : index
                %swap3A_591 = tpu.vector_load %arg33[%swap3A_589, %swap3A_590] {strides = array<i32>} : memref<64x128xf32, #tpu.memory_space<vmem>>, vector<1x16xf32>,
                %swap3A_592 = vector.shape_cast %swap3A_591 : vector<1x16xf32> to vector<16xf32>
                %swap3A_593 = vector.shape_cast %add3A_586 : vector<16xf32> to vector<1x16xf32>
                tpu.vector_store %arg33[%swap3A_589, %swap3A_590], %swap3A_593 {strides = array<i32>} : memref<64x128xf32, #tpu.memory_space<vmem>>, vector<1x16xf32>,
                %get3A_594 = arith.index_cast %scan3A_260 : i32 to index
                %get3A_595 = arith.constant 64 : index
                %get3A_596 = tpu.vector_load %arg29[%get3A_594, %get3A_595] {strides = array<i32>} : memref<16x768xf32, #tpu.memory_space<vmem>>, vector<1x16xf32>,
                %get3A_597 = vector.shape_cast %get3A_596 : vector<1x16xf32> to vector<16xf32>
                %get3A_598 = arith.index_cast %scan3A_260 : i32 to index
                %get3A_599 = arith.constant 64 : index
                %get3A_600 = tpu.vector_load %arg31[%get3A_598, %get3A_599] {strides = array<i32>} : memref<16x512xf32, #tpu.memory_space<vmem>>, vector<1x16xf32>,
                %get3A_601 = vector.shape_cast %get3A_600 : vector<1x16xf32> to vector<16xf32>
                %mul3A_602 = arith.mulf %get3A_597, %get3A_601 : vector<16xf32>
                %swap3A_603 = arith.index_cast %scan3A_260 : i32 to index
                %swap3A_604 = arith.constant 64 : index
                %swap3A_605 = tpu.vector_load %arg33[%swap3A_603, %swap3A_604] {strides = array<i32>} : memref<64x128xf32, #tpu.memory_space<vmem>>, vector<1x16xf32>,
                %swap3A_606 = vector.shape_cast %swap3A_605 : vector<1x16xf32> to vector<16xf32>
                %swap3A_607 = vector.shape_cast %mul3A_602 : vector<16xf32> to vector<1x16xf32>
                tpu.vector_store %arg33[%swap3A_603, %swap3A_604], %swap3A_607 {strides = array<i32>} : memref<64x128xf32, #tpu.memory_space<vmem>>, vector<1x16xf32>,
                %get3A_608 = arith.index_cast %scan3A_260 : i32 to index
                %get3A_609 = arith.constant 192 : index
                %get3A_610 = tpu.vector_load %arg29[%get3A_608, %get3A_609] {strides = array<i32>} : memref<16x768xf32, #tpu.memory_space<vmem>>, vector<1x16xf32>,
                %get3A_611 = vector.shape_cast %get3A_610 : vector<1x16xf32> to vector<16xf32>
                %get3A_612 = arith.index_cast %scan3A_260 : i32 to index
                %get3A_613 = arith.constant 192 : index
                %get3A_614 = tpu.vector_load %arg31[%get3A_612, %get3A_613] {strides = array<i32>} : memref<16x512xf32, #tpu.memory_space<vmem>>, vector<1x16xf32>,
                %get3A_615 = vector.shape_cast %get3A_614 : vector<1x16xf32> to vector<16xf32>
                %mul3A_616 = arith.mulf %get3A_611, %get3A_615 : vector<16xf32>
                %get3A_617 = arith.index_cast %scan3A_260 : i32 to index
                %get3A_618 = arith.constant 320 : index
                %get3A_619 = tpu.vector_load %arg29[%get3A_617, %get3A_618] {strides = array<i32>} : memref<16x768xf32, #tpu.memory_space<vmem>>, vector<1x16xf32>,
                %get3A_620 = vector.shape_cast %get3A_619 : vector<1x16xf32> to vector<16xf32>
                %get3A_621 = arith.index_cast %scan3A_260 : i32 to index
                %get3A_622 = arith.constant 320 : index
                %get3A_623 = tpu.vector_load %arg31[%get3A_621, %get3A_622] {strides = array<i32>} : memref<16x512xf32, #tpu.memory_space<vmem>>, vector<1x16xf32>,
                %get3A_624 = vector.shape_cast %get3A_623 : vector<1x16xf32> to vector<16xf32>
                %mul3A_625 = arith.mulf %get3A_620, %get3A_624 : vector<16xf32>
                %get3A_626 = arith.index_cast %scan3A_260 : i32 to index
                %get3A_627 = arith.constant 448 : index
                %get3A_628 = tpu.vector_load %arg29[%get3A_626, %get3A_627] {strides = array<i32>} : memref<16x768xf32, #tpu.memory_space<vmem>>, vector<1x16xf32>,
                %get3A_629 = vector.shape_cast %get3A_628 : vector<1x16xf32> to vector<16xf32>
                %mul3A_630 = arith.mulf %get3A_629, %mul3A_625 : vector<16xf32>
                %slice3A_631 = vector.extract_strided_slice %get3A_264 {offsets = [0], sizes = [1], strides = [1]} : vector<16xf32> to vector<1xf32>
                %squeeze3A_632 = vector.extract %slice3A_631[0] : f32 from vector<1xf32>
                %mul3A_633 = vector.broadcast %squeeze3A_632 : f32 to vector<16xf32>
                %mul3A_634 = arith.mulf %mul3A_616, %mul3A_633 : vector<16xf32>
                %add3A_635 = arith.addf %mul3A_630, %mul3A_634 : vector<16xf32>
                %add3A_636 = arith.constant 16 : i32
                %add3A_637 = arith.addi %add3A_636, %scan3A_260 : i32
                %swap3A_638 = arith.index_cast %add3A_637 : i32 to index
                %swap3A_639 = arith.constant 64 : index
                %swap3A_640 = tpu.vector_load %arg33[%swap3A_638, %swap3A_639] {strides = array<i32>} : memref<64x128xf32, #tpu.memory_space<vmem>>, vector<1x16xf32>,
                %swap3A_641 = vector.shape_cast %swap3A_640 : vector<1x16xf32> to vector<16xf32>
                %swap3A_642 = vector.shape_cast %add3A_635 : vector<16xf32> to vector<1x16xf32>
                tpu.vector_store %arg33[%swap3A_638, %swap3A_639], %swap3A_642 {strides = array<i32>} : memref<64x128xf32, #tpu.memory_space<vmem>>, vector<1x16xf32>,
                %get3A_643 = arith.index_cast %scan3A_260 : i32 to index
                %get3A_644 = arith.constant 576 : index
                %get3A_645 = tpu.vector_load %arg29[%get3A_643, %get3A_644] {strides = array<i32>} : memref<16x768xf32, #tpu.memory_space<vmem>>, vector<1x16xf32>,
                %get3A_646 = vector.shape_cast %get3A_645 : vector<1x16xf32> to vector<16xf32>
                %mul3A_647 = arith.mulf %get3A_646, %mul3A_625 : vector<16xf32>
                %slice3A_648 = vector.extract_strided_slice %get3A_264 {offsets = [1], sizes = [1], strides = [1]} : vector<16xf32> to vector<1xf32>
                %squeeze3A_649 = vector.extract %slice3A_648[0] : f32 from vector<1xf32>
                %mul3A_650 = vector.broadcast %squeeze3A_649 : f32 to vector<16xf32>
                %mul3A_651 = arith.mulf %mul3A_616, %mul3A_650 : vector<16xf32>
                %add3A_652 = arith.addf %mul3A_647, %mul3A_651 : vector<16xf32>
                %add3A_653 = arith.constant 32 : i32
                %add3A_654 = arith.addi %add3A_653, %scan3A_260 : i32
                %swap3A_655 = arith.index_cast %add3A_654 : i32 to index
                %swap3A_656 = arith.constant 64 : index
                %swap3A_657 = tpu.vector_load %arg33[%swap3A_655, %swap3A_656] {strides = array<i32>} : memref<64x128xf32, #tpu.memory_space<vmem>>, vector<1x16xf32>,
                %swap3A_658 = vector.shape_cast %swap3A_657 : vector<1x16xf32> to vector<16xf32>
                %swap3A_659 = vector.shape_cast %add3A_652 : vector<16xf32> to vector<1x16xf32>
                tpu.vector_store %arg33[%swap3A_655, %swap3A_656], %swap3A_659 {strides = array<i32>} : memref<64x128xf32, #tpu.memory_space<vmem>>, vector<1x16xf32>,
                %get3A_660 = arith.index_cast %scan3A_260 : i32 to index
                %get3A_661 = arith.constant 704 : index
                %get3A_662 = tpu.vector_load %arg29[%get3A_660, %get3A_661] {strides = array<i32>} : memref<16x768xf32, #tpu.memory_space<vmem>>, vector<1x16xf32>,
                %get3A_663 = vector.shape_cast %get3A_662 : vector<1x16xf32> to vector<16xf32>
                %mul3A_664 = arith.mulf %get3A_663, %mul3A_625 : vector<16xf32>
                %slice3A_665 = vector.extract_strided_slice %get3A_264 {offsets = [2], sizes = [1], strides = [1]} : vector<16xf32> to vector<1xf32>
                %squeeze3A_666 = vector.extract %slice3A_665[0] : f32 from vector<1xf32>
                %mul3A_667 = vector.broadcast %squeeze3A_666 : f32 to vector<16xf32>
                %mul3A_668 = arith.mulf %mul3A_616, %mul3A_667 : vector<16xf32>
                %add3A_669 = arith.addf %mul3A_664, %mul3A_668 : vector<16xf32>
                %add3A_670 = arith.constant 48 : i32
                %add3A_671 = arith.addi %add3A_670, %scan3A_260 : i32
                %swap3A_672 = arith.index_cast %add3A_671 : i32 to index
                %swap3A_673 = arith.constant 64 : index
                %swap3A_674 = tpu.vector_load %arg33[%swap3A_672, %swap3A_673] {strides = array<i32>} : memref<64x128xf32, #tpu.memory_space<vmem>>, vector<1x16xf32>,
                %swap3A_675 = vector.shape_cast %swap3A_674 : vector<1x16xf32> to vector<16xf32>
                %swap3A_676 = vector.shape_cast %add3A_669 : vector<16xf32> to vector<1x16xf32>
                tpu.vector_store %arg33[%swap3A_672, %swap3A_673], %swap3A_676 {strides = array<i32>} : memref<64x128xf32, #tpu.memory_space<vmem>>, vector<1x16xf32>,
                %get3A_677 = arith.index_cast %scan3A_260 : i32 to index
                %get3A_678 = arith.constant 80 : index
                %get3A_679 = tpu.vector_load %arg29[%get3A_677, %get3A_678] {strides = array<i32>} : memref<16x768xf32, #tpu.memory_space<vmem>>, vector<1x16xf32>,
                %get3A_680 = vector.shape_cast %get3A_679 : vector<1x16xf32> to vector<16xf32>
                %get3A_681 = arith.index_cast %scan3A_260 : i32 to index
                %get3A_682 = arith.constant 80 : index
                %get3A_683 = tpu.vector_load %arg31[%get3A_681, %get3A_682] {strides = array<i32>} : memref<16x512xf32, #tpu.memory_space<vmem>>, vector<1x16xf32>,
                %get3A_684 = vector.shape_cast %get3A_683 : vector<1x16xf32> to vector<16xf32>
                %mul3A_685 = arith.mulf %get3A_680, %get3A_684 : vector<16xf32>
                %swap3A_686 = arith.index_cast %scan3A_260 : i32 to index
                %swap3A_687 = arith.constant 80 : index
                %swap3A_688 = tpu.vector_load %arg33[%swap3A_686, %swap3A_687] {strides = array<i32>} : memref<64x128xf32, #tpu.memory_space<vmem>>, vector<1x16xf32>,
                %swap3A_689 = vector.shape_cast %swap3A_688 : vector<1x16xf32> to vector<16xf32>
                %swap3A_690 = vector.shape_cast %mul3A_685 : vector<16xf32> to vector<1x16xf32>
                tpu.vector_store %arg33[%swap3A_686, %swap3A_687], %swap3A_690 {strides = array<i32>} : memref<64x128xf32, #tpu.memory_space<vmem>>, vector<1x16xf32>,
                %get3A_691 = arith.index_cast %scan3A_260 : i32 to index
                %get3A_692 = arith.constant 208 : index
                %get3A_693 = tpu.vector_load %arg29[%get3A_691, %get3A_692] {strides = array<i32>} : memref<16x768xf32, #tpu.memory_space<vmem>>, vector<1x16xf32>,
                %get3A_694 = vector.shape_cast %get3A_693 : vector<1x16xf32> to vector<16xf32>
                %get3A_695 = arith.index_cast %scan3A_260 : i32 to index
                %get3A_696 = arith.constant 208 : index
                %get3A_697 = tpu.vector_load %arg31[%get3A_695, %get3A_696] {strides = array<i32>} : memref<16x512xf32, #tpu.memory_space<vmem>>, vector<1x16xf32>,
                %get3A_698 = vector.shape_cast %get3A_697 : vector<1x16xf32> to vector<16xf32>
                %mul3A_699 = arith.mulf %get3A_694, %get3A_698 : vector<16xf32>
                %get3A_700 = arith.index_cast %scan3A_260 : i32 to index
                %get3A_701 = arith.constant 336 : index
                %get3A_702 = tpu.vector_load %arg29[%get3A_700, %get3A_701] {strides = array<i32>} : memref<16x768xf32, #tpu.memory_space<vmem>>, vector<1x16xf32>,
                %get3A_703 = vector.shape_cast %get3A_702 : vector<1x16xf32> to vector<16xf32>
                %get3A_704 = arith.index_cast %scan3A_260 : i32 to index
                %get3A_705 = arith.constant 336 : index
                %get3A_706 = tpu.vector_load %arg31[%get3A_704, %get3A_705] {strides = array<i32>} : memref<16x512xf32, #tpu.memory_space<vmem>>, vector<1x16xf32>,
                %get3A_707 = vector.shape_cast %get3A_706 : vector<1x16xf32> to vector<16xf32>
                %mul3A_708 = arith.mulf %get3A_703, %get3A_707 : vector<16xf32>
                %get3A_709 = arith.index_cast %scan3A_260 : i32 to index
                %get3A_710 = arith.constant 464 : index
                %get3A_711 = tpu.vector_load %arg29[%get3A_709, %get3A_710] {strides = array<i32>} : memref<16x768xf32, #tpu.memory_space<vmem>>, vector<1x16xf32>,
                %get3A_712 = vector.shape_cast %get3A_711 : vector<1x16xf32> to vector<16xf32>
                %mul3A_713 = arith.mulf %get3A_712, %mul3A_708 : vector<16xf32>
                %slice3A_714 = vector.extract_strided_slice %get3A_264 {offsets = [0], sizes = [1], strides = [1]} : vector<16xf32> to vector<1xf32>
                %squeeze3A_715 = vector.extract %slice3A_714[0] : f32 from vector<1xf32>
                %mul3A_716 = vector.broadcast %squeeze3A_715 : f32 to vector<16xf32>
                %mul3A_717 = arith.mulf %mul3A_699, %mul3A_716 : vector<16xf32>
                %add3A_718 = arith.addf %mul3A_713, %mul3A_717 : vector<16xf32>
                %add3A_719 = arith.constant 16 : i32
                %add3A_720 = arith.addi %add3A_719, %scan3A_260 : i32
                %swap3A_721 = arith.index_cast %add3A_720 : i32 to index
                %swap3A_722 = arith.constant 80 : index
                %swap3A_723 = tpu.vector_load %arg33[%swap3A_721, %swap3A_722] {strides = array<i32>} : memref<64x128xf32, #tpu.memory_space<vmem>>, vector<1x16xf32>,
                %swap3A_724 = vector.shape_cast %swap3A_723 : vector<1x16xf32> to vector<16xf32>
                %swap3A_725 = vector.shape_cast %add3A_718 : vector<16xf32> to vector<1x16xf32>
                tpu.vector_store %arg33[%swap3A_721, %swap3A_722], %swap3A_725 {strides = array<i32>} : memref<64x128xf32, #tpu.memory_space<vmem>>, vector<1x16xf32>,
                %get3A_726 = arith.index_cast %scan3A_260 : i32 to index
                %get3A_727 = arith.constant 592 : index
                %get3A_728 = tpu.vector_load %arg29[%get3A_726, %get3A_727] {strides = array<i32>} : memref<16x768xf32, #tpu.memory_space<vmem>>, vector<1x16xf32>,
                %get3A_729 = vector.shape_cast %get3A_728 : vector<1x16xf32> to vector<16xf32>
                %mul3A_730 = arith.mulf %get3A_729, %mul3A_708 : vector<16xf32>
                %slice3A_731 = vector.extract_strided_slice %get3A_264 {offsets = [1], sizes = [1], strides = [1]} : vector<16xf32> to vector<1xf32>
                %squeeze3A_732 = vector.extract %slice3A_731[0] : f32 from vector<1xf32>
                %mul3A_733 = vector.broadcast %squeeze3A_732 : f32 to vector<16xf32>
                %mul3A_734 = arith.mulf %mul3A_699, %mul3A_733 : vector<16xf32>
                %add3A_735 = arith.addf %mul3A_730, %mul3A_734 : vector<16xf32>
                %add3A_736 = arith.constant 32 : i32
                %add3A_737 = arith.addi %add3A_736, %scan3A_260 : i32
                %swap3A_738 = arith.index_cast %add3A_737 : i32 to index
                %swap3A_739 = arith.constant 80 : index
                %swap3A_740 = tpu.vector_load %arg33[%swap3A_738, %swap3A_739] {strides = array<i32>} : memref<64x128xf32, #tpu.memory_space<vmem>>, vector<1x16xf32>,
                %swap3A_741 = vector.shape_cast %swap3A_740 : vector<1x16xf32> to vector<16xf32>
                %swap3A_742 = vector.shape_cast %add3A_735 : vector<16xf32> to vector<1x16xf32>
                tpu.vector_store %arg33[%swap3A_738, %swap3A_739], %swap3A_742 {strides = array<i32>} : memref<64x128xf32, #tpu.memory_space<vmem>>, vector<1x16xf32>,
                %get3A_743 = arith.index_cast %scan3A_260 : i32 to index
                %get3A_744 = arith.constant 720 : index
                %get3A_745 = tpu.vector_load %arg29[%get3A_743, %get3A_744] {strides = array<i32>} : memref<16x768xf32, #tpu.memory_space<vmem>>, vector<1x16xf32>,
                %get3A_746 = vector.shape_cast %get3A_745 : vector<1x16xf32> to vector<16xf32>
                %mul3A_747 = arith.mulf %get3A_746, %mul3A_708 : vector<16xf32>
                %slice3A_748 = vector.extract_strided_slice %get3A_264 {offsets = [2], sizes = [1], strides = [1]} : vector<16xf32> to vector<1xf32>
                %squeeze3A_749 = vector.extract %slice3A_748[0] : f32 from vector<1xf32>
                %mul3A_750 = vector.broadcast %squeeze3A_749 : f32 to vector<16xf32>
                %mul3A_751 = arith.mulf %mul3A_699, %mul3A_750 : vector<16xf32>
                %add3A_752 = arith.addf %mul3A_747, %mul3A_751 : vector<16xf32>
                %add3A_753 = arith.constant 48 : i32
                %add3A_754 = arith.addi %add3A_753, %scan3A_260 : i32
                %swap3A_755 = arith.index_cast %add3A_754 : i32 to index
                %swap3A_756 = arith.constant 80 : index
                %swap3A_757 = tpu.vector_load %arg33[%swap3A_755, %swap3A_756] {strides = array<i32>} : memref<64x128xf32, #tpu.memory_space<vmem>>, vector<1x16xf32>,
                %swap3A_758 = vector.shape_cast %swap3A_757 : vector<1x16xf32> to vector<16xf32>
                %swap3A_759 = vector.shape_cast %add3A_752 : vector<16xf32> to vector<1x16xf32>
                tpu.vector_store %arg33[%swap3A_755, %swap3A_756], %swap3A_759 {strides = array<i32>} : memref<64x128xf32, #tpu.memory_space<vmem>>, vector<1x16xf32>,
                %get3A_760 = arith.index_cast %scan3A_260 : i32 to index
                %get3A_761 = arith.constant 96 : index
                %get3A_762 = tpu.vector_load %arg29[%get3A_760, %get3A_761] {strides = array<i32>} : memref<16x768xf32, #tpu.memory_space<vmem>>, vector<1x16xf32>,
                %get3A_763 = vector.shape_cast %get3A_762 : vector<1x16xf32> to vector<16xf32>
                %get3A_764 = arith.index_cast %scan3A_260 : i32 to index
                %get3A_765 = arith.constant 96 : index
                %get3A_766 = tpu.vector_load %arg31[%get3A_764, %get3A_765] {strides = array<i32>} : memref<16x512xf32, #tpu.memory_space<vmem>>, vector<1x16xf32>,
                %get3A_767 = vector.shape_cast %get3A_766 : vector<1x16xf32> to vector<16xf32>
                %mul3A_768 = arith.mulf %get3A_763, %get3A_767 : vector<16xf32>
                %swap3A_769 = arith.index_cast %scan3A_260 : i32 to index
                %swap3A_770 = arith.constant 96 : index
                %swap3A_771 = tpu.vector_load %arg33[%swap3A_769, %swap3A_770] {strides = array<i32>} : memref<64x128xf32, #tpu.memory_space<vmem>>, vector<1x16xf32>,
                %swap3A_772 = vector.shape_cast %swap3A_771 : vector<1x16xf32> to vector<16xf32>
                %swap3A_773 = vector.shape_cast %mul3A_768 : vector<16xf32> to vector<1x16xf32>
                tpu.vector_store %arg33[%swap3A_769, %swap3A_770], %swap3A_773 {strides = array<i32>} : memref<64x128xf32, #tpu.memory_space<vmem>>, vector<1x16xf32>,
                %get3A_774 = arith.index_cast %scan3A_260 : i32 to index
                %get3A_775 = arith.constant 224 : index
                %get3A_776 = tpu.vector_load %arg29[%get3A_774, %get3A_775] {strides = array<i32>} : memref<16x768xf32, #tpu.memory_space<vmem>>, vector<1x16xf32>,
                %get3A_777 = vector.shape_cast %get3A_776 : vector<1x16xf32> to vector<16xf32>
                %get3A_778 = arith.index_cast %scan3A_260 : i32 to index
                %get3A_779 = arith.constant 224 : index
                %get3A_780 = tpu.vector_load %arg31[%get3A_778, %get3A_779] {strides = array<i32>} : memref<16x512xf32, #tpu.memory_space<vmem>>, vector<1x16xf32>,
                %get3A_781 = vector.shape_cast %get3A_780 : vector<1x16xf32> to vector<16xf32>
                %mul3A_782 = arith.mulf %get3A_777, %get3A_781 : vector<16xf32>
                %get3A_783 = arith.index_cast %scan3A_260 : i32 to index
                %get3A_784 = arith.constant 352 : index
                %get3A_785 = tpu.vector_load %arg29[%get3A_783, %get3A_784] {strides = array<i32>} : memref<16x768xf32, #tpu.memory_space<vmem>>, vector<1x16xf32>,
                %get3A_786 = vector.shape_cast %get3A_785 : vector<1x16xf32> to vector<16xf32>
                %get3A_787 = arith.index_cast %scan3A_260 : i32 to index
                %get3A_788 = arith.constant 352 : index
                %get3A_789 = tpu.vector_load %arg31[%get3A_787, %get3A_788] {strides = array<i32>} : memref<16x512xf32, #tpu.memory_space<vmem>>, vector<1x16xf32>,
                %get3A_790 = vector.shape_cast %get3A_789 : vector<1x16xf32> to vector<16xf32>
                %mul3A_791 = arith.mulf %get3A_786, %get3A_790 : vector<16xf32>
                %get3A_792 = arith.index_cast %scan3A_260 : i32 to index
                %get3A_793 = arith.constant 480 : index
                %get3A_794 = tpu.vector_load %arg29[%get3A_792, %get3A_793] {strides = array<i32>} : memref<16x768xf32, #tpu.memory_space<vmem>>, vector<1x16xf32>,
                %get3A_795 = vector.shape_cast %get3A_794 : vector<1x16xf32> to vector<16xf32>
                %mul3A_796 = arith.mulf %get3A_795, %mul3A_791 : vector<16xf32>
                %slice3A_797 = vector.extract_strided_slice %get3A_264 {offsets = [0], sizes = [1], strides = [1]} : vector<16xf32> to vector<1xf32>
                %squeeze3A_798 = vector.extract %slice3A_797[0] : f32 from vector<1xf32>
                %mul3A_799 = vector.broadcast %squeeze3A_798 : f32 to vector<16xf32>
                %mul3A_800 = arith.mulf %mul3A_782, %mul3A_799 : vector<16xf32>
                %add3A_801 = arith.addf %mul3A_796, %mul3A_800 : vector<16xf32>
                %add3A_802 = arith.constant 16 : i32
                %add3A_803 = arith.addi %add3A_802, %scan3A_260 : i32
                %swap3A_804 = arith.index_cast %add3A_803 : i32 to index
                %swap3A_805 = arith.constant 96 : index
                %swap3A_806 = tpu.vector_load %arg33[%swap3A_804, %swap3A_805] {strides = array<i32>} : memref<64x128xf32, #tpu.memory_space<vmem>>, vector<1x16xf32>,
                %swap3A_807 = vector.shape_cast %swap3A_806 : vector<1x16xf32> to vector<16xf32>
                %swap3A_808 = vector.shape_cast %add3A_801 : vector<16xf32> to vector<1x16xf32>
                tpu.vector_store %arg33[%swap3A_804, %swap3A_805], %swap3A_808 {strides = array<i32>} : memref<64x128xf32, #tpu.memory_space<vmem>>, vector<1x16xf32>,
                %get3A_809 = arith.index_cast %scan3A_260 : i32 to index
                %get3A_810 = arith.constant 608 : index
                %get3A_811 = tpu.vector_load %arg29[%get3A_809, %get3A_810] {strides = array<i32>} : memref<16x768xf32, #tpu.memory_space<vmem>>, vector<1x16xf32>,
                %get3A_812 = vector.shape_cast %get3A_811 : vector<1x16xf32> to vector<16xf32>
                %mul3A_813 = arith.mulf %get3A_812, %mul3A_791 : vector<16xf32>
                %slice3A_814 = vector.extract_strided_slice %get3A_264 {offsets = [1], sizes = [1], strides = [1]} : vector<16xf32> to vector<1xf32>
                %squeeze3A_815 = vector.extract %slice3A_814[0] : f32 from vector<1xf32>
                %mul3A_816 = vector.broadcast %squeeze3A_815 : f32 to vector<16xf32>
                %mul3A_817 = arith.mulf %mul3A_782, %mul3A_816 : vector<16xf32>
                %add3A_818 = arith.addf %mul3A_813, %mul3A_817 : vector<16xf32>
                %add3A_819 = arith.constant 32 : i32
                %add3A_820 = arith.addi %add3A_819, %scan3A_260 : i32
                %swap3A_821 = arith.index_cast %add3A_820 : i32 to index
                %swap3A_822 = arith.constant 96 : index
                %swap3A_823 = tpu.vector_load %arg33[%swap3A_821, %swap3A_822] {strides = array<i32>} : memref<64x128xf32, #tpu.memory_space<vmem>>, vector<1x16xf32>,
                %swap3A_824 = vector.shape_cast %swap3A_823 : vector<1x16xf32> to vector<16xf32>
                %swap3A_825 = vector.shape_cast %add3A_818 : vector<16xf32> to vector<1x16xf32>
                tpu.vector_store %arg33[%swap3A_821, %swap3A_822], %swap3A_825 {strides = array<i32>} : memref<64x128xf32, #tpu.memory_space<vmem>>, vector<1x16xf32>,
                %get3A_826 = arith.index_cast %scan3A_260 : i32 to index
                %get3A_827 = arith.constant 736 : index
                %get3A_828 = tpu.vector_load %arg29[%get3A_826, %get3A_827] {strides = array<i32>} : memref<16x768xf32, #tpu.memory_space<vmem>>, vector<1x16xf32>,
                %get3A_829 = vector.shape_cast %get3A_828 : vector<1x16xf32> to vector<16xf32>
                %mul3A_830 = arith.mulf %get3A_829, %mul3A_791 : vector<16xf32>
                %slice3A_831 = vector.extract_strided_slice %get3A_264 {offsets = [2], sizes = [1], strides = [1]} : vector<16xf32> to vector<1xf32>
                %squeeze3A_832 = vector.extract %slice3A_831[0] : f32 from vector<1xf32>
                %mul3A_833 = vector.broadcast %squeeze3A_832 : f32 to vector<16xf32>
                %mul3A_834 = arith.mulf %mul3A_782, %mul3A_833 : vector<16xf32>
                %add3A_835 = arith.addf %mul3A_830, %mul3A_834 : vector<16xf32>
                %add3A_836 = arith.constant 48 : i32
                %add3A_837 = arith.addi %add3A_836, %scan3A_260 : i32
                %swap3A_838 = arith.index_cast %add3A_837 : i32 to index
                %swap3A_839 = arith.constant 96 : index
                %swap3A_840 = tpu.vector_load %arg33[%swap3A_838, %swap3A_839] {strides = array<i32>} : memref<64x128xf32, #tpu.memory_space<vmem>>, vector<1x16xf32>,
                %swap3A_841 = vector.shape_cast %swap3A_840 : vector<1x16xf32> to vector<16xf32>
                %swap3A_842 = vector.shape_cast %add3A_835 : vector<16xf32> to vector<1x16xf32>
                tpu.vector_store %arg33[%swap3A_838, %swap3A_839], %swap3A_842 {strides = array<i32>} : memref<64x128xf32, #tpu.memory_space<vmem>>, vector<1x16xf32>,
                %get3A_843 = arith.index_cast %scan3A_260 : i32 to index
                %get3A_844 = arith.constant 112 : index
                %get3A_845 = tpu.vector_load %arg29[%get3A_843, %get3A_844] {strides = array<i32>} : memref<16x768xf32, #tpu.memory_space<vmem>>, vector<1x16xf32>,
                %get3A_846 = vector.shape_cast %get3A_845 : vector<1x16xf32> to vector<16xf32>
                %get3A_847 = arith.index_cast %scan3A_260 : i32 to index
                %get3A_848 = arith.constant 112 : index
                %get3A_849 = tpu.vector_load %arg31[%get3A_847, %get3A_848] {strides = array<i32>} : memref<16x512xf32, #tpu.memory_space<vmem>>, vector<1x16xf32>,
                %get3A_850 = vector.shape_cast %get3A_849 : vector<1x16xf32> to vector<16xf32>
                %mul3A_851 = arith.mulf %get3A_846, %get3A_850 : vector<16xf32>
                %swap3A_852 = arith.index_cast %scan3A_260 : i32 to index
                %swap3A_853 = arith.constant 112 : index
                %swap3A_854 = tpu.vector_load %arg33[%swap3A_852, %swap3A_853] {strides = array<i32>} : memref<64x128xf32, #tpu.memory_space<vmem>>, vector<1x16xf32>,
                %swap3A_855 = vector.shape_cast %swap3A_854 : vector<1x16xf32> to vector<16xf32>
                %swap3A_856 = vector.shape_cast %mul3A_851 : vector<16xf32> to vector<1x16xf32>
                tpu.vector_store %arg33[%swap3A_852, %swap3A_853], %swap3A_856 {strides = array<i32>} : memref<64x128xf32, #tpu.memory_space<vmem>>, vector<1x16xf32>,
                %get3A_857 = arith.index_cast %scan3A_260 : i32 to index
                %get3A_858 = arith.constant 240 : index
                %get3A_859 = tpu.vector_load %arg29[%get3A_857, %get3A_858] {strides = array<i32>} : memref<16x768xf32, #tpu.memory_space<vmem>>, vector<1x16xf32>,
                %get3A_860 = vector.shape_cast %get3A_859 : vector<1x16xf32> to vector<16xf32>
                %get3A_861 = arith.index_cast %scan3A_260 : i32 to index
                %get3A_862 = arith.constant 240 : index
                %get3A_863 = tpu.vector_load %arg31[%get3A_861, %get3A_862] {strides = array<i32>} : memref<16x512xf32, #tpu.memory_space<vmem>>, vector<1x16xf32>,
                %get3A_864 = vector.shape_cast %get3A_863 : vector<1x16xf32> to vector<16xf32>
                %mul3A_865 = arith.mulf %get3A_860, %get3A_864 : vector<16xf32>
                %get3A_866 = arith.index_cast %scan3A_260 : i32 to index
                %get3A_867 = arith.constant 368 : index
                %get3A_868 = tpu.vector_load %arg29[%get3A_866, %get3A_867] {strides = array<i32>} : memref<16x768xf32, #tpu.memory_space<vmem>>, vector<1x16xf32>,
                %get3A_869 = vector.shape_cast %get3A_868 : vector<1x16xf32> to vector<16xf32>
                %get3A_870 = arith.index_cast %scan3A_260 : i32 to index
                %get3A_871 = arith.constant 368 : index
                %get3A_872 = tpu.vector_load %arg31[%get3A_870, %get3A_871] {strides = array<i32>} : memref<16x512xf32, #tpu.memory_space<vmem>>, vector<1x16xf32>,
                %get3A_873 = vector.shape_cast %get3A_872 : vector<1x16xf32> to vector<16xf32>
                %mul3A_874 = arith.mulf %get3A_869, %get3A_873 : vector<16xf32>
                %get3A_875 = arith.index_cast %scan3A_260 : i32 to index
                %get3A_876 = arith.constant 496 : index
                %get3A_877 = tpu.vector_load %arg29[%get3A_875, %get3A_876] {strides = array<i32>} : memref<16x768xf32, #tpu.memory_space<vmem>>, vector<1x16xf32>,
                %get3A_878 = vector.shape_cast %get3A_877 : vector<1x16xf32> to vector<16xf32>
                %mul3A_879 = arith.mulf %get3A_878, %mul3A_874 : vector<16xf32>
                %slice3A_880 = vector.extract_strided_slice %get3A_264 {offsets = [0], sizes = [1], strides = [1]} : vector<16xf32> to vector<1xf32>
                %squeeze3A_881 = vector.extract %slice3A_880[0] : f32 from vector<1xf32>
                %mul3A_882 = vector.broadcast %squeeze3A_881 : f32 to vector<16xf32>
                %mul3A_883 = arith.mulf %mul3A_865, %mul3A_882 : vector<16xf32>
                %add3A_884 = arith.addf %mul3A_879, %mul3A_883 : vector<16xf32>
                %add3A_885 = arith.constant 16 : i32
                %add3A_886 = arith.addi %add3A_885, %scan3A_260 : i32
                %swap3A_887 = arith.index_cast %add3A_886 : i32 to index
                %swap3A_888 = arith.constant 112 : index
                %swap3A_889 = tpu.vector_load %arg33[%swap3A_887, %swap3A_888] {strides = array<i32>} : memref<64x128xf32, #tpu.memory_space<vmem>>, vector<1x16xf32>,
                %swap3A_890 = vector.shape_cast %swap3A_889 : vector<1x16xf32> to vector<16xf32>
                %swap3A_891 = vector.shape_cast %add3A_884 : vector<16xf32> to vector<1x16xf32>
                tpu.vector_store %arg33[%swap3A_887, %swap3A_888], %swap3A_891 {strides = array<i32>} : memref<64x128xf32, #tpu.memory_space<vmem>>, vector<1x16xf32>,
                %get3A_892 = arith.index_cast %scan3A_260 : i32 to index
                %get3A_893 = arith.constant 624 : index
                %get3A_894 = tpu.vector_load %arg29[%get3A_892, %get3A_893] {strides = array<i32>} : memref<16x768xf32, #tpu.memory_space<vmem>>, vector<1x16xf32>,
                %get3A_895 = vector.shape_cast %get3A_894 : vector<1x16xf32> to vector<16xf32>
                %mul3A_896 = arith.mulf %get3A_895, %mul3A_874 : vector<16xf32>
                %slice3A_897 = vector.extract_strided_slice %get3A_264 {offsets = [1], sizes = [1], strides = [1]} : vector<16xf32> to vector<1xf32>
                %squeeze3A_898 = vector.extract %slice3A_897[0] : f32 from vector<1xf32>
                %mul3A_899 = vector.broadcast %squeeze3A_898 : f32 to vector<16xf32>
                %mul3A_900 = arith.mulf %mul3A_865, %mul3A_899 : vector<16xf32>
                %add3A_901 = arith.addf %mul3A_896, %mul3A_900 : vector<16xf32>
                %add3A_902 = arith.constant 32 : i32
                %add3A_903 = arith.addi %add3A_902, %scan3A_260 : i32
                %swap3A_904 = arith.index_cast %add3A_903 : i32 to index
                %swap3A_905 = arith.constant 112 : index
                %swap3A_906 = tpu.vector_load %arg33[%swap3A_904, %swap3A_905] {strides = array<i32>} : memref<64x128xf32, #tpu.memory_space<vmem>>, vector<1x16xf32>,
                %swap3A_907 = vector.shape_cast %swap3A_906 : vector<1x16xf32> to vector<16xf32>
                %swap3A_908 = vector.shape_cast %add3A_901 : vector<16xf32> to vector<1x16xf32>
                tpu.vector_store %arg33[%swap3A_904, %swap3A_905], %swap3A_908 {strides = array<i32>} : memref<64x128xf32, #tpu.memory_space<vmem>>, vector<1x16xf32>,
                %get3A_909 = arith.index_cast %scan3A_260 : i32 to index
                %get3A_910 = arith.constant 752 : index
                %get3A_911 = tpu.vector_load %arg29[%get3A_909, %get3A_910] {strides = array<i32>} : memref<16x768xf32, #tpu.memory_space<vmem>>, vector<1x16xf32>,
                %get3A_912 = vector.shape_cast %get3A_911 : vector<1x16xf32> to vector<16xf32>
                %mul3A_913 = arith.mulf %get3A_912, %mul3A_874 : vector<16xf32>
                %slice3A_914 = vector.extract_strided_slice %get3A_264 {offsets = [2], sizes = [1], strides = [1]} : vector<16xf32> to vector<1xf32>
                %squeeze3A_915 = vector.extract %slice3A_914[0] : f32 from vector<1xf32>
                %mul3A_916 = vector.broadcast %squeeze3A_915 : f32 to vector<16xf32>
                %mul3A_917 = arith.mulf %mul3A_865, %mul3A_916 : vector<16xf32>
                %add3A_918 = arith.addf %mul3A_913, %mul3A_917 : vector<16xf32>
                %add3A_919 = arith.constant 48 : i32
                %add3A_920 = arith.addi %add3A_919, %scan3A_260 : i32
                %swap3A_921 = arith.index_cast %add3A_920 : i32 to index
                %swap3A_922 = arith.constant 112 : index
                %swap3A_923 = tpu.vector_load %arg33[%swap3A_921, %swap3A_922] {strides = array<i32>} : memref<64x128xf32, #tpu.memory_space<vmem>>, vector<1x16xf32>,
                %swap3A_924 = vector.shape_cast %swap3A_923 : vector<1x16xf32> to vector<16xf32>
                %swap3A_925 = vector.shape_cast %add3A_918 : vector<16xf32> to vector<1x16xf32>
                tpu.vector_store %arg33[%swap3A_921, %swap3A_922], %swap3A_925 {strides = array<i32>} : memref<64x128xf32, #tpu.memory_space<vmem>>, vector<1x16xf32>,
                %scan3A_926 = arith.constant 0 : i32
                scf.yield %scan3A_926 : i32
              }
              %scan3A_216 = arith.constant 16 : i32
              %sub3A_217 = arith.constant 1 : i32
              %sub3A_218 = arith.subi %while3A_141, %sub3A_217 : i32
              %dma_start3A = arith.constant 0 : i32
              %dma_start3A_219 = arith.constant 0 : i32
              %dma_start3A_220 = tpu.memref_slice %arg33[%dma_start3A, %dma_start3A_219] : memref<64x128xf32, #tpu.memory_space<vmem>> -> memref<16x128xf32, #tpu.memory_space<vmem>>
              %dma_start3A_221 = arith.constant 0 : i32
              %dma_start3A_222 = tpu.memref_slice %arg27[%sub3A_218, %dma_start3A_221] : memref<128x16xi32, #tpu.memory_space<vmem>> -> memref<1x16xi32, #tpu.memory_space<vmem>>
              %dma_start3A_223 = tpu.memref_squeeze %dma_start3A_222 : memref<1x16xi32, #tpu.memory_space<vmem>> -> memref<16xi32, #tpu.memory_space<vmem>>
              %dma_start3A_224 = arith.constant 0 : i32
              %dma_start3A_225 = arith.constant 0 : i32
              %dma_start3A_226 = tpu.memref_slice %arg14[%dma_start3A_224, %dma_start3A_225] : memref<1032x128xf32, #tpu.memory_space<vmem_shared>> -> memref<1032x128xf32, #tpu.memory_space<vmem_shared>>
              tpu.enqueue_indirect_dma source(%dma_start3A_220 : memref<16x128xf32, #tpu.memory_space<vmem>>) target(%dma_start3A_226 : memref<1032x128xf32, #tpu.memory_space<vmem_shared>>) offsets(%dma_start3A_223 : memref<16xi32, #tpu.memory_space<vmem>>) semaphore(%arg37 : memref<!tpu.dma_semaphore, #tpu.memory_space<semaphore_mem>>) {add = true}
              %sub3A_227 = arith.constant 1 : i32
              %sub3A_228 = arith.subi %while3A_141, %sub3A_227 : i32
              %dma_start3A_229 = arith.constant 16 : i32
              %dma_start3A_230 = arith.constant 0 : i32
              %dma_start3A_231 = tpu.memref_slice %arg33[%dma_start3A_229, %dma_start3A_230] : memref<64x128xf32, #tpu.memory_space<vmem>> -> memref<16x128xf32, #tpu.memory_space<vmem>>
              %dma_start3A_232 = arith.constant 0 : i32
              %dma_start3A_233 = tpu.memref_slice %arg27[%sub3A_228, %dma_start3A_232] : memref<128x16xi32, #tpu.memory_space<vmem>> -> memref<1x16xi32, #tpu.memory_space<vmem>>
              %dma_start3A_234 = tpu.memref_squeeze %dma_start3A_233 : memref<1x16xi32, #tpu.memory_space<vmem>> -> memref<16xi32, #tpu.memory_space<vmem>>
              %dma_start3A_235 = arith.constant 0 : i32
              %dma_start3A_236 = arith.constant 0 : i32
              %dma_start3A_237 = tpu.memref_slice %arg15[%dma_start3A_235, %dma_start3A_236] : memref<1032x128xf32, #tpu.memory_space<vmem_shared>> -> memref<1032x128xf32, #tpu.memory_space<vmem_shared>>
              tpu.enqueue_indirect_dma source(%dma_start3A_231 : memref<16x128xf32, #tpu.memory_space<vmem>>) target(%dma_start3A_237 : memref<1032x128xf32, #tpu.memory_space<vmem_shared>>) offsets(%dma_start3A_234 : memref<16xi32, #tpu.memory_space<vmem>>) semaphore(%arg37 : memref<!tpu.dma_semaphore, #tpu.memory_space<semaphore_mem>>) {add = true}
              %sub3A_238 = arith.constant 1 : i32
              %sub3A_239 = arith.subi %while3A_141, %sub3A_238 : i32
              %dma_start3A_240 = arith.constant 32 : i32
              %dma_start3A_241 = arith.constant 0 : i32
              %dma_start3A_242 = tpu.memref_slice %arg33[%dma_start3A_240, %dma_start3A_241] : memref<64x128xf32, #tpu.memory_space<vmem>> -> memref<16x128xf32, #tpu.memory_space<vmem>>
              %dma_start3A_243 = arith.constant 0 : i32
              %dma_start3A_244 = tpu.memref_slice %arg27[%sub3A_239, %dma_start3A_243] : memref<128x16xi32, #tpu.memory_space<vmem>> -> memref<1x16xi32, #tpu.memory_space<vmem>>
              %dma_start3A_245 = tpu.memref_squeeze %dma_start3A_244 : memref<1x16xi32, #tpu.memory_space<vmem>> -> memref<16xi32, #tpu.memory_space<vmem>>
              %dma_start3A_246 = arith.constant 0 : i32
              %dma_start3A_247 = arith.constant 0 : i32
              %dma_start3A_248 = tpu.memref_slice %arg16[%dma_start3A_246, %dma_start3A_247] : memref<1032x128xf32, #tpu.memory_space<vmem_shared>> -> memref<1032x128xf32, #tpu.memory_space<vmem_shared>>
              tpu.enqueue_indirect_dma source(%dma_start3A_242 : memref<16x128xf32, #tpu.memory_space<vmem>>) target(%dma_start3A_248 : memref<1032x128xf32, #tpu.memory_space<vmem_shared>>) offsets(%dma_start3A_245 : memref<16xi32, #tpu.memory_space<vmem>>) semaphore(%arg37 : memref<!tpu.dma_semaphore, #tpu.memory_space<semaphore_mem>>) {add = true}
              %sub3A_249 = arith.constant 1 : i32
              %sub3A_250 = arith.subi %while3A_141, %sub3A_249 : i32
              %dma_start3A_251 = arith.constant 48 : i32
              %dma_start3A_252 = arith.constant 0 : i32
              %dma_start3A_253 = tpu.memref_slice %arg33[%dma_start3A_251, %dma_start3A_252] : memref<64x128xf32, #tpu.memory_space<vmem>> -> memref<16x128xf32, #tpu.memory_space<vmem>>
              %dma_start3A_254 = arith.constant 0 : i32
              %dma_start3A_255 = tpu.memref_slice %arg27[%sub3A_250, %dma_start3A_254] : memref<128x16xi32, #tpu.memory_space<vmem>> -> memref<1x16xi32, #tpu.memory_space<vmem>>
              %dma_start3A_256 = tpu.memref_squeeze %dma_start3A_255 : memref<1x16xi32, #tpu.memory_space<vmem>> -> memref<16xi32, #tpu.memory_space<vmem>>
              %dma_start3A_257 = arith.constant 0 : i32
              %dma_start3A_258 = arith.constant 0 : i32
              %dma_start3A_259 = tpu.memref_slice %arg17[%dma_start3A_257, %dma_start3A_258] : memref<1032x128xf32, #tpu.memory_space<vmem_shared>> -> memref<1032x128xf32, #tpu.memory_space<vmem_shared>>
              tpu.enqueue_indirect_dma source(%dma_start3A_253 : memref<16x128xf32, #tpu.memory_space<vmem>>) target(%dma_start3A_259 : memref<1032x128xf32, #tpu.memory_space<vmem_shared>>) offsets(%dma_start3A_256 : memref<16xi32, #tpu.memory_space<vmem>>) semaphore(%arg37 : memref<!tpu.dma_semaphore, #tpu.memory_space<semaphore_mem>>) {add = true}
            } else {
            }
          } else {
          }
          %jit3A_163 = arith.constant 2 : i32
          %eq3A_164 = arith.constant 0 : i32
          %eq3A_165 = arith.cmpi eq, %jit3A_163, %eq3A_164 : i32
          %jit3A_166 = arith.constant 1 : i32
          %select_n3A_167 = arith.select %eq3A_165, %jit3A_166, %jit3A_163 : i32
          %rem3A_168 = arith.remsi %while3A_141, %select_n3A_167 : i32
          %ne3A_169 = arith.constant 0 : i32
          %ne3A_170 = arith.cmpi ne, %rem3A_168, %ne3A_169 : i32
          %lt3A_171 = arith.constant 0 : i32
          %lt3A_172 = arith.cmpi slt, %rem3A_168, %lt3A_171 : i32
          %lt3A_173 = arith.constant 0 : i32
          %lt3A_174 = arith.cmpi slt, %select_n3A_167, %lt3A_173 : i32
          %ne3A_175 = arith.xori %lt3A_172, %lt3A_174 : i1
          %and3A_176 = arith.andi %ne3A_175, %ne3A_170 : i1
          %add3A_177 = arith.addi %rem3A_168, %select_n3A_167 : i32
          %select_n3A_178 = arith.select %and3A_176, %add3A_177, %rem3A_168 : i32
          %eq3A_179 = arith.constant 1 : i32
          %eq3A_180 = arith.cmpi eq, %select_n3A_178, %eq3A_179 : i32
          %convert_element_type3A_181 = arith.extui %eq3A_180 : i1 to i32
          %cond3A_182 = arith.constant 0 : i32
          %cond3A_183 = arith.cmpi ne, %convert_element_type3A_181, %cond3A_182 : i32
          scf.if %cond3A_183 {
            %lt3A_185 = arith.cmpi slt, %while3A_141, %select_n3A : i32
            %convert_element_type3A_186 = arith.extui %lt3A_185 : i1 to i32
            %cond3A_187 = arith.constant 0 : i32
            %cond3A_188 = arith.cmpi ne, %convert_element_type3A_186, %cond3A_187 : i32
            scf.if %cond3A_188 {
              %mul3A_194 = arith.constant 16 : i32
              %mul3A_195 = arith.muli %while3A_141, %mul3A_194 : i32
              %dma_start3A = tpu.memref_slice %arg26[%mul3A_195] : memref<2048xi32, #tpu.memory_space<vmem>> -> memref<16xi32, #tpu.memory_space<vmem>>
              %dma_start3A_196 = arith.constant 0 : i32
              %dma_start3A_197 = arith.constant 0 : i32
              %dma_start3A_198 = tpu.memref_slice %arg2[%dma_start3A_196, %dma_start3A_197] : memref<10240x768xf32, #tpu.memory_space<hbm>> -> memref<10240x768xf32, #tpu.memory_space<hbm>>
              tpu.enqueue_indirect_dma source(%dma_start3A_198 : memref<10240x768xf32, #tpu.memory_space<hbm>>) target(%arg29 : memref<16x768xf32, #tpu.memory_space<vmem>>) offsets(%dma_start3A : memref<16xi32, #tpu.memory_space<vmem>>) semaphore(%arg35 : memref<!tpu.dma_semaphore, #tpu.memory_space<semaphore_mem>>)
              %dma_start3A_199 = tpu.memref_slice %arg25[%mul3A_195] : memref<2048xi32, #tpu.memory_space<vmem>> -> memref<16xi32, #tpu.memory_space<vmem>>
              %dma_start3A_200 = arith.constant 0 : i32
              %dma_start3A_201 = arith.constant 0 : i32
              %dma_start3A_202 = tpu.memref_slice %arg3[%dma_start3A_200, %dma_start3A_201] : memref<320000x512xf32, #tpu.memory_space<hbm>> -> memref<320000x512xf32, #tpu.memory_space<hbm>>
              tpu.enqueue_indirect_dma source(%dma_start3A_202 : memref<320000x512xf32, #tpu.memory_space<hbm>>) target(%arg31 : memref<16x512xf32, #tpu.memory_space<vmem>>) offsets(%dma_start3A_199 : memref<16xi32, #tpu.memory_space<vmem>>) semaphore(%arg35 : memref<!tpu.dma_semaphore, #tpu.memory_space<semaphore_mem>>)
            } else {
            }
            %ge3A_189 = arith.constant 1 : i32
            %ge3A_190 = arith.cmpi sge, %while3A_141, %ge3A_189 : i32
            %convert_element_type3A_191 = arith.extui %ge3A_190 : i1 to i32
            %cond3A_192 = arith.constant 0 : i32
            %cond3A_193 = arith.cmpi ne, %convert_element_type3A_191, %cond3A_192 : i32
            scf.if %cond3A_193 {
              %dma_wait3A = arith.constant 0 : i32
              %dma_wait3A_194 = arith.constant 0 : i32
              %dma_wait3A_195 = tpu.memref_slice %arg2[%dma_wait3A, %dma_wait3A_194] : memref<10240x768xf32, #tpu.memory_space<hbm>> -> memref<16x768xf32, #tpu.memory_space<hbm>>
              %dma_wait3A_196 = arith.constant 0 : i32
              %dma_wait3A_197 = arith.constant 0 : i32
              %dma_wait3A_198 = tpu.memref_slice %arg2[%dma_wait3A_196, %dma_wait3A_197] : memref<10240x768xf32, #tpu.memory_space<hbm>> -> memref<16x768xf32, #tpu.memory_space<hbm>>
              tpu.wait_dma2 semaphore(%arg34 : memref<!tpu.dma_semaphore, #tpu.memory_space<semaphore_mem>>) src(%dma_wait3A_198 : memref<16x768xf32, #tpu.memory_space<hbm>>) dst(%arg28 : memref<16x768xf32, #tpu.memory_space<vmem>>)
              %dma_wait3A_199 = arith.constant 0 : i32
              %dma_wait3A_200 = arith.constant 0 : i32
              %dma_wait3A_201 = tpu.memref_slice %arg3[%dma_wait3A_199, %dma_wait3A_200] : memref<320000x512xf32, #tpu.memory_space<hbm>> -> memref<16x512xf32, #tpu.memory_space<hbm>>
              %dma_wait3A_202 = arith.constant 0 : i32
              %dma_wait3A_203 = arith.constant 0 : i32
              %dma_wait3A_204 = tpu.memref_slice %arg3[%dma_wait3A_202, %dma_wait3A_203] : memref<320000x512xf32, #tpu.memory_space<hbm>> -> memref<16x512xf32, #tpu.memory_space<hbm>>
              tpu.wait_dma2 semaphore(%arg34 : memref<!tpu.dma_semaphore, #tpu.memory_space<semaphore_mem>>) src(%dma_wait3A_204 : memref<16x512xf32, #tpu.memory_space<hbm>>) dst(%arg30 : memref<16x512xf32, #tpu.memory_space<vmem>>)
              %ge3A_205 = arith.constant 3 : i32
              %ge3A_206 = arith.cmpi sge, %while3A_141, %ge3A_205 : i32
              %convert_element_type3A_207 = arith.extui %ge3A_206 : i1 to i32
              %cond3A_208 = arith.constant 0 : i32
              %cond3A_209 = arith.cmpi ne, %convert_element_type3A_207, %cond3A_208 : i32
              scf.if %cond3A_209 {
                %dma_wait3A_260 = arith.constant 0 : i32
                %dma_wait3A_261 = arith.constant 0 : i32
                %dma_wait3A_262 = tpu.memref_slice %arg6[%dma_wait3A_260, %dma_wait3A_261] : memref<10240x128xf32, #tpu.memory_space<hbm>> -> memref<64x128xf32, #tpu.memory_space<hbm>>
                %dma_wait3A_263 = arith.constant 0 : i32
                %dma_wait3A_264 = arith.constant 0 : i32
                %dma_wait3A_265 = tpu.memref_slice %arg6[%dma_wait3A_263, %dma_wait3A_264] : memref<10240x128xf32, #tpu.memory_space<hbm>> -> memref<64x128xf32, #tpu.memory_space<hbm>>
                tpu.wait_dma2 semaphore(%arg36 : memref<!tpu.dma_semaphore, #tpu.memory_space<semaphore_mem>>) src(%dma_wait3A_265 : memref<64x128xf32, #tpu.memory_space<hbm>>) dst(%arg32 : memref<64x128xf32, #tpu.memory_space<vmem>>)
              } else {
              }
              %scan3A_210 = arith.constant 0 : i32
              %scan3A_211 = arith.constant 0 : i32
              %scan3A_212 = arith.constant 16 : i32
              %scan3A_213 = arith.addi %scan3A_211, %scan3A_212 : i32
              %scan3A_214 = arith.constant 1 : i32
              %scan3A_215 = scf.for %scan3A_260 = %scan3A_211 to %scan3A_213 step %scan3A_214 iter_args(%scan3A_261 = %scan3A_210) -> (i32)  : i32 {
                %get3A = arith.index_cast %scan3A_260 : i32 to index
                %get3A_262 = arith.constant 384 : index
                %get3A_263 = tpu.vector_load %arg30[%get3A, %get3A_262] {strides = array<i32>} : memref<16x512xf32, #tpu.memory_space<vmem>>, vector<1x16xf32>,
                %get3A_264 = vector.shape_cast %get3A_263 : vector<1x16xf32> to vector<16xf32>
                %get3A_265 = arith.index_cast %scan3A_260 : i32 to index
                %get3A_266 = arith.constant 0 : index
                %get3A_267 = tpu.vector_load %arg28[%get3A_265, %get3A_266] {strides = array<i32>} : memref<16x768xf32, #tpu.memory_space<vmem>>, vector<1x16xf32>,
                %get3A_268 = vector.shape_cast %get3A_267 : vector<1x16xf32> to vector<16xf32>
                %get3A_269 = arith.index_cast %scan3A_260 : i32 to index
                %get3A_270 = arith.constant 0 : index
                %get3A_271 = tpu.vector_load %arg30[%get3A_269, %get3A_270] {strides = array<i32>} : memref<16x512xf32, #tpu.memory_space<vmem>>, vector<1x16xf32>,
                %get3A_272 = vector.shape_cast %get3A_271 : vector<1x16xf32> to vector<16xf32>
                %mul3A_273 = arith.mulf %get3A_268, %get3A_272 : vector<16xf32>
                %swap3A = arith.index_cast %scan3A_260 : i32 to index
                %swap3A_274 = arith.constant 0 : index
                %swap3A_275 = tpu.vector_load %arg32[%swap3A, %swap3A_274] {strides = array<i32>} : memref<64x128xf32, #tpu.memory_space<vmem>>, vector<1x16xf32>,
                %swap3A_276 = vector.shape_cast %swap3A_275 : vector<1x16xf32> to vector<16xf32>
                %swap3A_277 = vector.shape_cast %mul3A_273 : vector<16xf32> to vector<1x16xf32>
                tpu.vector_store %arg32[%swap3A, %swap3A_274], %swap3A_277 {strides = array<i32>} : memref<64x128xf32, #tpu.memory_space<vmem>>, vector<1x16xf32>,
                %get3A_278 = arith.index_cast %scan3A_260 : i32 to index
                %get3A_279 = arith.constant 128 : index
                %get3A_280 = tpu.vector_load %arg28[%get3A_278, %get3A_279] {strides = array<i32>} : memref<16x768xf32, #tpu.memory_space<vmem>>, vector<1x16xf32>,
                %get3A_281 = vector.shape_cast %get3A_280 : vector<1x16xf32> to vector<16xf32>
                %get3A_282 = arith.index_cast %scan3A_260 : i32 to index
                %get3A_283 = arith.constant 128 : index
                %get3A_284 = tpu.vector_load %arg30[%get3A_282, %get3A_283] {strides = array<i32>} : memref<16x512xf32, #tpu.memory_space<vmem>>, vector<1x16xf32>,
                %get3A_285 = vector.shape_cast %get3A_284 : vector<1x16xf32> to vector<16xf32>
                %mul3A_286 = arith.mulf %get3A_281, %get3A_285 : vector<16xf32>
                %get3A_287 = arith.index_cast %scan3A_260 : i32 to index
                %get3A_288 = arith.constant 256 : index
                %get3A_289 = tpu.vector_load %arg28[%get3A_287, %get3A_288] {strides = array<i32>} : memref<16x768xf32, #tpu.memory_space<vmem>>, vector<1x16xf32>,
                %get3A_290 = vector.shape_cast %get3A_289 : vector<1x16xf32> to vector<16xf32>
                %get3A_291 = arith.index_cast %scan3A_260 : i32 to index
                %get3A_292 = arith.constant 256 : index
                %get3A_293 = tpu.vector_load %arg30[%get3A_291, %get3A_292] {strides = array<i32>} : memref<16x512xf32, #tpu.memory_space<vmem>>, vector<1x16xf32>,
                %get3A_294 = vector.shape_cast %get3A_293 : vector<1x16xf32> to vector<16xf32>
                %mul3A_295 = arith.mulf %get3A_290, %get3A_294 : vector<16xf32>
                %get3A_296 = arith.index_cast %scan3A_260 : i32 to index
                %get3A_297 = arith.constant 384 : index
                %get3A_298 = tpu.vector_load %arg28[%get3A_296, %get3A_297] {strides = array<i32>} : memref<16x768xf32, #tpu.memory_space<vmem>>, vector<1x16xf32>,
                %get3A_299 = vector.shape_cast %get3A_298 : vector<1x16xf32> to vector<16xf32>
                %mul3A_300 = arith.mulf %get3A_299, %mul3A_295 : vector<16xf32>
                %slice3A = vector.extract_strided_slice %get3A_264 {offsets = [0], sizes = [1], strides = [1]} : vector<16xf32> to vector<1xf32>
                %squeeze3A = vector.extract %slice3A[0] : f32 from vector<1xf32>
                %mul3A_301 = vector.broadcast %squeeze3A : f32 to vector<16xf32>
                %mul3A_302 = arith.mulf %mul3A_286, %mul3A_301 : vector<16xf32>
                %add3A_303 = arith.addf %mul3A_300, %mul3A_302 : vector<16xf32>
                %add3A_304 = arith.constant 16 : i32
                %add3A_305 = arith.addi %add3A_304, %scan3A_260 : i32
                %swap3A_306 = arith.index_cast %add3A_305 : i32 to index
                %swap3A_307 = arith.constant 0 : index
                %swap3A_308 = tpu.vector_load %arg32[%swap3A_306, %swap3A_307] {strides = array<i32>} : memref<64x128xf32, #tpu.memory_space<vmem>>, vector<1x16xf32>,
                %swap3A_309 = vector.shape_cast %swap3A_308 : vector<1x16xf32> to vector<16xf32>
                %swap3A_310 = vector.shape_cast %add3A_303 : vector<16xf32> to vector<1x16xf32>
                tpu.vector_store %arg32[%swap3A_306, %swap3A_307], %swap3A_310 {strides = array<i32>} : memref<64x128xf32, #tpu.memory_space<vmem>>, vector<1x16xf32>,
                %get3A_311 = arith.index_cast %scan3A_260 : i32 to index
                %get3A_312 = arith.constant 512 : index
                %get3A_313 = tpu.vector_load %arg28[%get3A_311, %get3A_312] {strides = array<i32>} : memref<16x768xf32, #tpu.memory_space<vmem>>, vector<1x16xf32>,
                %get3A_314 = vector.shape_cast %get3A_313 : vector<1x16xf32> to vector<16xf32>
                %mul3A_315 = arith.mulf %get3A_314, %mul3A_295 : vector<16xf32>
                %slice3A_316 = vector.extract_strided_slice %get3A_264 {offsets = [1], sizes = [1], strides = [1]} : vector<16xf32> to vector<1xf32>
                %squeeze3A_317 = vector.extract %slice3A_316[0] : f32 from vector<1xf32>
                %mul3A_318 = vector.broadcast %squeeze3A_317 : f32 to vector<16xf32>
                %mul3A_319 = arith.mulf %mul3A_286, %mul3A_318 : vector<16xf32>
                %add3A_320 = arith.addf %mul3A_315, %mul3A_319 : vector<16xf32>
                %add3A_321 = arith.constant 32 : i32
                %add3A_322 = arith.addi %add3A_321, %scan3A_260 : i32
                %swap3A_323 = arith.index_cast %add3A_322 : i32 to index
                %swap3A_324 = arith.constant 0 : index
                %swap3A_325 = tpu.vector_load %arg32[%swap3A_323, %swap3A_324] {strides = array<i32>} : memref<64x128xf32, #tpu.memory_space<vmem>>, vector<1x16xf32>,
                %swap3A_326 = vector.shape_cast %swap3A_325 : vector<1x16xf32> to vector<16xf32>
                %swap3A_327 = vector.shape_cast %add3A_320 : vector<16xf32> to vector<1x16xf32>
                tpu.vector_store %arg32[%swap3A_323, %swap3A_324], %swap3A_327 {strides = array<i32>} : memref<64x128xf32, #tpu.memory_space<vmem>>, vector<1x16xf32>,
                %get3A_328 = arith.index_cast %scan3A_260 : i32 to index
                %get3A_329 = arith.constant 640 : index
                %get3A_330 = tpu.vector_load %arg28[%get3A_328, %get3A_329] {strides = array<i32>} : memref<16x768xf32, #tpu.memory_space<vmem>>, vector<1x16xf32>,
                %get3A_331 = vector.shape_cast %get3A_330 : vector<1x16xf32> to vector<16xf32>
                %mul3A_332 = arith.mulf %get3A_331, %mul3A_295 : vector<16xf32>
                %slice3A_333 = vector.extract_strided_slice %get3A_264 {offsets = [2], sizes = [1], strides = [1]} : vector<16xf32> to vector<1xf32>
                %squeeze3A_334 = vector.extract %slice3A_333[0] : f32 from vector<1xf32>
                %mul3A_335 = vector.broadcast %squeeze3A_334 : f32 to vector<16xf32>
                %mul3A_336 = arith.mulf %mul3A_286, %mul3A_335 : vector<16xf32>
                %add3A_337 = arith.addf %mul3A_332, %mul3A_336 : vector<16xf32>
                %add3A_338 = arith.constant 48 : i32
                %add3A_339 = arith.addi %add3A_338, %scan3A_260 : i32
                %swap3A_340 = arith.index_cast %add3A_339 : i32 to index
                %swap3A_341 = arith.constant 0 : index
                %swap3A_342 = tpu.vector_load %arg32[%swap3A_340, %swap3A_341] {strides = array<i32>} : memref<64x128xf32, #tpu.memory_space<vmem>>, vector<1x16xf32>,
                %swap3A_343 = vector.shape_cast %swap3A_342 : vector<1x16xf32> to vector<16xf32>
                %swap3A_344 = vector.shape_cast %add3A_337 : vector<16xf32> to vector<1x16xf32>
                tpu.vector_store %arg32[%swap3A_340, %swap3A_341], %swap3A_344 {strides = array<i32>} : memref<64x128xf32, #tpu.memory_space<vmem>>, vector<1x16xf32>,
                %get3A_345 = arith.index_cast %scan3A_260 : i32 to index
                %get3A_346 = arith.constant 16 : index
                %get3A_347 = tpu.vector_load %arg28[%get3A_345, %get3A_346] {strides = array<i32>} : memref<16x768xf32, #tpu.memory_space<vmem>>, vector<1x16xf32>,
                %get3A_348 = vector.shape_cast %get3A_347 : vector<1x16xf32> to vector<16xf32>
                %get3A_349 = arith.index_cast %scan3A_260 : i32 to index
                %get3A_350 = arith.constant 16 : index
                %get3A_351 = tpu.vector_load %arg30[%get3A_349, %get3A_350] {strides = array<i32>} : memref<16x512xf32, #tpu.memory_space<vmem>>, vector<1x16xf32>,
                %get3A_352 = vector.shape_cast %get3A_351 : vector<1x16xf32> to vector<16xf32>
                %mul3A_353 = arith.mulf %get3A_348, %get3A_352 : vector<16xf32>
                %swap3A_354 = arith.index_cast %scan3A_260 : i32 to index
                %swap3A_355 = arith.constant 16 : index
                %swap3A_356 = tpu.vector_load %arg32[%swap3A_354, %swap3A_355] {strides = array<i32>} : memref<64x128xf32, #tpu.memory_space<vmem>>, vector<1x16xf32>,
                %swap3A_357 = vector.shape_cast %swap3A_356 : vector<1x16xf32> to vector<16xf32>
                %swap3A_358 = vector.shape_cast %mul3A_353 : vector<16xf32> to vector<1x16xf32>
                tpu.vector_store %arg32[%swap3A_354, %swap3A_355], %swap3A_358 {strides = array<i32>} : memref<64x128xf32, #tpu.memory_space<vmem>>, vector<1x16xf32>,
                %get3A_359 = arith.index_cast %scan3A_260 : i32 to index
                %get3A_360 = arith.constant 144 : index
                %get3A_361 = tpu.vector_load %arg28[%get3A_359, %get3A_360] {strides = array<i32>} : memref<16x768xf32, #tpu.memory_space<vmem>>, vector<1x16xf32>,
                %get3A_362 = vector.shape_cast %get3A_361 : vector<1x16xf32> to vector<16xf32>
                %get3A_363 = arith.index_cast %scan3A_260 : i32 to index
                %get3A_364 = arith.constant 144 : index
                %get3A_365 = tpu.vector_load %arg30[%get3A_363, %get3A_364] {strides = array<i32>} : memref<16x512xf32, #tpu.memory_space<vmem>>, vector<1x16xf32>,
                %get3A_366 = vector.shape_cast %get3A_365 : vector<1x16xf32> to vector<16xf32>
                %mul3A_367 = arith.mulf %get3A_362, %get3A_366 : vector<16xf32>
                %get3A_368 = arith.index_cast %scan3A_260 : i32 to index
                %get3A_369 = arith.constant 272 : index
                %get3A_370 = tpu.vector_load %arg28[%get3A_368, %get3A_369] {strides = array<i32>} : memref<16x768xf32, #tpu.memory_space<vmem>>, vector<1x16xf32>,
                %get3A_371 = vector.shape_cast %get3A_370 : vector<1x16xf32> to vector<16xf32>
                %get3A_372 = arith.index_cast %scan3A_260 : i32 to index
                %get3A_373 = arith.constant 272 : index
                %get3A_374 = tpu.vector_load %arg30[%get3A_372, %get3A_373] {strides = array<i32>} : memref<16x512xf32, #tpu.memory_space<vmem>>, vector<1x16xf32>,
                %get3A_375 = vector.shape_cast %get3A_374 : vector<1x16xf32> to vector<16xf32>
                %mul3A_376 = arith.mulf %get3A_371, %get3A_375 : vector<16xf32>
                %get3A_377 = arith.index_cast %scan3A_260 : i32 to index
                %get3A_378 = arith.constant 400 : index
                %get3A_379 = tpu.vector_load %arg28[%get3A_377, %get3A_378] {strides = array<i32>} : memref<16x768xf32, #tpu.memory_space<vmem>>, vector<1x16xf32>,
                %get3A_380 = vector.shape_cast %get3A_379 : vector<1x16xf32> to vector<16xf32>
                %mul3A_381 = arith.mulf %get3A_380, %mul3A_376 : vector<16xf32>
                %slice3A_382 = vector.extract_strided_slice %get3A_264 {offsets = [0], sizes = [1], strides = [1]} : vector<16xf32> to vector<1xf32>
                %squeeze3A_383 = vector.extract %slice3A_382[0] : f32 from vector<1xf32>
                %mul3A_384 = vector.broadcast %squeeze3A_383 : f32 to vector<16xf32>
                %mul3A_385 = arith.mulf %mul3A_367, %mul3A_384 : vector<16xf32>
                %add3A_386 = arith.addf %mul3A_381, %mul3A_385 : vector<16xf32>
                %add3A_387 = arith.constant 16 : i32
                %add3A_388 = arith.addi %add3A_387, %scan3A_260 : i32
                %swap3A_389 = arith.index_cast %add3A_388 : i32 to index
                %swap3A_390 = arith.constant 16 : index
                %swap3A_391 = tpu.vector_load %arg32[%swap3A_389, %swap3A_390] {strides = array<i32>} : memref<64x128xf32, #tpu.memory_space<vmem>>, vector<1x16xf32>,
                %swap3A_392 = vector.shape_cast %swap3A_391 : vector<1x16xf32> to vector<16xf32>
                %swap3A_393 = vector.shape_cast %add3A_386 : vector<16xf32> to vector<1x16xf32>
                tpu.vector_store %arg32[%swap3A_389, %swap3A_390], %swap3A_393 {strides = array<i32>} : memref<64x128xf32, #tpu.memory_space<vmem>>, vector<1x16xf32>,
                %get3A_394 = arith.index_cast %scan3A_260 : i32 to index
                %get3A_395 = arith.constant 528 : index
                %get3A_396 = tpu.vector_load %arg28[%get3A_394, %get3A_395] {strides = array<i32>} : memref<16x768xf32, #tpu.memory_space<vmem>>, vector<1x16xf32>,
                %get3A_397 = vector.shape_cast %get3A_396 : vector<1x16xf32> to vector<16xf32>
                %mul3A_398 = arith.mulf %get3A_397, %mul3A_376 : vector<16xf32>
                %slice3A_399 = vector.extract_strided_slice %get3A_264 {offsets = [1], sizes = [1], strides = [1]} : vector<16xf32> to vector<1xf32>
                %squeeze3A_400 = vector.extract %slice3A_399[0] : f32 from vector<1xf32>
                %mul3A_401 = vector.broadcast %squeeze3A_400 : f32 to vector<16xf32>
                %mul3A_402 = arith.mulf %mul3A_367, %mul3A_401 : vector<16xf32>
                %add3A_403 = arith.addf %mul3A_398, %mul3A_402 : vector<16xf32>
                %add3A_404 = arith.constant 32 : i32
                %add3A_405 = arith.addi %add3A_404, %scan3A_260 : i32
                %swap3A_406 = arith.index_cast %add3A_405 : i32 to index
                %swap3A_407 = arith.constant 16 : index
                %swap3A_408 = tpu.vector_load %arg32[%swap3A_406, %swap3A_407] {strides = array<i32>} : memref<64x128xf32, #tpu.memory_space<vmem>>, vector<1x16xf32>,
                %swap3A_409 = vector.shape_cast %swap3A_408 : vector<1x16xf32> to vector<16xf32>
                %swap3A_410 = vector.shape_cast %add3A_403 : vector<16xf32> to vector<1x16xf32>
                tpu.vector_store %arg32[%swap3A_406, %swap3A_407], %swap3A_410 {strides = array<i32>} : memref<64x128xf32, #tpu.memory_space<vmem>>, vector<1x16xf32>,
                %get3A_411 = arith.index_cast %scan3A_260 : i32 to index
                %get3A_412 = arith.constant 656 : index
                %get3A_413 = tpu.vector_load %arg28[%get3A_411, %get3A_412] {strides = array<i32>} : memref<16x768xf32, #tpu.memory_space<vmem>>, vector<1x16xf32>,
                %get3A_414 = vector.shape_cast %get3A_413 : vector<1x16xf32> to vector<16xf32>
                %mul3A_415 = arith.mulf %get3A_414, %mul3A_376 : vector<16xf32>
                %slice3A_416 = vector.extract_strided_slice %get3A_264 {offsets = [2], sizes = [1], strides = [1]} : vector<16xf32> to vector<1xf32>
                %squeeze3A_417 = vector.extract %slice3A_416[0] : f32 from vector<1xf32>
                %mul3A_418 = vector.broadcast %squeeze3A_417 : f32 to vector<16xf32>
                %mul3A_419 = arith.mulf %mul3A_367, %mul3A_418 : vector<16xf32>
                %add3A_420 = arith.addf %mul3A_415, %mul3A_419 : vector<16xf32>
                %add3A_421 = arith.constant 48 : i32
                %add3A_422 = arith.addi %add3A_421, %scan3A_260 : i32
                %swap3A_423 = arith.index_cast %add3A_422 : i32 to index
                %swap3A_424 = arith.constant 16 : index
                %swap3A_425 = tpu.vector_load %arg32[%swap3A_423, %swap3A_424] {strides = array<i32>} : memref<64x128xf32, #tpu.memory_space<vmem>>, vector<1x16xf32>,
                %swap3A_426 = vector.shape_cast %swap3A_425 : vector<1x16xf32> to vector<16xf32>
                %swap3A_427 = vector.shape_cast %add3A_420 : vector<16xf32> to vector<1x16xf32>
                tpu.vector_store %arg32[%swap3A_423, %swap3A_424], %swap3A_427 {strides = array<i32>} : memref<64x128xf32, #tpu.memory_space<vmem>>, vector<1x16xf32>,
                %get3A_428 = arith.index_cast %scan3A_260 : i32 to index
                %get3A_429 = arith.constant 32 : index
                %get3A_430 = tpu.vector_load %arg28[%get3A_428, %get3A_429] {strides = array<i32>} : memref<16x768xf32, #tpu.memory_space<vmem>>, vector<1x16xf32>,
                %get3A_431 = vector.shape_cast %get3A_430 : vector<1x16xf32> to vector<16xf32>
                %get3A_432 = arith.index_cast %scan3A_260 : i32 to index
                %get3A_433 = arith.constant 32 : index
                %get3A_434 = tpu.vector_load %arg30[%get3A_432, %get3A_433] {strides = array<i32>} : memref<16x512xf32, #tpu.memory_space<vmem>>, vector<1x16xf32>,
                %get3A_435 = vector.shape_cast %get3A_434 : vector<1x16xf32> to vector<16xf32>
                %mul3A_436 = arith.mulf %get3A_431, %get3A_435 : vector<16xf32>
                %swap3A_437 = arith.index_cast %scan3A_260 : i32 to index
                %swap3A_438 = arith.constant 32 : index
                %swap3A_439 = tpu.vector_load %arg32[%swap3A_437, %swap3A_438] {strides = array<i32>} : memref<64x128xf32, #tpu.memory_space<vmem>>, vector<1x16xf32>,
                %swap3A_440 = vector.shape_cast %swap3A_439 : vector<1x16xf32> to vector<16xf32>
                %swap3A_441 = vector.shape_cast %mul3A_436 : vector<16xf32> to vector<1x16xf32>
                tpu.vector_store %arg32[%swap3A_437, %swap3A_438], %swap3A_441 {strides = array<i32>} : memref<64x128xf32, #tpu.memory_space<vmem>>, vector<1x16xf32>,
                %get3A_442 = arith.index_cast %scan3A_260 : i32 to index
                %get3A_443 = arith.constant 160 : index
                %get3A_444 = tpu.vector_load %arg28[%get3A_442, %get3A_443] {strides = array<i32>} : memref<16x768xf32, #tpu.memory_space<vmem>>, vector<1x16xf32>,
                %get3A_445 = vector.shape_cast %get3A_444 : vector<1x16xf32> to vector<16xf32>
                %get3A_446 = arith.index_cast %scan3A_260 : i32 to index
                %get3A_447 = arith.constant 160 : index
                %get3A_448 = tpu.vector_load %arg30[%get3A_446, %get3A_447] {strides = array<i32>} : memref<16x512xf32, #tpu.memory_space<vmem>>, vector<1x16xf32>,
                %get3A_449 = vector.shape_cast %get3A_448 : vector<1x16xf32> to vector<16xf32>
                %mul3A_450 = arith.mulf %get3A_445, %get3A_449 : vector<16xf32>
                %get3A_451 = arith.index_cast %scan3A_260 : i32 to index
                %get3A_452 = arith.constant 288 : index
                %get3A_453 = tpu.vector_load %arg28[%get3A_451, %get3A_452] {strides = array<i32>} : memref<16x768xf32, #tpu.memory_space<vmem>>, vector<1x16xf32>,
                %get3A_454 = vector.shape_cast %get3A_453 : vector<1x16xf32> to vector<16xf32>
                %get3A_455 = arith.index_cast %scan3A_260 : i32 to index
                %get3A_456 = arith.constant 288 : index
                %get3A_457 = tpu.vector_load %arg30[%get3A_455, %get3A_456] {strides = array<i32>} : memref<16x512xf32, #tpu.memory_space<vmem>>, vector<1x16xf32>,
                %get3A_458 = vector.shape_cast %get3A_457 : vector<1x16xf32> to vector<16xf32>
                %mul3A_459 = arith.mulf %get3A_454, %get3A_458 : vector<16xf32>
                %get3A_460 = arith.index_cast %scan3A_260 : i32 to index
                %get3A_461 = arith.constant 416 : index
                %get3A_462 = tpu.vector_load %arg28[%get3A_460, %get3A_461] {strides = array<i32>} : memref<16x768xf32, #tpu.memory_space<vmem>>, vector<1x16xf32>,
                %get3A_463 = vector.shape_cast %get3A_462 : vector<1x16xf32> to vector<16xf32>
                %mul3A_464 = arith.mulf %get3A_463, %mul3A_459 : vector<16xf32>
                %slice3A_465 = vector.extract_strided_slice %get3A_264 {offsets = [0], sizes = [1], strides = [1]} : vector<16xf32> to vector<1xf32>
                %squeeze3A_466 = vector.extract %slice3A_465[0] : f32 from vector<1xf32>
                %mul3A_467 = vector.broadcast %squeeze3A_466 : f32 to vector<16xf32>
                %mul3A_468 = arith.mulf %mul3A_450, %mul3A_467 : vector<16xf32>
                %add3A_469 = arith.addf %mul3A_464, %mul3A_468 : vector<16xf32>
                %add3A_470 = arith.constant 16 : i32
                %add3A_471 = arith.addi %add3A_470, %scan3A_260 : i32
                %swap3A_472 = arith.index_cast %add3A_471 : i32 to index
                %swap3A_473 = arith.constant 32 : index
                %swap3A_474 = tpu.vector_load %arg32[%swap3A_472, %swap3A_473] {strides = array<i32>} : memref<64x128xf32, #tpu.memory_space<vmem>>, vector<1x16xf32>,
                %swap3A_475 = vector.shape_cast %swap3A_474 : vector<1x16xf32> to vector<16xf32>
                %swap3A_476 = vector.shape_cast %add3A_469 : vector<16xf32> to vector<1x16xf32>
                tpu.vector_store %arg32[%swap3A_472, %swap3A_473], %swap3A_476 {strides = array<i32>} : memref<64x128xf32, #tpu.memory_space<vmem>>, vector<1x16xf32>,
                %get3A_477 = arith.index_cast %scan3A_260 : i32 to index
                %get3A_478 = arith.constant 544 : index
                %get3A_479 = tpu.vector_load %arg28[%get3A_477, %get3A_478] {strides = array<i32>} : memref<16x768xf32, #tpu.memory_space<vmem>>, vector<1x16xf32>,
                %get3A_480 = vector.shape_cast %get3A_479 : vector<1x16xf32> to vector<16xf32>
                %mul3A_481 = arith.mulf %get3A_480, %mul3A_459 : vector<16xf32>
                %slice3A_482 = vector.extract_strided_slice %get3A_264 {offsets = [1], sizes = [1], strides = [1]} : vector<16xf32> to vector<1xf32>
                %squeeze3A_483 = vector.extract %slice3A_482[0] : f32 from vector<1xf32>
                %mul3A_484 = vector.broadcast %squeeze3A_483 : f32 to vector<16xf32>
                %mul3A_485 = arith.mulf %mul3A_450, %mul3A_484 : vector<16xf32>
                %add3A_486 = arith.addf %mul3A_481, %mul3A_485 : vector<16xf32>
                %add3A_487 = arith.constant 32 : i32
                %add3A_488 = arith.addi %add3A_487, %scan3A_260 : i32
                %swap3A_489 = arith.index_cast %add3A_488 : i32 to index
                %swap3A_490 = arith.constant 32 : index
                %swap3A_491 = tpu.vector_load %arg32[%swap3A_489, %swap3A_490] {strides = array<i32>} : memref<64x128xf32, #tpu.memory_space<vmem>>, vector<1x16xf32>,
                %swap3A_492 = vector.shape_cast %swap3A_491 : vector<1x16xf32> to vector<16xf32>
                %swap3A_493 = vector.shape_cast %add3A_486 : vector<16xf32> to vector<1x16xf32>
                tpu.vector_store %arg32[%swap3A_489, %swap3A_490], %swap3A_493 {strides = array<i32>} : memref<64x128xf32, #tpu.memory_space<vmem>>, vector<1x16xf32>,
                %get3A_494 = arith.index_cast %scan3A_260 : i32 to index
                %get3A_495 = arith.constant 672 : index
                %get3A_496 = tpu.vector_load %arg28[%get3A_494, %get3A_495] {strides = array<i32>} : memref<16x768xf32, #tpu.memory_space<vmem>>, vector<1x16xf32>,
                %get3A_497 = vector.shape_cast %get3A_496 : vector<1x16xf32> to vector<16xf32>
                %mul3A_498 = arith.mulf %get3A_497, %mul3A_459 : vector<16xf32>
                %slice3A_499 = vector.extract_strided_slice %get3A_264 {offsets = [2], sizes = [1], strides = [1]} : vector<16xf32> to vector<1xf32>
                %squeeze3A_500 = vector.extract %slice3A_499[0] : f32 from vector<1xf32>
                %mul3A_501 = vector.broadcast %squeeze3A_500 : f32 to vector<16xf32>
                %mul3A_502 = arith.mulf %mul3A_450, %mul3A_501 : vector<16xf32>
                %add3A_503 = arith.addf %mul3A_498, %mul3A_502 : vector<16xf32>
                %add3A_504 = arith.constant 48 : i32
                %add3A_505 = arith.addi %add3A_504, %scan3A_260 : i32
                %swap3A_506 = arith.index_cast %add3A_505 : i32 to index
                %swap3A_507 = arith.constant 32 : index
                %swap3A_508 = tpu.vector_load %arg32[%swap3A_506, %swap3A_507] {strides = array<i32>} : memref<64x128xf32, #tpu.memory_space<vmem>>, vector<1x16xf32>,
                %swap3A_509 = vector.shape_cast %swap3A_508 : vector<1x16xf32> to vector<16xf32>
                %swap3A_510 = vector.shape_cast %add3A_503 : vector<16xf32> to vector<1x16xf32>
                tpu.vector_store %arg32[%swap3A_506, %swap3A_507], %swap3A_510 {strides = array<i32>} : memref<64x128xf32, #tpu.memory_space<vmem>>, vector<1x16xf32>,
                %get3A_511 = arith.index_cast %scan3A_260 : i32 to index
                %get3A_512 = arith.constant 48 : index
                %get3A_513 = tpu.vector_load %arg28[%get3A_511, %get3A_512] {strides = array<i32>} : memref<16x768xf32, #tpu.memory_space<vmem>>, vector<1x16xf32>,
                %get3A_514 = vector.shape_cast %get3A_513 : vector<1x16xf32> to vector<16xf32>
                %get3A_515 = arith.index_cast %scan3A_260 : i32 to index
                %get3A_516 = arith.constant 48 : index
                %get3A_517 = tpu.vector_load %arg30[%get3A_515, %get3A_516] {strides = array<i32>} : memref<16x512xf32, #tpu.memory_space<vmem>>, vector<1x16xf32>,
                %get3A_518 = vector.shape_cast %get3A_517 : vector<1x16xf32> to vector<16xf32>
                %mul3A_519 = arith.mulf %get3A_514, %get3A_518 : vector<16xf32>
                %swap3A_520 = arith.index_cast %scan3A_260 : i32 to index
                %swap3A_521 = arith.constant 48 : index
                %swap3A_522 = tpu.vector_load %arg32[%swap3A_520, %swap3A_521] {strides = array<i32>} : memref<64x128xf32, #tpu.memory_space<vmem>>, vector<1x16xf32>,
                %swap3A_523 = vector.shape_cast %swap3A_522 : vector<1x16xf32> to vector<16xf32>
                %swap3A_524 = vector.shape_cast %mul3A_519 : vector<16xf32> to vector<1x16xf32>
                tpu.vector_store %arg32[%swap3A_520, %swap3A_521], %swap3A_524 {strides = array<i32>} : memref<64x128xf32, #tpu.memory_space<vmem>>, vector<1x16xf32>,
                %get3A_525 = arith.index_cast %scan3A_260 : i32 to index
                %get3A_526 = arith.constant 176 : index
                %get3A_527 = tpu.vector_load %arg28[%get3A_525, %get3A_526] {strides = array<i32>} : memref<16x768xf32, #tpu.memory_space<vmem>>, vector<1x16xf32>,
                %get3A_528 = vector.shape_cast %get3A_527 : vector<1x16xf32> to vector<16xf32>
                %get3A_529 = arith.index_cast %scan3A_260 : i32 to index
                %get3A_530 = arith.constant 176 : index
                %get3A_531 = tpu.vector_load %arg30[%get3A_529, %get3A_530] {strides = array<i32>} : memref<16x512xf32, #tpu.memory_space<vmem>>, vector<1x16xf32>,
                %get3A_532 = vector.shape_cast %get3A_531 : vector<1x16xf32> to vector<16xf32>
                %mul3A_533 = arith.mulf %get3A_528, %get3A_532 : vector<16xf32>
                %get3A_534 = arith.index_cast %scan3A_260 : i32 to index
                %get3A_535 = arith.constant 304 : index
                %get3A_536 = tpu.vector_load %arg28[%get3A_534, %get3A_535] {strides = array<i32>} : memref<16x768xf32, #tpu.memory_space<vmem>>, vector<1x16xf32>,
                %get3A_537 = vector.shape_cast %get3A_536 : vector<1x16xf32> to vector<16xf32>
                %get3A_538 = arith.index_cast %scan3A_260 : i32 to index
                %get3A_539 = arith.constant 304 : index
                %get3A_540 = tpu.vector_load %arg30[%get3A_538, %get3A_539] {strides = array<i32>} : memref<16x512xf32, #tpu.memory_space<vmem>>, vector<1x16xf32>,
                %get3A_541 = vector.shape_cast %get3A_540 : vector<1x16xf32> to vector<16xf32>
                %mul3A_542 = arith.mulf %get3A_537, %get3A_541 : vector<16xf32>
                %get3A_543 = arith.index_cast %scan3A_260 : i32 to index
                %get3A_544 = arith.constant 432 : index
                %get3A_545 = tpu.vector_load %arg28[%get3A_543, %get3A_544] {strides = array<i32>} : memref<16x768xf32, #tpu.memory_space<vmem>>, vector<1x16xf32>,
                %get3A_546 = vector.shape_cast %get3A_545 : vector<1x16xf32> to vector<16xf32>
                %mul3A_547 = arith.mulf %get3A_546, %mul3A_542 : vector<16xf32>
                %slice3A_548 = vector.extract_strided_slice %get3A_264 {offsets = [0], sizes = [1], strides = [1]} : vector<16xf32> to vector<1xf32>
                %squeeze3A_549 = vector.extract %slice3A_548[0] : f32 from vector<1xf32>
                %mul3A_550 = vector.broadcast %squeeze3A_549 : f32 to vector<16xf32>
                %mul3A_551 = arith.mulf %mul3A_533, %mul3A_550 : vector<16xf32>
                %add3A_552 = arith.addf %mul3A_547, %mul3A_551 : vector<16xf32>
                %add3A_553 = arith.constant 16 : i32
                %add3A_554 = arith.addi %add3A_553, %scan3A_260 : i32
                %swap3A_555 = arith.index_cast %add3A_554 : i32 to index
                %swap3A_556 = arith.constant 48 : index
                %swap3A_557 = tpu.vector_load %arg32[%swap3A_555, %swap3A_556] {strides = array<i32>} : memref<64x128xf32, #tpu.memory_space<vmem>>, vector<1x16xf32>,
                %swap3A_558 = vector.shape_cast %swap3A_557 : vector<1x16xf32> to vector<16xf32>
                %swap3A_559 = vector.shape_cast %add3A_552 : vector<16xf32> to vector<1x16xf32>
                tpu.vector_store %arg32[%swap3A_555, %swap3A_556], %swap3A_559 {strides = array<i32>} : memref<64x128xf32, #tpu.memory_space<vmem>>, vector<1x16xf32>,
                %get3A_560 = arith.index_cast %scan3A_260 : i32 to index
                %get3A_561 = arith.constant 560 : index
                %get3A_562 = tpu.vector_load %arg28[%get3A_560, %get3A_561] {strides = array<i32>} : memref<16x768xf32, #tpu.memory_space<vmem>>, vector<1x16xf32>,
                %get3A_563 = vector.shape_cast %get3A_562 : vector<1x16xf32> to vector<16xf32>
                %mul3A_564 = arith.mulf %get3A_563, %mul3A_542 : vector<16xf32>
                %slice3A_565 = vector.extract_strided_slice %get3A_264 {offsets = [1], sizes = [1], strides = [1]} : vector<16xf32> to vector<1xf32>
                %squeeze3A_566 = vector.extract %slice3A_565[0] : f32 from vector<1xf32>
                %mul3A_567 = vector.broadcast %squeeze3A_566 : f32 to vector<16xf32>
                %mul3A_568 = arith.mulf %mul3A_533, %mul3A_567 : vector<16xf32>
                %add3A_569 = arith.addf %mul3A_564, %mul3A_568 : vector<16xf32>
                %add3A_570 = arith.constant 32 : i32
                %add3A_571 = arith.addi %add3A_570, %scan3A_260 : i32
                %swap3A_572 = arith.index_cast %add3A_571 : i32 to index
                %swap3A_573 = arith.constant 48 : index
                %swap3A_574 = tpu.vector_load %arg32[%swap3A_572, %swap3A_573] {strides = array<i32>} : memref<64x128xf32, #tpu.memory_space<vmem>>, vector<1x16xf32>,
                %swap3A_575 = vector.shape_cast %swap3A_574 : vector<1x16xf32> to vector<16xf32>
                %swap3A_576 = vector.shape_cast %add3A_569 : vector<16xf32> to vector<1x16xf32>
                tpu.vector_store %arg32[%swap3A_572, %swap3A_573], %swap3A_576 {strides = array<i32>} : memref<64x128xf32, #tpu.memory_space<vmem>>, vector<1x16xf32>,
                %get3A_577 = arith.index_cast %scan3A_260 : i32 to index
                %get3A_578 = arith.constant 688 : index
                %get3A_579 = tpu.vector_load %arg28[%get3A_577, %get3A_578] {strides = array<i32>} : memref<16x768xf32, #tpu.memory_space<vmem>>, vector<1x16xf32>,
                %get3A_580 = vector.shape_cast %get3A_579 : vector<1x16xf32> to vector<16xf32>
                %mul3A_581 = arith.mulf %get3A_580, %mul3A_542 : vector<16xf32>
                %slice3A_582 = vector.extract_strided_slice %get3A_264 {offsets = [2], sizes = [1], strides = [1]} : vector<16xf32> to vector<1xf32>
                %squeeze3A_583 = vector.extract %slice3A_582[0] : f32 from vector<1xf32>
                %mul3A_584 = vector.broadcast %squeeze3A_583 : f32 to vector<16xf32>
                %mul3A_585 = arith.mulf %mul3A_533, %mul3A_584 : vector<16xf32>
                %add3A_586 = arith.addf %mul3A_581, %mul3A_585 : vector<16xf32>
                %add3A_587 = arith.constant 48 : i32
                %add3A_588 = arith.addi %add3A_587, %scan3A_260 : i32
                %swap3A_589 = arith.index_cast %add3A_588 : i32 to index
                %swap3A_590 = arith.constant 48 : index
                %swap3A_591 = tpu.vector_load %arg32[%swap3A_589, %swap3A_590] {strides = array<i32>} : memref<64x128xf32, #tpu.memory_space<vmem>>, vector<1x16xf32>,
                %swap3A_592 = vector.shape_cast %swap3A_591 : vector<1x16xf32> to vector<16xf32>
                %swap3A_593 = vector.shape_cast %add3A_586 : vector<16xf32> to vector<1x16xf32>
                tpu.vector_store %arg32[%swap3A_589, %swap3A_590], %swap3A_593 {strides = array<i32>} : memref<64x128xf32, #tpu.memory_space<vmem>>, vector<1x16xf32>,
                %get3A_594 = arith.index_cast %scan3A_260 : i32 to index
                %get3A_595 = arith.constant 64 : index
                %get3A_596 = tpu.vector_load %arg28[%get3A_594, %get3A_595] {strides = array<i32>} : memref<16x768xf32, #tpu.memory_space<vmem>>, vector<1x16xf32>,
                %get3A_597 = vector.shape_cast %get3A_596 : vector<1x16xf32> to vector<16xf32>
                %get3A_598 = arith.index_cast %scan3A_260 : i32 to index
                %get3A_599 = arith.constant 64 : index
                %get3A_600 = tpu.vector_load %arg30[%get3A_598, %get3A_599] {strides = array<i32>} : memref<16x512xf32, #tpu.memory_space<vmem>>, vector<1x16xf32>,
                %get3A_601 = vector.shape_cast %get3A_600 : vector<1x16xf32> to vector<16xf32>
                %mul3A_602 = arith.mulf %get3A_597, %get3A_601 : vector<16xf32>
                %swap3A_603 = arith.index_cast %scan3A_260 : i32 to index
                %swap3A_604 = arith.constant 64 : index
                %swap3A_605 = tpu.vector_load %arg32[%swap3A_603, %swap3A_604] {strides = array<i32>} : memref<64x128xf32, #tpu.memory_space<vmem>>, vector<1x16xf32>,
                %swap3A_606 = vector.shape_cast %swap3A_605 : vector<1x16xf32> to vector<16xf32>
                %swap3A_607 = vector.shape_cast %mul3A_602 : vector<16xf32> to vector<1x16xf32>
                tpu.vector_store %arg32[%swap3A_603, %swap3A_604], %swap3A_607 {strides = array<i32>} : memref<64x128xf32, #tpu.memory_space<vmem>>, vector<1x16xf32>,
                %get3A_608 = arith.index_cast %scan3A_260 : i32 to index
                %get3A_609 = arith.constant 192 : index
                %get3A_610 = tpu.vector_load %arg28[%get3A_608, %get3A_609] {strides = array<i32>} : memref<16x768xf32, #tpu.memory_space<vmem>>, vector<1x16xf32>,
                %get3A_611 = vector.shape_cast %get3A_610 : vector<1x16xf32> to vector<16xf32>
                %get3A_612 = arith.index_cast %scan3A_260 : i32 to index
                %get3A_613 = arith.constant 192 : index
                %get3A_614 = tpu.vector_load %arg30[%get3A_612, %get3A_613] {strides = array<i32>} : memref<16x512xf32, #tpu.memory_space<vmem>>, vector<1x16xf32>,
                %get3A_615 = vector.shape_cast %get3A_614 : vector<1x16xf32> to vector<16xf32>
                %mul3A_616 = arith.mulf %get3A_611, %get3A_615 : vector<16xf32>
                %get3A_617 = arith.index_cast %scan3A_260 : i32 to index
                %get3A_618 = arith.constant 320 : index
                %get3A_619 = tpu.vector_load %arg28[%get3A_617, %get3A_618] {strides = array<i32>} : memref<16x768xf32, #tpu.memory_space<vmem>>, vector<1x16xf32>,
                %get3A_620 = vector.shape_cast %get3A_619 : vector<1x16xf32> to vector<16xf32>
                %get3A_621 = arith.index_cast %scan3A_260 : i32 to index
                %get3A_622 = arith.constant 320 : index
                %get3A_623 = tpu.vector_load %arg30[%get3A_621, %get3A_622] {strides = array<i32>} : memref<16x512xf32, #tpu.memory_space<vmem>>, vector<1x16xf32>,
                %get3A_624 = vector.shape_cast %get3A_623 : vector<1x16xf32> to vector<16xf32>
                %mul3A_625 = arith.mulf %get3A_620, %get3A_624 : vector<16xf32>
                %get3A_626 = arith.index_cast %scan3A_260 : i32 to index
                %get3A_627 = arith.constant 448 : index
                %get3A_628 = tpu.vector_load %arg28[%get3A_626, %get3A_627] {strides = array<i32>} : memref<16x768xf32, #tpu.memory_space<vmem>>, vector<1x16xf32>,
                %get3A_629 = vector.shape_cast %get3A_628 : vector<1x16xf32> to vector<16xf32>
                %mul3A_630 = arith.mulf %get3A_629, %mul3A_625 : vector<16xf32>
                %slice3A_631 = vector.extract_strided_slice %get3A_264 {offsets = [0], sizes = [1], strides = [1]} : vector<16xf32> to vector<1xf32>
                %squeeze3A_632 = vector.extract %slice3A_631[0] : f32 from vector<1xf32>
                %mul3A_633 = vector.broadcast %squeeze3A_632 : f32 to vector<16xf32>
                %mul3A_634 = arith.mulf %mul3A_616, %mul3A_633 : vector<16xf32>
                %add3A_635 = arith.addf %mul3A_630, %mul3A_634 : vector<16xf32>
                %add3A_636 = arith.constant 16 : i32
                %add3A_637 = arith.addi %add3A_636, %scan3A_260 : i32
                %swap3A_638 = arith.index_cast %add3A_637 : i32 to index
                %swap3A_639 = arith.constant 64 : index
                %swap3A_640 = tpu.vector_load %arg32[%swap3A_638, %swap3A_639] {strides = array<i32>} : memref<64x128xf32, #tpu.memory_space<vmem>>, vector<1x16xf32>,
                %swap3A_641 = vector.shape_cast %swap3A_640 : vector<1x16xf32> to vector<16xf32>
                %swap3A_642 = vector.shape_cast %add3A_635 : vector<16xf32> to vector<1x16xf32>
                tpu.vector_store %arg32[%swap3A_638, %swap3A_639], %swap3A_642 {strides = array<i32>} : memref<64x128xf32, #tpu.memory_space<vmem>>, vector<1x16xf32>,
                %get3A_643 = arith.index_cast %scan3A_260 : i32 to index
                %get3A_644 = arith.constant 576 : index
                %get3A_645 = tpu.vector_load %arg28[%get3A_643, %get3A_644] {strides = array<i32>} : memref<16x768xf32, #tpu.memory_space<vmem>>, vector<1x16xf32>,
                %get3A_646 = vector.shape_cast %get3A_645 : vector<1x16xf32> to vector<16xf32>
                %mul3A_647 = arith.mulf %get3A_646, %mul3A_625 : vector<16xf32>
                %slice3A_648 = vector.extract_strided_slice %get3A_264 {offsets = [1], sizes = [1], strides = [1]} : vector<16xf32> to vector<1xf32>
                %squeeze3A_649 = vector.extract %slice3A_648[0] : f32 from vector<1xf32>
                %mul3A_650 = vector.broadcast %squeeze3A_649 : f32 to vector<16xf32>
                %mul3A_651 = arith.mulf %mul3A_616, %mul3A_650 : vector<16xf32>
                %add3A_652 = arith.addf %mul3A_647, %mul3A_651 : vector<16xf32>
                %add3A_653 = arith.constant 32 : i32
                %add3A_654 = arith.addi %add3A_653, %scan3A_260 : i32
                %swap3A_655 = arith.index_cast %add3A_654 : i32 to index
                %swap3A_656 = arith.constant 64 : index
                %swap3A_657 = tpu.vector_load %arg32[%swap3A_655, %swap3A_656] {strides = array<i32>} : memref<64x128xf32, #tpu.memory_space<vmem>>, vector<1x16xf32>,
                %swap3A_658 = vector.shape_cast %swap3A_657 : vector<1x16xf32> to vector<16xf32>
                %swap3A_659 = vector.shape_cast %add3A_652 : vector<16xf32> to vector<1x16xf32>
                tpu.vector_store %arg32[%swap3A_655, %swap3A_656], %swap3A_659 {strides = array<i32>} : memref<64x128xf32, #tpu.memory_space<vmem>>, vector<1x16xf32>,
                %get3A_660 = arith.index_cast %scan3A_260 : i32 to index
                %get3A_661 = arith.constant 704 : index
                %get3A_662 = tpu.vector_load %arg28[%get3A_660, %get3A_661] {strides = array<i32>} : memref<16x768xf32, #tpu.memory_space<vmem>>, vector<1x16xf32>,
                %get3A_663 = vector.shape_cast %get3A_662 : vector<1x16xf32> to vector<16xf32>
                %mul3A_664 = arith.mulf %get3A_663, %mul3A_625 : vector<16xf32>
                %slice3A_665 = vector.extract_strided_slice %get3A_264 {offsets = [2], sizes = [1], strides = [1]} : vector<16xf32> to vector<1xf32>
                %squeeze3A_666 = vector.extract %slice3A_665[0] : f32 from vector<1xf32>
                %mul3A_667 = vector.broadcast %squeeze3A_666 : f32 to vector<16xf32>
                %mul3A_668 = arith.mulf %mul3A_616, %mul3A_667 : vector<16xf32>
                %add3A_669 = arith.addf %mul3A_664, %mul3A_668 : vector<16xf32>
                %add3A_670 = arith.constant 48 : i32
                %add3A_671 = arith.addi %add3A_670, %scan3A_260 : i32
                %swap3A_672 = arith.index_cast %add3A_671 : i32 to index
                %swap3A_673 = arith.constant 64 : index
                %swap3A_674 = tpu.vector_load %arg32[%swap3A_672, %swap3A_673] {strides = array<i32>} : memref<64x128xf32, #tpu.memory_space<vmem>>, vector<1x16xf32>,
                %swap3A_675 = vector.shape_cast %swap3A_674 : vector<1x16xf32> to vector<16xf32>
                %swap3A_676 = vector.shape_cast %add3A_669 : vector<16xf32> to vector<1x16xf32>
                tpu.vector_store %arg32[%swap3A_672, %swap3A_673], %swap3A_676 {strides = array<i32>} : memref<64x128xf32, #tpu.memory_space<vmem>>, vector<1x16xf32>,
                %get3A_677 = arith.index_cast %scan3A_260 : i32 to index
                %get3A_678 = arith.constant 80 : index
                %get3A_679 = tpu.vector_load %arg28[%get3A_677, %get3A_678] {strides = array<i32>} : memref<16x768xf32, #tpu.memory_space<vmem>>, vector<1x16xf32>,
                %get3A_680 = vector.shape_cast %get3A_679 : vector<1x16xf32> to vector<16xf32>
                %get3A_681 = arith.index_cast %scan3A_260 : i32 to index
                %get3A_682 = arith.constant 80 : index
                %get3A_683 = tpu.vector_load %arg30[%get3A_681, %get3A_682] {strides = array<i32>} : memref<16x512xf32, #tpu.memory_space<vmem>>, vector<1x16xf32>,
                %get3A_684 = vector.shape_cast %get3A_683 : vector<1x16xf32> to vector<16xf32>
                %mul3A_685 = arith.mulf %get3A_680, %get3A_684 : vector<16xf32>
                %swap3A_686 = arith.index_cast %scan3A_260 : i32 to index
                %swap3A_687 = arith.constant 80 : index
                %swap3A_688 = tpu.vector_load %arg32[%swap3A_686, %swap3A_687] {strides = array<i32>} : memref<64x128xf32, #tpu.memory_space<vmem>>, vector<1x16xf32>,
                %swap3A_689 = vector.shape_cast %swap3A_688 : vector<1x16xf32> to vector<16xf32>
                %swap3A_690 = vector.shape_cast %mul3A_685 : vector<16xf32> to vector<1x16xf32>
                tpu.vector_store %arg32[%swap3A_686, %swap3A_687], %swap3A_690 {strides = array<i32>} : memref<64x128xf32, #tpu.memory_space<vmem>>, vector<1x16xf32>,
                %get3A_691 = arith.index_cast %scan3A_260 : i32 to index
                %get3A_692 = arith.constant 208 : index
                %get3A_693 = tpu.vector_load %arg28[%get3A_691, %get3A_692] {strides = array<i32>} : memref<16x768xf32, #tpu.memory_space<vmem>>, vector<1x16xf32>,
                %get3A_694 = vector.shape_cast %get3A_693 : vector<1x16xf32> to vector<16xf32>
                %get3A_695 = arith.index_cast %scan3A_260 : i32 to index
                %get3A_696 = arith.constant 208 : index
                %get3A_697 = tpu.vector_load %arg30[%get3A_695, %get3A_696] {strides = array<i32>} : memref<16x512xf32, #tpu.memory_space<vmem>>, vector<1x16xf32>,
                %get3A_698 = vector.shape_cast %get3A_697 : vector<1x16xf32> to vector<16xf32>
                %mul3A_699 = arith.mulf %get3A_694, %get3A_698 : vector<16xf32>
                %get3A_700 = arith.index_cast %scan3A_260 : i32 to index
                %get3A_701 = arith.constant 336 : index
                %get3A_702 = tpu.vector_load %arg28[%get3A_700, %get3A_701] {strides = array<i32>} : memref<16x768xf32, #tpu.memory_space<vmem>>, vector<1x16xf32>,
                %get3A_703 = vector.shape_cast %get3A_702 : vector<1x16xf32> to vector<16xf32>
                %get3A_704 = arith.index_cast %scan3A_260 : i32 to index
                %get3A_705 = arith.constant 336 : index
                %get3A_706 = tpu.vector_load %arg30[%get3A_704, %get3A_705] {strides = array<i32>} : memref<16x512xf32, #tpu.memory_space<vmem>>, vector<1x16xf32>,
                %get3A_707 = vector.shape_cast %get3A_706 : vector<1x16xf32> to vector<16xf32>
                %mul3A_708 = arith.mulf %get3A_703, %get3A_707 : vector<16xf32>
                %get3A_709 = arith.index_cast %scan3A_260 : i32 to index
                %get3A_710 = arith.constant 464 : index
                %get3A_711 = tpu.vector_load %arg28[%get3A_709, %get3A_710] {strides = array<i32>} : memref<16x768xf32, #tpu.memory_space<vmem>>, vector<1x16xf32>,
                %get3A_712 = vector.shape_cast %get3A_711 : vector<1x16xf32> to vector<16xf32>
                %mul3A_713 = arith.mulf %get3A_712, %mul3A_708 : vector<16xf32>
                %slice3A_714 = vector.extract_strided_slice %get3A_264 {offsets = [0], sizes = [1], strides = [1]} : vector<16xf32> to vector<1xf32>
                %squeeze3A_715 = vector.extract %slice3A_714[0] : f32 from vector<1xf32>
                %mul3A_716 = vector.broadcast %squeeze3A_715 : f32 to vector<16xf32>
                %mul3A_717 = arith.mulf %mul3A_699, %mul3A_716 : vector<16xf32>
                %add3A_718 = arith.addf %mul3A_713, %mul3A_717 : vector<16xf32>
                %add3A_719 = arith.constant 16 : i32
                %add3A_720 = arith.addi %add3A_719, %scan3A_260 : i32
                %swap3A_721 = arith.index_cast %add3A_720 : i32 to index
                %swap3A_722 = arith.constant 80 : index
                %swap3A_723 = tpu.vector_load %arg32[%swap3A_721, %swap3A_722] {strides = array<i32>} : memref<64x128xf32, #tpu.memory_space<vmem>>, vector<1x16xf32>,
                %swap3A_724 = vector.shape_cast %swap3A_723 : vector<1x16xf32> to vector<16xf32>
                %swap3A_725 = vector.shape_cast %add3A_718 : vector<16xf32> to vector<1x16xf32>
                tpu.vector_store %arg32[%swap3A_721, %swap3A_722], %swap3A_725 {strides = array<i32>} : memref<64x128xf32, #tpu.memory_space<vmem>>, vector<1x16xf32>,
                %get3A_726 = arith.index_cast %scan3A_260 : i32 to index
                %get3A_727 = arith.constant 592 : index
                %get3A_728 = tpu.vector_load %arg28[%get3A_726, %get3A_727] {strides = array<i32>} : memref<16x768xf32, #tpu.memory_space<vmem>>, vector<1x16xf32>,
                %get3A_729 = vector.shape_cast %get3A_728 : vector<1x16xf32> to vector<16xf32>
                %mul3A_730 = arith.mulf %get3A_729, %mul3A_708 : vector<16xf32>
                %slice3A_731 = vector.extract_strided_slice %get3A_264 {offsets = [1], sizes = [1], strides = [1]} : vector<16xf32> to vector<1xf32>
                %squeeze3A_732 = vector.extract %slice3A_731[0] : f32 from vector<1xf32>
                %mul3A_733 = vector.broadcast %squeeze3A_732 : f32 to vector<16xf32>
                %mul3A_734 = arith.mulf %mul3A_699, %mul3A_733 : vector<16xf32>
                %add3A_735 = arith.addf %mul3A_730, %mul3A_734 : vector<16xf32>
                %add3A_736 = arith.constant 32 : i32
                %add3A_737 = arith.addi %add3A_736, %scan3A_260 : i32
                %swap3A_738 = arith.index_cast %add3A_737 : i32 to index
                %swap3A_739 = arith.constant 80 : index
                %swap3A_740 = tpu.vector_load %arg32[%swap3A_738, %swap3A_739] {strides = array<i32>} : memref<64x128xf32, #tpu.memory_space<vmem>>, vector<1x16xf32>,
                %swap3A_741 = vector.shape_cast %swap3A_740 : vector<1x16xf32> to vector<16xf32>
                %swap3A_742 = vector.shape_cast %add3A_735 : vector<16xf32> to vector<1x16xf32>
                tpu.vector_store %arg32[%swap3A_738, %swap3A_739], %swap3A_742 {strides = array<i32>} : memref<64x128xf32, #tpu.memory_space<vmem>>, vector<1x16xf32>,
                %get3A_743 = arith.index_cast %scan3A_260 : i32 to index
                %get3A_744 = arith.constant 720 : index
                %get3A_745 = tpu.vector_load %arg28[%get3A_743, %get3A_744] {strides = array<i32>} : memref<16x768xf32, #tpu.memory_space<vmem>>, vector<1x16xf32>,
                %get3A_746 = vector.shape_cast %get3A_745 : vector<1x16xf32> to vector<16xf32>
                %mul3A_747 = arith.mulf %get3A_746, %mul3A_708 : vector<16xf32>
                %slice3A_748 = vector.extract_strided_slice %get3A_264 {offsets = [2], sizes = [1], strides = [1]} : vector<16xf32> to vector<1xf32>
                %squeeze3A_749 = vector.extract %slice3A_748[0] : f32 from vector<1xf32>
                %mul3A_750 = vector.broadcast %squeeze3A_749 : f32 to vector<16xf32>
                %mul3A_751 = arith.mulf %mul3A_699, %mul3A_750 : vector<16xf32>
                %add3A_752 = arith.addf %mul3A_747, %mul3A_751 : vector<16xf32>
                %add3A_753 = arith.constant 48 : i32
                %add3A_754 = arith.addi %add3A_753, %scan3A_260 : i32
                %swap3A_755 = arith.index_cast %add3A_754 : i32 to index
                %swap3A_756 = arith.constant 80 : index
                %swap3A_757 = tpu.vector_load %arg32[%swap3A_755, %swap3A_756] {strides = array<i32>} : memref<64x128xf32, #tpu.memory_space<vmem>>, vector<1x16xf32>,
                %swap3A_758 = vector.shape_cast %swap3A_757 : vector<1x16xf32> to vector<16xf32>
                %swap3A_759 = vector.shape_cast %add3A_752 : vector<16xf32> to vector<1x16xf32>
                tpu.vector_store %arg32[%swap3A_755, %swap3A_756], %swap3A_759 {strides = array<i32>} : memref<64x128xf32, #tpu.memory_space<vmem>>, vector<1x16xf32>,
                %get3A_760 = arith.index_cast %scan3A_260 : i32 to index
                %get3A_761 = arith.constant 96 : index
                %get3A_762 = tpu.vector_load %arg28[%get3A_760, %get3A_761] {strides = array<i32>} : memref<16x768xf32, #tpu.memory_space<vmem>>, vector<1x16xf32>,
                %get3A_763 = vector.shape_cast %get3A_762 : vector<1x16xf32> to vector<16xf32>
                %get3A_764 = arith.index_cast %scan3A_260 : i32 to index
                %get3A_765 = arith.constant 96 : index
                %get3A_766 = tpu.vector_load %arg30[%get3A_764, %get3A_765] {strides = array<i32>} : memref<16x512xf32, #tpu.memory_space<vmem>>, vector<1x16xf32>,
                %get3A_767 = vector.shape_cast %get3A_766 : vector<1x16xf32> to vector<16xf32>
                %mul3A_768 = arith.mulf %get3A_763, %get3A_767 : vector<16xf32>
                %swap3A_769 = arith.index_cast %scan3A_260 : i32 to index
                %swap3A_770 = arith.constant 96 : index
                %swap3A_771 = tpu.vector_load %arg32[%swap3A_769, %swap3A_770] {strides = array<i32>} : memref<64x128xf32, #tpu.memory_space<vmem>>, vector<1x16xf32>,
                %swap3A_772 = vector.shape_cast %swap3A_771 : vector<1x16xf32> to vector<16xf32>
                %swap3A_773 = vector.shape_cast %mul3A_768 : vector<16xf32> to vector<1x16xf32>
                tpu.vector_store %arg32[%swap3A_769, %swap3A_770], %swap3A_773 {strides = array<i32>} : memref<64x128xf32, #tpu.memory_space<vmem>>, vector<1x16xf32>,
                %get3A_774 = arith.index_cast %scan3A_260 : i32 to index
                %get3A_775 = arith.constant 224 : index
                %get3A_776 = tpu.vector_load %arg28[%get3A_774, %get3A_775] {strides = array<i32>} : memref<16x768xf32, #tpu.memory_space<vmem>>, vector<1x16xf32>,
                %get3A_777 = vector.shape_cast %get3A_776 : vector<1x16xf32> to vector<16xf32>
                %get3A_778 = arith.index_cast %scan3A_260 : i32 to index
                %get3A_779 = arith.constant 224 : index
                %get3A_780 = tpu.vector_load %arg30[%get3A_778, %get3A_779] {strides = array<i32>} : memref<16x512xf32, #tpu.memory_space<vmem>>, vector<1x16xf32>,
                %get3A_781 = vector.shape_cast %get3A_780 : vector<1x16xf32> to vector<16xf32>
                %mul3A_782 = arith.mulf %get3A_777, %get3A_781 : vector<16xf32>
                %get3A_783 = arith.index_cast %scan3A_260 : i32 to index
                %get3A_784 = arith.constant 352 : index
                %get3A_785 = tpu.vector_load %arg28[%get3A_783, %get3A_784] {strides = array<i32>} : memref<16x768xf32, #tpu.memory_space<vmem>>, vector<1x16xf32>,
                %get3A_786 = vector.shape_cast %get3A_785 : vector<1x16xf32> to vector<16xf32>
                %get3A_787 = arith.index_cast %scan3A_260 : i32 to index
                %get3A_788 = arith.constant 352 : index
                %get3A_789 = tpu.vector_load %arg30[%get3A_787, %get3A_788] {strides = array<i32>} : memref<16x512xf32, #tpu.memory_space<vmem>>, vector<1x16xf32>,
                %get3A_790 = vector.shape_cast %get3A_789 : vector<1x16xf32> to vector<16xf32>
                %mul3A_791 = arith.mulf %get3A_786, %get3A_790 : vector<16xf32>
                %get3A_792 = arith.index_cast %scan3A_260 : i32 to index
                %get3A_793 = arith.constant 480 : index
                %get3A_794 = tpu.vector_load %arg28[%get3A_792, %get3A_793] {strides = array<i32>} : memref<16x768xf32, #tpu.memory_space<vmem>>, vector<1x16xf32>,
                %get3A_795 = vector.shape_cast %get3A_794 : vector<1x16xf32> to vector<16xf32>
                %mul3A_796 = arith.mulf %get3A_795, %mul3A_791 : vector<16xf32>
                %slice3A_797 = vector.extract_strided_slice %get3A_264 {offsets = [0], sizes = [1], strides = [1]} : vector<16xf32> to vector<1xf32>
                %squeeze3A_798 = vector.extract %slice3A_797[0] : f32 from vector<1xf32>
                %mul3A_799 = vector.broadcast %squeeze3A_798 : f32 to vector<16xf32>
                %mul3A_800 = arith.mulf %mul3A_782, %mul3A_799 : vector<16xf32>
                %add3A_801 = arith.addf %mul3A_796, %mul3A_800 : vector<16xf32>
                %add3A_802 = arith.constant 16 : i32
                %add3A_803 = arith.addi %add3A_802, %scan3A_260 : i32
                %swap3A_804 = arith.index_cast %add3A_803 : i32 to index
                %swap3A_805 = arith.constant 96 : index
                %swap3A_806 = tpu.vector_load %arg32[%swap3A_804, %swap3A_805] {strides = array<i32>} : memref<64x128xf32, #tpu.memory_space<vmem>>, vector<1x16xf32>,
                %swap3A_807 = vector.shape_cast %swap3A_806 : vector<1x16xf32> to vector<16xf32>
                %swap3A_808 = vector.shape_cast %add3A_801 : vector<16xf32> to vector<1x16xf32>
                tpu.vector_store %arg32[%swap3A_804, %swap3A_805], %swap3A_808 {strides = array<i32>} : memref<64x128xf32, #tpu.memory_space<vmem>>, vector<1x16xf32>,
                %get3A_809 = arith.index_cast %scan3A_260 : i32 to index
                %get3A_810 = arith.constant 608 : index
                %get3A_811 = tpu.vector_load %arg28[%get3A_809, %get3A_810] {strides = array<i32>} : memref<16x768xf32, #tpu.memory_space<vmem>>, vector<1x16xf32>,
                %get3A_812 = vector.shape_cast %get3A_811 : vector<1x16xf32> to vector<16xf32>
                %mul3A_813 = arith.mulf %get3A_812, %mul3A_791 : vector<16xf32>
                %slice3A_814 = vector.extract_strided_slice %get3A_264 {offsets = [1], sizes = [1], strides = [1]} : vector<16xf32> to vector<1xf32>
                %squeeze3A_815 = vector.extract %slice3A_814[0] : f32 from vector<1xf32>
                %mul3A_816 = vector.broadcast %squeeze3A_815 : f32 to vector<16xf32>
                %mul3A_817 = arith.mulf %mul3A_782, %mul3A_816 : vector<16xf32>
                %add3A_818 = arith.addf %mul3A_813, %mul3A_817 : vector<16xf32>
                %add3A_819 = arith.constant 32 : i32
                %add3A_820 = arith.addi %add3A_819, %scan3A_260 : i32
                %swap3A_821 = arith.index_cast %add3A_820 : i32 to index
                %swap3A_822 = arith.constant 96 : index
                %swap3A_823 = tpu.vector_load %arg32[%swap3A_821, %swap3A_822] {strides = array<i32>} : memref<64x128xf32, #tpu.memory_space<vmem>>, vector<1x16xf32>,
                %swap3A_824 = vector.shape_cast %swap3A_823 : vector<1x16xf32> to vector<16xf32>
                %swap3A_825 = vector.shape_cast %add3A_818 : vector<16xf32> to vector<1x16xf32>
                tpu.vector_store %arg32[%swap3A_821, %swap3A_822], %swap3A_825 {strides = array<i32>} : memref<64x128xf32, #tpu.memory_space<vmem>>, vector<1x16xf32>,
                %get3A_826 = arith.index_cast %scan3A_260 : i32 to index
                %get3A_827 = arith.constant 736 : index
                %get3A_828 = tpu.vector_load %arg28[%get3A_826, %get3A_827] {strides = array<i32>} : memref<16x768xf32, #tpu.memory_space<vmem>>, vector<1x16xf32>,
                %get3A_829 = vector.shape_cast %get3A_828 : vector<1x16xf32> to vector<16xf32>
                %mul3A_830 = arith.mulf %get3A_829, %mul3A_791 : vector<16xf32>
                %slice3A_831 = vector.extract_strided_slice %get3A_264 {offsets = [2], sizes = [1], strides = [1]} : vector<16xf32> to vector<1xf32>
                %squeeze3A_832 = vector.extract %slice3A_831[0] : f32 from vector<1xf32>
                %mul3A_833 = vector.broadcast %squeeze3A_832 : f32 to vector<16xf32>
                %mul3A_834 = arith.mulf %mul3A_782, %mul3A_833 : vector<16xf32>
                %add3A_835 = arith.addf %mul3A_830, %mul3A_834 : vector<16xf32>
                %add3A_836 = arith.constant 48 : i32
                %add3A_837 = arith.addi %add3A_836, %scan3A_260 : i32
                %swap3A_838 = arith.index_cast %add3A_837 : i32 to index
                %swap3A_839 = arith.constant 96 : index
                %swap3A_840 = tpu.vector_load %arg32[%swap3A_838, %swap3A_839] {strides = array<i32>} : memref<64x128xf32, #tpu.memory_space<vmem>>, vector<1x16xf32>,
                %swap3A_841 = vector.shape_cast %swap3A_840 : vector<1x16xf32> to vector<16xf32>
                %swap3A_842 = vector.shape_cast %add3A_835 : vector<16xf32> to vector<1x16xf32>
                tpu.vector_store %arg32[%swap3A_838, %swap3A_839], %swap3A_842 {strides = array<i32>} : memref<64x128xf32, #tpu.memory_space<vmem>>, vector<1x16xf32>,
                %get3A_843 = arith.index_cast %scan3A_260 : i32 to index
                %get3A_844 = arith.constant 112 : index
                %get3A_845 = tpu.vector_load %arg28[%get3A_843, %get3A_844] {strides = array<i32>} : memref<16x768xf32, #tpu.memory_space<vmem>>, vector<1x16xf32>,
                %get3A_846 = vector.shape_cast %get3A_845 : vector<1x16xf32> to vector<16xf32>
                %get3A_847 = arith.index_cast %scan3A_260 : i32 to index
                %get3A_848 = arith.constant 112 : index
                %get3A_849 = tpu.vector_load %arg30[%get3A_847, %get3A_848] {strides = array<i32>} : memref<16x512xf32, #tpu.memory_space<vmem>>, vector<1x16xf32>,
                %get3A_850 = vector.shape_cast %get3A_849 : vector<1x16xf32> to vector<16xf32>
                %mul3A_851 = arith.mulf %get3A_846, %get3A_850 : vector<16xf32>
                %swap3A_852 = arith.index_cast %scan3A_260 : i32 to index
                %swap3A_853 = arith.constant 112 : index
                %swap3A_854 = tpu.vector_load %arg32[%swap3A_852, %swap3A_853] {strides = array<i32>} : memref<64x128xf32, #tpu.memory_space<vmem>>, vector<1x16xf32>,
                %swap3A_855 = vector.shape_cast %swap3A_854 : vector<1x16xf32> to vector<16xf32>
                %swap3A_856 = vector.shape_cast %mul3A_851 : vector<16xf32> to vector<1x16xf32>
                tpu.vector_store %arg32[%swap3A_852, %swap3A_853], %swap3A_856 {strides = array<i32>} : memref<64x128xf32, #tpu.memory_space<vmem>>, vector<1x16xf32>,
                %get3A_857 = arith.index_cast %scan3A_260 : i32 to index
                %get3A_858 = arith.constant 240 : index
                %get3A_859 = tpu.vector_load %arg28[%get3A_857, %get3A_858] {strides = array<i32>} : memref<16x768xf32, #tpu.memory_space<vmem>>, vector<1x16xf32>,
                %get3A_860 = vector.shape_cast %get3A_859 : vector<1x16xf32> to vector<16xf32>
                %get3A_861 = arith.index_cast %scan3A_260 : i32 to index
                %get3A_862 = arith.constant 240 : index
                %get3A_863 = tpu.vector_load %arg30[%get3A_861, %get3A_862] {strides = array<i32>} : memref<16x512xf32, #tpu.memory_space<vmem>>, vector<1x16xf32>,
                %get3A_864 = vector.shape_cast %get3A_863 : vector<1x16xf32> to vector<16xf32>
                %mul3A_865 = arith.mulf %get3A_860, %get3A_864 : vector<16xf32>
                %get3A_866 = arith.index_cast %scan3A_260 : i32 to index
                %get3A_867 = arith.constant 368 : index
                %get3A_868 = tpu.vector_load %arg28[%get3A_866, %get3A_867] {strides = array<i32>} : memref<16x768xf32, #tpu.memory_space<vmem>>, vector<1x16xf32>,
                %get3A_869 = vector.shape_cast %get3A_868 : vector<1x16xf32> to vector<16xf32>
                %get3A_870 = arith.index_cast %scan3A_260 : i32 to index
                %get3A_871 = arith.constant 368 : index
                %get3A_872 = tpu.vector_load %arg30[%get3A_870, %get3A_871] {strides = array<i32>} : memref<16x512xf32, #tpu.memory_space<vmem>>, vector<1x16xf32>,
                %get3A_873 = vector.shape_cast %get3A_872 : vector<1x16xf32> to vector<16xf32>
                %mul3A_874 = arith.mulf %get3A_869, %get3A_873 : vector<16xf32>
                %get3A_875 = arith.index_cast %scan3A_260 : i32 to index
                %get3A_876 = arith.constant 496 : index
                %get3A_877 = tpu.vector_load %arg28[%get3A_875, %get3A_876] {strides = array<i32>} : memref<16x768xf32, #tpu.memory_space<vmem>>, vector<1x16xf32>,
                %get3A_878 = vector.shape_cast %get3A_877 : vector<1x16xf32> to vector<16xf32>
                %mul3A_879 = arith.mulf %get3A_878, %mul3A_874 : vector<16xf32>
                %slice3A_880 = vector.extract_strided_slice %get3A_264 {offsets = [0], sizes = [1], strides = [1]} : vector<16xf32> to vector<1xf32>
                %squeeze3A_881 = vector.extract %slice3A_880[0] : f32 from vector<1xf32>
                %mul3A_882 = vector.broadcast %squeeze3A_881 : f32 to vector<16xf32>
                %mul3A_883 = arith.mulf %mul3A_865, %mul3A_882 : vector<16xf32>
                %add3A_884 = arith.addf %mul3A_879, %mul3A_883 : vector<16xf32>
                %add3A_885 = arith.constant 16 : i32
                %add3A_886 = arith.addi %add3A_885, %scan3A_260 : i32
                %swap3A_887 = arith.index_cast %add3A_886 : i32 to index
                %swap3A_888 = arith.constant 112 : index
                %swap3A_889 = tpu.vector_load %arg32[%swap3A_887, %swap3A_888] {strides = array<i32>} : memref<64x128xf32, #tpu.memory_space<vmem>>, vector<1x16xf32>,
                %swap3A_890 = vector.shape_cast %swap3A_889 : vector<1x16xf32> to vector<16xf32>
                %swap3A_891 = vector.shape_cast %add3A_884 : vector<16xf32> to vector<1x16xf32>
                tpu.vector_store %arg32[%swap3A_887, %swap3A_888], %swap3A_891 {strides = array<i32>} : memref<64x128xf32, #tpu.memory_space<vmem>>, vector<1x16xf32>,
                %get3A_892 = arith.index_cast %scan3A_260 : i32 to index
                %get3A_893 = arith.constant 624 : index
                %get3A_894 = tpu.vector_load %arg28[%get3A_892, %get3A_893] {strides = array<i32>} : memref<16x768xf32, #tpu.memory_space<vmem>>, vector<1x16xf32>,
                %get3A_895 = vector.shape_cast %get3A_894 : vector<1x16xf32> to vector<16xf32>
                %mul3A_896 = arith.mulf %get3A_895, %mul3A_874 : vector<16xf32>
                %slice3A_897 = vector.extract_strided_slice %get3A_264 {offsets = [1], sizes = [1], strides = [1]} : vector<16xf32> to vector<1xf32>
                %squeeze3A_898 = vector.extract %slice3A_897[0] : f32 from vector<1xf32>
                %mul3A_899 = vector.broadcast %squeeze3A_898 : f32 to vector<16xf32>
                %mul3A_900 = arith.mulf %mul3A_865, %mul3A_899 : vector<16xf32>
                %add3A_901 = arith.addf %mul3A_896, %mul3A_900 : vector<16xf32>
                %add3A_902 = arith.constant 32 : i32
                %add3A_903 = arith.addi %add3A_902, %scan3A_260 : i32
                %swap3A_904 = arith.index_cast %add3A_903 : i32 to index
                %swap3A_905 = arith.constant 112 : index
                %swap3A_906 = tpu.vector_load %arg32[%swap3A_904, %swap3A_905] {strides = array<i32>} : memref<64x128xf32, #tpu.memory_space<vmem>>, vector<1x16xf32>,
                %swap3A_907 = vector.shape_cast %swap3A_906 : vector<1x16xf32> to vector<16xf32>
                %swap3A_908 = vector.shape_cast %add3A_901 : vector<16xf32> to vector<1x16xf32>
                tpu.vector_store %arg32[%swap3A_904, %swap3A_905], %swap3A_908 {strides = array<i32>} : memref<64x128xf32, #tpu.memory_space<vmem>>, vector<1x16xf32>,
                %get3A_909 = arith.index_cast %scan3A_260 : i32 to index
                %get3A_910 = arith.constant 752 : index
                %get3A_911 = tpu.vector_load %arg28[%get3A_909, %get3A_910] {strides = array<i32>} : memref<16x768xf32, #tpu.memory_space<vmem>>, vector<1x16xf32>,
                %get3A_912 = vector.shape_cast %get3A_911 : vector<1x16xf32> to vector<16xf32>
                %mul3A_913 = arith.mulf %get3A_912, %mul3A_874 : vector<16xf32>
                %slice3A_914 = vector.extract_strided_slice %get3A_264 {offsets = [2], sizes = [1], strides = [1]} : vector<16xf32> to vector<1xf32>
                %squeeze3A_915 = vector.extract %slice3A_914[0] : f32 from vector<1xf32>
                %mul3A_916 = vector.broadcast %squeeze3A_915 : f32 to vector<16xf32>
                %mul3A_917 = arith.mulf %mul3A_865, %mul3A_916 : vector<16xf32>
                %add3A_918 = arith.addf %mul3A_913, %mul3A_917 : vector<16xf32>
                %add3A_919 = arith.constant 48 : i32
                %add3A_920 = arith.addi %add3A_919, %scan3A_260 : i32
                %swap3A_921 = arith.index_cast %add3A_920 : i32 to index
                %swap3A_922 = arith.constant 112 : index
                %swap3A_923 = tpu.vector_load %arg32[%swap3A_921, %swap3A_922] {strides = array<i32>} : memref<64x128xf32, #tpu.memory_space<vmem>>, vector<1x16xf32>,
                %swap3A_924 = vector.shape_cast %swap3A_923 : vector<1x16xf32> to vector<16xf32>
                %swap3A_925 = vector.shape_cast %add3A_918 : vector<16xf32> to vector<1x16xf32>
                tpu.vector_store %arg32[%swap3A_921, %swap3A_922], %swap3A_925 {strides = array<i32>} : memref<64x128xf32, #tpu.memory_space<vmem>>, vector<1x16xf32>,
                %scan3A_926 = arith.constant 0 : i32
                scf.yield %scan3A_926 : i32
              }
              %scan3A_216 = arith.constant 16 : i32
              %sub3A_217 = arith.constant 1 : i32
              %sub3A_218 = arith.subi %while3A_141, %sub3A_217 : i32
              %dma_start3A = arith.constant 0 : i32
              %dma_start3A_219 = arith.constant 0 : i32
              %dma_start3A_220 = tpu.memref_slice %arg32[%dma_start3A, %dma_start3A_219] : memref<64x128xf32, #tpu.memory_space<vmem>> -> memref<16x128xf32, #tpu.memory_space<vmem>>
              %dma_start3A_221 = arith.constant 0 : i32
              %dma_start3A_222 = tpu.memref_slice %arg27[%sub3A_218, %dma_start3A_221] : memref<128x16xi32, #tpu.memory_space<vmem>> -> memref<1x16xi32, #tpu.memory_space<vmem>>
              %dma_start3A_223 = tpu.memref_squeeze %dma_start3A_222 : memref<1x16xi32, #tpu.memory_space<vmem>> -> memref<16xi32, #tpu.memory_space<vmem>>
              %dma_start3A_224 = arith.constant 0 : i32
              %dma_start3A_225 = arith.constant 0 : i32
              %dma_start3A_226 = tpu.memref_slice %arg14[%dma_start3A_224, %dma_start3A_225] : memref<1032x128xf32, #tpu.memory_space<vmem_shared>> -> memref<1032x128xf32, #tpu.memory_space<vmem_shared>>
              tpu.enqueue_indirect_dma source(%dma_start3A_220 : memref<16x128xf32, #tpu.memory_space<vmem>>) target(%dma_start3A_226 : memref<1032x128xf32, #tpu.memory_space<vmem_shared>>) offsets(%dma_start3A_223 : memref<16xi32, #tpu.memory_space<vmem>>) semaphore(%arg36 : memref<!tpu.dma_semaphore, #tpu.memory_space<semaphore_mem>>) {add = true}
              %sub3A_227 = arith.constant 1 : i32
              %sub3A_228 = arith.subi %while3A_141, %sub3A_227 : i32
              %dma_start3A_229 = arith.constant 16 : i32
              %dma_start3A_230 = arith.constant 0 : i32
              %dma_start3A_231 = tpu.memref_slice %arg32[%dma_start3A_229, %dma_start3A_230] : memref<64x128xf32, #tpu.memory_space<vmem>> -> memref<16x128xf32, #tpu.memory_space<vmem>>
              %dma_start3A_232 = arith.constant 0 : i32
              %dma_start3A_233 = tpu.memref_slice %arg27[%sub3A_228, %dma_start3A_232] : memref<128x16xi32, #tpu.memory_space<vmem>> -> memref<1x16xi32, #tpu.memory_space<vmem>>
              %dma_start3A_234 = tpu.memref_squeeze %dma_start3A_233 : memref<1x16xi32, #tpu.memory_space<vmem>> -> memref<16xi32, #tpu.memory_space<vmem>>
              %dma_start3A_235 = arith.constant 0 : i32
              %dma_start3A_236 = arith.constant 0 : i32
              %dma_start3A_237 = tpu.memref_slice %arg15[%dma_start3A_235, %dma_start3A_236] : memref<1032x128xf32, #tpu.memory_space<vmem_shared>> -> memref<1032x128xf32, #tpu.memory_space<vmem_shared>>
              tpu.enqueue_indirect_dma source(%dma_start3A_231 : memref<16x128xf32, #tpu.memory_space<vmem>>) target(%dma_start3A_237 : memref<1032x128xf32, #tpu.memory_space<vmem_shared>>) offsets(%dma_start3A_234 : memref<16xi32, #tpu.memory_space<vmem>>) semaphore(%arg36 : memref<!tpu.dma_semaphore, #tpu.memory_space<semaphore_mem>>) {add = true}
              %sub3A_238 = arith.constant 1 : i32
              %sub3A_239 = arith.subi %while3A_141, %sub3A_238 : i32
              %dma_start3A_240 = arith.constant 32 : i32
              %dma_start3A_241 = arith.constant 0 : i32
              %dma_start3A_242 = tpu.memref_slice %arg32[%dma_start3A_240, %dma_start3A_241] : memref<64x128xf32, #tpu.memory_space<vmem>> -> memref<16x128xf32, #tpu.memory_space<vmem>>
              %dma_start3A_243 = arith.constant 0 : i32
              %dma_start3A_244 = tpu.memref_slice %arg27[%sub3A_239, %dma_start3A_243] : memref<128x16xi32, #tpu.memory_space<vmem>> -> memref<1x16xi32, #tpu.memory_space<vmem>>
              %dma_start3A_245 = tpu.memref_squeeze %dma_start3A_244 : memref<1x16xi32, #tpu.memory_space<vmem>> -> memref<16xi32, #tpu.memory_space<vmem>>
              %dma_start3A_246 = arith.constant 0 : i32
              %dma_start3A_247 = arith.constant 0 : i32
              %dma_start3A_248 = tpu.memref_slice %arg16[%dma_start3A_246, %dma_start3A_247] : memref<1032x128xf32, #tpu.memory_space<vmem_shared>> -> memref<1032x128xf32, #tpu.memory_space<vmem_shared>>
              tpu.enqueue_indirect_dma source(%dma_start3A_242 : memref<16x128xf32, #tpu.memory_space<vmem>>) target(%dma_start3A_248 : memref<1032x128xf32, #tpu.memory_space<vmem_shared>>) offsets(%dma_start3A_245 : memref<16xi32, #tpu.memory_space<vmem>>) semaphore(%arg36 : memref<!tpu.dma_semaphore, #tpu.memory_space<semaphore_mem>>) {add = true}
              %sub3A_249 = arith.constant 1 : i32
              %sub3A_250 = arith.subi %while3A_141, %sub3A_249 : i32
              %dma_start3A_251 = arith.constant 48 : i32
              %dma_start3A_252 = arith.constant 0 : i32
              %dma_start3A_253 = tpu.memref_slice %arg32[%dma_start3A_251, %dma_start3A_252] : memref<64x128xf32, #tpu.memory_space<vmem>> -> memref<16x128xf32, #tpu.memory_space<vmem>>
              %dma_start3A_254 = arith.constant 0 : i32
              %dma_start3A_255 = tpu.memref_slice %arg27[%sub3A_250, %dma_start3A_254] : memref<128x16xi32, #tpu.memory_space<vmem>> -> memref<1x16xi32, #tpu.memory_space<vmem>>
              %dma_start3A_256 = tpu.memref_squeeze %dma_start3A_255 : memref<1x16xi32, #tpu.memory_space<vmem>> -> memref<16xi32, #tpu.memory_space<vmem>>
              %dma_start3A_257 = arith.constant 0 : i32
              %dma_start3A_258 = arith.constant 0 : i32
              %dma_start3A_259 = tpu.memref_slice %arg17[%dma_start3A_257, %dma_start3A_258] : memref<1032x128xf32, #tpu.memory_space<vmem_shared>> -> memref<1032x128xf32, #tpu.memory_space<vmem_shared>>
              tpu.enqueue_indirect_dma source(%dma_start3A_253 : memref<16x128xf32, #tpu.memory_space<vmem>>) target(%dma_start3A_259 : memref<1032x128xf32, #tpu.memory_space<vmem_shared>>) offsets(%dma_start3A_256 : memref<16xi32, #tpu.memory_space<vmem>>) semaphore(%arg36 : memref<!tpu.dma_semaphore, #tpu.memory_space<semaphore_mem>>) {add = true}
            } else {
            }
          } else {
          }
          %while3A_184 = arith.constant 0 : i32
          scf.yield %while3A_184 : i32
        }
        %ge3A_130 = arith.constant 1 : i32
        %ge3A_131 = arith.cmpi sge, %select_n3A, %ge3A_130 : i32
        %convert_element_type3A_132 = arith.extui %ge3A_131 : i1 to i32
        %cond3A_133 = arith.constant 0 : i32
        %cond3A_134 = arith.cmpi ne, %convert_element_type3A_132, %cond3A_133 : i32
        scf.if %cond3A_134 {
          %sub3A_141 = arith.constant 1 : i32
          %sub3A_142 = arith.subi %select_n3A, %sub3A_141 : i32
          %sub3A_143 = arith.constant 0 : i32
          %sub3A_144 = arith.subi %sub3A_142, %sub3A_143 : i32
          %jit3A_145 = arith.constant 2 : i32
          %eq3A_146 = arith.constant 0 : i32
          %eq3A_147 = arith.cmpi eq, %jit3A_145, %eq3A_146 : i32
          %jit3A_148 = arith.constant 1 : i32
          %select_n3A_149 = arith.select %eq3A_147, %jit3A_148, %jit3A_145 : i32
          %rem3A_150 = arith.remsi %sub3A_144, %select_n3A_149 : i32
          %ne3A_151 = arith.constant 0 : i32
          %ne3A_152 = arith.cmpi ne, %rem3A_150, %ne3A_151 : i32
          %lt3A = arith.constant 0 : i32
          %lt3A_153 = arith.cmpi slt, %rem3A_150, %lt3A : i32
          %lt3A_154 = arith.constant 0 : i32
          %lt3A_155 = arith.cmpi slt, %select_n3A_149, %lt3A_154 : i32
          %ne3A_156 = arith.xori %lt3A_153, %lt3A_155 : i1
          %and3A_157 = arith.andi %ne3A_156, %ne3A_152 : i1
          %add3A_158 = arith.addi %rem3A_150, %select_n3A_149 : i32
          %select_n3A_159 = arith.select %and3A_157, %add3A_158, %rem3A_150 : i32
          %eq3A_160 = arith.constant 0 : i32
          %eq3A_161 = arith.cmpi eq, %select_n3A_159, %eq3A_160 : i32
          %convert_element_type3A_162 = arith.extui %eq3A_161 : i1 to i32
          %cond3A_163 = arith.constant 0 : i32
          %cond3A_164 = arith.cmpi ne, %convert_element_type3A_162, %cond3A_163 : i32
          scf.if %cond3A_164 {
            %dma_wait3A = arith.constant 0 : i32
            %dma_wait3A_170 = arith.constant 0 : i32
            %dma_wait3A_171 = tpu.memref_slice %arg6[%dma_wait3A, %dma_wait3A_170] : memref<10240x128xf32, #tpu.memory_space<hbm>> -> memref<64x128xf32, #tpu.memory_space<hbm>>
            %dma_wait3A_172 = arith.constant 0 : i32
            %dma_wait3A_173 = arith.constant 0 : i32
            %dma_wait3A_174 = tpu.memref_slice %arg6[%dma_wait3A_172, %dma_wait3A_173] : memref<10240x128xf32, #tpu.memory_space<hbm>> -> memref<64x128xf32, #tpu.memory_space<hbm>>
            tpu.wait_dma2 semaphore(%arg36 : memref<!tpu.dma_semaphore, #tpu.memory_space<semaphore_mem>>) src(%dma_wait3A_174 : memref<64x128xf32, #tpu.memory_space<hbm>>) dst(%arg32 : memref<64x128xf32, #tpu.memory_space<vmem>>)
          } else {
          }
          %eq3A_165 = arith.constant 1 : i32
          %eq3A_166 = arith.cmpi eq, %select_n3A_159, %eq3A_165 : i32
          %convert_element_type3A_167 = arith.extui %eq3A_166 : i1 to i32
          %cond3A_168 = arith.constant 0 : i32
          %cond3A_169 = arith.cmpi ne, %convert_element_type3A_167, %cond3A_168 : i32
          scf.if %cond3A_169 {
            %dma_wait3A = arith.constant 0 : i32
            %dma_wait3A_170 = arith.constant 0 : i32
            %dma_wait3A_171 = tpu.memref_slice %arg6[%dma_wait3A, %dma_wait3A_170] : memref<10240x128xf32, #tpu.memory_space<hbm>> -> memref<64x128xf32, #tpu.memory_space<hbm>>
            %dma_wait3A_172 = arith.constant 0 : i32
            %dma_wait3A_173 = arith.constant 0 : i32
            %dma_wait3A_174 = tpu.memref_slice %arg6[%dma_wait3A_172, %dma_wait3A_173] : memref<10240x128xf32, #tpu.memory_space<hbm>> -> memref<64x128xf32, #tpu.memory_space<hbm>>
            tpu.wait_dma2 semaphore(%arg37 : memref<!tpu.dma_semaphore, #tpu.memory_space<semaphore_mem>>) src(%dma_wait3A_174 : memref<64x128xf32, #tpu.memory_space<hbm>>) dst(%arg33 : memref<64x128xf32, #tpu.memory_space<vmem>>)
          } else {
          }
        } else {
        }
        %ge3A_135 = arith.constant 2 : i32
        %ge3A_136 = arith.cmpi sge, %select_n3A, %ge3A_135 : i32
        %convert_element_type3A_137 = arith.extui %ge3A_136 : i1 to i32
        %cond3A_138 = arith.constant 0 : i32
        %cond3A_139 = arith.cmpi ne, %convert_element_type3A_137, %cond3A_138 : i32
        scf.if %cond3A_139 {
          %sub3A_141 = arith.constant 1 : i32
          %sub3A_142 = arith.subi %select_n3A, %sub3A_141 : i32
          %sub3A_143 = arith.constant 1 : i32
          %sub3A_144 = arith.subi %sub3A_142, %sub3A_143 : i32
          %jit3A_145 = arith.constant 2 : i32
          %eq3A_146 = arith.constant 0 : i32
          %eq3A_147 = arith.cmpi eq, %jit3A_145, %eq3A_146 : i32
          %jit3A_148 = arith.constant 1 : i32
          %select_n3A_149 = arith.select %eq3A_147, %jit3A_148, %jit3A_145 : i32
          %rem3A_150 = arith.remsi %sub3A_144, %select_n3A_149 : i32
          %ne3A_151 = arith.constant 0 : i32
          %ne3A_152 = arith.cmpi ne, %rem3A_150, %ne3A_151 : i32
          %lt3A = arith.constant 0 : i32
          %lt3A_153 = arith.cmpi slt, %rem3A_150, %lt3A : i32
          %lt3A_154 = arith.constant 0 : i32
          %lt3A_155 = arith.cmpi slt, %select_n3A_149, %lt3A_154 : i32
          %ne3A_156 = arith.xori %lt3A_153, %lt3A_155 : i1
          %and3A_157 = arith.andi %ne3A_156, %ne3A_152 : i1
          %add3A_158 = arith.addi %rem3A_150, %select_n3A_149 : i32
          %select_n3A_159 = arith.select %and3A_157, %add3A_158, %rem3A_150 : i32
          %eq3A_160 = arith.constant 0 : i32
          %eq3A_161 = arith.cmpi eq, %select_n3A_159, %eq3A_160 : i32
          %convert_element_type3A_162 = arith.extui %eq3A_161 : i1 to i32
          %cond3A_163 = arith.constant 0 : i32
          %cond3A_164 = arith.cmpi ne, %convert_element_type3A_162, %cond3A_163 : i32
          scf.if %cond3A_164 {
            %dma_wait3A = arith.constant 0 : i32
            %dma_wait3A_170 = arith.constant 0 : i32
            %dma_wait3A_171 = tpu.memref_slice %arg6[%dma_wait3A, %dma_wait3A_170] : memref<10240x128xf32, #tpu.memory_space<hbm>> -> memref<64x128xf32, #tpu.memory_space<hbm>>
            %dma_wait3A_172 = arith.constant 0 : i32
            %dma_wait3A_173 = arith.constant 0 : i32
            %dma_wait3A_174 = tpu.memref_slice %arg6[%dma_wait3A_172, %dma_wait3A_173] : memref<10240x128xf32, #tpu.memory_space<hbm>> -> memref<64x128xf32, #tpu.memory_space<hbm>>
            tpu.wait_dma2 semaphore(%arg36 : memref<!tpu.dma_semaphore, #tpu.memory_space<semaphore_mem>>) src(%dma_wait3A_174 : memref<64x128xf32, #tpu.memory_space<hbm>>) dst(%arg32 : memref<64x128xf32, #tpu.memory_space<vmem>>)
          } else {
          }
          %eq3A_165 = arith.constant 1 : i32
          %eq3A_166 = arith.cmpi eq, %select_n3A_159, %eq3A_165 : i32
          %convert_element_type3A_167 = arith.extui %eq3A_166 : i1 to i32
          %cond3A_168 = arith.constant 0 : i32
          %cond3A_169 = arith.cmpi ne, %convert_element_type3A_167, %cond3A_168 : i32
          scf.if %cond3A_169 {
            %dma_wait3A = arith.constant 0 : i32
            %dma_wait3A_170 = arith.constant 0 : i32
            %dma_wait3A_171 = tpu.memref_slice %arg6[%dma_wait3A, %dma_wait3A_170] : memref<10240x128xf32, #tpu.memory_space<hbm>> -> memref<64x128xf32, #tpu.memory_space<hbm>>
            %dma_wait3A_172 = arith.constant 0 : i32
            %dma_wait3A_173 = arith.constant 0 : i32
            %dma_wait3A_174 = tpu.memref_slice %arg6[%dma_wait3A_172, %dma_wait3A_173] : memref<10240x128xf32, #tpu.memory_space<hbm>> -> memref<64x128xf32, #tpu.memory_space<hbm>>
            tpu.wait_dma2 semaphore(%arg37 : memref<!tpu.dma_semaphore, #tpu.memory_space<semaphore_mem>>) src(%dma_wait3A_174 : memref<64x128xf32, #tpu.memory_space<hbm>>) dst(%arg33 : memref<64x128xf32, #tpu.memory_space<vmem>>)
          } else {
          }
        } else {
        }
        %scan3A_140 = arith.constant 0 : i32
        scf.yield %scan3A_140 : i32
      }
      %scan3A_67 = arith.constant 10 : i32
      %barrier3A_68 = arith.constant 0 : index
      tpu.barrier barrier_id(%barrier3A_68)
      %add3A_69 = arith.addi %mul3A_52, %mul3A_54 : i32
      "tpu.region"() ({
        %run_scoped3A = tpu.sem_alloc : memref<!tpu.dma_semaphore, #tpu.memory_space<semaphore_mem>>
        %dma_start3A = arith.constant 0 : i32
        %dma_start3A_75 = tpu.memref_slice %arg10[%add3A_69, %dma_start3A] : memref<10240x128xf32, #tpu.memory_space<hbm>> -> memref<64x128xf32, #tpu.memory_space<hbm>>
        %dma_start3A_76 = arith.constant 0 : i32
        %dma_start3A_77 = tpu.memref_slice %arg14[%mul3A_54, %dma_start3A_76] : memref<1032x128xf32, #tpu.memory_space<vmem_shared>> -> memref<64x128xf32, #tpu.memory_space<vmem_shared>>
        tpu.enqueue_dma source(%dma_start3A_77 : memref<64x128xf32, #tpu.memory_space<vmem_shared>>) target(%dma_start3A_75 : memref<64x128xf32, #tpu.memory_space<hbm>>) target_semaphore(%run_scoped3A : memref<!tpu.dma_semaphore, #tpu.memory_space<semaphore_mem>>)
        %dma_wait3A = arith.constant 0 : i32
        %dma_wait3A_78 = tpu.memref_slice %arg10[%add3A_69, %dma_wait3A] : memref<10240x128xf32, #tpu.memory_space<hbm>> -> memref<64x128xf32, #tpu.memory_space<hbm>>
        %dma_wait3A_79 = arith.constant 0 : i32
        %dma_wait3A_80 = tpu.memref_slice %arg14[%mul3A_54, %dma_wait3A_79] : memref<1032x128xf32, #tpu.memory_space<vmem_shared>> -> memref<64x128xf32, #tpu.memory_space<vmem_shared>>
        tpu.wait_dma2 semaphore(%run_scoped3A : memref<!tpu.dma_semaphore, #tpu.memory_space<semaphore_mem>>) src(%dma_wait3A_80 : memref<64x128xf32, #tpu.memory_space<vmem_shared>>) dst(%dma_wait3A_78 : memref<64x128xf32, #tpu.memory_space<hbm>>)
        tpu.yield
      }) : () -> ()
      %add3A_70 = arith.addi %mul3A_52, %mul3A_54 : i32
      "tpu.region"() ({
        %run_scoped3A = tpu.sem_alloc : memref<!tpu.dma_semaphore, #tpu.memory_space<semaphore_mem>>
        %dma_start3A = arith.constant 0 : i32
        %dma_start3A_75 = tpu.memref_slice %arg11[%add3A_70, %dma_start3A] : memref<10240x128xf32, #tpu.memory_space<hbm>> -> memref<64x128xf32, #tpu.memory_space<hbm>>
        %dma_start3A_76 = arith.constant 0 : i32
        %dma_start3A_77 = tpu.memref_slice %arg15[%mul3A_54, %dma_start3A_76] : memref<1032x128xf32, #tpu.memory_space<vmem_shared>> -> memref<64x128xf32, #tpu.memory_space<vmem_shared>>
        tpu.enqueue_dma source(%dma_start3A_77 : memref<64x128xf32, #tpu.memory_space<vmem_shared>>) target(%dma_start3A_75 : memref<64x128xf32, #tpu.memory_space<hbm>>) target_semaphore(%run_scoped3A : memref<!tpu.dma_semaphore, #tpu.memory_space<semaphore_mem>>)
        %dma_wait3A = arith.constant 0 : i32
        %dma_wait3A_78 = tpu.memref_slice %arg11[%add3A_70, %dma_wait3A] : memref<10240x128xf32, #tpu.memory_space<hbm>> -> memref<64x128xf32, #tpu.memory_space<hbm>>
        %dma_wait3A_79 = arith.constant 0 : i32
        %dma_wait3A_80 = tpu.memref_slice %arg15[%mul3A_54, %dma_wait3A_79] : memref<1032x128xf32, #tpu.memory_space<vmem_shared>> -> memref<64x128xf32, #tpu.memory_space<vmem_shared>>
        tpu.wait_dma2 semaphore(%run_scoped3A : memref<!tpu.dma_semaphore, #tpu.memory_space<semaphore_mem>>) src(%dma_wait3A_80 : memref<64x128xf32, #tpu.memory_space<vmem_shared>>) dst(%dma_wait3A_78 : memref<64x128xf32, #tpu.memory_space<hbm>>)
        tpu.yield
      }) : () -> ()
      %add3A_71 = arith.addi %mul3A_52, %mul3A_54 : i32
      "tpu.region"() ({
        %run_scoped3A = tpu.sem_alloc : memref<!tpu.dma_semaphore, #tpu.memory_space<semaphore_mem>>
        %dma_start3A = arith.constant 0 : i32
        %dma_start3A_75 = tpu.memref_slice %arg12[%add3A_71, %dma_start3A] : memref<10240x128xf32, #tpu.memory_space<hbm>> -> memref<64x128xf32, #tpu.memory_space<hbm>>
        %dma_start3A_76 = arith.constant 0 : i32
        %dma_start3A_77 = tpu.memref_slice %arg16[%mul3A_54, %dma_start3A_76] : memref<1032x128xf32, #tpu.memory_space<vmem_shared>> -> memref<64x128xf32, #tpu.memory_space<vmem_shared>>
        tpu.enqueue_dma source(%dma_start3A_77 : memref<64x128xf32, #tpu.memory_space<vmem_shared>>) target(%dma_start3A_75 : memref<64x128xf32, #tpu.memory_space<hbm>>) target_semaphore(%run_scoped3A : memref<!tpu.dma_semaphore, #tpu.memory_space<semaphore_mem>>)
        %dma_wait3A = arith.constant 0 : i32
        %dma_wait3A_78 = tpu.memref_slice %arg12[%add3A_71, %dma_wait3A] : memref<10240x128xf32, #tpu.memory_space<hbm>> -> memref<64x128xf32, #tpu.memory_space<hbm>>
        %dma_wait3A_79 = arith.constant 0 : i32
        %dma_wait3A_80 = tpu.memref_slice %arg16[%mul3A_54, %dma_wait3A_79] : memref<1032x128xf32, #tpu.memory_space<vmem_shared>> -> memref<64x128xf32, #tpu.memory_space<vmem_shared>>
        tpu.wait_dma2 semaphore(%run_scoped3A : memref<!tpu.dma_semaphore, #tpu.memory_space<semaphore_mem>>) src(%dma_wait3A_80 : memref<64x128xf32, #tpu.memory_space<vmem_shared>>) dst(%dma_wait3A_78 : memref<64x128xf32, #tpu.memory_space<hbm>>)
        tpu.yield
      }) : () -> ()
      %add3A_72 = arith.addi %mul3A_52, %mul3A_54 : i32
      "tpu.region"() ({
        %run_scoped3A = tpu.sem_alloc : memref<!tpu.dma_semaphore, #tpu.memory_space<semaphore_mem>>
        %dma_start3A = arith.constant 0 : i32
        %dma_start3A_75 = tpu.memref_slice %arg13[%add3A_72, %dma_start3A] : memref<10240x128xf32, #tpu.memory_space<hbm>> -> memref<64x128xf32, #tpu.memory_space<hbm>>
        %dma_start3A_76 = arith.constant 0 : i32
        %dma_start3A_77 = tpu.memref_slice %arg17[%mul3A_54, %dma_start3A_76] : memref<1032x128xf32, #tpu.memory_space<vmem_shared>> -> memref<64x128xf32, #tpu.memory_space<vmem_shared>>
        tpu.enqueue_dma source(%dma_start3A_77 : memref<64x128xf32, #tpu.memory_space<vmem_shared>>) target(%dma_start3A_75 : memref<64x128xf32, #tpu.memory_space<hbm>>) target_semaphore(%run_scoped3A : memref<!tpu.dma_semaphore, #tpu.memory_space<semaphore_mem>>)
        %dma_wait3A = arith.constant 0 : i32
        %dma_wait3A_78 = tpu.memref_slice %arg13[%add3A_72, %dma_wait3A] : memref<10240x128xf32, #tpu.memory_space<hbm>> -> memref<64x128xf32, #tpu.memory_space<hbm>>
        %dma_wait3A_79 = arith.constant 0 : i32
        %dma_wait3A_80 = tpu.memref_slice %arg17[%mul3A_54, %dma_wait3A_79] : memref<1032x128xf32, #tpu.memory_space<vmem_shared>> -> memref<64x128xf32, #tpu.memory_space<vmem_shared>>
        tpu.wait_dma2 semaphore(%run_scoped3A : memref<!tpu.dma_semaphore, #tpu.memory_space<semaphore_mem>>) src(%dma_wait3A_80 : memref<64x128xf32, #tpu.memory_space<vmem_shared>>) dst(%dma_wait3A_78 : memref<64x128xf32, #tpu.memory_space<hbm>>)
        tpu.yield
      }) : () -> ()
      %barrier3A_73 = arith.constant 0 : index
      tpu.barrier barrier_id(%barrier3A_73)
      %scan3A_74 = arith.constant 0 : i32
      scf.yield %scan3A_74 : i32
    }
    %scan3A_46 = arith.constant 5 : i32
    return
  }
}

module attributes {stable_mosaic.version = 14 : i64} {
  func.func @_mlp_body(%arg0: i32, %arg1: memref<512x128xf32, #tpu.memory_space<vmem>>, %arg2: memref<128x128xf32, #tpu.memory_space<vmem>>, %arg3: memref<1x128xf32, #tpu.memory_space<vmem>>, %arg4: memref<128x384xf32, #tpu.memory_space<vmem>>, %arg5: memref<1x384xf32, #tpu.memory_space<vmem>>, %arg6: memref<512x384xf32, #tpu.memory_space<vmem>>) attributes {dimension_semantics = [#tpu.dimension_semantics<arbitrary>], iteration_bounds = array<i64: 20>, scalar_prefetch = 0 : i64, scratch_operands = 0 : i64, tpu.core_type = #tpu.core_type<tc>, window_params = [{transform_indices = @transform_0, window_bounds = array<i64: 512, 128>}, {pipeline_mode = #tpu.pipeline_mode<synchronous>, transform_indices = @transform_1, window_bounds = array<i64: 128, 128>}, {pipeline_mode = #tpu.pipeline_mode<synchronous>, transform_indices = @transform_2, window_bounds = array<i64: 1, 128>}, {pipeline_mode = #tpu.pipeline_mode<synchronous>, transform_indices = @transform_3, window_bounds = array<i64: 128, 384>}, {pipeline_mode = #tpu.pipeline_mode<synchronous>, transform_indices = @transform_4, window_bounds = array<i64: 1, 384>}, {transform_indices = @transform_5, window_bounds = array<i64: 512, 384>}]} {
    %get3A = arith.constant 0 : index
    %get3A_0 = arith.constant 0 : index
    %get3A_1 = vector.load %arg1[%get3A, %get3A_0] : memref<512x128xf32, #tpu.memory_space<vmem>>, vector<512x128xf32>
    %get3A_2 = arith.constant 0 : index
    %get3A_3 = arith.constant 0 : index
    %get3A_4 = vector.load %arg2[%get3A_2, %get3A_3] : memref<128x128xf32, #tpu.memory_space<vmem>>, vector<128x128xf32>
    %dot_general3A = arith.constant dense<0.000000e+00> : vector<512x128xf32>
    %dot_general3A_5 = tpu.matmul %get3A_1, %get3A_4, %dot_general3A {dimension_numbers = #tpu.dot_dimension_numbers<[1], [0], [0], [1], [0, 0, 1, 1], [], []>, transpose_lhs_hint = false} : vector<512x128xf32>, vector<128x128xf32>, vector<512x128xf32> -> vector<512x128xf32>
    %get3A_6 = arith.constant 0 : index
    %get3A_7 = arith.constant 0 : index
    %get3A_8 = vector.load %arg3[%get3A_6, %get3A_7] : memref<1x128xf32, #tpu.memory_space<vmem>>, vector<1x128xf32>
    %add3A = vector.broadcast %get3A_8 : vector<1x128xf32> to vector<512x128xf32>
    %add3A_9 = arith.addf %dot_general3A_5, %add3A : vector<512x128xf32>
    %logistic3A = arith.negf %add3A_9 : vector<512x128xf32>
    %logistic3A_10 = math.exp %logistic3A : vector<512x128xf32>
    %logistic3A_11 = arith.constant 1.000000e+00 : f32
    %logistic3A_12 = vector.broadcast %logistic3A_11 : f32 to vector<512x128xf32>
    %logistic3A_13 = arith.addf %logistic3A_12, %logistic3A_10 : vector<512x128xf32>
    %logistic3A_14 = arith.divf %logistic3A_12, %logistic3A_13 : vector<512x128xf32>
    %mul3A = arith.mulf %add3A_9, %logistic3A_14 : vector<512x128xf32>
    %get3A_15 = arith.constant 0 : index
    %get3A_16 = arith.constant 0 : index
    %get3A_17 = vector.load %arg4[%get3A_15, %get3A_16] : memref<128x384xf32, #tpu.memory_space<vmem>>, vector<128x384xf32>
    %dot_general3A_18 = arith.constant dense<0.000000e+00> : vector<512x384xf32>
    %dot_general3A_19 = tpu.matmul %mul3A, %get3A_17, %dot_general3A_18 {dimension_numbers = #tpu.dot_dimension_numbers<[1], [0], [0], [1], [0, 0, 1, 1], [], []>, transpose_lhs_hint = false} : vector<512x128xf32>, vector<128x384xf32>, vector<512x384xf32> -> vector<512x384xf32>
    %get3A_20 = arith.constant 0 : index
    %get3A_21 = arith.constant 0 : index
    %get3A_22 = vector.load %arg5[%get3A_20, %get3A_21] : memref<1x384xf32, #tpu.memory_space<vmem>>, vector<1x384xf32>
    %add3A_23 = vector.broadcast %get3A_22 : vector<1x384xf32> to vector<512x384xf32>
    %add3A_24 = arith.addf %dot_general3A_19, %add3A_23 : vector<512x384xf32>
    %swap3A = arith.constant 0 : index
    %swap3A_25 = arith.constant 0 : index
    %swap3A_26 = vector.load %arg6[%swap3A, %swap3A_25] : memref<512x384xf32, #tpu.memory_space<vmem>>, vector<512x384xf32>
    tpu.vector_store %arg6[%swap3A, %swap3A_25], %add3A_24 {strides = array<i32>} : memref<512x384xf32, #tpu.memory_space<vmem>>, vector<512x384xf32>,
    return
  }
  func.func @transform_0(%arg0: i32) -> (i32, i32) {
    %c0_i32 = arith.constant 0 : i32
    %c0_i32_0 = arith.constant 0 : i32
    return %arg0, %c0_i32 : i32, i32
  }
  func.func @transform_1(%arg0: i32) -> (i32, i32) {
    %c0_i32 = arith.constant 0 : i32
    %c0_i32_0 = arith.constant 0 : i32
    %c0_i32_1 = arith.constant 0 : i32
    return %c0_i32, %c0_i32_0 : i32, i32
  }
  func.func @transform_2(%arg0: i32) -> (i32, i32) {
    %c0_i32 = arith.constant 0 : i32
    %c0_i32_0 = arith.constant 0 : i32
    %c0_i32_1 = arith.constant 0 : i32
    return %c0_i32, %c0_i32_0 : i32, i32
  }
  func.func @transform_3(%arg0: i32) -> (i32, i32) {
    %c0_i32 = arith.constant 0 : i32
    %c0_i32_0 = arith.constant 0 : i32
    %c0_i32_1 = arith.constant 0 : i32
    return %c0_i32, %c0_i32_0 : i32, i32
  }
  func.func @transform_4(%arg0: i32) -> (i32, i32) {
    %c0_i32 = arith.constant 0 : i32
    %c0_i32_0 = arith.constant 0 : i32
    %c0_i32_1 = arith.constant 0 : i32
    return %c0_i32, %c0_i32_0 : i32, i32
  }
  func.func @transform_5(%arg0: i32) -> (i32, i32) {
    %c0_i32 = arith.constant 0 : i32
    %c0_i32_0 = arith.constant 0 : i32
    return %arg0, %c0_i32 : i32, i32
  }
}

module attributes {stable_mosaic.version = 14 : i64} {
  func.func @_edge_pack_body(%arg0: i32, %arg1: memref<1280x20xf32, #tpu.memory_space<vmem>>, %arg2: memref<1280x1xf32, #tpu.memory_space<vmem>>, %arg3: memref<1280x4xf32, #tpu.memory_space<vmem>>, %arg4: memref<20x384xf32, #tpu.memory_space<vmem>>, %arg5: memref<1x384xf32, #tpu.memory_space<vmem>>, %arg6: memref<1280x512xf32, #tpu.memory_space<vmem>>) attributes {dimension_semantics = [#tpu.dimension_semantics<arbitrary>], iteration_bounds = array<i64: 250>, scalar_prefetch = 0 : i64, scratch_operands = 0 : i64, tpu.core_type = #tpu.core_type<tc>, window_params = [{transform_indices = @transform_0, window_bounds = array<i64: 1280, 20>}, {transform_indices = @transform_1, window_bounds = array<i64: 1280, 1>}, {transform_indices = @transform_2, window_bounds = array<i64: 1280, 4>}, {pipeline_mode = #tpu.pipeline_mode<synchronous>, transform_indices = @transform_3, window_bounds = array<i64: 20, 384>}, {pipeline_mode = #tpu.pipeline_mode<synchronous>, transform_indices = @transform_4, window_bounds = array<i64: 1, 384>}, {transform_indices = @transform_5, window_bounds = array<i64: 1280, 512>}]} {
    %get3A = arith.constant 0 : index
    %get3A_0 = arith.constant 0 : index
    %get3A_1 = vector.load %arg1[%get3A, %get3A_0] : memref<1280x20xf32, #tpu.memory_space<vmem>>, vector<1280x20xf32>
    %get3A_2 = arith.constant 0 : index
    %get3A_3 = arith.constant 0 : index
    %get3A_4 = vector.load %arg4[%get3A_2, %get3A_3] : memref<20x384xf32, #tpu.memory_space<vmem>>, vector<20x384xf32>
    %dot_general3A = arith.constant dense<0.000000e+00> : vector<1280x384xf32>
    %dot_general3A_5 = tpu.matmul %get3A_1, %get3A_4, %dot_general3A {dimension_numbers = #tpu.dot_dimension_numbers<[1], [0], [0], [1], [0, 0, 1, 1], [], []>, transpose_lhs_hint = false} : vector<1280x20xf32>, vector<20x384xf32>, vector<1280x384xf32> -> vector<1280x384xf32>
    %get3A_6 = arith.constant 0 : index
    %get3A_7 = arith.constant 0 : index
    %get3A_8 = vector.load %arg5[%get3A_6, %get3A_7] : memref<1x384xf32, #tpu.memory_space<vmem>>, vector<1x384xf32>
    %add3A = vector.broadcast %get3A_8 : vector<1x384xf32> to vector<1280x384xf32>
    %add3A_9 = arith.addf %dot_general3A_5, %add3A : vector<1280x384xf32>
    %get3A_10 = arith.constant 0 : index
    %get3A_11 = arith.constant 0 : index
    %get3A_12 = vector.load %arg2[%get3A_10, %get3A_11] : memref<1280x1xf32, #tpu.memory_space<vmem>>, vector<1280x1xf32>
    %mul3A = vector.broadcast %get3A_12 : vector<1280x1xf32> to vector<1280x384xf32>
    %mul3A_13 = arith.mulf %add3A_9, %mul3A : vector<1280x384xf32>
    %get3A_14 = arith.constant 0 : index
    %get3A_15 = arith.constant 0 : index
    %get3A_16 = vector.load %arg3[%get3A_14, %get3A_15] : memref<1280x4xf32, #tpu.memory_space<vmem>>, vector<1280x4xf32>
    %jit3A = arith.constant 0 : i32
    %convert_element_type3A = arith.sitofp %jit3A : i32 to f32
    %pad3A = vector.broadcast %convert_element_type3A : f32 to vector<1280x124xf32>
    %pad3A_17 = tpu.concatenate %get3A_16, %pad3A in 1 : vector<1280x4xf32>, vector<1280x124xf32> -> vector<1280x128xf32>
    %concatenate3A = tpu.concatenate %mul3A_13, %pad3A_17 in 1 : vector<1280x384xf32>, vector<1280x128xf32> -> vector<1280x512xf32>
    %swap3A = arith.constant 0 : index
    %swap3A_18 = arith.constant 0 : index
    %swap3A_19 = vector.load %arg6[%swap3A, %swap3A_18] : memref<1280x512xf32, #tpu.memory_space<vmem>>, vector<1280x512xf32>
    tpu.vector_store %arg6[%swap3A, %swap3A_18], %concatenate3A {strides = array<i32>} : memref<1280x512xf32, #tpu.memory_space<vmem>>, vector<1280x512xf32>,
    return
  }
  func.func @transform_0(%arg0: i32) -> (i32, i32) {
    %c0_i32 = arith.constant 0 : i32
    %c0_i32_0 = arith.constant 0 : i32
    return %arg0, %c0_i32 : i32, i32
  }
  func.func @transform_1(%arg0: i32) -> (i32, i32) {
    %c0_i32 = arith.constant 0 : i32
    %c0_i32_0 = arith.constant 0 : i32
    return %arg0, %c0_i32 : i32, i32
  }
  func.func @transform_2(%arg0: i32) -> (i32, i32) {
    %c0_i32 = arith.constant 0 : i32
    %c0_i32_0 = arith.constant 0 : i32
    return %arg0, %c0_i32 : i32, i32
  }
  func.func @transform_3(%arg0: i32) -> (i32, i32) {
    %c0_i32 = arith.constant 0 : i32
    %c0_i32_0 = arith.constant 0 : i32
    %c0_i32_1 = arith.constant 0 : i32
    return %c0_i32, %c0_i32_0 : i32, i32
  }
  func.func @transform_4(%arg0: i32) -> (i32, i32) {
    %c0_i32 = arith.constant 0 : i32
    %c0_i32_0 = arith.constant 0 : i32
    %c0_i32_1 = arith.constant 0 : i32
    return %c0_i32, %c0_i32_0 : i32, i32
  }
  func.func @transform_5(%arg0: i32) -> (i32, i32) {
    %c0_i32 = arith.constant 0 : i32
    %c0_i32_0 = arith.constant 0 : i32
    return %arg0, %c0_i32 : i32, i32
  }
}

</mosaic_0001>

<sc_bundles>
// kernel: kernel.5.cloned.1.call-start
scs
__scs_entry_jumppad:
0x0: {  	(pc) =	sbr.rel $0x88, $3  }
0x1: {  	(tag) =	ssettag $0x0;
	lr =	simm.s32 $0x1  }
0x2: {  	[smem:$0x3F95] =	sst lr;
	_ =	strace $0xD0000000  }
0x3: {  	_ = 	snop  }
0x4: {  	_ = 	snop  }
0x5: {  	_ = 	snop  }
0x6: {  	_ = 	snop  }
0x7: {  	_ = 	snop  }
__scs_overlays_trampoline_lowered:
0x8: {  	[smem:$0x3FA4] =	sst s0  }
0x9: {  	[smem:$0x3FA5] =	sst s1  }
0xa: {  	[smem:$0x3FA6] =	sst s2  }
0xb: {  	[smem:$0x3FA7] =	sst s3  }
0xc: {  	[smem:$0x3FA8] =	sst s4  }
0xd: {  	[smem:$0x3FA9] =	sst s5  }
0xe: {  	[smem:$0x3FAA] =	sst s6  }
0xf: {  	[smem:$0x3FAB] =	sst s7  }
0x10: {  	[smem:$0x3FAC] =	sst s8  }
0x11: {  	[smem:$0x3FAD] =	sst s9;
	s0 =	simm.s32 @!p0 $0x0  }
0x12: {  	s1 =	sld [smem:$0x3F93];
	s0 =	simm.s32 @p0 $0x1  }
0x13: {  	[smem:$0x3FAE] =	sst s0;
	s0 =	simm.s32 @!p1 $0x0  }
0x14: {  	s2 =	sld [smem:$0x3F92];
	s0 =	simm.s32 @p1 $0x1  }
0x15: {  	[smem:$0x3FAF] =	sst s0;
	s0 =	simm.s32 @!p2 $0x0  }
0x16: {  	s3 =	sld [smem:$0x3FDB];
	s0 =	simm.s32 @p2 $0x1  }
0x17: {  	s4 =	simm.s32 $0x1BF5;
	[smem:$0x3FB1] =	sst s0  }
0x18: {  	s0 =	sld [smem:$0x3F94];
	_ =	swait.ge [sflag:s4], $0x0  }
0x19: {  	s7 =	sld [smem:$0x3F95]  }
0x1a: {  	s8 =	sadd.s32 $0xFFFFE003, lr  }
0x1b: {  	s9 =	sadd.s32 $0xFFFFFEF7, lr;
	s5 =	simm.s32 $0xFFFFFFFF;
	p2 =	slt.u32 s8, $0xFFFFF086  }
0x1c: {  	p1 =	slt.u32 s9, $0xF7A;
	s5 =	simm.s32 @!p2 $0x0  }
0x1d: {  	s5 =	simm.s32 @p1 $0x1;
	p0 =	seq.s32 s7, s2  }
0x1e: {  	s7 =	smul.u32 @!p0 $0xF7A, s2;
	p2 =	seq.s32 @!p0 s5, $0x0  }
0x1f: {  	s9 =	smul.u32 $0xF7A, s1;
	s8 =	simm.s32 @!p0 $0x1BF5;
	p2 =	por !p2, p0  }
0x20: {  	[sflag:s8] =	ssyncset.s32 @!p0 $0xFFFFF086;
	s6 =	sadd.s32 @!p0 s3, s7;
	s7 =	simm.s32 @!p0 $0x108  }
0x21: {  	s3 =	sadd.s32 s3, s9;
	s6 =	sadd.s32 @!p0 $0x88, s6;
	s7 =	simm.s32 @p2 $0x1082  }
0x22: {  	[simem:s7], [sflag:s8] =	dma.local @!p0 [hbm:s6], $0xF7A  }
0x23: {  	s9 =	sor.u32 $0xD0000000, s2;
	s6 =	simm.s32 $0x108;
	_ =	swait.ge @!p0 [sflag:s8], $0x0  }
0x24: {  	s3 =	sadd.s32 $0x88, s3;
	s6 =	simm.s32 @!p1 $0x1082;
	[sflag:s4] =	ssyncset.s32 $0xFFFFF086  }
0x25: {  	[simem:s6], [sflag:s4] =	dma.local [hbm:s3], $0xF7A  }
0x26: {  	[smem:$0x3F95] =	sst s1;
	(tag) =	ssettag s2;
	_ =	strace s9  }
0x27: {  	s1 =	sld [smem:$0x3FA5]  }
0x28: {  	s2 =	sld [smem:$0x3FA6]  }
0x29: {  	s4 =	sld [smem:$0x3FA8]  }
0x2a: {  	p0 =	seq.s32 s5, $0x0;
	s5 =	sld [smem:$0x3FA9]  }
0x2b: {  	s6 =	sld [smem:$0x3FAA]  }
0x2c: {  	s7 =	sld [smem:$0x3FAB]  }
0x2d: {  	s3 =	simm.s32 $0x108;
	s8 =	sld [smem:$0x3FAC]  }
0x2e: {  	s3 =	simm.s32 @!p0 $0x1082;
	s9 =	sld [smem:$0x3FAD]  }
0x2f: {  	lr =	sadd.s32 s0, s3;
	s0 =	sld [smem:$0x3FA4]  }
0x30: {  	s3 =	sld [smem:$0x3FA7]  }
0x31: {  	[smem:$0x3FB0] =	sst s10  }
0x32: {  	s10 =	sld [smem:$0x3FAE];
	_ =	sdelay $0x3  }
0x33: {  	p0 =	seq.s32 s10, $0x1;
	s10 =	sld [smem:$0x3FB0];
	_ =	sdelay $0x3  }
0x34: {  	[smem:$0x3FB0] =	sst s10  }
0x35: {  	s10 =	sld [smem:$0x3FAF];
	_ =	sdelay $0x3  }
0x36: {  	p1 =	seq.s32 s10, $0x1;
	s10 =	sld [smem:$0x3FB0];
	_ =	sdelay $0x3  }
0x37: {  	[smem:$0x3FB0] =	sst s10  }
0x38: {  	s10 =	sld [smem:$0x3FB1]  }
0x39: {  	_ = 	snop;
	(pc) =	sbr.ind lr, $3  }
0x3a: {  	_ = 	snop  }
0x3b: {  	_ = 	snop  }
0x3c: {  	p2 =	seq.s32 s10, $0x1;
	s10 =	sld [smem:$0x3FB0]  }
0x3d: {  	_ =	shalt  }
0x3e: {  	_ =	shalt  }
0x3f: {  	_ =	shalt  }
0x40: {  	_ =	shalt  }
0x41: {  	_ =	shalt  }
0x42: {  	_ =	shalt  }
0x43: {  	_ =	shalt  }
0x44: {  	_ =	shalt  }
0x45: {  	_ =	shalt  }
0x46: {  	_ =	shalt  }
0x47: {  	_ =	shalt  }
0x48: {  	_ =	shalt  }
0x49: {  	_ =	shalt  }
0x4a: {  	_ =	shalt  }
0x4b: {  	_ =	shalt  }
0x4c: {  	_ =	shalt  }
0x4d: {  	_ =	shalt  }
0x4e: {  	_ =	shalt  }
0x4f: {  	_ =	shalt  }
0x50: {  	_ =	shalt  }
0x51: {  	_ =	shalt  }
0x52: {  	_ =	shalt  }
0x53: {  	_ =	shalt  }
0x54: {  	_ =	shalt  }
0x55: {  	_ =	shalt  }
0x56: {  	_ =	shalt  }
0x57: {  	_ =	shalt  }
0x58: {  	_ =	shalt  }
0x59: {  	_ =	shalt  }
0x5a: {  	_ =	shalt  }
0x5b: {  	_ =	shalt  }
0x5c: {  	_ =	shalt  }
0x5d: {  	_ =	shalt  }
0x5e: {  	_ =	shalt  }
0x5f: {  	_ =	shalt  }
0x60: {  	_ =	shalt  }
0x61: {  	_ =	shalt  }
0x62: {  	_ =	shalt  }
0x63: {  	_ =	shalt  }
0x64: {  	_ =	shalt  }
0x65: {  	_ =	shalt  }
0x66: {  	_ =	shalt  }
0x67: {  	_ =	shalt  }
0x68: {  	_ =	shalt  }
0x69: {  	_ =	shalt  }
0x6a: {  	_ =	shalt  }
0x6b: {  	_ =	shalt  }
0x6c: {  	_ =	shalt  }
0x6d: {  	_ =	shalt  }
0x6e: {  	_ =	shalt  }
0x6f: {  	_ =	shalt  }
0x70: {  	_ =	shalt  }
0x71: {  	_ =	shalt  }
0x72: {  	_ =	shalt  }
0x73: {  	_ =	shalt  }
0x74: {  	_ =	shalt  }
0x75: {  	_ =	shalt  }
0x76: {  	_ =	shalt  }
0x77: {  	_ =	shalt  }
0x78: {  	_ =	shalt  }
0x79: {  	_ =	shalt  }
0x7a: {  	_ =	shalt  }
0x7b: {  	_ =	shalt  }
0x7c: {  	_ =	shalt  }
0x7d: {  	_ =	shalt  }
0x7e: {  	_ =	shalt  }
0x7f: {  	_ =	shalt  }
0x80: {  	_ =	shalt  }
0x81: {  	_ =	shalt  }
0x82: {  	_ =	shalt  }
0x83: {  	_ =	shalt  }
0x84: {  	_ =	shalt  }
0x85: {  	_ =	shalt  }
0x86: {  	_ =	shalt  }
0x87: {  	_ =	shalt  }
.Lfunc_end0:
.L_simem_size_0:
called_computation_lowered:
.L_overlay_start_0:
0x88: {  	s2 =	sld [smem:$0x3FD9]  }
0x89: {  	s3 =	sld [smem:$0x3FFE];
	_ =	sdelay $0x1  }
0x8a: {  	s1 =	srdreg.scid  }
0x8b: {  	s0 =	sand.u32 $0x1, s1  }
0x8c: {  	s14 =	sshll.u32 s0, $0xA;
	s2 =	sadd.s32 s3, s2  }
0x8d: {  	s2 =	sadd.s32 s2, s14  }
0x8e: {  	[smem:$0x3FBC] =	sst s2  }
0x8f: {  	_ = 	snop  }
0x90: {  	s2 =	sld [smem:$0x3FD0];
	_ =	sdelay $0x2  }
0x91: {  	s15 =	simm.s32 $0xA;
	s4 =	simm.s32 $0x10  }
0x92: {  	[smem:s4], [sflag:s15] =	dma.local [hbm:s2], $0x1  }
0x93: {  	_ =	swait.eq [sflag:s15], $0x1  }
0x94: {  	[sflag:s15] =	ssyncset.done $0x0  }
0x95: {  	[sflag:s15] =	ssyncadd.s32 $0xFFFFFFFF  }
0x96: {  	s16 =	sld [smem:$0x11];
	(tm) =	ssettm $0x1  }
0x97: {  	s17 =	sld [smem:$0x3FFB];
	_ =	sdelay $0x3  }
0x98: {  	_ =	strace s17  }
0x99: {  	s3 =	sld [smem:$0x3FFC];
	_ =	sdelay $0x3  }
0x9a: {  	_ =	strace s3  }
0x9b: {  	s3 =	sld [smem:$0x3FFD];
	_ =	sdelay $0x3  }
0x9c: {  	_ =	strace s3  }
0x9d: {  	_ =	strace $0x8FFFFFFF  }
0x9e: {  	s18 =	sld [smem:$0x3FDB];
	_ =	sdelay $0x1  }
0x9f: {  	s19 =	simm.s32 $_scs_section_size  }
0xa0: {  	s5 =	simm.s32 $_size__tile_overlayer_lowered;
	s6 =	simm.s32 $_tile_overlayer_lowered  }
0xa1: {  	s22 =	simm.s32 $0x1BFF;
	s21 =	sshll.u32 s6, $0x1;
	s3 =	sadd.s32 s19, s18  }
0xa2: {  	s7 =	simm.s32 $0x0;
	s20 =	sshll.u32 s5, $0x1;
	s5 =	sadd.s32 s21, s3  }
0xa3: {  	[timem:s7], [sflag:s22] =	dma.local [hbm:s5], s20  }
0xa4: {  	_ =	swait.ge [sflag:s22], s20  }
0xa5: {  	s4 =	ssub.s32 $0x0, s20;
	[sflag:s22] =	ssyncset.done $0x0  }
0xa6: {  	[sflag:s22] =	ssyncadd.s32 s4;
	_ =	sdelay $0x1  }
0xa7: {  	s23 =	simm.s32 $0x1B8B  }
0xa8: {  	_ =	swait.ge [sflag:s23], $0x1  }
0xa9: {  	[sflag:s23] =	ssyncset.done $0x0  }
0xaa: {  	s25 =	simm.s32 $0x1B8E;
	s24 =	sld [smem:$0x3FFE];
	[sflag:s23] =	ssyncadd.s32 $0xFFFFFFFF  }
0xab: {  	s26 =	simm.s32 $execute0_lowered;
	[smem:$0x3FD2] =	sst s25  }
0xac: {  	s5 =	sshll.u32 s26, $0x1;
	_ =	strace $0x80000046;
	[dreg:$0x1] =	wrdreg $0xFFFFFFFF  }
0xad: {  	s28 =	simm.s32 $_size_execute0_lowered;
	s3 =	sadd.s32 s3, s5;
	[dreg:$0x0] =	wrdreg $0x0  }
0xae: {  	s5 =	sshll.u32 s28, $0x1;
	[dreg:$0x2] =	wrdreg s3  }
0xaf: {  	[dreg:$0x3] =	wrdreg s5  }
0xb0: {  	[dreg:$0x4] =	wrdreg $0xC0  }
0xb1: {  	_ =	task [dreg:s7], $0x5FFFF  }
0xb2: {  	[dreg:$0x1] =	wrdreg $0xFFFFFFFF  }
0xb3: {  	[dreg:$0x0] =	wrdreg $0x60  }
0xb4: {  	[dreg:$0x2] =	wrdreg s24  }
0xb5: {  	[dreg:$0x3] =	wrdreg s16  }
0xb6: {  	[dreg:$0x4] =	wrdreg $0x0  }
0xb7: {  	[dreg:$0x5] =	wrdreg $0x20400  }
0xb8: {  	[dreg:$0x6] =	wrdreg $0x40800  }
0xb9: {  	[dreg:$0x7] =	wrdreg $0x60C00  }
0xba: {  	[dreg:$0x8] =	wrdreg $0x81000  }
0xbb: {  	[dreg:$0x9] =	wrdreg $0x89000  }
0xbc: {  	[dreg:$0xa] =	wrdreg $0x9  }
0xbd: {  	_ =	task.clear_ibuf [dreg:s7], $0xBFFFF;
	_ =	strace $0x90000046  }
0xbe: {  	s29 =	simm.s32 $0x9;
	_ =	strace $0x80000048  }
0xbf: {  	_ =	swait.ge [sflag:s29], $0x1  }
0xc0: {  	[sflag:s29] =	ssyncadd.s32 $0xFFFFFFFF  }
0xc1: {  	_ =	strace $0x90000048  }
0xc2: {  	_ =	sfence  }
0xc3: {  	s30 =	sld [smem:$0x0];
	_ =	sdelay $0x2  }
0xc4: {  	s31 =	sshll.u32 s1, $0xD;
	s1 =	sshrl.u32 s1, $0x2  }
0xc5: {  	s3 =	sand.u32 $0x4000, s31;
	s1 =	sadd.s32 s1, s30  }
0xc6: {  	s0 =	sor.u32 s3, s0;
	s1 =	sshll.u32 s1, $0x11  }
0xc7: {  	s0 =	sor.u32 s1, s0  }
0xc8: {  	s0 =	sadd.s32 $0x8F2B, s0  }
0xc9: {  	[sflag:s0] =	ssyncadd.remote.s32 $0x1  }
0xca: {  	_ =	sfence.sel $0xFFFF  }
0xcb: {  	[dreg:$0x0] =	wrdreg $0xFFFFFFFF;
	(pc) =	sbr.abs _section_cstart, $3  }
0xcc: {  	[dreg:$0x1] =	wrdreg $0xFFFFFFFF  }
0xcd: {  	_ =	task.clear_ibuf [dreg:s7], $0x2FFFF;
	_ =	strace $0x9FFFFFFF  }
0xce: {  	(tm) =	ssettm $0x7FFFFFFF  }
0xcf: {  	_ =	shalt  }
tec
execute0_lowered:
.L_overlay_start_1:
0x0: {  	(tag) =	ssettag $0x1  }
0x1: {  	s0 =	rddreg [dreg:$0x0]  }
0x2: {  	s1 =	rddreg [dreg:$0x2]  }
0x3: {  	s3 =	rddreg [dreg:$0x3]  }
0x4: {  	s4 =	rddreg [dreg:$0x4]  }
0x5: {  	s5 =	rddreg [dreg:$0x5]  }
0x6: {  	s8 =	rddreg [dreg:$0x6]  }
0x7: {  	s11 =	rddreg [dreg:$0x7];
	s12 =	simm.s32 $0x0  }
0x8: {  	[smem:$0x7FF] =	sst s12  }
0x9: {  	s23 =	srdreg.scid;
	s9 =	sadd.s32 $0xA7B400, s0;
	s10 =	sadd.s32 $0x1403400, s0  }
0xa: {  	s13 =	stileid.u32;
	s2 =	sadd.s32 $0xA17400, s0;
	s6 =	sadd.s32 $0xA21400, s0  }
0xb: {  	s24 =	sadd.s32 $0xEF9400, s0;
	_ =	strace $0x80000047;
	[dreg:$0xa] =	wrdreg s2  }
0xc: {  	s25 =	sadd.s32 $0xA2B400, s0;
	s26 =	sadd.s32 $0x4E00, s0;
	[dreg:$0xb] =	wrdreg s6  }
0xd: {  	s7 =	sadd.s32 $0xA53400, s0;
	s14 =	sadd.s32 $0xB6B400, s0;
	[dreg:$0xc] =	wrdreg s24  }
0xe: {  	s16 =	sshll.u32 s13, $0xD;
	s21 =	sshll.u32 s13, $0xB;
	[dreg:$0xd] =	wrdreg s25  }
0xf: {  	s22 =	sadd.s32 $0xBBB400, s0;
	s29 =	sadd.s32 $0xA7B500, s0;
	[dreg:$0xe] =	wrdreg s26  }
0x10: {  	s30 =	sadd.s32 $0xA7B600, s0;
	s31 =	sadd.s32 $0x1403500, s0;
	[dreg:$0xf] =	wrdreg s7  }
0x11: {  	p0 =	sne.s32 s13, $0x0;
	s2 =	sand.u32 $0x1, s23;
	[dreg:$0x10] =	wrdreg s14  }
0x12: {  	s17 =	sadd.s32 s16, s1;
	s18 =	sadd.s32 s16, s3;
	[dreg:$0x16] =	wrdreg s22  }
0x13: {  	s19 =	sadd.s32 s16, s4;
	s20 =	sadd.s32 s16, s5;
	[dreg:$0x12] =	wrdreg s17  }
0x14: {  	v0 =	vimm.s32 $0xEDCBA987;
	v2 =	vimm.s32 $0x65432100;
	s23 =	sadd.s32 $0xB93400, s0;
	s24 =	sadd.s32 s21, s8;
	[dreg:$0x13] =	wrdreg s18  }
0x15: {  	v4 =	vimm.s32 $0xDCBA9876;
	v5 =	vimm.s32 $0x54321000;
	s0 =	sadd.s32 $0x20000, s1;
	s26 =	sshll.u32 s13, $0xA;
	[dreg:$0x14] =	wrdreg s19  }
0x16: {  	v6 =	vimm.s32 $0xBA987654;
	v7 =	vimm.s32 $0xE40000;
	v8 =	vimm.s32 $0x32100000;
	s14 =	simm.s32 $0x1A900;
	s16 =	simm.s32 $0x1B900;
	[dreg:$0x15] =	wrdreg s20  }
0x17: {  	vm0 =	vmmov $0x3;
	vm2 =	vcmask $0x3F30;
	vm1 =	vmmov $0xf;
	s7 =	simm.s32 $0x2;
	s28 =	ssub.s32 $0x2, s2;
	[dreg:$0x17] =	wrdreg s23  }
0x18: {  	v1 =	vunpack.c.l.s4.s8 v0;
	v2 =	vunpack.c.l.s4.s8 v2;
	v4 =	vunpack.c.l.s4.s8 v4;
	s2 =	sshll.u32 s2, $0xA;
	[dreg:$0x18] =	wrdreg s24;
	s0 =	sshrl.u32 @!p0 s0, $0x3  }
0x19: {  	v5 =	vunpack.c.l.s4.s8 v5;
	v6 =	vunpack.c.l.s4.s8 v6;
	v7 =	vunpack.c.l.s2.s4 v7;
	[dreg:$0x1f] =	wrdreg s26;
	s20 =	simm.s32 $0x5;
	s23 =	simm.s32 $0x9900  }
0x1a: {  	v8 =	vunpack.c.l.s4.s8 v8;
	v0 =	vmov s21;
	v3 =	vunpack.c.0.s8.s32 v1;
	s15 =	sshrl.u32 s28, $0x1;
	[dreg:$0x11] =	wrdreg s2;
	s2 =	sadd.s32 s21, s11  }
0x1b: {  	v1 =	vimm.s32 $0x200000;
	v4 =	vunpack.c.0.s8.s32 v4;
	v7 =	vunpack.c.l.s4.s8 v7;
	[dreg:$0x1b] =	wrdreg s0;
	s0 =	sadd.s32 $0x20000, s3;
	s6 =	ssub.s32 s28, s15  }
0x1c: {  	v2 =	vunpack.c.0.s8.s32 v2;
	v5 =	vunpack.c.0.s8.s32 v5;
	v6 =	vunpack.c.0.s8.s32 v6;
	[dreg:$0x19] =	wrdreg s2;
	s0 =	sshrl.u32 @!p0 s0, $0x3;
	s28 =	smul.u32 $0xA, s13  }
.Ltmp0:
0x1d: {  	v3 =	vand.u32 $0xF, v3;
	v4 =	vand.u32 $0xF, v4;
	v7 =	vunpack.c.0.s8.s32 v7;
	s25 =	smax.u32 s6, $0x1;
	[dreg:$0x1c] =	wrdreg s0;
	(pc) =	sbr.rel .LBB2_1-.Ltmp0, $4  }
0x1e: {  	s18 =	simm.s32 $0x1;
	s0 =	sadd.s32 $0x20000, s4;
	v4 =	vcombine.low v5, v4;
	v5 =	vunpack.c.0.s8.s32 v8;
	v8 =	vimm.s32 $0x7060504;
	[dreg:$0x1a] =	wrdreg s25  }
0x1f: {  	s2 =	sadd.s32 $0x20000, s5;
	v6 =	vand.u32 $0xF, v6;
	v2 =	vcombine.low v2, v3;
	s0 =	sshrl.u32 @!p0 s0, $0x3;
	[smem:$0x7FD] =	sst s28;
	v8 =	vunpack.c.0.s8.s32 v8  }
0x20: {  	s13 =	simm.s32 $0x10;
	v3 =	vimm.s32 $0x0;
	v7 =	vand.u32 $0x3, v7;
	[dreg:$0x1d] =	wrdreg s0;
	s0 =	sshrl.u32 @!p0 s2, $0x3;
	v5 =	vcombine.low v5, v6  }
0x21: {  	s15 =	simm.s32 $0x1B100;
	s6 =	simm.s32 $0x1C100;
	v6 =	vlaneseq.u32;
	[dreg:$0x1e] =	wrdreg s0;
	v7 =	vsel vm2, v8, v7;
	vm2 =	vmmov $0xff  }
.LBB2_25:
0x22: {  	s12 =	rddreg [dreg:$0x9]  }
0x23: {  	s0 =	rddreg [dreg:$0x1a];
	s12 =	sadd.s32 $0x1, s12  }
0x24: {  	p1 =	sne.s32 s12, s0  }
.Ltmp1:
0x25: {  	_ = 	snop;
	(pc) =	sbr.rel @!p1 .LBB2_26-.Ltmp1, $1  }
0x26: {  	_ =	sdelay $0x3  }
.LBB2_1:
0x27: {  	[dreg:$0x9] =	wrdreg s12;
	s0 =	simm.s32 $0x40;
	s2 =	simm.s32 $0x0  }
.LBB2_2:
0x28: {  	p1 =	sne.s32 s0, $0x1FC0;
	[tilespmem:s2+$0xB100] =	vst v1;
	s2 =	smov.u32 s0;
	s0 =	sadd.s32 $0x40, s0  }
.Ltmp2:
0x29: {  	(pc) =	sbr.rel @p1 .LBB2_2-.Ltmp2, $2  }
0x2a: {  	_ =	sdelay $0x2  }
0x2b: {  	s2 =	sshra.s32 s2, $0x2  }
.Ltmp3:
0x2c: {  	(pc) =	sbr.rel .LBB2_4-.Ltmp3, $2  }
0x2d: {  	_ =	sdelay $0x2  }
0x2e: {  	[tilespmem:s2+$0xB100] =	vst v1;
	s0 =	simm.s32 $0x0  }
.LBB2_24:
0x2f: {  	[bflag:$0x0] =	sbarrier.arrive $0xFFFF  }
0x30: {  	s2 =	sld [smem:$0x7FA]  }
0x31: {  	s8 =	sld [smem:$0x7FC]  }
0x32: {  	s11 =	sld [smem:$0x7F7]  }
0x33: {  	s0 =	rddreg [dreg:$0x1]  }
0x34: {  	s0 =	sadd.s32 s0, s2  }
0x35: {  	[hbm:s0], [sflag:s8] =	dma.local [spmem:s11], $0x400  }
0x36: {  	_ =	swait.ge [sflag:s20], $0x400  }
0x37: {  	s21 =	sld [smem:$0x7F8]  }
0x38: {  	[sflag:s20] =	ssyncset.done $0x0;
	s19 =	rddreg [dreg:$0x10]  }
0x39: {  	[sflag:s20] =	ssyncadd.s32 $0xFFFFFC00;
	s0 =	sadd.s32 s19, s2  }
0x3a: {  	[hbm:s0], [sflag:s8] =	dma.local [spmem:s21], $0x400  }
0x3b: {  	_ =	swait.ge [sflag:s20], $0x400  }
0x3c: {  	s24 =	sld [smem:$0x7F9]  }
0x3d: {  	[sflag:s20] =	ssyncset.done $0x0;
	s22 =	rddreg [dreg:$0x16]  }
0x3e: {  	[sflag:s20] =	ssyncadd.s32 $0xFFFFFC00;
	s0 =	sadd.s32 s22, s2  }
0x3f: {  	[hbm:s0], [sflag:s8] =	dma.local [spmem:s24], $0x400  }
0x40: {  	_ =	swait.ge [sflag:s20], $0x400  }
0x41: {  	s26 =	sld [smem:$0x7FB]  }
0x42: {  	[sflag:s20] =	ssyncset.done $0x0;
	s25 =	rddreg [dreg:$0x17]  }
0x43: {  	[sflag:s20] =	ssyncadd.s32 $0xFFFFFC00;
	s0 =	sadd.s32 s25, s2  }
0x44: {  	[hbm:s0], [sflag:s8] =	dma.local [spmem:s26], $0x400  }
0x45: {  	_ =	swait.ge [sflag:s20], $0x400  }
0x46: {  	s28 =	sld [smem:$0x7F6];
	_ =	sdelay $0x2  }
0x47: {  	s0 =	sadd.s32 $0x1, s28  }
0x48: {  	p1 =	sne.s32 s0, $0x5  }
.Ltmp4:
0x49: {  	_ = 	snop;
	(pc) =	sbr.rel @!p1 .LBB2_25-.Ltmp4, $3  }
0x4a: {  	[sflag:s20] =	ssyncset.done $0x0  }
0x4b: {  	[sflag:s20] =	ssyncadd.s32 $0xFFFFFC00  }
0x4c: {  	[bflag:$0x0] =	sbarrier.arrive $0xFFFF;
	_ =	sdelay $0x1  }
.LBB2_4:
0x4d: {  	s19 =	sshll.u32 s0, $0xB;
	s2 =	rddreg [dreg:$0x11]  }
0x4e: {  	[smem:$0x7F6] =	sst s0;
	s0 =	sor.u32 s2, s19  }
0x4f: {  	s8 =	rddreg [dreg:$0x1f];
	s21 =	stileid.u32;
	s2 =	sshll.u32 s0, $0x4  }
0x50: {  	s22 =	rddreg [dreg:$0x12];
	s19 =	sor.u32 s8, s2;
	s2 =	sshll.u32 s21, $0x6  }
0x51: {  	s11 =	rddreg [dreg:$0xc];
	s21 =	sor.u32 $0x1C05, s2;
	s2 =	sshrl.u32 s22, $0x3  }
0x52: {  	s8 =	sadd.s32 s11, s19;
	[smem:$0x7F7] =	sst s2  }
0x53: {  	[spmem:s2], [sflag:s21] =	dma.local [hbm:s8], $0x400  }
0x54: {  	_ =	swait.ge [sflag:s20], $0x400  }
0x55: {  	s12 =	rddreg [dreg:$0x13]  }
0x56: {  	[sflag:s20] =	ssyncset.done $0x0;
	s8 =	rddreg [dreg:$0xd];
	s12 =	sshrl.u32 s12, $0x3  }
0x57: {  	[sflag:s20] =	ssyncadd.s32 $0xFFFFFC00;
	s24 =	sadd.s32 s8, s19;
	[smem:$0x7F8] =	sst s12  }
0x58: {  	[spmem:s12], [sflag:s21] =	dma.local [hbm:s24], $0x400  }
0x59: {  	_ =	swait.ge [sflag:s20], $0x400  }
0x5a: {  	s17 =	rddreg [dreg:$0x14]  }
0x5b: {  	[sflag:s20] =	ssyncset.done $0x0;
	s12 =	rddreg [dreg:$0xe];
	s17 =	sshrl.u32 s17, $0x3  }
0x5c: {  	[sflag:s20] =	ssyncadd.s32 $0xFFFFFC00;
	s25 =	sadd.s32 s12, s19;
	[smem:$0x7F9] =	sst s17  }
0x5d: {  	[spmem:s17], [sflag:s21] =	dma.local [hbm:s25], $0x400  }
0x5e: {  	_ =	swait.ge [sflag:s20], $0x400  }
0x5f: {  	s17 =	rddreg [dreg:$0xf]  }
0x60: {  	[sflag:s20] =	ssyncset.done $0x0;
	s28 =	rddreg [dreg:$0x15]  }
0x61: {  	[smem:$0x7FA] =	sst s19;
	s26 =	sadd.s32 s17, s19;
	s19 =	sshrl.u32 s28, $0x3  }
0x62: {  	[sflag:s20] =	ssyncadd.s32 $0xFFFFFC00;
	[smem:$0x7FB] =	sst s19  }
0x63: {  	[spmem:s19], [sflag:s21] =	dma.local [hbm:s26], $0x400  }
0x64: {  	_ =	swait.ge [sflag:s20], $0x400  }
0x65: {  	[sflag:s20] =	ssyncset.done $0x0  }
0x66: {  	s2 =	rddreg [dreg:$0x1b];
	[sflag:s20] =	ssyncadd.s32 $0xFFFFFC00  }
0x67: {  	[spmem:s2], [sflag:s21] =	dma.local @!p0 [hbm:s11], $0x80  }
0x68: {  	s2 =	simm.s32 @!p0 $0x5  }
0x69: {  	_ =	swait.ge @!p0 [sflag:s2], $0x80  }
0x6a: {  	[sflag:s2] =	ssyncset.done @!p0 $0x0  }
0x6b: {  	s11 =	rddreg [dreg:$0x1c];
	[sflag:s2] =	ssyncadd.s32 @!p0 $0xFFFFFF80  }
0x6c: {  	[spmem:s11], [sflag:s21] =	dma.local @!p0 [hbm:s8], $0x80  }
0x6d: {  	_ =	swait.ge @!p0 [sflag:s2], $0x80  }
0x6e: {  	[sflag:s2] =	ssyncset.done @!p0 $0x0  }
0x6f: {  	s8 =	rddreg [dreg:$0x1d];
	[sflag:s2] =	ssyncadd.s32 @!p0 $0xFFFFFF80  }
0x70: {  	[spmem:s8], [sflag:s21] =	dma.local @!p0 [hbm:s12], $0x80  }
0x71: {  	_ =	swait.ge @!p0 [sflag:s2], $0x80  }
0x72: {  	[sflag:s2] =	ssyncset.done @!p0 $0x0;
	s8 =	rddreg [dreg:$0x1e]  }
0x73: {  	[smem:$0x7FC] =	sst s21;
	[sflag:s2] =	ssyncadd.s32 @!p0 $0xFFFFFF80  }
0x74: {  	[spmem:s8], [sflag:s21] =	dma.local @!p0 [hbm:s17], $0x80  }
.Ltmp5:
0x75: {  	_ =	swait.ge @!p0 [sflag:s2], $0x80;
	(pc) =	sbr.rel .LBB2_5-.Ltmp5, $4  }
0x76: {  	[sflag:s2] =	ssyncset.done @!p0 $0x0  }
0x77: {  	[sflag:s2] =	ssyncadd.s32 @!p0 $0xFFFFFF80  }
0x78: {  	[bflag:$0x0] =	sbarrier.arrive $0xFFFF  }
0x79: {  	v8 =	vmov s0;
	s11 =	simm.s32 $0x0  }
.LBB2_23:
0x7a: {  	s11 =	sadd.s32 $0x1, s11  }
0x7b: {  	p1 =	sne.s32 s11, $0xA  }
.Ltmp6:
0x7c: {  	_ = 	snop;
	(pc) =	sbr.rel @!p1 .LBB2_24-.Ltmp6, $1  }
0x7d: {  	_ =	sdelay $0x3  }
.LBB2_5:
0x7e: {  	s0 =	sld [smem:$0x7FD];
	_ =	sdelay $0x2  }
0x7f: {  	s2 =	sadd.s32 s0, s11  }
0x80: {  	s0 =	sshll.u32 s2, $0x8;
	s8 =	sshll.u32 s2, $0x4  }
0x81: {  	s0 =	sand.u32 $0x1F800, s0;
	s8 =	sand.u32 $0x70, s8  }
0x82: {  	s26 =	rddreg [dreg:$0xb];
	s12 =	simm.s32 $0x9100;
	s0 =	sor.u32 s8, s0  }
0x83: {  	s17 =	simm.s32 $0x80;
	s19 =	simm.s32 $0x400;
	s8 =	sadd.s32 s26, s0  }
0x84: {  	[tilespmem:s12], [sflag:$0x5] =	stream.strided.gather [hbm4b:s8+s17], $0x800, s19, s17, $0x38;
	[tilespmem:$0x1E900] =	vst v63  }
0x85: {  	_ =	swait.ge [sflag:s20], $0x800  }
0x86: {  	[sflag:s20] =	ssyncset.done $0x0;
	s28 =	rddreg [dreg:$0xa]  }
0x87: {  	[sflag:s20] =	ssyncadd.s32 $0xFFFFF800;
	s0 =	sadd.s32 s28, s0  }
0x88: {  	[tilespmem:s23], [sflag:$0x5] =	stream.strided.gather [hbm4b:s0+s17], $0x800, s19, s17, $0x38;
	[tilespmem:$0x1E900] =	vst v63  }
0x89: {  	_ =	swait.ge [sflag:s20], $0x800  }
0x8a: {  	[sflag:s20] =	ssyncset.done $0x0  }
0x8b: {  	[sflag:s20] =	ssyncadd.s32 $0xFFFFF800  }
0x8c: {  	v9 =	vld [tilespmem:s12+$0x0];
	_ =	sdelay $0x4  }
0x8d: {  	v9 =	vsub.s32 v9, v8  }
0x8e: {  	vm4 =	vlt.u32 v9, $0x400  }
0x8f: {  	v10 =	vsel vm4, $0x1, v3  }
0x90: {  	v11 =	vperm.xlane v10, v2  }
0x91: {  	vm3 =	veq.s32 v6, $0x0  }
0x92: {  	v11 =	vsel vm3, $0x0, v11  }
0x93: {  	v10 =	vadd.s32 v10, v11  }
0x94: {  	v11 =	vperm.xlane v10, v4;
	_ =	sdelay $0x1  }
0x95: {  	v11 =	vsel vm0, $0x0, v11  }
0x96: {  	v10 =	vadd.s32 v11, v10  }
0x97: {  	v11 =	vperm.xlane v10, v5;
	_ =	sdelay $0x1  }
0x98: {  	v11 =	vsel vm1, $0x0, v11  }
0x99: {  	s0 =	simm.s32 $0x0;
	v10 =	vadd.s32 v11, v10  }
0x9a: {  	v11 =	vmov s0;
	v12 =	vperm.xlane v10, v7  }
0x9b: {  	v11 =	vadd.s32 $0xFFFFFFFF, v11  }
0x9c: {  	v11 =	vbroadcast v11, $0x0;
	v12 =	vsel vm2, $0x0, v12  }
0x9d: {  	v10 =	vadd.s32 v12, v10  }
0x9e: {  	v9 =	vmin.u32 v9, $0x400;
	v11 =	vadd.s32 v10, v11;
	(v2sf) =	vpush v10, $0xF  }
0x9f: {  	v9 =	vshll.u32 v9, $0xB;
	v11 =	vnsel vm4, $0x7D0, v11  }
0xa0: {  	s8 =	simm.s32 $0xA100;
	v9 =	vadd.s32 s0, v9;
	v11 =	vadd.s32 v0, v11  }
0xa1: {  	s12 =	simm.s32 $0xA900;
	v9 =	vor.u32 v6, v9;
	[tilespmem:s8+$0x0] =	vst v11  }
0xa2: {  	s19 =	simm.s32 $0x9110;
	[tilespmem:s12+$0x0] =	vst v9  }
0xa3: {  	s21 =	simm.s32 $0x20;
	s17 =	simm.s32 $0x10;
	v9 =	vld [tilespmem:s19+$0x0]  }
.LBB2_6:
0xa4: {  	p1 =	sne.s32 s21, $0x7C0;
	_ =	sdelay $0x3  }
0xa5: {  	v9 =	vsub.s32 v9, v8  }
0xa6: {  	vm4 =	vlt.u32 v9, $0x400;
	v9 =	vmin.u32 v9, $0x400  }
0xa7: {  	v10 =	vsel vm4, $0x1, v3  }
0xa8: {  	v11 =	vperm.xlane v10, v2;
	_ =	sdelay $0x1  }
0xa9: {  	v11 =	vsel vm3, $0x0, v11;
	s22 =	spop (v2sf)  }
0xaa: {  	v10 =	vadd.s32 v10, v11;
	s0 =	sadd.s32 s0, s22  }
0xab: {  	v11 =	vperm.xlane v10, v4;
	v12 =	vmov s0  }
0xac: {  	v12 =	vadd.s32 $0xFFFFFFFF, v12  }
0xad: {  	v11 =	vsel vm0, $0x0, v11;
	v12 =	vbroadcast v12, $0x0  }
0xae: {  	v10 =	vadd.s32 v11, v10  }
0xaf: {  	v11 =	vperm.xlane v10, v5;
	_ =	sdelay $0x1  }
0xb0: {  	v11 =	vsel vm1, $0x0, v11  }
0xb1: {  	v10 =	vadd.s32 v11, v10  }
0xb2: {  	v11 =	vperm.xlane v10, v7;
	_ =	sdelay $0x1  }
0xb3: {  	v11 =	vsel vm2, $0x0, v11  }
0xb4: {  	v10 =	vadd.s32 v11, v10  }
0xb5: {  	v11 =	vadd.s32 v10, v12;
	(v2sf) =	vpush v10, $0xF  }
.Ltmp7:
0xb6: {  	v9 =	vshll.u32 v9, $0xB;
	v10 =	vnsel vm4, $0x7D0, v11;
	(pc) =	sbr.rel @p1 .LBB2_6-.Ltmp7, $4  }
0xb7: {  	s8 =	sadd.s32 $0x10, s8;
	v9 =	vadd.s32 s17, v9;
	s17 =	smov.u32 s21;
	v10 =	vadd.s32 v0, v10  }
0xb8: {  	s12 =	sadd.s32 $0x10, s12;
	v9 =	vor.u32 v6, v9;
	[tilespmem:s8+$0x0] =	vst v10  }
0xb9: {  	s19 =	sadd.s32 $0x10, s19;
	[tilespmem:s12+$0x0] =	vst v9  }
0xba: {  	s21 =	sadd.s32 $0x10, s21;
	v9 =	vld [tilespmem:s19+$0x0]  }
0xbb: {  	_ =	sdelay $0x3  }
0xbc: {  	v9 =	vsub.s32 v9, v8  }
0xbd: {  	vm3 =	vlt.u32 v9, $0x400  }
0xbe: {  	v10 =	vsel vm3, $0x1, v3  }
0xbf: {  	v11 =	vperm.xlane v10, v2  }
0xc0: {  	vm4 =	veq.s32 v6, $0x0  }
0xc1: {  	v11 =	vsel vm4, $0x0, v11  }
0xc2: {  	v10 =	vadd.s32 v10, v11  }
0xc3: {  	v11 =	vperm.xlane v10, v4;
	_ =	sdelay $0x1  }
0xc4: {  	v11 =	vsel vm0, $0x0, v11  }
0xc5: {  	v10 =	vadd.s32 v11, v10  }
0xc6: {  	v11 =	vperm.xlane v10, v5;
	_ =	sdelay $0x1  }
0xc7: {  	v11 =	vsel vm1, $0x0, v11  }
0xc8: {  	v10 =	vadd.s32 v11, v10  }
0xc9: {  	v11 =	vperm.xlane v10, v7;
	_ =	sdelay $0x1  }
0xca: {  	v11 =	vsel vm2, $0x0, v11  }
0xcb: {  	v10 =	vadd.s32 v11, v10  }
0xcc: {  	(v2sf) =	vpush v10, $0xF;
	_ =	sdelay $0x2  }
0xcd: {  	s19 =	spop (v2sf)  }
0xce: {  	s0 =	sadd.s32 s0, s19  }
0xcf: {  	v11 =	vmov s0  }
0xd0: {  	v11 =	vadd.s32 $0xFFFFFFFF, v11  }
0xd1: {  	v11 =	vbroadcast v11, $0x0;
	_ =	sdelay $0x1  }
0xd2: {  	v9 =	vmin.u32 v9, $0x400;
	v10 =	vadd.s32 v10, v11  }
0xd3: {  	v9 =	vshll.u32 v9, $0xB;
	v10 =	vnsel vm3, $0x7D0, v10  }
0xd4: {  	s8 =	sadd.s32 $0x10, s8;
	v9 =	vadd.s32 s17, v9;
	v10 =	vadd.s32 v0, v10  }
0xd5: {  	s24 =	sadd.s32 $0x10, s12;
	v9 =	vor.u32 v6, v9;
	[tilespmem:s8+$0x0] =	vst v10  }
0xd6: {  	s12 =	rddreg [dreg:$0x18];
	s25 =	simm.s32 $0xB100;
	[tilespmem:s24+$0x0] =	vst v9  }
0xd7: {  	[spmem:s12] =	stream.linear.scatter [tilespmem:s25], [sflag:$0x5], $0x800, $0x38;
	[tilespmem:$0x1E900] =	vst v63  }
0xd8: {  	s17 =	spop (v2sf)  }
0xd9: {  	_ =	swait.ge [sflag:s20], $0x800  }
0xda: {  	[sflag:s20] =	ssyncset.done $0x0  }
0xdb: {  	s28 =	simm.s32 $0x7D0;
	[sflag:s20] =	ssyncadd.s32 $0xFFFFF800  }
0xdc: {  	s21 =	simm.s32 $0xA100;
	s22 =	simm.s32 $0xA900;
	s26 =	rddreg [dreg:$0x6]  }
0xdd: {  	[spmem:s26] =	stream.indirect.scatter [tilespmem:s22], [sflag:$0x5], $0x1, s21, s28, $0xb8;
	[tilespmem:$0x1E900] =	vst v63  }
0xde: {  	_ =	swait.ge [sflag:s20], $0x7D0  }
0xdf: {  	[sflag:s20] =	ssyncset.done $0x0  }
0xe0: {  	[sflag:s20] =	ssyncadd.s32 $0xFFFFF830  }
0xe1: {  	s24 =	rddreg [dreg:$0x7]  }
0xe2: {  	[spmem:s24] =	stream.indirect.scatter [tilespmem:s23], [sflag:$0x5], $0x1, s21, s28, $0xb8;
	[tilespmem:$0x1E900] =	vst v63  }
0xe3: {  	_ =	swait.ge [sflag:s20], $0x7D0  }
0xe4: {  	[sflag:s20] =	ssyncset.done $0x0  }
0xe5: {  	s25 =	simm.s32 $0xB900;
	[sflag:s20] =	ssyncadd.s32 $0xFFFFF830  }
0xe6: {  	[tilespmem:s25], [sflag:$0x5] =	stream.linear.gather [spmem:s12], $0x800, $0x38;
	[tilespmem:$0x1E900] =	vst v63  }
0xe7: {  	_ =	swait.ge [sflag:s20], $0x800  }
0xe8: {  	[sflag:s20] =	ssyncset.done $0x0  }
0xe9: {  	s28 =	simm.s32 $0xC100;
	s26 =	rddreg [dreg:$0x19];
	[sflag:s20] =	ssyncadd.s32 $0xFFFFF800  }
0xea: {  	[tilespmem:s28], [sflag:$0x5] =	stream.linear.gather [spmem:s26], $0x800, $0x38;
	[tilespmem:$0x1E900] =	vst v63  }
0xeb: {  	_ =	swait.ge [sflag:s20], $0x800  }
0xec: {  	[sflag:s20] =	ssyncset.done $0x0  }
0xed: {  	s8 =	simm.s32 $0x0;
	[sflag:s20] =	ssyncadd.s32 $0xFFFFF800  }
0xee: {  	v10 =	vld [tilespmem:s8+$0xB900];
	_ =	sdelay $0x4  }
0xef: {  	v9 =	vshra.s32 v10, $0xB  }
0xf0: {  	s2 =	smul.u32 $0x7D0, s2;
	vm3 =	vgt.s32 v9, $0x0  }
0xf1: {  	v11 =	vnsel vm3, $0x0, v9  }
0xf2: {  	v10 =	vand.u32 $0x7FF, v10;
	v9 =	vmov s2;
	s2 =	simm.s32 $0xC900;
	v11 =	vmin.u32 v11, $0x400  }
0xf3: {  	v10 =	vadd.s32 v9, v10;
	[tilespmem:s2+$0x0] =	vst v11  }
0xf4: {  	s12 =	simm.s32 $0x10;
	[tilespmem:s8+$0xB900] =	vst v10;
	v10 =	vld [tilespmem:s8+$0xC100]  }
0xf5: {  	v11 =	vld [tilespmem:s12+$0xB900];
	_ =	sdelay $0x1  }
0xf6: {  	s19 =	simm.s32 $0xC0;
	s0 =	sadd.s32 s0, s17;
	s17 =	simm.s32 $0x80  }
.LBB2_8:
0xf7: {  	p1 =	sne.s32 s19, $0x1FC0  }
0xf8: {  	vm3 =	vgt.s32 v10, $0x0  }
0xf9: {  	v12 =	vshra.s32 v11, $0xB;
	v11 =	vand.u32 $0x7FF, v11;
	v10 =	vnsel vm3, $0x0, v10  }
0xfa: {  	vm3 =	vgt.s32 v12, $0x0;
	v10 =	vmin.u32 v10, $0x270F  }
0xfb: {  	v12 =	vnsel vm3, $0x0, v12;
	[tilespmem:s8+$0xC100] =	vst v10;
	s8 =	smov.u32 s12  }
0xfc: {  	s2 =	sadd.s32 $0x80, s2;
	v10 =	vmin.u32 v12, $0x400  }
.Ltmp8:
0xfd: {  	[tilespmem:s2+$0x0] =	vst v10;
	v10 =	vadd.s32 v9, v11;
	(pc) =	sbr.rel @p1 .LBB2_8-.Ltmp8, $3  }
0xfe: {  	s12 =	sshra.s32 s17, $0x2;
	s17 =	smov.u32 s19;
	[tilespmem:s8+$0xB900] =	vst v10;
	v10 =	vld [tilespmem:s8+$0xC100]  }
0xff: {  	v11 =	vld [tilespmem:s12+$0xB900];
	_ =	sdelay $0x1  }
0x100: {  	s19 =	sadd.s32 $0x40, s19  }
0x101: {  	_ =	sdelay $0x1  }
0x102: {  	vm3 =	vgt.s32 v10, $0x0;
	v12 =	vshra.s32 v11, $0xB  }
0x103: {  	v10 =	vnsel vm3, $0x0, v10;
	vm3 =	vgt.s32 v12, $0x0  }
0x104: {  	v10 =	vmin.u32 v10, $0x270F;
	v12 =	vnsel vm3, $0x0, v12  }
0x105: {  	s2 =	sadd.s32 $0x80, s2;
	v11 =	vand.u32 $0x7FF, v11;
	[tilespmem:s8+$0xC100] =	vst v10;
	v10 =	vmin.u32 v12, $0x400  }
0x106: {  	[tilespmem:s2+$0x0] =	vst v10;
	v10 =	vadd.s32 v9, v11  }
0x107: {  	s24 =	sshra.s32 s17, $0x2;
	[tilespmem:s12+$0xB900] =	vst v10;
	v10 =	vld [tilespmem:s12+$0xC100]  }
0x108: {  	v11 =	vld [tilespmem:s24+$0xB900];
	_ =	sdelay $0x4  }
0x109: {  	vm3 =	vgt.s32 v10, $0x0;
	v63 =	vshra.s32 v11, $0xB  }
0x10a: {  	s0 =	sadd.s32 $0xF, s0;
	v10 =	vnsel vm3, $0x0, v10;
	vm3 =	vgt.s32 v63, $0x0  }
0x10b: {  	s25 =	sand.u32 $0xF, s0;
	s26 =	sshra.s32 s0, $0x1F;
	v10 =	vmin.u32 v10, $0x270F;
	v12 =	vnsel vm3, $0x0, v63  }
0x10c: {  	p1 =	slt.s32 s0, $0x1;
	p2 =	sne.s32 s25, $0x0;
	s2 =	sadd.s32 $0x80, s2;
	[tilespmem:s12+$0xC100] =	vst v10;
	v10 =	vmin.u32 v12, $0x400  }
0x10d: {  	s28 =	sshrl.u32 s26, $0x1C;
	p1 =	por !p1, !p2;
	[tilespmem:s2+$0x0] =	vst v10  }
0x10e: {  	s0 =	sadd.s32 s28, s0;
	p1 =	por !p1, !p1;
	s2 =	simm.s32 $0x1;
	v10 =	vld [tilespmem:s24+$0xC100]  }
0x10f: {  	s0 =	sshra.s32 s0, $0x4;
	s2 =	simm.s32 @!p1 $0x0  }
0x110: {  	s12 =	ssub.s32 s0, s2  }
0x111: {  	p2 =	slt.s32 s12, $0x0  }
.Ltmp9:
0x112: {  	_ = 	snop;
	(pc) =	sbr.rel @p2 .LBB2_23-.Ltmp9, $4  }
0x113: {  	v11 =	vand.u32 $0x7FF, v11;
	vm3 =	vgt.s32 v10, $0x0  }
0x114: {  	v9 =	vadd.s32 v9, v11;
	v10 =	vnsel vm3, $0x0, v10  }
0x115: {  	[tilespmem:s24+$0xB900] =	vst v9;
	v9 =	vmin.u32 v10, $0x270F  }
0x116: {  	[tilespmem:s24+$0xC100] =	vst v9  }
.Ltmp10:
0x117: {  	(pc) =	sbr.rel .LBB2_11-.Ltmp10, $4  }
0x118: {  	s2 =	simm.s32 $0xFFFFFFFF  }
0x119: {  	s2 =	simm.s32 @!p1 $0x0  }
0x11a: {  	s0 =	sadd.s32 s2, s0  }
0x11b: {  	s19 =	simm.s32 $0x0;
	s28 =	sadd.s32 $0x1, s0  }
.LBB2_19:
0x11c: {  	s19 =	sadd.s32 $0x1, s19  }
0x11d: {  	p1 =	sne.s32 s19, s28  }
.Ltmp11:
0x11e: {  	_ = 	snop;
	(pc) =	sbr.rel @!p1 .LBB2_20-.Ltmp11, $1  }
0x11f: {  	_ =	sdelay $0x3  }
.LBB2_11:
0x120: {  	s21 =	sand.u32 $0x1, s19  }
0x121: {  	p1 =	seq.s32 s21, $0x1  }
.Ltmp12:
0x122: {  	_ = 	snop;
	(pc) =	sbr.rel @p1 .LBB2_16-.Ltmp12, $1  }
0x123: {  	_ =	sdelay $0x3  }
0x124: {  	p1 =	sge.s32 s19, s12  }
0x125: {  	s0 =	sshll.u32 @!p1 s19, $0x4  }
0x126: {  	v9 =	vld @!p1 [tilespmem:s0+$0xC100];
	_ =	sdelay $0x4  }
0x127: {  	v10 =	vshrl.u32 @!p1 v9, $0x3  }
0x128: {  	v10 =	vmul.u32 @!p1 $0x30, v10  }
0x129: {  	v11 =	vlaneseq.u32 @!p1;
	v9 =	vand.u32 @!p1 $0x7, v9  }
0x12a: {  	v12 =	vshrl.u32 @!p1 v11, $0x3;
	v9 =	vor.u32 @!p1 v9, v10;
	v10 =	vand.u32 @!p1 $0x7, v11  }
0x12b: {  	v12 =	vmul.u32 @!p1 $0x8, v12;
	v13 =	vperm.xlane @!p1 v9, v10;
	_ =	sdelay $0x1  }
0x12c: {  	v13 =	vadd.s32 @!p1 v12, v13;
	_ =	sdelay $0x2  }
0x12d: {  	v11 =	vor.u32 @!p1 $0x8, v11  }
0x12e: {  	vm3 =	vmmov @!p1 $0xffff;
	s2 =	simm.s32 @!p1 $0x0;
	s8 =	simm.s32 @!p1 $0x10900;
	v9 =	vperm.xlane @!p1 v9, v11  }
0x12f: {  	[tilespmem:s8], [sflag:$0x1] =	stream.indirect_vreg.gather @!p1 [hbm4b:s9+s2], $0x80, v13, vm3, $0xb8;
	[tilespmem:$0x1E900] =	vst v63  }
0x130: {  	v9 =	vadd.s32 @!p1 v12, v9;
	s8 =	simm.s32 @!p1 $0x11100  }
0x131: {  	[tilespmem:s8], [sflag:$0x1] =	stream.indirect_vreg.gather @!p1 [hbm4b:s29+s2], $0x80, v13, vm3, $0xb8;
	[tilespmem:$0x1E900] =	vst v63  }
0x132: {  	s8 =	simm.s32 @!p1 $0x11900  }
0x133: {  	[tilespmem:s8], [sflag:$0x1] =	stream.indirect_vreg.gather @!p1 [hbm4b:s30+s2], $0x80, v13, vm3, $0xb8;
	[tilespmem:$0x1E900] =	vst v63  }
0x134: {  	s8 =	simm.s32 @!p1 $0x12100  }
0x135: {  	[tilespmem:s8], [sflag:$0x1] =	stream.indirect_vreg.gather @!p1 [hbm4b:s9+s2], $0x80, v9, vm3, $0xb8;
	[tilespmem:$0x1E900] =	vst v63  }
0x136: {  	s8 =	simm.s32 @!p1 $0x12900  }
0x137: {  	[tilespmem:s8], [sflag:$0x1] =	stream.indirect_vreg.gather @!p1 [hbm4b:s29+s2], $0x80, v9, vm3, $0xb8;
	[tilespmem:$0x1E900] =	vst v63  }
0x138: {  	s8 =	simm.s32 @!p1 $0x13100  }
0x139: {  	[tilespmem:s8], [sflag:$0x1] =	stream.indirect_vreg.gather @!p1 [hbm4b:s30+s2], $0x80, v9, vm3, $0xb8;
	[tilespmem:$0x1E900] =	vst v63  }
0x13a: {  	v9 =	vld @!p1 [tilespmem:s0+$0xB900];
	_ =	sdelay $0x4  }
0x13b: {  	v13 =	vshll.u32 @!p1 v9, $0x2  }
0x13c: {  	v9 =	vand.u32 @!p1 $0x7, v9;
	v13 =	vand.u32 @!p1 $0xFFFFFFE0, v13  }
0x13d: {  	v9 =	vor.u32 @!p1 v9, v13  }
0x13e: {  	v10 =	vperm.xlane @!p1 v9, v10;
	_ =	sdelay $0x1  }
0x13f: {  	v10 =	vadd.s32 @!p1 v12, v10;
	_ =	sdelay $0x1  }
0x140: {  	v9 =	vperm.xlane @!p1 v9, v11;
	_ =	sdelay $0x1  }
0x141: {  	s0 =	simm.s32 @!p1 $0x16900;
	v9 =	vadd.s32 @!p1 v12, v9  }
0x142: {  	[tilespmem:s0], [sflag:$0x1] =	stream.indirect_vreg.gather @!p1 [hbm4b:s10+s2], $0x80, v10, vm3, $0xb8;
	[tilespmem:$0x1E900] =	vst v63  }
0x143: {  	s0 =	simm.s32 @!p1 $0x17100  }
0x144: {  	[tilespmem:s0], [sflag:$0x1] =	stream.indirect_vreg.gather @!p1 [hbm4b:s31+s2], $0x80, v10, vm3, $0xb8;
	[tilespmem:$0x1E900] =	vst v63  }
0x145: {  	s0 =	simm.s32 @!p1 $0x17900  }
0x146: {  	[tilespmem:s0], [sflag:$0x1] =	stream.indirect_vreg.gather @!p1 [hbm4b:s10+s2], $0x80, v9, vm3, $0xb8;
	[tilespmem:$0x1E900] =	vst v63  }
0x147: {  	s0 =	simm.s32 @!p1 $0x18100  }
0x148: {  	[tilespmem:s0], [sflag:$0x1] =	stream.indirect_vreg.gather @!p1 [hbm4b:s31+s2], $0x80, v9, vm3, $0xb8;
	[tilespmem:$0x1E900] =	vst v63  }
0x149: {  	p1 =	seq.s32 s19, $0x0  }
.Ltmp13:
0x14a: {  	_ = 	snop;
	(pc) =	sbr.rel @p1 .LBB2_19-.Ltmp13, $1  }
0x14b: {  	_ =	sdelay $0x3  }
0x14c: {  	_ =	swait.ge [sflag:s7], $0x3000  }
0x14d: {  	[sflag:s7] =	ssyncset.done $0x0  }
0x14e: {  	[sflag:s7] =	ssyncadd.s32 $0xFFFFD000  }
0x14f: {  	_ =	swait.ge [sflag:s7], $0x2000  }
0x150: {  	p1 =	slt.u32 s19, $0x3;
	[sflag:s7] =	ssyncset.done $0x0  }
0x151: {  	s0 =	simm.s32 @!p1 $0x4;
	[sflag:s7] =	ssyncadd.s32 $0xFFFFE000  }
0x152: {  	_ =	swait.ge @!p1 [sflag:s0], $0x2000  }
0x153: {  	s22 =	simm.s32 $0x0;
	[sflag:s0] =	ssyncset.done @!p1 $0x0  }
0x154: {  	s23 =	simm.s32 $0x1D900;
	s25 =	simm.s32 $0x0;
	[sflag:s0] =	ssyncadd.s32 @!p1 $0xFFFFE000  }
.LBB2_14:
0x155: {  	s0 =	sshrl.u32 s25, $0x3  }
0x156: {  	s2 =	smul.u32 $0x6000, s0;
	s0 =	sshll.u32 s0, $0xE  }
0x157: {  	s8 =	sand.u32 $0x380, s22;
	s0 =	sshra.s32 s0, $0x2  }
0x158: {  	s2 =	sshra.s32 s2, $0x2;
	s0 =	sor.u32 s8, s0  }
0x159: {  	s17 =	sor.u32 s8, s2;
	v10 =	vld [tilespmem:s0+$0x18900]  }
0x15a: {  	v9 =	vld [tilespmem:s17+$0x13900];
	_ =	sdelay $0x4  }
0x15b: {  	v9 =	vmul.f32 v10, v9  }
0x15c: {  	s2 =	sadd.s32 $0x18900, s0  }
0x15d: {  	v11 =	vld [tilespmem:s2+$0xC00];
	s26 =	sadd.s32 $0x13900, s17;
	[tilespmem:s23+$0xFFFFF000] =	vst v9  }
0x15e: {  	v9 =	vld [tilespmem:s26+$0x400]  }
0x15f: {  	v10 =	vld [tilespmem:s2+$0x400]  }
0x160: {  	v12 =	vld [tilespmem:s17+$0x14100]  }
0x161: {  	v13 =	vld [tilespmem:s2+$0x800];
	_ =	sdelay $0x1  }
0x162: {  	v14 =	vld [tilespmem:s17+$0x14500];
	_ =	sdelay $0x1  }
0x163: {  	v15 =	vmul.f32 v10, v9  }
0x164: {  	v12 =	vmul.f32 v13, v12;
	v9 =	vbroadcast v11, $0x0;
	_ =	sdelay $0x1  }
0x165: {  	v10 =	vmul.f32 v12, v14;
	v51 =	vmul.f32 v15, v9;
	_ =	sdelay $0x1  }
0x166: {  	v10 =	vadd.f32 v10, v51;
	_ =	sdelay $0x1  }
0x167: {  	[tilespmem:s23+$0xFFFFF800] =	vst v10  }
0x168: {  	v52 =	vld [tilespmem:s17+$0x14900];
	_ =	sdelay $0x2  }
0x169: {  	v10 =	vbroadcast v11, $0x1;
	_ =	sdelay $0x1  }
0x16a: {  	v53 =	vmul.f32 v15, v10;
	v13 =	vmul.f32 v52, v12;
	_ =	sdelay $0x1  }
0x16b: {  	v13 =	vadd.f32 v13, v53;
	_ =	sdelay $0x1  }
0x16c: {  	[tilespmem:s23+$0x0] =	vst v13  }
0x16d: {  	v13 =	vld [tilespmem:s17+$0x14D00];
	_ =	sdelay $0x2  }
0x16e: {  	v11 =	vbroadcast v11, $0x2;
	_ =	sdelay $0x1  }
0x16f: {  	v54 =	vmul.f32 v15, v11;
	v12 =	vmul.f32 v13, v12;
	_ =	sdelay $0x1  }
0x170: {  	v12 =	vadd.f32 v12, v54;
	_ =	sdelay $0x1  }
0x171: {  	[tilespmem:s23+$0x800] =	vst v12  }
0x172: {  	v12 =	vld [tilespmem:s26+$0x10]  }
0x173: {  	v55 =	vld [tilespmem:s2+$0x10];
	_ =	sdelay $0x4  }
0x174: {  	v12 =	vmul.f32 v55, v12;
	_ =	sdelay $0x1  }
0x175: {  	[tilespmem:s23+$0xFFFFF010] =	vst v12  }
0x176: {  	v12 =	vld [tilespmem:s26+$0x410]  }
0x177: {  	s24 =	sadd.s32 $0x14100, s17;
	v56 =	vld [tilespmem:s2+$0x410]  }
0x178: {  	v57 =	vld [tilespmem:s24+$0x10]  }
0x179: {  	v58 =	vld [tilespmem:s2+$0x810]  }
0x17a: {  	s8 =	sadd.s32 $0x14500, s17  }
0x17b: {  	v16 =	vld [tilespmem:s8+$0x10];
	_ =	sdelay $0x2  }
0x17c: {  	v12 =	vmul.f32 v56, v12;
	v59 =	vmul.f32 v58, v57;
	_ =	sdelay $0x1  }
0x17d: {  	v14 =	vmul.f32 v59, v16;
	v60 =	vmul.f32 v12, v9;
	_ =	sdelay $0x1  }
0x17e: {  	v14 =	vadd.f32 v14, v60;
	_ =	sdelay $0x1  }
0x17f: {  	s0 =	sadd.s32 $0x14900, s17;
	[tilespmem:s23+$0xFFFFF810] =	vst v14  }
0x180: {  	v14 =	vld [tilespmem:s0+$0x10];
	_ =	sdelay $0x4  }
0x181: {  	v61 =	vmul.f32 v12, v10;
	v14 =	vmul.f32 v14, v59;
	_ =	sdelay $0x1  }
0x182: {  	v14 =	vadd.f32 v14, v61;
	_ =	sdelay $0x1  }
0x183: {  	s17 =	sadd.s32 $0x14D00, s17;
	[tilespmem:s23+$0x10] =	vst v14  }
0x184: {  	v14 =	vld [tilespmem:s17+$0x10];
	_ =	sdelay $0x4  }
0x185: {  	v12 =	vmul.f32 v12, v11;
	v13 =	vmul.f32 v14, v59;
	_ =	sdelay $0x1  }
0x186: {  	v12 =	vadd.f32 v13, v12;
	_ =	sdelay $0x1  }
0x187: {  	[tilespmem:s23+$0x810] =	vst v12  }
0x188: {  	v12 =	vld [tilespmem:s26+$0x20]  }
0x189: {  	v62 =	vld [tilespmem:s2+$0x20];
	_ =	sdelay $0x4  }
0x18a: {  	v12 =	vmul.f32 v62, v12;
	_ =	sdelay $0x1  }
0x18b: {  	[tilespmem:s23+$0xFFFFF020] =	vst v12  }
0x18c: {  	v12 =	vld [tilespmem:s26+$0x420]  }
0x18d: {  	v63 =	vld [tilespmem:s2+$0x420]  }
0x18e: {  	v20 =	vld [tilespmem:s24+$0x20]  }
0x18f: {  	v21 =	vld [tilespmem:s2+$0x820];
	_ =	sdelay $0x1  }
0x190: {  	v22 =	vld [tilespmem:s8+$0x20];
	_ =	sdelay $0x2  }
0x191: {  	v12 =	vmul.f32 v63, v12;
	v23 =	vmul.f32 v21, v20;
	_ =	sdelay $0x1  }
0x192: {  	v14 =	vmul.f32 v23, v22;
	v24 =	vmul.f32 v12, v9;
	_ =	sdelay $0x1  }
0x193: {  	v14 =	vadd.f32 v14, v24;
	_ =	sdelay $0x1  }
0x194: {  	[tilespmem:s23+$0xFFFFF820] =	vst v14  }
0x195: {  	v14 =	vld [tilespmem:s0+$0x20];
	_ =	sdelay $0x4  }
0x196: {  	v25 =	vmul.f32 v12, v10;
	v14 =	vmul.f32 v14, v23;
	_ =	sdelay $0x1  }
0x197: {  	v14 =	vadd.f32 v14, v25;
	_ =	sdelay $0x1  }
0x198: {  	[tilespmem:s23+$0x20] =	vst v14  }
0x199: {  	v14 =	vld [tilespmem:s17+$0x20];
	_ =	sdelay $0x4  }
0x19a: {  	v12 =	vmul.f32 v12, v11;
	v13 =	vmul.f32 v14, v23;
	_ =	sdelay $0x1  }
0x19b: {  	v12 =	vadd.f32 v13, v12;
	_ =	sdelay $0x1  }
0x19c: {  	[tilespmem:s23+$0x820] =	vst v12  }
0x19d: {  	v12 =	vld [tilespmem:s26+$0x30]  }
0x19e: {  	v26 =	vld [tilespmem:s2+$0x30];
	_ =	sdelay $0x4  }
0x19f: {  	v12 =	vmul.f32 v26, v12;
	_ =	sdelay $0x1  }
0x1a0: {  	[tilespmem:s23+$0xFFFFF030] =	vst v12  }
0x1a1: {  	v12 =	vld [tilespmem:s26+$0x430]  }
0x1a2: {  	v27 =	vld [tilespmem:s2+$0x430]  }
0x1a3: {  	v28 =	vld [tilespmem:s24+$0x30]  }
0x1a4: {  	v29 =	vld [tilespmem:s2+$0x830];
	_ =	sdelay $0x1  }
0x1a5: {  	v30 =	vld [tilespmem:s8+$0x30];
	_ =	sdelay $0x2  }
0x1a6: {  	v12 =	vmul.f32 v27, v12;
	v31 =	vmul.f32 v29, v28;
	_ =	sdelay $0x1  }
0x1a7: {  	v14 =	vmul.f32 v31, v30;
	v32 =	vmul.f32 v12, v9;
	_ =	sdelay $0x1  }
0x1a8: {  	v14 =	vadd.f32 v14, v32;
	_ =	sdelay $0x1  }
0x1a9: {  	[tilespmem:s23+$0xFFFFF830] =	vst v14  }
0x1aa: {  	v14 =	vld [tilespmem:s0+$0x30];
	_ =	sdelay $0x4  }
0x1ab: {  	v33 =	vmul.f32 v12, v10;
	v14 =	vmul.f32 v14, v31;
	_ =	sdelay $0x1  }
0x1ac: {  	v14 =	vadd.f32 v14, v33;
	_ =	sdelay $0x1  }
0x1ad: {  	[tilespmem:s23+$0x30] =	vst v14  }
0x1ae: {  	v14 =	vld [tilespmem:s17+$0x30];
	_ =	sdelay $0x4  }
0x1af: {  	v12 =	vmul.f32 v12, v11;
	v13 =	vmul.f32 v14, v31;
	_ =	sdelay $0x1  }
0x1b0: {  	v12 =	vadd.f32 v13, v12;
	_ =	sdelay $0x1  }
0x1b1: {  	[tilespmem:s23+$0x830] =	vst v12  }
0x1b2: {  	v12 =	vld [tilespmem:s26+$0x40]  }
0x1b3: {  	v34 =	vld [tilespmem:s2+$0x40];
	_ =	sdelay $0x4  }
0x1b4: {  	v12 =	vmul.f32 v34, v12;
	_ =	sdelay $0x1  }
0x1b5: {  	[tilespmem:s23+$0xFFFFF040] =	vst v12  }
0x1b6: {  	v12 =	vld [tilespmem:s26+$0x440]  }
0x1b7: {  	v35 =	vld [tilespmem:s2+$0x440]  }
0x1b8: {  	v36 =	vld [tilespmem:s24+$0x40]  }
0x1b9: {  	v37 =	vld [tilespmem:s2+$0x840];
	_ =	sdelay $0x1  }
0x1ba: {  	v38 =	vld [tilespmem:s8+$0x40];
	_ =	sdelay $0x2  }
0x1bb: {  	v12 =	vmul.f32 v35, v12;
	v39 =	vmul.f32 v37, v36;
	_ =	sdelay $0x1  }
0x1bc: {  	v14 =	vmul.f32 v39, v38;
	v40 =	vmul.f32 v12, v9;
	_ =	sdelay $0x1  }
0x1bd: {  	v14 =	vadd.f32 v14, v40;
	_ =	sdelay $0x1  }
0x1be: {  	[tilespmem:s23+$0xFFFFF840] =	vst v14  }
0x1bf: {  	v14 =	vld [tilespmem:s0+$0x40];
	_ =	sdelay $0x4  }
0x1c0: {  	v41 =	vmul.f32 v12, v10;
	v14 =	vmul.f32 v14, v39;
	_ =	sdelay $0x1  }
0x1c1: {  	v14 =	vadd.f32 v14, v41;
	_ =	sdelay $0x1  }
0x1c2: {  	[tilespmem:s23+$0x40] =	vst v14  }
0x1c3: {  	v14 =	vld [tilespmem:s17+$0x40];
	_ =	sdelay $0x4  }
0x1c4: {  	v12 =	vmul.f32 v12, v11;
	v13 =	vmul.f32 v14, v39;
	_ =	sdelay $0x1  }
0x1c5: {  	v12 =	vadd.f32 v13, v12;
	_ =	sdelay $0x1  }
0x1c6: {  	[tilespmem:s23+$0x840] =	vst v12  }
0x1c7: {  	v12 =	vld [tilespmem:s26+$0x50]  }
0x1c8: {  	v42 =	vld [tilespmem:s2+$0x50];
	_ =	sdelay $0x4  }
0x1c9: {  	v12 =	vmul.f32 v42, v12;
	_ =	sdelay $0x1  }
0x1ca: {  	[tilespmem:s23+$0xFFFFF050] =	vst v12  }
0x1cb: {  	v12 =	vld [tilespmem:s26+$0x450]  }
0x1cc: {  	v43 =	vld [tilespmem:s2+$0x450]  }
0x1cd: {  	v44 =	vld [tilespmem:s24+$0x50]  }
0x1ce: {  	v45 =	vld [tilespmem:s2+$0x850];
	_ =	sdelay $0x1  }
0x1cf: {  	v46 =	vld [tilespmem:s8+$0x50];
	_ =	sdelay $0x2  }
0x1d0: {  	v12 =	vmul.f32 v43, v12;
	v47 =	vmul.f32 v45, v44;
	_ =	sdelay $0x1  }
0x1d1: {  	v14 =	vmul.f32 v47, v46;
	v48 =	vmul.f32 v12, v9;
	_ =	sdelay $0x1  }
0x1d2: {  	v14 =	vadd.f32 v14, v48;
	_ =	sdelay $0x1  }
0x1d3: {  	[tilespmem:s23+$0xFFFFF850] =	vst v14  }
0x1d4: {  	v14 =	vld [tilespmem:s0+$0x50];
	_ =	sdelay $0x4  }
0x1d5: {  	v49 =	vmul.f32 v12, v10;
	v14 =	vmul.f32 v14, v47;
	_ =	sdelay $0x1  }
0x1d6: {  	v14 =	vadd.f32 v14, v49;
	_ =	sdelay $0x1  }
0x1d7: {  	[tilespmem:s23+$0x50] =	vst v14  }
0x1d8: {  	v14 =	vld [tilespmem:s17+$0x50];
	_ =	sdelay $0x4  }
0x1d9: {  	v12 =	vmul.f32 v12, v11;
	v13 =	vmul.f32 v14, v47;
	_ =	sdelay $0x1  }
0x1da: {  	v12 =	vadd.f32 v13, v12;
	_ =	sdelay $0x1  }
0x1db: {  	[tilespmem:s23+$0x850] =	vst v12  }
0x1dc: {  	v12 =	vld [tilespmem:s26+$0x60]  }
0x1dd: {  	v50 =	vld [tilespmem:s2+$0x60];
	_ =	sdelay $0x4  }
0x1de: {  	v12 =	vmul.f32 v50, v12;
	_ =	sdelay $0x1  }
0x1df: {  	[tilespmem:s23+$0xFFFFF060] =	vst v12  }
0x1e0: {  	v12 =	vld [tilespmem:s26+$0x460]  }
0x1e1: {  	v51 =	vld [tilespmem:s2+$0x460]  }
0x1e2: {  	v52 =	vld [tilespmem:s24+$0x60]  }
0x1e3: {  	v53 =	vld [tilespmem:s2+$0x860];
	_ =	sdelay $0x1  }
0x1e4: {  	v54 =	vld [tilespmem:s8+$0x60];
	_ =	sdelay $0x2  }
0x1e5: {  	v12 =	vmul.f32 v51, v12;
	v55 =	vmul.f32 v53, v52;
	_ =	sdelay $0x1  }
0x1e6: {  	v14 =	vmul.f32 v55, v54;
	v56 =	vmul.f32 v12, v9;
	_ =	sdelay $0x1  }
0x1e7: {  	v14 =	vadd.f32 v14, v56;
	_ =	sdelay $0x1  }
0x1e8: {  	[tilespmem:s23+$0xFFFFF860] =	vst v14  }
0x1e9: {  	v14 =	vld [tilespmem:s0+$0x60];
	_ =	sdelay $0x4  }
0x1ea: {  	v57 =	vmul.f32 v12, v10;
	v14 =	vmul.f32 v14, v55;
	_ =	sdelay $0x1  }
0x1eb: {  	v14 =	vadd.f32 v14, v57;
	_ =	sdelay $0x1  }
0x1ec: {  	[tilespmem:s23+$0x60] =	vst v14  }
0x1ed: {  	v14 =	vld [tilespmem:s17+$0x60];
	_ =	sdelay $0x4  }
0x1ee: {  	v12 =	vmul.f32 v12, v11;
	v13 =	vmul.f32 v14, v55;
	_ =	sdelay $0x1  }
0x1ef: {  	v12 =	vadd.f32 v13, v12;
	_ =	sdelay $0x1  }
0x1f0: {  	[tilespmem:s23+$0x860] =	vst v12  }
0x1f1: {  	v12 =	vld [tilespmem:s26+$0x70]  }
0x1f2: {  	v58 =	vld [tilespmem:s2+$0x70];
	_ =	sdelay $0x4  }
0x1f3: {  	v12 =	vmul.f32 v58, v12;
	_ =	sdelay $0x1  }
0x1f4: {  	[tilespmem:s23+$0xFFFFF070] =	vst v12  }
0x1f5: {  	v12 =	vld [tilespmem:s26+$0x470]  }
0x1f6: {  	v59 =	vld [tilespmem:s2+$0x470]  }
0x1f7: {  	v60 =	vld [tilespmem:s24+$0x70]  }
0x1f8: {  	v61 =	vld [tilespmem:s2+$0x870];
	_ =	sdelay $0x1  }
0x1f9: {  	v62 =	vld [tilespmem:s8+$0x70];
	_ =	sdelay $0x2  }
0x1fa: {  	v12 =	vmul.f32 v59, v12;
	v63 =	vmul.f32 v61, v60;
	_ =	sdelay $0x1  }
0x1fb: {  	v14 =	vmul.f32 v63, v62;
	v9 =	vmul.f32 v12, v9;
	_ =	sdelay $0x1  }
0x1fc: {  	v9 =	vadd.f32 v14, v9;
	_ =	sdelay $0x1  }
0x1fd: {  	[tilespmem:s23+$0xFFFFF870] =	vst v9  }
0x1fe: {  	v9 =	vld [tilespmem:s0+$0x70];
	_ =	sdelay $0x4  }
0x1ff: {  	v10 =	vmul.f32 v12, v10;
	v9 =	vmul.f32 v9, v63;
	_ =	sdelay $0x1  }
0x200: {  	v9 =	vadd.f32 v9, v10;
	_ =	sdelay $0x1  }
0x201: {  	[tilespmem:s23+$0x70] =	vst v9  }
0x202: {  	v9 =	vld [tilespmem:s17+$0x70];
	_ =	sdelay $0x3  }
0x203: {  	p1 =	sne.s32 s25, $0xF  }
.Ltmp14:
0x204: {  	v10 =	vmul.f32 v12, v11;
	v9 =	vmul.f32 v9, v63;
	(pc) =	sbr.rel @p1 .LBB2_14-.Ltmp14, $3  }
0x205: {  	_ = 	snop  }
0x206: {  	v9 =	vadd.f32 v9, v10;
	_ =	sdelay $0x1  }
0x207: {  	s22 =	sadd.s32 $0x80, s22;
	s25 =	sadd.s32 $0x1, s25;
	[tilespmem:s23+$0x870] =	vst v9;
	s23 =	sadd.s32 $0x80, s23  }
0x208: {  	s0 =	sshll.u32 s19, $0x9  }
0x209: {  	s0 =	sshra.s32 s0, $0x2  }
0x20a: {  	s2 =	simm.s32 $0x1C900;
	s0 =	sadd.s32 $0xC880, s0  }
0x20b: {  	[spmem:s1] =	stream.indirect.scatter.add.f32 [tilespmem:s2], [sflag:$0x4], $0x80, s0, s13, $0xb8;
	[tilespmem:$0x1E900] =	vst v63  }
0x20c: {  	s24 =	simm.s32 $0x1D100;
	p1 =	seq.s32 s21, $0x0  }
0x20d: {  	[spmem:s3] =	stream.indirect.scatter.add.f32 [tilespmem:s24], [sflag:$0x4], $0x80, s0, s13, $0xb8;
	[tilespmem:$0x1E900] =	vst v63  }
.Ltmp15:
0x20e: {  	_ = 	snop;
	(pc) =	sbr.rel @p1 .LBB2_19-.Ltmp15, $4  }
0x20f: {  	s25 =	simm.s32 $0x1D900  }
0x210: {  	[spmem:s4] =	stream.indirect.scatter.add.f32 [tilespmem:s25], [sflag:$0x4], $0x80, s0, s13, $0xb8;
	[tilespmem:$0x1E900] =	vst v63  }
0x211: {  	s26 =	simm.s32 $0x1E100  }
0x212: {  	[spmem:s5] =	stream.indirect.scatter.add.f32 [tilespmem:s26], [sflag:$0x4], $0x80, s0, s13, $0xb8;
	[tilespmem:$0x1E900] =	vst v63  }
.LBB2_16:
0x213: {  	p1 =	sge.s32 s19, s12  }
0x214: {  	s0 =	sshll.u32 @!p1 s19, $0x4  }
0x215: {  	v9 =	vld @!p1 [tilespmem:s0+$0xC100];
	_ =	sdelay $0x4  }
0x216: {  	v10 =	vshrl.u32 @!p1 v9, $0x3  }
0x217: {  	v10 =	vmul.u32 @!p1 $0x30, v10  }
0x218: {  	v11 =	vlaneseq.u32 @!p1;
	v9 =	vand.u32 @!p1 $0x7, v9  }
0x219: {  	v12 =	vshrl.u32 @!p1 v11, $0x3;
	v9 =	vor.u32 @!p1 v9, v10;
	v10 =	vand.u32 @!p1 $0x7, v11  }
0x21a: {  	v12 =	vmul.u32 @!p1 $0x8, v12;
	v13 =	vperm.xlane @!p1 v9, v10;
	_ =	sdelay $0x1  }
0x21b: {  	v13 =	vadd.s32 @!p1 v12, v13;
	_ =	sdelay $0x2  }
0x21c: {  	v11 =	vor.u32 @!p1 $0x8, v11  }
0x21d: {  	vm3 =	vmmov @!p1 $0xffff;
	s2 =	simm.s32 @!p1 $0x0;
	s8 =	simm.s32 @!p1 $0x13900;
	v9 =	vperm.xlane @!p1 v9, v11  }
0x21e: {  	[tilespmem:s8], [sflag:$0x2] =	stream.indirect_vreg.gather @!p1 [hbm4b:s9+s2], $0x80, v13, vm3, $0xb8;
	[tilespmem:$0x1E900] =	vst v63  }
0x21f: {  	v9 =	vadd.s32 @!p1 v12, v9;
	s8 =	simm.s32 @!p1 $0x14100  }
0x220: {  	[tilespmem:s8], [sflag:$0x2] =	stream.indirect_vreg.gather @!p1 [hbm4b:s29+s2], $0x80, v13, vm3, $0xb8;
	[tilespmem:$0x1E900] =	vst v63  }
0x221: {  	s8 =	simm.s32 @!p1 $0x14900  }
0x222: {  	[tilespmem:s8], [sflag:$0x2] =	stream.indirect_vreg.gather @!p1 [hbm4b:s30+s2], $0x80, v13, vm3, $0xb8;
	[tilespmem:$0x1E900] =	vst v63  }
0x223: {  	s8 =	simm.s32 @!p1 $0x15100  }
0x224: {  	[tilespmem:s8], [sflag:$0x2] =	stream.indirect_vreg.gather @!p1 [hbm4b:s9+s2], $0x80, v9, vm3, $0xb8;
	[tilespmem:$0x1E900] =	vst v63  }
0x225: {  	s8 =	simm.s32 @!p1 $0x15900  }
0x226: {  	[tilespmem:s8], [sflag:$0x2] =	stream.indirect_vreg.gather @!p1 [hbm4b:s29+s2], $0x80, v9, vm3, $0xb8;
	[tilespmem:$0x1E900] =	vst v63  }
0x227: {  	s8 =	simm.s32 @!p1 $0x16100  }
0x228: {  	[tilespmem:s8], [sflag:$0x2] =	stream.indirect_vreg.gather @!p1 [hbm4b:s30+s2], $0x80, v9, vm3, $0xb8;
	[tilespmem:$0x1E900] =	vst v63  }
0x229: {  	v9 =	vld @!p1 [tilespmem:s0+$0xB900];
	_ =	sdelay $0x4  }
0x22a: {  	v13 =	vshll.u32 @!p1 v9, $0x2  }
0x22b: {  	v9 =	vand.u32 @!p1 $0x7, v9;
	v13 =	vand.u32 @!p1 $0xFFFFFFE0, v13  }
0x22c: {  	v9 =	vor.u32 @!p1 v9, v13  }
0x22d: {  	v10 =	vperm.xlane @!p1 v9, v10;
	_ =	sdelay $0x1  }
0x22e: {  	v10 =	vadd.s32 @!p1 v12, v10;
	_ =	sdelay $0x1  }
0x22f: {  	v9 =	vperm.xlane @!p1 v9, v11;
	_ =	sdelay $0x1  }
0x230: {  	s0 =	simm.s32 @!p1 $0x18900;
	v9 =	vadd.s32 @!p1 v12, v9  }
0x231: {  	[tilespmem:s0], [sflag:$0x2] =	stream.indirect_vreg.gather @!p1 [hbm4b:s10+s2], $0x80, v10, vm3, $0xb8;
	[tilespmem:$0x1E900] =	vst v63  }
0x232: {  	s0 =	simm.s32 @!p1 $0x19100  }
0x233: {  	[tilespmem:s0], [sflag:$0x2] =	stream.indirect_vreg.gather @!p1 [hbm4b:s31+s2], $0x80, v10, vm3, $0xb8;
	[tilespmem:$0x1E900] =	vst v63  }
0x234: {  	s0 =	simm.s32 @!p1 $0x19900  }
0x235: {  	[tilespmem:s0], [sflag:$0x2] =	stream.indirect_vreg.gather @!p1 [hbm4b:s10+s2], $0x80, v9, vm3, $0xb8;
	[tilespmem:$0x1E900] =	vst v63  }
0x236: {  	s0 =	simm.s32 @!p1 $0x1A100  }
0x237: {  	[tilespmem:s0], [sflag:$0x2] =	stream.indirect_vreg.gather @!p1 [hbm4b:s31+s2], $0x80, v9, vm3, $0xb8;
	[tilespmem:$0x1E900] =	vst v63  }
0x238: {  	_ =	swait.ge [sflag:s18], $0x3000  }
0x239: {  	[sflag:s18] =	ssyncset.done $0x0  }
0x23a: {  	[sflag:s18] =	ssyncadd.s32 $0xFFFFD000  }
0x23b: {  	_ =	swait.ge [sflag:s18], $0x2000  }
0x23c: {  	p1 =	slt.u32 s19, $0x3;
	[sflag:s18] =	ssyncset.done $0x0  }
0x23d: {  	s0 =	simm.s32 @!p1 $0x3;
	[sflag:s18] =	ssyncadd.s32 $0xFFFFE000  }
0x23e: {  	_ =	swait.ge @!p1 [sflag:s0], $0x2000  }
0x23f: {  	s21 =	simm.s32 $0x0;
	[sflag:s0] =	ssyncset.done @!p1 $0x0  }
0x240: {  	s22 =	simm.s32 $0x1B900;
	s23 =	simm.s32 $0x0;
	[sflag:s0] =	ssyncadd.s32 @!p1 $0xFFFFE000  }
.LBB2_17:
0x241: {  	s0 =	sshrl.u32 s23, $0x3  }
0x242: {  	s2 =	smul.u32 $0x6000, s0;
	s0 =	sshll.u32 s0, $0xE  }
0x243: {  	s8 =	sand.u32 $0x380, s21;
	s0 =	sshra.s32 s0, $0x2  }
0x244: {  	s2 =	sshra.s32 s2, $0x2;
	s0 =	sor.u32 s8, s0  }
0x245: {  	s17 =	sor.u32 s8, s2;
	v10 =	vld [tilespmem:s0+$0x16900]  }
0x246: {  	v9 =	vld [tilespmem:s17+$0x10900];
	_ =	sdelay $0x4  }
0x247: {  	v9 =	vmul.f32 v10, v9  }
0x248: {  	s0 =	sadd.s32 $0x16900, s0  }
0x249: {  	v11 =	vld [tilespmem:s0+$0xC00];
	s25 =	sadd.s32 $0x10900, s17;
	[tilespmem:s22+$0xFFFFF000] =	vst v9  }
0x24a: {  	v9 =	vld [tilespmem:s25+$0x400]  }
0x24b: {  	v10 =	vld [tilespmem:s0+$0x400]  }
0x24c: {  	v12 =	vld [tilespmem:s17+$0x11100]  }
0x24d: {  	v13 =	vld [tilespmem:s0+$0x800];
	_ =	sdelay $0x1  }
0x24e: {  	v14 =	vld [tilespmem:s17+$0x11500];
	_ =	sdelay $0x1  }
0x24f: {  	v15 =	vmul.f32 v10, v9  }
0x250: {  	v12 =	vmul.f32 v13, v12;
	v9 =	vbroadcast v11, $0x0;
	_ =	sdelay $0x1  }
0x251: {  	v10 =	vmul.f32 v12, v14;
	v51 =	vmul.f32 v15, v9;
	_ =	sdelay $0x1  }
0x252: {  	v10 =	vadd.f32 v10, v51;
	_ =	sdelay $0x1  }
0x253: {  	[tilespmem:s22+$0xFFFFF800] =	vst v10  }
0x254: {  	v52 =	vld [tilespmem:s17+$0x11900];
	_ =	sdelay $0x2  }
0x255: {  	v10 =	vbroadcast v11, $0x1;
	_ =	sdelay $0x1  }
0x256: {  	v53 =	vmul.f32 v15, v10;
	v13 =	vmul.f32 v52, v12;
	_ =	sdelay $0x1  }
0x257: {  	v13 =	vadd.f32 v13, v53;
	_ =	sdelay $0x1  }
0x258: {  	[tilespmem:s22+$0x0] =	vst v13  }
0x259: {  	v13 =	vld [tilespmem:s17+$0x11D00];
	_ =	sdelay $0x2  }
0x25a: {  	v11 =	vbroadcast v11, $0x2;
	_ =	sdelay $0x1  }
0x25b: {  	v54 =	vmul.f32 v15, v11;
	v12 =	vmul.f32 v13, v12;
	_ =	sdelay $0x1  }
0x25c: {  	v12 =	vadd.f32 v12, v54;
	_ =	sdelay $0x1  }
0x25d: {  	[tilespmem:s22+$0x800] =	vst v12  }
0x25e: {  	v12 =	vld [tilespmem:s25+$0x10]  }
0x25f: {  	v55 =	vld [tilespmem:s0+$0x10];
	_ =	sdelay $0x4  }
0x260: {  	v12 =	vmul.f32 v55, v12;
	_ =	sdelay $0x1  }
0x261: {  	[tilespmem:s22+$0xFFFFF010] =	vst v12  }
0x262: {  	v12 =	vld [tilespmem:s25+$0x410]  }
0x263: {  	s24 =	sadd.s32 $0x11100, s17;
	v56 =	vld [tilespmem:s0+$0x410]  }
0x264: {  	v57 =	vld [tilespmem:s24+$0x10]  }
0x265: {  	v58 =	vld [tilespmem:s0+$0x810]  }
0x266: {  	s8 =	sadd.s32 $0x11500, s17  }
0x267: {  	v16 =	vld [tilespmem:s8+$0x10];
	_ =	sdelay $0x2  }
0x268: {  	v12 =	vmul.f32 v56, v12;
	v59 =	vmul.f32 v58, v57;
	_ =	sdelay $0x1  }
0x269: {  	v14 =	vmul.f32 v59, v16;
	v60 =	vmul.f32 v12, v9;
	_ =	sdelay $0x1  }
0x26a: {  	v14 =	vadd.f32 v14, v60;
	_ =	sdelay $0x1  }
0x26b: {  	s26 =	sadd.s32 $0x11900, s17;
	[tilespmem:s22+$0xFFFFF810] =	vst v14  }
0x26c: {  	v14 =	vld [tilespmem:s26+$0x10];
	_ =	sdelay $0x4  }
0x26d: {  	v61 =	vmul.f32 v12, v10;
	v14 =	vmul.f32 v14, v59;
	_ =	sdelay $0x1  }
0x26e: {  	v14 =	vadd.f32 v14, v61;
	_ =	sdelay $0x1  }
0x26f: {  	s17 =	sadd.s32 $0x11D00, s17;
	[tilespmem:s22+$0x10] =	vst v14  }
0x270: {  	v14 =	vld [tilespmem:s17+$0x10];
	_ =	sdelay $0x4  }
0x271: {  	v12 =	vmul.f32 v12, v11;
	v13 =	vmul.f32 v14, v59;
	_ =	sdelay $0x1  }
0x272: {  	v12 =	vadd.f32 v13, v12;
	_ =	sdelay $0x1  }
0x273: {  	[tilespmem:s22+$0x810] =	vst v12  }
0x274: {  	v12 =	vld [tilespmem:s25+$0x20]  }
0x275: {  	v62 =	vld [tilespmem:s0+$0x20];
	_ =	sdelay $0x4  }
0x276: {  	v12 =	vmul.f32 v62, v12;
	_ =	sdelay $0x1  }
0x277: {  	[tilespmem:s22+$0xFFFFF020] =	vst v12  }
0x278: {  	v12 =	vld [tilespmem:s25+$0x420]  }
0x279: {  	v63 =	vld [tilespmem:s0+$0x420]  }
0x27a: {  	v20 =	vld [tilespmem:s24+$0x20]  }
0x27b: {  	v21 =	vld [tilespmem:s0+$0x820];
	_ =	sdelay $0x1  }
0x27c: {  	v22 =	vld [tilespmem:s8+$0x20];
	_ =	sdelay $0x2  }
0x27d: {  	v12 =	vmul.f32 v63, v12;
	v23 =	vmul.f32 v21, v20;
	_ =	sdelay $0x1  }
0x27e: {  	v14 =	vmul.f32 v23, v22;
	v24 =	vmul.f32 v12, v9;
	_ =	sdelay $0x1  }
0x27f: {  	v14 =	vadd.f32 v14, v24;
	_ =	sdelay $0x1  }
0x280: {  	[tilespmem:s22+$0xFFFFF820] =	vst v14  }
0x281: {  	v14 =	vld [tilespmem:s26+$0x20];
	_ =	sdelay $0x4  }
0x282: {  	v25 =	vmul.f32 v12, v10;
	v14 =	vmul.f32 v14, v23;
	_ =	sdelay $0x1  }
0x283: {  	v14 =	vadd.f32 v14, v25;
	_ =	sdelay $0x1  }
0x284: {  	[tilespmem:s22+$0x20] =	vst v14  }
0x285: {  	v14 =	vld [tilespmem:s17+$0x20];
	_ =	sdelay $0x4  }
0x286: {  	v12 =	vmul.f32 v12, v11;
	v13 =	vmul.f32 v14, v23;
	_ =	sdelay $0x1  }
0x287: {  	v12 =	vadd.f32 v13, v12;
	_ =	sdelay $0x1  }
0x288: {  	[tilespmem:s22+$0x820] =	vst v12  }
0x289: {  	v12 =	vld [tilespmem:s25+$0x30]  }
0x28a: {  	v26 =	vld [tilespmem:s0+$0x30];
	_ =	sdelay $0x4  }
0x28b: {  	v12 =	vmul.f32 v26, v12;
	_ =	sdelay $0x1  }
0x28c: {  	[tilespmem:s22+$0xFFFFF030] =	vst v12  }
0x28d: {  	v12 =	vld [tilespmem:s25+$0x430]  }
0x28e: {  	v27 =	vld [tilespmem:s0+$0x430]  }
0x28f: {  	v28 =	vld [tilespmem:s24+$0x30]  }
0x290: {  	v29 =	vld [tilespmem:s0+$0x830];
	_ =	sdelay $0x1  }
0x291: {  	v30 =	vld [tilespmem:s8+$0x30];
	_ =	sdelay $0x2  }
0x292: {  	v12 =	vmul.f32 v27, v12;
	v31 =	vmul.f32 v29, v28;
	_ =	sdelay $0x1  }
0x293: {  	v14 =	vmul.f32 v31, v30;
	v32 =	vmul.f32 v12, v9;
	_ =	sdelay $0x1  }
0x294: {  	v14 =	vadd.f32 v14, v32;
	_ =	sdelay $0x1  }
0x295: {  	[tilespmem:s22+$0xFFFFF830] =	vst v14  }
0x296: {  	v14 =	vld [tilespmem:s26+$0x30];
	_ =	sdelay $0x4  }
0x297: {  	v33 =	vmul.f32 v12, v10;
	v14 =	vmul.f32 v14, v31;
	_ =	sdelay $0x1  }
0x298: {  	v14 =	vadd.f32 v14, v33;
	_ =	sdelay $0x1  }
0x299: {  	[tilespmem:s22+$0x30] =	vst v14  }
0x29a: {  	v14 =	vld [tilespmem:s17+$0x30];
	_ =	sdelay $0x4  }
0x29b: {  	v12 =	vmul.f32 v12, v11;
	v13 =	vmul.f32 v14, v31;
	_ =	sdelay $0x1  }
0x29c: {  	v12 =	vadd.f32 v13, v12;
	_ =	sdelay $0x1  }
0x29d: {  	[tilespmem:s22+$0x830] =	vst v12  }
0x29e: {  	v12 =	vld [tilespmem:s25+$0x40]  }
0x29f: {  	v34 =	vld [tilespmem:s0+$0x40];
	_ =	sdelay $0x4  }
0x2a0: {  	v12 =	vmul.f32 v34, v12;
	_ =	sdelay $0x1  }
0x2a1: {  	[tilespmem:s22+$0xFFFFF040] =	vst v12  }
0x2a2: {  	v12 =	vld [tilespmem:s25+$0x440]  }
0x2a3: {  	v35 =	vld [tilespmem:s0+$0x440]  }
0x2a4: {  	v36 =	vld [tilespmem:s24+$0x40]  }
0x2a5: {  	v37 =	vld [tilespmem:s0+$0x840];
	_ =	sdelay $0x1  }
0x2a6: {  	v38 =	vld [tilespmem:s8+$0x40];
	_ =	sdelay $0x2  }
0x2a7: {  	v12 =	vmul.f32 v35, v12;
	v39 =	vmul.f32 v37, v36;
	_ =	sdelay $0x1  }
0x2a8: {  	v14 =	vmul.f32 v39, v38;
	v40 =	vmul.f32 v12, v9;
	_ =	sdelay $0x1  }
0x2a9: {  	v14 =	vadd.f32 v14, v40;
	_ =	sdelay $0x1  }
0x2aa: {  	[tilespmem:s22+$0xFFFFF840] =	vst v14  }
0x2ab: {  	v14 =	vld [tilespmem:s26+$0x40];
	_ =	sdelay $0x4  }
0x2ac: {  	v41 =	vmul.f32 v12, v10;
	v14 =	vmul.f32 v14, v39;
	_ =	sdelay $0x1  }
0x2ad: {  	v14 =	vadd.f32 v14, v41;
	_ =	sdelay $0x1  }
0x2ae: {  	[tilespmem:s22+$0x40] =	vst v14  }
0x2af: {  	v14 =	vld [tilespmem:s17+$0x40];
	_ =	sdelay $0x4  }
0x2b0: {  	v12 =	vmul.f32 v12, v11;
	v13 =	vmul.f32 v14, v39;
	_ =	sdelay $0x1  }
0x2b1: {  	v12 =	vadd.f32 v13, v12;
	_ =	sdelay $0x1  }
0x2b2: {  	[tilespmem:s22+$0x840] =	vst v12  }
0x2b3: {  	v12 =	vld [tilespmem:s25+$0x50]  }
0x2b4: {  	v42 =	vld [tilespmem:s0+$0x50];
	_ =	sdelay $0x4  }
0x2b5: {  	v12 =	vmul.f32 v42, v12;
	_ =	sdelay $0x1  }
0x2b6: {  	[tilespmem:s22+$0xFFFFF050] =	vst v12  }
0x2b7: {  	v12 =	vld [tilespmem:s25+$0x450]  }
0x2b8: {  	v43 =	vld [tilespmem:s0+$0x450]  }
0x2b9: {  	v44 =	vld [tilespmem:s24+$0x50]  }
0x2ba: {  	v45 =	vld [tilespmem:s0+$0x850];
	_ =	sdelay $0x1  }
0x2bb: {  	v46 =	vld [tilespmem:s8+$0x50];
	_ =	sdelay $0x2  }
0x2bc: {  	v12 =	vmul.f32 v43, v12;
	v47 =	vmul.f32 v45, v44;
	_ =	sdelay $0x1  }
0x2bd: {  	v14 =	vmul.f32 v47, v46;
	v48 =	vmul.f32 v12, v9;
	_ =	sdelay $0x1  }
0x2be: {  	v14 =	vadd.f32 v14, v48;
	_ =	sdelay $0x1  }
0x2bf: {  	[tilespmem:s22+$0xFFFFF850] =	vst v14  }
0x2c0: {  	v14 =	vld [tilespmem:s26+$0x50];
	_ =	sdelay $0x4  }
0x2c1: {  	v49 =	vmul.f32 v12, v10;
	v14 =	vmul.f32 v14, v47;
	_ =	sdelay $0x1  }
0x2c2: {  	v14 =	vadd.f32 v14, v49;
	_ =	sdelay $0x1  }
0x2c3: {  	[tilespmem:s22+$0x50] =	vst v14  }
0x2c4: {  	v14 =	vld [tilespmem:s17+$0x50];
	_ =	sdelay $0x4  }
0x2c5: {  	v12 =	vmul.f32 v12, v11;
	v13 =	vmul.f32 v14, v47;
	_ =	sdelay $0x1  }
0x2c6: {  	v12 =	vadd.f32 v13, v12;
	_ =	sdelay $0x1  }
0x2c7: {  	[tilespmem:s22+$0x850] =	vst v12  }
0x2c8: {  	v12 =	vld [tilespmem:s25+$0x60]  }
0x2c9: {  	v50 =	vld [tilespmem:s0+$0x60];
	_ =	sdelay $0x4  }
0x2ca: {  	v12 =	vmul.f32 v50, v12;
	_ =	sdelay $0x1  }
0x2cb: {  	[tilespmem:s22+$0xFFFFF060] =	vst v12  }
0x2cc: {  	v12 =	vld [tilespmem:s25+$0x460]  }
0x2cd: {  	v51 =	vld [tilespmem:s0+$0x460]  }
0x2ce: {  	v52 =	vld [tilespmem:s24+$0x60]  }
0x2cf: {  	v53 =	vld [tilespmem:s0+$0x860];
	_ =	sdelay $0x1  }
0x2d0: {  	v54 =	vld [tilespmem:s8+$0x60];
	_ =	sdelay $0x2  }
0x2d1: {  	v12 =	vmul.f32 v51, v12;
	v55 =	vmul.f32 v53, v52;
	_ =	sdelay $0x1  }
0x2d2: {  	v14 =	vmul.f32 v55, v54;
	v56 =	vmul.f32 v12, v9;
	_ =	sdelay $0x1  }
0x2d3: {  	v14 =	vadd.f32 v14, v56;
	_ =	sdelay $0x1  }
0x2d4: {  	[tilespmem:s22+$0xFFFFF860] =	vst v14  }
0x2d5: {  	v14 =	vld [tilespmem:s26+$0x60];
	_ =	sdelay $0x4  }
0x2d6: {  	v57 =	vmul.f32 v12, v10;
	v14 =	vmul.f32 v14, v55;
	_ =	sdelay $0x1  }
0x2d7: {  	v14 =	vadd.f32 v14, v57;
	_ =	sdelay $0x1  }
0x2d8: {  	[tilespmem:s22+$0x60] =	vst v14  }
0x2d9: {  	v14 =	vld [tilespmem:s17+$0x60];
	_ =	sdelay $0x4  }
0x2da: {  	v12 =	vmul.f32 v12, v11;
	v13 =	vmul.f32 v14, v55;
	_ =	sdelay $0x1  }
0x2db: {  	v12 =	vadd.f32 v13, v12;
	_ =	sdelay $0x1  }
0x2dc: {  	[tilespmem:s22+$0x860] =	vst v12  }
0x2dd: {  	v12 =	vld [tilespmem:s25+$0x70]  }
0x2de: {  	v58 =	vld [tilespmem:s0+$0x70];
	_ =	sdelay $0x4  }
0x2df: {  	v12 =	vmul.f32 v58, v12;
	_ =	sdelay $0x1  }
0x2e0: {  	[tilespmem:s22+$0xFFFFF070] =	vst v12  }
0x2e1: {  	v12 =	vld [tilespmem:s25+$0x470]  }
0x2e2: {  	v59 =	vld [tilespmem:s0+$0x470]  }
0x2e3: {  	v60 =	vld [tilespmem:s24+$0x70]  }
0x2e4: {  	v61 =	vld [tilespmem:s0+$0x870];
	_ =	sdelay $0x1  }
0x2e5: {  	v62 =	vld [tilespmem:s8+$0x70];
	_ =	sdelay $0x2  }
0x2e6: {  	v12 =	vmul.f32 v59, v12;
	v63 =	vmul.f32 v61, v60;
	_ =	sdelay $0x1  }
0x2e7: {  	v14 =	vmul.f32 v63, v62;
	v9 =	vmul.f32 v12, v9;
	_ =	sdelay $0x1  }
0x2e8: {  	v9 =	vadd.f32 v14, v9;
	_ =	sdelay $0x1  }
0x2e9: {  	[tilespmem:s22+$0xFFFFF870] =	vst v9  }
0x2ea: {  	v9 =	vld [tilespmem:s26+$0x70];
	_ =	sdelay $0x4  }
0x2eb: {  	v10 =	vmul.f32 v12, v10;
	v9 =	vmul.f32 v9, v63;
	_ =	sdelay $0x1  }
0x2ec: {  	v9 =	vadd.f32 v9, v10;
	_ =	sdelay $0x1  }
0x2ed: {  	[tilespmem:s22+$0x70] =	vst v9  }
0x2ee: {  	v9 =	vld [tilespmem:s17+$0x70];
	_ =	sdelay $0x3  }
0x2ef: {  	p1 =	sne.s32 s23, $0xF  }
.Ltmp16:
0x2f0: {  	v10 =	vmul.f32 v12, v11;
	v9 =	vmul.f32 v9, v63;
	(pc) =	sbr.rel @p1 .LBB2_17-.Ltmp16, $3  }
0x2f1: {  	_ = 	snop  }
0x2f2: {  	v9 =	vadd.f32 v9, v10;
	_ =	sdelay $0x1  }
0x2f3: {  	s21 =	sadd.s32 $0x80, s21;
	s23 =	sadd.s32 $0x1, s23;
	[tilespmem:s22+$0x870] =	vst v9;
	s22 =	sadd.s32 $0x80, s22  }
0x2f4: {  	s0 =	sshll.u32 s19, $0x9  }
0x2f5: {  	s0 =	sshra.s32 s0, $0x2  }
0x2f6: {  	s0 =	sadd.s32 $0xC880, s0  }
0x2f7: {  	[spmem:s1] =	stream.indirect.scatter.add.f32 [tilespmem:s14], [sflag:$0x3], $0x80, s0, s13, $0xb8;
	[tilespmem:$0x1E900] =	vst v63  }
0x2f8: {  	_ = 	snop  }
0x2f9: {  	[spmem:s3] =	stream.indirect.scatter.add.f32 [tilespmem:s15], [sflag:$0x3], $0x80, s0, s13, $0xb8;
	[tilespmem:$0x1E900] =	vst v63  }
.Ltmp17:
0x2fa: {  	_ = 	snop;
	(pc) =	sbr.rel .LBB2_19-.Ltmp17, $4  }
0x2fb: {  	_ = 	snop  }
0x2fc: {  	[spmem:s4] =	stream.indirect.scatter.add.f32 [tilespmem:s16], [sflag:$0x3], $0x80, s0, s13, $0xb8;
	[tilespmem:$0x1E900] =	vst v63  }
0x2fd: {  	_ = 	snop  }
0x2fe: {  	[spmem:s5] =	stream.indirect.scatter.add.f32 [tilespmem:s6], [sflag:$0x3], $0x80, s0, s13, $0xb8;
	[tilespmem:$0x1E900] =	vst v63  }
.LBB2_20:
0x2ff: {  	p1 =	seq.s32 s12, $0x0  }
.Ltmp18:
0x300: {  	_ = 	snop;
	(pc) =	sbr.rel @p1 .LBB2_23-.Ltmp18, $2  }
0x301: {  	_ =	sdelay $0x2  }
0x302: {  	s23 =	simm.s32 $0x9900  }
0x303: {  	s0 =	sand.u32 $0x1, s12  }
0x304: {  	p2 =	seq.s32 s0, $0x0  }
0x305: {  	s0 =	simm.s32 @p2 $0x4  }
0x306: {  	_ =	swait.ge @p2 [sflag:s0], $0x2000  }
0x307: {  	p1 =	seq.s32 s12, $0x1;
	[sflag:s0] =	ssyncset.done @p2 $0x0  }
.Ltmp19:
0x308: {  	[sflag:s0] =	ssyncadd.s32 @p2 $0xFFFFE000;
	s0 =	simm.s32 @p2 $0x3;
	(pc) =	sbr.rel @p1 .LBB2_23-.Ltmp19, $4  }
0x309: {  	s0 =	simm.s32 @!p2 $0x3  }
0x30a: {  	_ =	swait.ge @!p2 [sflag:s0], $0x2000  }
0x30b: {  	[sflag:s0] =	ssyncset.done @!p2 $0x0  }
0x30c: {  	[sflag:s0] =	ssyncadd.s32 @!p2 $0xFFFFE000;
	s0 =	simm.s32 @!p2 $0x4  }
.Ltmp20:
0x30d: {  	(pc) =	sbr.rel .LBB2_23-.Ltmp20, $4  }
0x30e: {  	_ = 	snop  }
0x30f: {  	_ =	swait.ge [sflag:s0], $0x2000  }
0x310: {  	[sflag:s0] =	ssyncset.done $0x0  }
0x311: {  	[sflag:s0] =	ssyncadd.s32 $0xFFFFE000  }
.LBB2_26:
0x312: {  	_ =	sfence.sel $0x180000  }
0x313: {  	[bflag:$0x0] =	sbarrier.arrive $0xFFFF  }
0x314: {  	_ =	strace $0x90000047  }
0x315: {  	[bflag:$0x2] =	sbarrier.arrive $0xFFFF  }
0x316: {  	s0 =	rddreg [dreg:$0x8]  }
0x317: {  	s0 =	sadd.s32 @!p0 $0x100000, s0  }
0x318: {  	[sflag:s0] =	ssyncadd.tile.s32 @!p0 $0x1;
	_ =	shalt  }
.Lfunc_end2:
_tile_overlayer_lowered:
.L_overlay_start_2:
0x319: {  	(tag) =	ssettag $0x2  }
0x31a: {  	s0 =	rddreg [dreg:$0x0];
	s2 =	stileid.u32  }
0x31b: {  	s1 =	rddreg [dreg:$0x1];
	p0 =	sne.s32 s2, $0x0  }
0x31c: {  	s3 =	rddreg [dreg:$0x2];
	[bflag:$0x3] =	sbarrier.arrive $0xFFFF;
	s2 =	simm.s32 @!p0 $0x1C05  }
0x31d: {  	[timem:s3], [sflag:s2] =	dma.local @!p0 [hbm:s0], s1  }
0x31e: {  	s0 =	simm.s32 @!p0 $0x5  }
0x31f: {  	_ =	swait.ge @!p0 [sflag:s0], s1  }
0x320: {  	s1 =	ssub.s32 @!p0 $0x0, s1;
	[sflag:s0] =	ssyncset.done @!p0 $0x0  }
0x321: {  	[sflag:s0] =	ssyncadd.s32 @!p0 s1  }
0x322: {  	[bflag:$0x3] =	sbarrier.arrive $0xFFFF  }
0x323: {  	_ =	shalt  }

</sc_bundles>
